<compile_context>
chip_gen: v7x
topology: tpu7x:2x2x1
jax: 0.10.2.dev20260603
libtpu: 0.0.44.dev20260713+nightly
codegen_flags: <defaults>
</compile_context>

<pallas_src>
import functools

import jax
import jax.numpy as jnp
from jax import lax
from jax.experimental import pallas as pl
from jax.experimental.pallas import tpu as pltpu
from jax.experimental.pallas import tpu_sc as plsc

_B, _C, _H, _W = 16, 768, 32, 32
_HALF = 384
_NS = 16
_HPS = _H // _NS
_BPC = _B // 2
_TPB = _H * 4 * 6
_ROWS_PER_HALF = _TPB // 2


def _pos_body(row_hbm, col_hbm, out_hbm, rowbuf_v, rowtiles_v, image, sem):
    cid = lax.axis_index("c")
    sid = lax.axis_index("s")

    copies = []
    for i in range(_HPS):
        h = sid * _HPS + i
        pltpu.sync_copy(row_hbm.at[h], rowbuf_v.at[i])
        for ct in range(3):
            for v in range(8):
                vec = rowbuf_v[i, pl.ds(ct * 128 + v * 16, 16)]
                for r in range(8):
                    rowtiles_v[i, ct, r, pl.ds(v * 16, 16)] = vec
        for wt in range(4):
            n0 = (h * 4 + wt) * 6
            copies.append(
                pltpu.async_copy(rowtiles_v.at[i], image.at[pl.ds(n0, 3)], sem)
            )
            for j in range(3):
                copies.append(
                    pltpu.async_copy(
                        col_hbm.at[pl.ds(wt * 8, 8), pl.ds(j * 128, 128)],
                        image.at[n0 + 3 + j],
                        sem,
                    )
                )
    for c in copies:
        c.wait()
    plsc.subcore_barrier()

    b = cid * _BPC + (sid // 2)
    r0 = (sid % 2) * _ROWS_PER_HALF
    pltpu.async_copy(
        image.at[pl.ds(r0, _ROWS_PER_HALF)],
        out_hbm.at[pl.ds(b * _TPB + r0, _ROWS_PER_HALF)],
        sem,
    ).wait()


@jax.jit
def _pos_encode(row_embed, col_embed):
    mesh = plsc.VectorSubcoreMesh(core_axis_name="c", subcore_axis_name="s")
    run = functools.partial(
        pl.kernel,
        out_type=jax.ShapeDtypeStruct((_B * _TPB, 8, 128), jnp.float32),
        mesh=mesh,
        compiler_params=pltpu.CompilerParams(needs_layout_passes=False),
        scratch_types=[
            pltpu.VMEM((_HPS, _HALF), jnp.float32),
            pltpu.VMEM((_HPS, 3, 8, 128), jnp.float32),
            pltpu.VMEM_SHARED((_TPB, 8, 128), jnp.float32),
            pltpu.SemaphoreType.DMA,
        ],
    )(_pos_body)
    out = run(row_embed, col_embed)
    out = out.reshape(_B, _H, 4, 6, 8, 128).transpose(0, 3, 5, 1, 2, 4)
    return out.reshape(_B, _C, _H, _W)


def kernel(feat, row_embed, col_embed):
    del feat
    return _pos_encode(row_embed, col_embed)

# --- scband reference (transcript-rebuilt; emitter-appended) ---
"""Pipeline reference for scband-positional-encoding2-d-309237646065 (READ-ONLY COPY).

The authoritative reference and input builder live on the scoring server;
editing this copy changes nothing except your own understanding.
"""

import jax, jax.numpy as jnp
import numpy as np


def setup_inputs(seed: int = 0) -> dict:
    key = jax.random.key(seed)
    k1, k2, k3 = jax.random.split(key, 3)
    feat = jax.random.normal(k1, (16, 768, 32, 32), dtype=jnp.float32)
    # learned params: nn.Embedding(max_h=64, d_model//2=384), nn.Embedding(max_w=64, 384)
    row_embed = jax.random.normal(k2, (64, 384), dtype=jnp.float32)
    col_embed = jax.random.normal(k3, (64, 384), dtype=jnp.float32)
    return {"feat": feat, "row_embed": row_embed, "col_embed": col_embed}


def reference(feat, row_embed, col_embed):
    B, C, H, W = feat.shape
    rows = jnp.arange(H)
    cols = jnp.arange(W)
    half = row_embed.shape[1]
    row_emb = jnp.broadcast_to(jnp.take(row_embed, rows, axis=0)[:, None, :], (H, W, half))
    col_emb = jnp.broadcast_to(jnp.take(col_embed, cols, axis=0)[None, :, :], (H, W, half))
    pos = jnp.concatenate([row_emb, col_emb], axis=-1)  # (H, W, d_model)
    pos = jnp.transpose(pos, (2, 0, 1))  # (d_model, H, W)
    return jnp.broadcast_to(pos[None, :, :, :], (B,) + pos.shape)

if __name__ == "__main__":
    import jax
    _d = setup_inputs()
    print(jax.jit(kernel)(*tuple(_d.values())))

</pallas_src>

<mosaic_0001>
#map = affine_map<(d0, d1) -> (0, 0)>
#map1 = affine_map<(d0, d1) -> (0, 0, 0)>
module attributes {stable_mosaic.version = 14 : i64} {
  func.func @_pos_body(%arg0: i32, %arg1: i32, %arg2: memref<64x384xf32, #tpu.memory_space<hbm>>, %arg3: memref<64x384xf32, #tpu.memory_space<hbm>>, %arg4: memref<12288x8x128xf32, #tpu.memory_space<hbm>>, %arg5: memref<2x384xf32, #tpu.memory_space<vmem>>, %arg6: memref<2x3x8x128xf32, #tpu.memory_space<vmem>>, %arg7: memref<768x8x128xf32, #tpu.memory_space<vmem_shared>>, %arg8: memref<!tpu.dma_semaphore, #tpu.memory_space<semaphore_mem>>) attributes {dimension_semantics = [#tpu.dimension_semantics<core_parallel>, #tpu.dimension_semantics<subcore_parallel>], iteration_bounds = array<i64: 2, 16>, scalar_prefetch = 0 : i64, scratch_operands = 4 : i64, tpu.core_type = #tpu.core_type<sc_vector_subcore>, window_params = [{transform_indices = #map}, {transform_indices = #map}, {transform_indices = #map1}]} {
    %mul3A = arith.constant 2 : i32
    %mul3A_0 = arith.muli %arg1, %mul3A : i32
    %add3A = arith.constant 0 : i32
    %add3A_1 = arith.addi %mul3A_0, %add3A : i32
    %run_scoped3A = arith.constant 0 : i32
    "tpu.region"() ({
      %run_scoped3A_4069 = tpu.sem_alloc : memref<!tpu.dma_semaphore, #tpu.memory_space<semaphore_mem>>
      %dma_start3A_4070 = arith.constant 0 : i32
      %dma_start3A_4071 = tpu.memref_slice %arg5[%run_scoped3A, %dma_start3A_4070] : memref<2x384xf32, #tpu.memory_space<vmem>> -> memref<1x384xf32, #tpu.memory_space<vmem>>
      %dma_start3A_4072 = tpu.memref_squeeze %dma_start3A_4071 : memref<1x384xf32, #tpu.memory_space<vmem>> -> memref<384xf32, #tpu.memory_space<vmem>>
      %dma_start3A_4073 = arith.constant 0 : i32
      %dma_start3A_4074 = tpu.memref_slice %arg2[%add3A_1, %dma_start3A_4073] : memref<64x384xf32, #tpu.memory_space<hbm>> -> memref<1x384xf32, #tpu.memory_space<hbm>>
      %dma_start3A_4075 = tpu.memref_squeeze %dma_start3A_4074 : memref<1x384xf32, #tpu.memory_space<hbm>> -> memref<384xf32, #tpu.memory_space<hbm>>
      %dma_start3A_4076 = arith.constant 0 : i32
      %dma_start3A_4077 = tpu.memref_slice %arg5[%run_scoped3A, %dma_start3A_4076] : memref<2x384xf32, #tpu.memory_space<vmem>> -> memref<1x384xf32, #tpu.memory_space<vmem>>
      %dma_start3A_4078 = tpu.memref_squeeze %dma_start3A_4077 : memref<1x384xf32, #tpu.memory_space<vmem>> -> memref<384xf32, #tpu.memory_space<vmem>>
      %dma_start3A_4079 = arith.constant 0 : i32
      %dma_start3A_4080 = tpu.memref_slice %arg2[%add3A_1, %dma_start3A_4079] : memref<64x384xf32, #tpu.memory_space<hbm>> -> memref<1x384xf32, #tpu.memory_space<hbm>>
      %dma_start3A_4081 = tpu.memref_squeeze %dma_start3A_4080 : memref<1x384xf32, #tpu.memory_space<hbm>> -> memref<384xf32, #tpu.memory_space<hbm>>
      tpu.enqueue_dma source(%dma_start3A_4081 : memref<384xf32, #tpu.memory_space<hbm>>) target(%dma_start3A_4078 : memref<384xf32, #tpu.memory_space<vmem>>) target_semaphore(%run_scoped3A_4069 : memref<!tpu.dma_semaphore, #tpu.memory_space<semaphore_mem>>)
      %dma_wait3A_4082 = arith.constant 0 : i32
      %dma_wait3A_4083 = tpu.memref_slice %arg5[%run_scoped3A, %dma_wait3A_4082] : memref<2x384xf32, #tpu.memory_space<vmem>> -> memref<1x384xf32, #tpu.memory_space<vmem>>
      %dma_wait3A_4084 = tpu.memref_squeeze %dma_wait3A_4083 : memref<1x384xf32, #tpu.memory_space<vmem>> -> memref<384xf32, #tpu.memory_space<vmem>>
      %dma_wait3A_4085 = arith.constant 0 : i32
      %dma_wait3A_4086 = tpu.memref_slice %arg2[%add3A_1, %dma_wait3A_4085] : memref<64x384xf32, #tpu.memory_space<hbm>> -> memref<1x384xf32, #tpu.memory_space<hbm>>
      %dma_wait3A_4087 = tpu.memref_squeeze %dma_wait3A_4086 : memref<1x384xf32, #tpu.memory_space<hbm>> -> memref<384xf32, #tpu.memory_space<hbm>>
      %dma_wait3A_4088 = arith.constant 0 : i32
      %dma_wait3A_4089 = tpu.memref_slice %arg5[%run_scoped3A, %dma_wait3A_4088] : memref<2x384xf32, #tpu.memory_space<vmem>> -> memref<1x384xf32, #tpu.memory_space<vmem>>
      %dma_wait3A_4090 = tpu.memref_squeeze %dma_wait3A_4089 : memref<1x384xf32, #tpu.memory_space<vmem>> -> memref<384xf32, #tpu.memory_space<vmem>>
      %dma_wait3A_4091 = arith.constant 0 : i32
      %dma_wait3A_4092 = tpu.memref_slice %arg2[%add3A_1, %dma_wait3A_4091] : memref<64x384xf32, #tpu.memory_space<hbm>> -> memref<1x384xf32, #tpu.memory_space<hbm>>
      %dma_wait3A_4093 = tpu.memref_squeeze %dma_wait3A_4092 : memref<1x384xf32, #tpu.memory_space<hbm>> -> memref<384xf32, #tpu.memory_space<hbm>>
      tpu.wait_dma2 semaphore(%run_scoped3A_4069 : memref<!tpu.dma_semaphore, #tpu.memory_space<semaphore_mem>>) src(%dma_wait3A_4093 : memref<384xf32, #tpu.memory_space<hbm>>) dst(%dma_wait3A_4090 : memref<384xf32, #tpu.memory_space<vmem>>)
      tpu.yield
    }) : () -> ()
    %get3A = arith.constant 0 : i32
    %get3A_2 = arith.index_cast %get3A : i32 to index
    %get3A_3 = arith.constant 0 : index
    %get3A_4 = tpu.vector_load %arg5[%get3A_2, %get3A_3] {strides = array<i32>} : memref<2x384xf32, #tpu.memory_space<vmem>>, vector<16xf32>,
    %swap3A = arith.constant 0 : i32
    %swap3A_5 = arith.constant 0 : i32
    %swap3A_6 = arith.constant 0 : i32
    %swap3A_7 = arith.index_cast %swap3A : i32 to index
    %swap3A_8 = arith.index_cast %swap3A_5 : i32 to index
    %swap3A_9 = arith.index_cast %swap3A_6 : i32 to index
    %swap3A_10 = arith.constant 0 : index
    %swap3A_11 = tpu.vector_load %arg6[%swap3A_7, %swap3A_8, %swap3A_9, %swap3A_10] {strides = array<i32>} : memref<2x3x8x128xf32, #tpu.memory_space<vmem>>, vector<16xf32>,
    tpu.vector_store %arg6[%swap3A_7, %swap3A_8, %swap3A_9, %swap3A_10], %get3A_4 {strides = array<i32>} : memref<2x3x8x128xf32, #tpu.memory_space<vmem>>, vector<16xf32>,
    %swap3A_12 = arith.constant 0 : i32
    %swap3A_13 = arith.constant 0 : i32
    %swap3A_14 = arith.constant 1 : i32
    %swap3A_15 = arith.index_cast %swap3A_12 : i32 to index
    %swap3A_16 = arith.index_cast %swap3A_13 : i32 to index
    %swap3A_17 = arith.index_cast %swap3A_14 : i32 to index
    %swap3A_18 = arith.constant 0 : index
    %swap3A_19 = tpu.vector_load %arg6[%swap3A_15, %swap3A_16, %swap3A_17, %swap3A_18] {strides = array<i32>} : memref<2x3x8x128xf32, #tpu.memory_space<vmem>>, vector<16xf32>,
    tpu.vector_store %arg6[%swap3A_15, %swap3A_16, %swap3A_17, %swap3A_18], %get3A_4 {strides = array<i32>} : memref<2x3x8x128xf32, #tpu.memory_space<vmem>>, vector<16xf32>,
    %swap3A_20 = arith.constant 0 : i32
    %swap3A_21 = arith.constant 0 : i32
    %swap3A_22 = arith.constant 2 : i32
    %swap3A_23 = arith.index_cast %swap3A_20 : i32 to index
    %swap3A_24 = arith.index_cast %swap3A_21 : i32 to index
    %swap3A_25 = arith.index_cast %swap3A_22 : i32 to index
    %swap3A_26 = arith.constant 0 : index
    %swap3A_27 = tpu.vector_load %arg6[%swap3A_23, %swap3A_24, %swap3A_25, %swap3A_26] {strides = array<i32>} : memref<2x3x8x128xf32, #tpu.memory_space<vmem>>, vector<16xf32>,
    tpu.vector_store %arg6[%swap3A_23, %swap3A_24, %swap3A_25, %swap3A_26], %get3A_4 {strides = array<i32>} : memref<2x3x8x128xf32, #tpu.memory_space<vmem>>, vector<16xf32>,
    %swap3A_28 = arith.constant 0 : i32
    %swap3A_29 = arith.constant 0 : i32
    %swap3A_30 = arith.constant 3 : i32
    %swap3A_31 = arith.index_cast %swap3A_28 : i32 to index
    %swap3A_32 = arith.index_cast %swap3A_29 : i32 to index
    %swap3A_33 = arith.index_cast %swap3A_30 : i32 to index
    %swap3A_34 = arith.constant 0 : index
    %swap3A_35 = tpu.vector_load %arg6[%swap3A_31, %swap3A_32, %swap3A_33, %swap3A_34] {strides = array<i32>} : memref<2x3x8x128xf32, #tpu.memory_space<vmem>>, vector<16xf32>,
    tpu.vector_store %arg6[%swap3A_31, %swap3A_32, %swap3A_33, %swap3A_34], %get3A_4 {strides = array<i32>} : memref<2x3x8x128xf32, #tpu.memory_space<vmem>>, vector<16xf32>,
    %swap3A_36 = arith.constant 0 : i32
    %swap3A_37 = arith.constant 0 : i32
    %swap3A_38 = arith.constant 4 : i32
    %swap3A_39 = arith.index_cast %swap3A_36 : i32 to index
    %swap3A_40 = arith.index_cast %swap3A_37 : i32 to index
    %swap3A_41 = arith.index_cast %swap3A_38 : i32 to index
    %swap3A_42 = arith.constant 0 : index
    %swap3A_43 = tpu.vector_load %arg6[%swap3A_39, %swap3A_40, %swap3A_41, %swap3A_42] {strides = array<i32>} : memref<2x3x8x128xf32, #tpu.memory_space<vmem>>, vector<16xf32>,
    tpu.vector_store %arg6[%swap3A_39, %swap3A_40, %swap3A_41, %swap3A_42], %get3A_4 {strides = array<i32>} : memref<2x3x8x128xf32, #tpu.memory_space<vmem>>, vector<16xf32>,
    %swap3A_44 = arith.constant 0 : i32
    %swap3A_45 = arith.constant 0 : i32
    %swap3A_46 = arith.constant 5 : i32
    %swap3A_47 = arith.index_cast %swap3A_44 : i32 to index
    %swap3A_48 = arith.index_cast %swap3A_45 : i32 to index
    %swap3A_49 = arith.index_cast %swap3A_46 : i32 to index
    %swap3A_50 = arith.constant 0 : index
    %swap3A_51 = tpu.vector_load %arg6[%swap3A_47, %swap3A_48, %swap3A_49, %swap3A_50] {strides = array<i32>} : memref<2x3x8x128xf32, #tpu.memory_space<vmem>>, vector<16xf32>,
    tpu.vector_store %arg6[%swap3A_47, %swap3A_48, %swap3A_49, %swap3A_50], %get3A_4 {strides = array<i32>} : memref<2x3x8x128xf32, #tpu.memory_space<vmem>>, vector<16xf32>,
    %swap3A_52 = arith.constant 0 : i32
    %swap3A_53 = arith.constant 0 : i32
    %swap3A_54 = arith.constant 6 : i32
    %swap3A_55 = arith.index_cast %swap3A_52 : i32 to index
    %swap3A_56 = arith.index_cast %swap3A_53 : i32 to index
    %swap3A_57 = arith.index_cast %swap3A_54 : i32 to index
    %swap3A_58 = arith.constant 0 : index
    %swap3A_59 = tpu.vector_load %arg6[%swap3A_55, %swap3A_56, %swap3A_57, %swap3A_58] {strides = array<i32>} : memref<2x3x8x128xf32, #tpu.memory_space<vmem>>, vector<16xf32>,
    tpu.vector_store %arg6[%swap3A_55, %swap3A_56, %swap3A_57, %swap3A_58], %get3A_4 {strides = array<i32>} : memref<2x3x8x128xf32, #tpu.memory_space<vmem>>, vector<16xf32>,
    %swap3A_60 = arith.constant 0 : i32
    %swap3A_61 = arith.constant 0 : i32
    %swap3A_62 = arith.constant 7 : i32
    %swap3A_63 = arith.index_cast %swap3A_60 : i32 to index
    %swap3A_64 = arith.index_cast %swap3A_61 : i32 to index
    %swap3A_65 = arith.index_cast %swap3A_62 : i32 to index
    %swap3A_66 = arith.constant 0 : index
    %swap3A_67 = tpu.vector_load %arg6[%swap3A_63, %swap3A_64, %swap3A_65, %swap3A_66] {strides = array<i32>} : memref<2x3x8x128xf32, #tpu.memory_space<vmem>>, vector<16xf32>,
    tpu.vector_store %arg6[%swap3A_63, %swap3A_64, %swap3A_65, %swap3A_66], %get3A_4 {strides = array<i32>} : memref<2x3x8x128xf32, #tpu.memory_space<vmem>>, vector<16xf32>,
    %get3A_68 = arith.constant 0 : i32
    %get3A_69 = arith.index_cast %get3A_68 : i32 to index
    %get3A_70 = arith.constant 16 : index
    %get3A_71 = tpu.vector_load %arg5[%get3A_69, %get3A_70] {strides = array<i32>} : memref<2x384xf32, #tpu.memory_space<vmem>>, vector<16xf32>,
    %swap3A_72 = arith.constant 0 : i32
    %swap3A_73 = arith.constant 0 : i32
    %swap3A_74 = arith.constant 0 : i32
    %swap3A_75 = arith.index_cast %swap3A_72 : i32 to index
    %swap3A_76 = arith.index_cast %swap3A_73 : i32 to index
    %swap3A_77 = arith.index_cast %swap3A_74 : i32 to index
    %swap3A_78 = arith.constant 16 : index
    %swap3A_79 = tpu.vector_load %arg6[%swap3A_75, %swap3A_76, %swap3A_77, %swap3A_78] {strides = array<i32>} : memref<2x3x8x128xf32, #tpu.memory_space<vmem>>, vector<16xf32>,
    tpu.vector_store %arg6[%swap3A_75, %swap3A_76, %swap3A_77, %swap3A_78], %get3A_71 {strides = array<i32>} : memref<2x3x8x128xf32, #tpu.memory_space<vmem>>, vector<16xf32>,
    %swap3A_80 = arith.constant 0 : i32
    %swap3A_81 = arith.constant 0 : i32
    %swap3A_82 = arith.constant 1 : i32
    %swap3A_83 = arith.index_cast %swap3A_80 : i32 to index
    %swap3A_84 = arith.index_cast %swap3A_81 : i32 to index
    %swap3A_85 = arith.index_cast %swap3A_82 : i32 to index
    %swap3A_86 = arith.constant 16 : index
    %swap3A_87 = tpu.vector_load %arg6[%swap3A_83, %swap3A_84, %swap3A_85, %swap3A_86] {strides = array<i32>} : memref<2x3x8x128xf32, #tpu.memory_space<vmem>>, vector<16xf32>,
    tpu.vector_store %arg6[%swap3A_83, %swap3A_84, %swap3A_85, %swap3A_86], %get3A_71 {strides = array<i32>} : memref<2x3x8x128xf32, #tpu.memory_space<vmem>>, vector<16xf32>,
    %swap3A_88 = arith.constant 0 : i32
    %swap3A_89 = arith.constant 0 : i32
    %swap3A_90 = arith.constant 2 : i32
    %swap3A_91 = arith.index_cast %swap3A_88 : i32 to index
    %swap3A_92 = arith.index_cast %swap3A_89 : i32 to index
    %swap3A_93 = arith.index_cast %swap3A_90 : i32 to index
    %swap3A_94 = arith.constant 16 : index
    %swap3A_95 = tpu.vector_load %arg6[%swap3A_91, %swap3A_92, %swap3A_93, %swap3A_94] {strides = array<i32>} : memref<2x3x8x128xf32, #tpu.memory_space<vmem>>, vector<16xf32>,
    tpu.vector_store %arg6[%swap3A_91, %swap3A_92, %swap3A_93, %swap3A_94], %get3A_71 {strides = array<i32>} : memref<2x3x8x128xf32, #tpu.memory_space<vmem>>, vector<16xf32>,
    %swap3A_96 = arith.constant 0 : i32
    %swap3A_97 = arith.constant 0 : i32
    %swap3A_98 = arith.constant 3 : i32
    %swap3A_99 = arith.index_cast %swap3A_96 : i32 to index
    %swap3A_100 = arith.index_cast %swap3A_97 : i32 to index
    %swap3A_101 = arith.index_cast %swap3A_98 : i32 to index
    %swap3A_102 = arith.constant 16 : index
    %swap3A_103 = tpu.vector_load %arg6[%swap3A_99, %swap3A_100, %swap3A_101, %swap3A_102] {strides = array<i32>} : memref<2x3x8x128xf32, #tpu.memory_space<vmem>>, vector<16xf32>,
    tpu.vector_store %arg6[%swap3A_99, %swap3A_100, %swap3A_101, %swap3A_102], %get3A_71 {strides = array<i32>} : memref<2x3x8x128xf32, #tpu.memory_space<vmem>>, vector<16xf32>,
    %swap3A_104 = arith.constant 0 : i32
    %swap3A_105 = arith.constant 0 : i32
    %swap3A_106 = arith.constant 4 : i32
    %swap3A_107 = arith.index_cast %swap3A_104 : i32 to index
    %swap3A_108 = arith.index_cast %swap3A_105 : i32 to index
    %swap3A_109 = arith.index_cast %swap3A_106 : i32 to index
    %swap3A_110 = arith.constant 16 : index
    %swap3A_111 = tpu.vector_load %arg6[%swap3A_107, %swap3A_108, %swap3A_109, %swap3A_110] {strides = array<i32>} : memref<2x3x8x128xf32, #tpu.memory_space<vmem>>, vector<16xf32>,
    tpu.vector_store %arg6[%swap3A_107, %swap3A_108, %swap3A_109, %swap3A_110], %get3A_71 {strides = array<i32>} : memref<2x3x8x128xf32, #tpu.memory_space<vmem>>, vector<16xf32>,
    %swap3A_112 = arith.constant 0 : i32
    %swap3A_113 = arith.constant 0 : i32
    %swap3A_114 = arith.constant 5 : i32
    %swap3A_115 = arith.index_cast %swap3A_112 : i32 to index
    %swap3A_116 = arith.index_cast %swap3A_113 : i32 to index
    %swap3A_117 = arith.index_cast %swap3A_114 : i32 to index
    %swap3A_118 = arith.constant 16 : index
    %swap3A_119 = tpu.vector_load %arg6[%swap3A_115, %swap3A_116, %swap3A_117, %swap3A_118] {strides = array<i32>} : memref<2x3x8x128xf32, #tpu.memory_space<vmem>>, vector<16xf32>,
    tpu.vector_store %arg6[%swap3A_115, %swap3A_116, %swap3A_117, %swap3A_118], %get3A_71 {strides = array<i32>} : memref<2x3x8x128xf32, #tpu.memory_space<vmem>>, vector<16xf32>,
    %swap3A_120 = arith.constant 0 : i32
    %swap3A_121 = arith.constant 0 : i32
    %swap3A_122 = arith.constant 6 : i32
    %swap3A_123 = arith.index_cast %swap3A_120 : i32 to index
    %swap3A_124 = arith.index_cast %swap3A_121 : i32 to index
    %swap3A_125 = arith.index_cast %swap3A_122 : i32 to index
    %swap3A_126 = arith.constant 16 : index
    %swap3A_127 = tpu.vector_load %arg6[%swap3A_123, %swap3A_124, %swap3A_125, %swap3A_126] {strides = array<i32>} : memref<2x3x8x128xf32, #tpu.memory_space<vmem>>, vector<16xf32>,
    tpu.vector_store %arg6[%swap3A_123, %swap3A_124, %swap3A_125, %swap3A_126], %get3A_71 {strides = array<i32>} : memref<2x3x8x128xf32, #tpu.memory_space<vmem>>, vector<16xf32>,
    %swap3A_128 = arith.constant 0 : i32
    %swap3A_129 = arith.constant 0 : i32
    %swap3A_130 = arith.constant 7 : i32
    %swap3A_131 = arith.index_cast %swap3A_128 : i32 to index
    %swap3A_132 = arith.index_cast %swap3A_129 : i32 to index
    %swap3A_133 = arith.index_cast %swap3A_130 : i32 to index
    %swap3A_134 = arith.constant 16 : index
    %swap3A_135 = tpu.vector_load %arg6[%swap3A_131, %swap3A_132, %swap3A_133, %swap3A_134] {strides = array<i32>} : memref<2x3x8x128xf32, #tpu.memory_space<vmem>>, vector<16xf32>,
    tpu.vector_store %arg6[%swap3A_131, %swap3A_132, %swap3A_133, %swap3A_134], %get3A_71 {strides = array<i32>} : memref<2x3x8x128xf32, #tpu.memory_space<vmem>>, vector<16xf32>,
    %get3A_136 = arith.constant 0 : i32
    %get3A_137 = arith.index_cast %get3A_136 : i32 to index
    %get3A_138 = arith.constant 32 : index
    %get3A_139 = tpu.vector_load %arg5[%get3A_137, %get3A_138] {strides = array<i32>} : memref<2x384xf32, #tpu.memory_space<vmem>>, vector<16xf32>,
    %swap3A_140 = arith.constant 0 : i32
    %swap3A_141 = arith.constant 0 : i32
    %swap3A_142 = arith.constant 0 : i32
    %swap3A_143 = arith.index_cast %swap3A_140 : i32 to index
    %swap3A_144 = arith.index_cast %swap3A_141 : i32 to index
    %swap3A_145 = arith.index_cast %swap3A_142 : i32 to index
    %swap3A_146 = arith.constant 32 : index
    %swap3A_147 = tpu.vector_load %arg6[%swap3A_143, %swap3A_144, %swap3A_145, %swap3A_146] {strides = array<i32>} : memref<2x3x8x128xf32, #tpu.memory_space<vmem>>, vector<16xf32>,
    tpu.vector_store %arg6[%swap3A_143, %swap3A_144, %swap3A_145, %swap3A_146], %get3A_139 {strides = array<i32>} : memref<2x3x8x128xf32, #tpu.memory_space<vmem>>, vector<16xf32>,
    %swap3A_148 = arith.constant 0 : i32
    %swap3A_149 = arith.constant 0 : i32
    %swap3A_150 = arith.constant 1 : i32
    %swap3A_151 = arith.index_cast %swap3A_148 : i32 to index
    %swap3A_152 = arith.index_cast %swap3A_149 : i32 to index
    %swap3A_153 = arith.index_cast %swap3A_150 : i32 to index
    %swap3A_154 = arith.constant 32 : index
    %swap3A_155 = tpu.vector_load %arg6[%swap3A_151, %swap3A_152, %swap3A_153, %swap3A_154] {strides = array<i32>} : memref<2x3x8x128xf32, #tpu.memory_space<vmem>>, vector<16xf32>,
    tpu.vector_store %arg6[%swap3A_151, %swap3A_152, %swap3A_153, %swap3A_154], %get3A_139 {strides = array<i32>} : memref<2x3x8x128xf32, #tpu.memory_space<vmem>>, vector<16xf32>,
    %swap3A_156 = arith.constant 0 : i32
    %swap3A_157 = arith.constant 0 : i32
    %swap3A_158 = arith.constant 2 : i32
    %swap3A_159 = arith.index_cast %swap3A_156 : i32 to index
    %swap3A_160 = arith.index_cast %swap3A_157 : i32 to index
    %swap3A_161 = arith.index_cast %swap3A_158 : i32 to index
    %swap3A_162 = arith.constant 32 : index
    %swap3A_163 = tpu.vector_load %arg6[%swap3A_159, %swap3A_160, %swap3A_161, %swap3A_162] {strides = array<i32>} : memref<2x3x8x128xf32, #tpu.memory_space<vmem>>, vector<16xf32>,
    tpu.vector_store %arg6[%swap3A_159, %swap3A_160, %swap3A_161, %swap3A_162], %get3A_139 {strides = array<i32>} : memref<2x3x8x128xf32, #tpu.memory_space<vmem>>, vector<16xf32>,
    %swap3A_164 = arith.constant 0 : i32
    %swap3A_165 = arith.constant 0 : i32
    %swap3A_166 = arith.constant 3 : i32
    %swap3A_167 = arith.index_cast %swap3A_164 : i32 to index
    %swap3A_168 = arith.index_cast %swap3A_165 : i32 to index
    %swap3A_169 = arith.index_cast %swap3A_166 : i32 to index
    %swap3A_170 = arith.constant 32 : index
    %swap3A_171 = tpu.vector_load %arg6[%swap3A_167, %swap3A_168, %swap3A_169, %swap3A_170] {strides = array<i32>} : memref<2x3x8x128xf32, #tpu.memory_space<vmem>>, vector<16xf32>,
    tpu.vector_store %arg6[%swap3A_167, %swap3A_168, %swap3A_169, %swap3A_170], %get3A_139 {strides = array<i32>} : memref<2x3x8x128xf32, #tpu.memory_space<vmem>>, vector<16xf32>,
    %swap3A_172 = arith.constant 0 : i32
    %swap3A_173 = arith.constant 0 : i32
    %swap3A_174 = arith.constant 4 : i32
    %swap3A_175 = arith.index_cast %swap3A_172 : i32 to index
    %swap3A_176 = arith.index_cast %swap3A_173 : i32 to index
    %swap3A_177 = arith.index_cast %swap3A_174 : i32 to index
    %swap3A_178 = arith.constant 32 : index
    %swap3A_179 = tpu.vector_load %arg6[%swap3A_175, %swap3A_176, %swap3A_177, %swap3A_178] {strides = array<i32>} : memref<2x3x8x128xf32, #tpu.memory_space<vmem>>, vector<16xf32>,
    tpu.vector_store %arg6[%swap3A_175, %swap3A_176, %swap3A_177, %swap3A_178], %get3A_139 {strides = array<i32>} : memref<2x3x8x128xf32, #tpu.memory_space<vmem>>, vector<16xf32>,
    %swap3A_180 = arith.constant 0 : i32
    %swap3A_181 = arith.constant 0 : i32
    %swap3A_182 = arith.constant 5 : i32
    %swap3A_183 = arith.index_cast %swap3A_180 : i32 to index
    %swap3A_184 = arith.index_cast %swap3A_181 : i32 to index
    %swap3A_185 = arith.index_cast %swap3A_182 : i32 to index
    %swap3A_186 = arith.constant 32 : index
    %swap3A_187 = tpu.vector_load %arg6[%swap3A_183, %swap3A_184, %swap3A_185, %swap3A_186] {strides = array<i32>} : memref<2x3x8x128xf32, #tpu.memory_space<vmem>>, vector<16xf32>,
    tpu.vector_store %arg6[%swap3A_183, %swap3A_184, %swap3A_185, %swap3A_186], %get3A_139 {strides = array<i32>} : memref<2x3x8x128xf32, #tpu.memory_space<vmem>>, vector<16xf32>,
    %swap3A_188 = arith.constant 0 : i32
    %swap3A_189 = arith.constant 0 : i32
    %swap3A_190 = arith.constant 6 : i32
    %swap3A_191 = arith.index_cast %swap3A_188 : i32 to index
    %swap3A_192 = arith.index_cast %swap3A_189 : i32 to index
    %swap3A_193 = arith.index_cast %swap3A_190 : i32 to index
    %swap3A_194 = arith.constant 32 : index
    %swap3A_195 = tpu.vector_load %arg6[%swap3A_191, %swap3A_192, %swap3A_193, %swap3A_194] {strides = array<i32>} : memref<2x3x8x128xf32, #tpu.memory_space<vmem>>, vector<16xf32>,
    tpu.vector_store %arg6[%swap3A_191, %swap3A_192, %swap3A_193, %swap3A_194], %get3A_139 {strides = array<i32>} : memref<2x3x8x128xf32, #tpu.memory_space<vmem>>, vector<16xf32>,
    %swap3A_196 = arith.constant 0 : i32
    %swap3A_197 = arith.constant 0 : i32
    %swap3A_198 = arith.constant 7 : i32
    %swap3A_199 = arith.index_cast %swap3A_196 : i32 to index
    %swap3A_200 = arith.index_cast %swap3A_197 : i32 to index
    %swap3A_201 = arith.index_cast %swap3A_198 : i32 to index
    %swap3A_202 = arith.constant 32 : index
    %swap3A_203 = tpu.vector_load %arg6[%swap3A_199, %swap3A_200, %swap3A_201, %swap3A_202] {strides = array<i32>} : memref<2x3x8x128xf32, #tpu.memory_space<vmem>>, vector<16xf32>,
    tpu.vector_store %arg6[%swap3A_199, %swap3A_200, %swap3A_201, %swap3A_202], %get3A_139 {strides = array<i32>} : memref<2x3x8x128xf32, #tpu.memory_space<vmem>>, vector<16xf32>,
    %get3A_204 = arith.constant 0 : i32
    %get3A_205 = arith.index_cast %get3A_204 : i32 to index
    %get3A_206 = arith.constant 48 : index
    %get3A_207 = tpu.vector_load %arg5[%get3A_205, %get3A_206] {strides = array<i32>} : memref<2x384xf32, #tpu.memory_space<vmem>>, vector<16xf32>,
    %swap3A_208 = arith.constant 0 : i32
    %swap3A_209 = arith.constant 0 : i32
    %swap3A_210 = arith.constant 0 : i32
    %swap3A_211 = arith.index_cast %swap3A_208 : i32 to index
    %swap3A_212 = arith.index_cast %swap3A_209 : i32 to index
    %swap3A_213 = arith.index_cast %swap3A_210 : i32 to index
    %swap3A_214 = arith.constant 48 : index
    %swap3A_215 = tpu.vector_load %arg6[%swap3A_211, %swap3A_212, %swap3A_213, %swap3A_214] {strides = array<i32>} : memref<2x3x8x128xf32, #tpu.memory_space<vmem>>, vector<16xf32>,
    tpu.vector_store %arg6[%swap3A_211, %swap3A_212, %swap3A_213, %swap3A_214], %get3A_207 {strides = array<i32>} : memref<2x3x8x128xf32, #tpu.memory_space<vmem>>, vector<16xf32>,
    %swap3A_216 = arith.constant 0 : i32
    %swap3A_217 = arith.constant 0 : i32
    %swap3A_218 = arith.constant 1 : i32
    %swap3A_219 = arith.index_cast %swap3A_216 : i32 to index
    %swap3A_220 = arith.index_cast %swap3A_217 : i32 to index
    %swap3A_221 = arith.index_cast %swap3A_218 : i32 to index
    %swap3A_222 = arith.constant 48 : index
    %swap3A_223 = tpu.vector_load %arg6[%swap3A_219, %swap3A_220, %swap3A_221, %swap3A_222] {strides = array<i32>} : memref<2x3x8x128xf32, #tpu.memory_space<vmem>>, vector<16xf32>,
    tpu.vector_store %arg6[%swap3A_219, %swap3A_220, %swap3A_221, %swap3A_222], %get3A_207 {strides = array<i32>} : memref<2x3x8x128xf32, #tpu.memory_space<vmem>>, vector<16xf32>,
    %swap3A_224 = arith.constant 0 : i32
    %swap3A_225 = arith.constant 0 : i32
    %swap3A_226 = arith.constant 2 : i32
    %swap3A_227 = arith.index_cast %swap3A_224 : i32 to index
    %swap3A_228 = arith.index_cast %swap3A_225 : i32 to index
    %swap3A_229 = arith.index_cast %swap3A_226 : i32 to index
    %swap3A_230 = arith.constant 48 : index
    %swap3A_231 = tpu.vector_load %arg6[%swap3A_227, %swap3A_228, %swap3A_229, %swap3A_230] {strides = array<i32>} : memref<2x3x8x128xf32, #tpu.memory_space<vmem>>, vector<16xf32>,
    tpu.vector_store %arg6[%swap3A_227, %swap3A_228, %swap3A_229, %swap3A_230], %get3A_207 {strides = array<i32>} : memref<2x3x8x128xf32, #tpu.memory_space<vmem>>, vector<16xf32>,
    %swap3A_232 = arith.constant 0 : i32
    %swap3A_233 = arith.constant 0 : i32
    %swap3A_234 = arith.constant 3 : i32
    %swap3A_235 = arith.index_cast %swap3A_232 : i32 to index
    %swap3A_236 = arith.index_cast %swap3A_233 : i32 to index
    %swap3A_237 = arith.index_cast %swap3A_234 : i32 to index
    %swap3A_238 = arith.constant 48 : index
    %swap3A_239 = tpu.vector_load %arg6[%swap3A_235, %swap3A_236, %swap3A_237, %swap3A_238] {strides = array<i32>} : memref<2x3x8x128xf32, #tpu.memory_space<vmem>>, vector<16xf32>,
    tpu.vector_store %arg6[%swap3A_235, %swap3A_236, %swap3A_237, %swap3A_238], %get3A_207 {strides = array<i32>} : memref<2x3x8x128xf32, #tpu.memory_space<vmem>>, vector<16xf32>,
    %swap3A_240 = arith.constant 0 : i32
    %swap3A_241 = arith.constant 0 : i32
    %swap3A_242 = arith.constant 4 : i32
    %swap3A_243 = arith.index_cast %swap3A_240 : i32 to index
    %swap3A_244 = arith.index_cast %swap3A_241 : i32 to index
    %swap3A_245 = arith.index_cast %swap3A_242 : i32 to index
    %swap3A_246 = arith.constant 48 : index
    %swap3A_247 = tpu.vector_load %arg6[%swap3A_243, %swap3A_244, %swap3A_245, %swap3A_246] {strides = array<i32>} : memref<2x3x8x128xf32, #tpu.memory_space<vmem>>, vector<16xf32>,
    tpu.vector_store %arg6[%swap3A_243, %swap3A_244, %swap3A_245, %swap3A_246], %get3A_207 {strides = array<i32>} : memref<2x3x8x128xf32, #tpu.memory_space<vmem>>, vector<16xf32>,
    %swap3A_248 = arith.constant 0 : i32
    %swap3A_249 = arith.constant 0 : i32
    %swap3A_250 = arith.constant 5 : i32
    %swap3A_251 = arith.index_cast %swap3A_248 : i32 to index
    %swap3A_252 = arith.index_cast %swap3A_249 : i32 to index
    %swap3A_253 = arith.index_cast %swap3A_250 : i32 to index
    %swap3A_254 = arith.constant 48 : index
    %swap3A_255 = tpu.vector_load %arg6[%swap3A_251, %swap3A_252, %swap3A_253, %swap3A_254] {strides = array<i32>} : memref<2x3x8x128xf32, #tpu.memory_space<vmem>>, vector<16xf32>,
    tpu.vector_store %arg6[%swap3A_251, %swap3A_252, %swap3A_253, %swap3A_254], %get3A_207 {strides = array<i32>} : memref<2x3x8x128xf32, #tpu.memory_space<vmem>>, vector<16xf32>,
    %swap3A_256 = arith.constant 0 : i32
    %swap3A_257 = arith.constant 0 : i32
    %swap3A_258 = arith.constant 6 : i32
    %swap3A_259 = arith.index_cast %swap3A_256 : i32 to index
    %swap3A_260 = arith.index_cast %swap3A_257 : i32 to index
    %swap3A_261 = arith.index_cast %swap3A_258 : i32 to index
    %swap3A_262 = arith.constant 48 : index
    %swap3A_263 = tpu.vector_load %arg6[%swap3A_259, %swap3A_260, %swap3A_261, %swap3A_262] {strides = array<i32>} : memref<2x3x8x128xf32, #tpu.memory_space<vmem>>, vector<16xf32>,
    tpu.vector_store %arg6[%swap3A_259, %swap3A_260, %swap3A_261, %swap3A_262], %get3A_207 {strides = array<i32>} : memref<2x3x8x128xf32, #tpu.memory_space<vmem>>, vector<16xf32>,
    %swap3A_264 = arith.constant 0 : i32
    %swap3A_265 = arith.constant 0 : i32
    %swap3A_266 = arith.constant 7 : i32
    %swap3A_267 = arith.index_cast %swap3A_264 : i32 to index
    %swap3A_268 = arith.index_cast %swap3A_265 : i32 to index
    %swap3A_269 = arith.index_cast %swap3A_266 : i32 to index
    %swap3A_270 = arith.constant 48 : index
    %swap3A_271 = tpu.vector_load %arg6[%swap3A_267, %swap3A_268, %swap3A_269, %swap3A_270] {strides = array<i32>} : memref<2x3x8x128xf32, #tpu.memory_space<vmem>>, vector<16xf32>,
    tpu.vector_store %arg6[%swap3A_267, %swap3A_268, %swap3A_269, %swap3A_270], %get3A_207 {strides = array<i32>} : memref<2x3x8x128xf32, #tpu.memory_space<vmem>>, vector<16xf32>,
    %get3A_272 = arith.constant 0 : i32
    %get3A_273 = arith.index_cast %get3A_272 : i32 to index
    %get3A_274 = arith.constant 64 : index
    %get3A_275 = tpu.vector_load %arg5[%get3A_273, %get3A_274] {strides = array<i32>} : memref<2x384xf32, #tpu.memory_space<vmem>>, vector<16xf32>,
    %swap3A_276 = arith.constant 0 : i32
    %swap3A_277 = arith.constant 0 : i32
    %swap3A_278 = arith.constant 0 : i32
    %swap3A_279 = arith.index_cast %swap3A_276 : i32 to index
    %swap3A_280 = arith.index_cast %swap3A_277 : i32 to index
    %swap3A_281 = arith.index_cast %swap3A_278 : i32 to index
    %swap3A_282 = arith.constant 64 : index
    %swap3A_283 = tpu.vector_load %arg6[%swap3A_279, %swap3A_280, %swap3A_281, %swap3A_282] {strides = array<i32>} : memref<2x3x8x128xf32, #tpu.memory_space<vmem>>, vector<16xf32>,
    tpu.vector_store %arg6[%swap3A_279, %swap3A_280, %swap3A_281, %swap3A_282], %get3A_275 {strides = array<i32>} : memref<2x3x8x128xf32, #tpu.memory_space<vmem>>, vector<16xf32>,
    %swap3A_284 = arith.constant 0 : i32
    %swap3A_285 = arith.constant 0 : i32
    %swap3A_286 = arith.constant 1 : i32
    %swap3A_287 = arith.index_cast %swap3A_284 : i32 to index
    %swap3A_288 = arith.index_cast %swap3A_285 : i32 to index
    %swap3A_289 = arith.index_cast %swap3A_286 : i32 to index
    %swap3A_290 = arith.constant 64 : index
    %swap3A_291 = tpu.vector_load %arg6[%swap3A_287, %swap3A_288, %swap3A_289, %swap3A_290] {strides = array<i32>} : memref<2x3x8x128xf32, #tpu.memory_space<vmem>>, vector<16xf32>,
    tpu.vector_store %arg6[%swap3A_287, %swap3A_288, %swap3A_289, %swap3A_290], %get3A_275 {strides = array<i32>} : memref<2x3x8x128xf32, #tpu.memory_space<vmem>>, vector<16xf32>,
    %swap3A_292 = arith.constant 0 : i32
    %swap3A_293 = arith.constant 0 : i32
    %swap3A_294 = arith.constant 2 : i32
    %swap3A_295 = arith.index_cast %swap3A_292 : i32 to index
    %swap3A_296 = arith.index_cast %swap3A_293 : i32 to index
    %swap3A_297 = arith.index_cast %swap3A_294 : i32 to index
    %swap3A_298 = arith.constant 64 : index
    %swap3A_299 = tpu.vector_load %arg6[%swap3A_295, %swap3A_296, %swap3A_297, %swap3A_298] {strides = array<i32>} : memref<2x3x8x128xf32, #tpu.memory_space<vmem>>, vector<16xf32>,
    tpu.vector_store %arg6[%swap3A_295, %swap3A_296, %swap3A_297, %swap3A_298], %get3A_275 {strides = array<i32>} : memref<2x3x8x128xf32, #tpu.memory_space<vmem>>, vector<16xf32>,
    %swap3A_300 = arith.constant 0 : i32
    %swap3A_301 = arith.constant 0 : i32
    %swap3A_302 = arith.constant 3 : i32
    %swap3A_303 = arith.index_cast %swap3A_300 : i32 to index
    %swap3A_304 = arith.index_cast %swap3A_301 : i32 to index
    %swap3A_305 = arith.index_cast %swap3A_302 : i32 to index
    %swap3A_306 = arith.constant 64 : index
    %swap3A_307 = tpu.vector_load %arg6[%swap3A_303, %swap3A_304, %swap3A_305, %swap3A_306] {strides = array<i32>} : memref<2x3x8x128xf32, #tpu.memory_space<vmem>>, vector<16xf32>,
    tpu.vector_store %arg6[%swap3A_303, %swap3A_304, %swap3A_305, %swap3A_306], %get3A_275 {strides = array<i32>} : memref<2x3x8x128xf32, #tpu.memory_space<vmem>>, vector<16xf32>,
    %swap3A_308 = arith.constant 0 : i32
    %swap3A_309 = arith.constant 0 : i32
    %swap3A_310 = arith.constant 4 : i32
    %swap3A_311 = arith.index_cast %swap3A_308 : i32 to index
    %swap3A_312 = arith.index_cast %swap3A_309 : i32 to index
    %swap3A_313 = arith.index_cast %swap3A_310 : i32 to index
    %swap3A_314 = arith.constant 64 : index
    %swap3A_315 = tpu.vector_load %arg6[%swap3A_311, %swap3A_312, %swap3A_313, %swap3A_314] {strides = array<i32>} : memref<2x3x8x128xf32, #tpu.memory_space<vmem>>, vector<16xf32>,
    tpu.vector_store %arg6[%swap3A_311, %swap3A_312, %swap3A_313, %swap3A_314], %get3A_275 {strides = array<i32>} : memref<2x3x8x128xf32, #tpu.memory_space<vmem>>, vector<16xf32>,
    %swap3A_316 = arith.constant 0 : i32
    %swap3A_317 = arith.constant 0 : i32
    %swap3A_318 = arith.constant 5 : i32
    %swap3A_319 = arith.index_cast %swap3A_316 : i32 to index
    %swap3A_320 = arith.index_cast %swap3A_317 : i32 to index
    %swap3A_321 = arith.index_cast %swap3A_318 : i32 to index
    %swap3A_322 = arith.constant 64 : index
    %swap3A_323 = tpu.vector_load %arg6[%swap3A_319, %swap3A_320, %swap3A_321, %swap3A_322] {strides = array<i32>} : memref<2x3x8x128xf32, #tpu.memory_space<vmem>>, vector<16xf32>,
    tpu.vector_store %arg6[%swap3A_319, %swap3A_320, %swap3A_321, %swap3A_322], %get3A_275 {strides = array<i32>} : memref<2x3x8x128xf32, #tpu.memory_space<vmem>>, vector<16xf32>,
    %swap3A_324 = arith.constant 0 : i32
    %swap3A_325 = arith.constant 0 : i32
    %swap3A_326 = arith.constant 6 : i32
    %swap3A_327 = arith.index_cast %swap3A_324 : i32 to index
    %swap3A_328 = arith.index_cast %swap3A_325 : i32 to index
    %swap3A_329 = arith.index_cast %swap3A_326 : i32 to index
    %swap3A_330 = arith.constant 64 : index
    %swap3A_331 = tpu.vector_load %arg6[%swap3A_327, %swap3A_328, %swap3A_329, %swap3A_330] {strides = array<i32>} : memref<2x3x8x128xf32, #tpu.memory_space<vmem>>, vector<16xf32>,
    tpu.vector_store %arg6[%swap3A_327, %swap3A_328, %swap3A_329, %swap3A_330], %get3A_275 {strides = array<i32>} : memref<2x3x8x128xf32, #tpu.memory_space<vmem>>, vector<16xf32>,
    %swap3A_332 = arith.constant 0 : i32
    %swap3A_333 = arith.constant 0 : i32
    %swap3A_334 = arith.constant 7 : i32
    %swap3A_335 = arith.index_cast %swap3A_332 : i32 to index
    %swap3A_336 = arith.index_cast %swap3A_333 : i32 to index
    %swap3A_337 = arith.index_cast %swap3A_334 : i32 to index
    %swap3A_338 = arith.constant 64 : index
    %swap3A_339 = tpu.vector_load %arg6[%swap3A_335, %swap3A_336, %swap3A_337, %swap3A_338] {strides = array<i32>} : memref<2x3x8x128xf32, #tpu.memory_space<vmem>>, vector<16xf32>,
    tpu.vector_store %arg6[%swap3A_335, %swap3A_336, %swap3A_337, %swap3A_338], %get3A_275 {strides = array<i32>} : memref<2x3x8x128xf32, #tpu.memory_space<vmem>>, vector<16xf32>,
    %get3A_340 = arith.constant 0 : i32
    %get3A_341 = arith.index_cast %get3A_340 : i32 to index
    %get3A_342 = arith.constant 80 : index
    %get3A_343 = tpu.vector_load %arg5[%get3A_341, %get3A_342] {strides = array<i32>} : memref<2x384xf32, #tpu.memory_space<vmem>>, vector<16xf32>,
    %swap3A_344 = arith.constant 0 : i32
    %swap3A_345 = arith.constant 0 : i32
    %swap3A_346 = arith.constant 0 : i32
    %swap3A_347 = arith.index_cast %swap3A_344 : i32 to index
    %swap3A_348 = arith.index_cast %swap3A_345 : i32 to index
    %swap3A_349 = arith.index_cast %swap3A_346 : i32 to index
    %swap3A_350 = arith.constant 80 : index
    %swap3A_351 = tpu.vector_load %arg6[%swap3A_347, %swap3A_348, %swap3A_349, %swap3A_350] {strides = array<i32>} : memref<2x3x8x128xf32, #tpu.memory_space<vmem>>, vector<16xf32>,
    tpu.vector_store %arg6[%swap3A_347, %swap3A_348, %swap3A_349, %swap3A_350], %get3A_343 {strides = array<i32>} : memref<2x3x8x128xf32, #tpu.memory_space<vmem>>, vector<16xf32>,
    %swap3A_352 = arith.constant 0 : i32
    %swap3A_353 = arith.constant 0 : i32
    %swap3A_354 = arith.constant 1 : i32
    %swap3A_355 = arith.index_cast %swap3A_352 : i32 to index
    %swap3A_356 = arith.index_cast %swap3A_353 : i32 to index
    %swap3A_357 = arith.index_cast %swap3A_354 : i32 to index
    %swap3A_358 = arith.constant 80 : index
    %swap3A_359 = tpu.vector_load %arg6[%swap3A_355, %swap3A_356, %swap3A_357, %swap3A_358] {strides = array<i32>} : memref<2x3x8x128xf32, #tpu.memory_space<vmem>>, vector<16xf32>,
    tpu.vector_store %arg6[%swap3A_355, %swap3A_356, %swap3A_357, %swap3A_358], %get3A_343 {strides = array<i32>} : memref<2x3x8x128xf32, #tpu.memory_space<vmem>>, vector<16xf32>,
    %swap3A_360 = arith.constant 0 : i32
    %swap3A_361 = arith.constant 0 : i32
    %swap3A_362 = arith.constant 2 : i32
    %swap3A_363 = arith.index_cast %swap3A_360 : i32 to index
    %swap3A_364 = arith.index_cast %swap3A_361 : i32 to index
    %swap3A_365 = arith.index_cast %swap3A_362 : i32 to index
    %swap3A_366 = arith.constant 80 : index
    %swap3A_367 = tpu.vector_load %arg6[%swap3A_363, %swap3A_364, %swap3A_365, %swap3A_366] {strides = array<i32>} : memref<2x3x8x128xf32, #tpu.memory_space<vmem>>, vector<16xf32>,
    tpu.vector_store %arg6[%swap3A_363, %swap3A_364, %swap3A_365, %swap3A_366], %get3A_343 {strides = array<i32>} : memref<2x3x8x128xf32, #tpu.memory_space<vmem>>, vector<16xf32>,
    %swap3A_368 = arith.constant 0 : i32
    %swap3A_369 = arith.constant 0 : i32
    %swap3A_370 = arith.constant 3 : i32
    %swap3A_371 = arith.index_cast %swap3A_368 : i32 to index
    %swap3A_372 = arith.index_cast %swap3A_369 : i32 to index
    %swap3A_373 = arith.index_cast %swap3A_370 : i32 to index
    %swap3A_374 = arith.constant 80 : index
    %swap3A_375 = tpu.vector_load %arg6[%swap3A_371, %swap3A_372, %swap3A_373, %swap3A_374] {strides = array<i32>} : memref<2x3x8x128xf32, #tpu.memory_space<vmem>>, vector<16xf32>,
    tpu.vector_store %arg6[%swap3A_371, %swap3A_372, %swap3A_373, %swap3A_374], %get3A_343 {strides = array<i32>} : memref<2x3x8x128xf32, #tpu.memory_space<vmem>>, vector<16xf32>,
    %swap3A_376 = arith.constant 0 : i32
    %swap3A_377 = arith.constant 0 : i32
    %swap3A_378 = arith.constant 4 : i32
    %swap3A_379 = arith.index_cast %swap3A_376 : i32 to index
    %swap3A_380 = arith.index_cast %swap3A_377 : i32 to index
    %swap3A_381 = arith.index_cast %swap3A_378 : i32 to index
    %swap3A_382 = arith.constant 80 : index
    %swap3A_383 = tpu.vector_load %arg6[%swap3A_379, %swap3A_380, %swap3A_381, %swap3A_382] {strides = array<i32>} : memref<2x3x8x128xf32, #tpu.memory_space<vmem>>, vector<16xf32>,
    tpu.vector_store %arg6[%swap3A_379, %swap3A_380, %swap3A_381, %swap3A_382], %get3A_343 {strides = array<i32>} : memref<2x3x8x128xf32, #tpu.memory_space<vmem>>, vector<16xf32>,
    %swap3A_384 = arith.constant 0 : i32
    %swap3A_385 = arith.constant 0 : i32
    %swap3A_386 = arith.constant 5 : i32
    %swap3A_387 = arith.index_cast %swap3A_384 : i32 to index
    %swap3A_388 = arith.index_cast %swap3A_385 : i32 to index
    %swap3A_389 = arith.index_cast %swap3A_386 : i32 to index
    %swap3A_390 = arith.constant 80 : index
    %swap3A_391 = tpu.vector_load %arg6[%swap3A_387, %swap3A_388, %swap3A_389, %swap3A_390] {strides = array<i32>} : memref<2x3x8x128xf32, #tpu.memory_space<vmem>>, vector<16xf32>,
    tpu.vector_store %arg6[%swap3A_387, %swap3A_388, %swap3A_389, %swap3A_390], %get3A_343 {strides = array<i32>} : memref<2x3x8x128xf32, #tpu.memory_space<vmem>>, vector<16xf32>,
    %swap3A_392 = arith.constant 0 : i32
    %swap3A_393 = arith.constant 0 : i32
    %swap3A_394 = arith.constant 6 : i32
    %swap3A_395 = arith.index_cast %swap3A_392 : i32 to index
    %swap3A_396 = arith.index_cast %swap3A_393 : i32 to index
    %swap3A_397 = arith.index_cast %swap3A_394 : i32 to index
    %swap3A_398 = arith.constant 80 : index
    %swap3A_399 = tpu.vector_load %arg6[%swap3A_395, %swap3A_396, %swap3A_397, %swap3A_398] {strides = array<i32>} : memref<2x3x8x128xf32, #tpu.memory_space<vmem>>, vector<16xf32>,
    tpu.vector_store %arg6[%swap3A_395, %swap3A_396, %swap3A_397, %swap3A_398], %get3A_343 {strides = array<i32>} : memref<2x3x8x128xf32, #tpu.memory_space<vmem>>, vector<16xf32>,
    %swap3A_400 = arith.constant 0 : i32
    %swap3A_401 = arith.constant 0 : i32
    %swap3A_402 = arith.constant 7 : i32
    %swap3A_403 = arith.index_cast %swap3A_400 : i32 to index
    %swap3A_404 = arith.index_cast %swap3A_401 : i32 to index
    %swap3A_405 = arith.index_cast %swap3A_402 : i32 to index
    %swap3A_406 = arith.constant 80 : index
    %swap3A_407 = tpu.vector_load %arg6[%swap3A_403, %swap3A_404, %swap3A_405, %swap3A_406] {strides = array<i32>} : memref<2x3x8x128xf32, #tpu.memory_space<vmem>>, vector<16xf32>,
    tpu.vector_store %arg6[%swap3A_403, %swap3A_404, %swap3A_405, %swap3A_406], %get3A_343 {strides = array<i32>} : memref<2x3x8x128xf32, #tpu.memory_space<vmem>>, vector<16xf32>,
    %get3A_408 = arith.constant 0 : i32
    %get3A_409 = arith.index_cast %get3A_408 : i32 to index
    %get3A_410 = arith.constant 96 : index
    %get3A_411 = tpu.vector_load %arg5[%get3A_409, %get3A_410] {strides = array<i32>} : memref<2x384xf32, #tpu.memory_space<vmem>>, vector<16xf32>,
    %swap3A_412 = arith.constant 0 : i32
    %swap3A_413 = arith.constant 0 : i32
    %swap3A_414 = arith.constant 0 : i32
    %swap3A_415 = arith.index_cast %swap3A_412 : i32 to index
    %swap3A_416 = arith.index_cast %swap3A_413 : i32 to index
    %swap3A_417 = arith.index_cast %swap3A_414 : i32 to index
    %swap3A_418 = arith.constant 96 : index
    %swap3A_419 = tpu.vector_load %arg6[%swap3A_415, %swap3A_416, %swap3A_417, %swap3A_418] {strides = array<i32>} : memref<2x3x8x128xf32, #tpu.memory_space<vmem>>, vector<16xf32>,
    tpu.vector_store %arg6[%swap3A_415, %swap3A_416, %swap3A_417, %swap3A_418], %get3A_411 {strides = array<i32>} : memref<2x3x8x128xf32, #tpu.memory_space<vmem>>, vector<16xf32>,
    %swap3A_420 = arith.constant 0 : i32
    %swap3A_421 = arith.constant 0 : i32
    %swap3A_422 = arith.constant 1 : i32
    %swap3A_423 = arith.index_cast %swap3A_420 : i32 to index
    %swap3A_424 = arith.index_cast %swap3A_421 : i32 to index
    %swap3A_425 = arith.index_cast %swap3A_422 : i32 to index
    %swap3A_426 = arith.constant 96 : index
    %swap3A_427 = tpu.vector_load %arg6[%swap3A_423, %swap3A_424, %swap3A_425, %swap3A_426] {strides = array<i32>} : memref<2x3x8x128xf32, #tpu.memory_space<vmem>>, vector<16xf32>,
    tpu.vector_store %arg6[%swap3A_423, %swap3A_424, %swap3A_425, %swap3A_426], %get3A_411 {strides = array<i32>} : memref<2x3x8x128xf32, #tpu.memory_space<vmem>>, vector<16xf32>,
    %swap3A_428 = arith.constant 0 : i32
    %swap3A_429 = arith.constant 0 : i32
    %swap3A_430 = arith.constant 2 : i32
    %swap3A_431 = arith.index_cast %swap3A_428 : i32 to index
    %swap3A_432 = arith.index_cast %swap3A_429 : i32 to index
    %swap3A_433 = arith.index_cast %swap3A_430 : i32 to index
    %swap3A_434 = arith.constant 96 : index
    %swap3A_435 = tpu.vector_load %arg6[%swap3A_431, %swap3A_432, %swap3A_433, %swap3A_434] {strides = array<i32>} : memref<2x3x8x128xf32, #tpu.memory_space<vmem>>, vector<16xf32>,
    tpu.vector_store %arg6[%swap3A_431, %swap3A_432, %swap3A_433, %swap3A_434], %get3A_411 {strides = array<i32>} : memref<2x3x8x128xf32, #tpu.memory_space<vmem>>, vector<16xf32>,
    %swap3A_436 = arith.constant 0 : i32
    %swap3A_437 = arith.constant 0 : i32
    %swap3A_438 = arith.constant 3 : i32
    %swap3A_439 = arith.index_cast %swap3A_436 : i32 to index
    %swap3A_440 = arith.index_cast %swap3A_437 : i32 to index
    %swap3A_441 = arith.index_cast %swap3A_438 : i32 to index
    %swap3A_442 = arith.constant 96 : index
    %swap3A_443 = tpu.vector_load %arg6[%swap3A_439, %swap3A_440, %swap3A_441, %swap3A_442] {strides = array<i32>} : memref<2x3x8x128xf32, #tpu.memory_space<vmem>>, vector<16xf32>,
    tpu.vector_store %arg6[%swap3A_439, %swap3A_440, %swap3A_441, %swap3A_442], %get3A_411 {strides = array<i32>} : memref<2x3x8x128xf32, #tpu.memory_space<vmem>>, vector<16xf32>,
    %swap3A_444 = arith.constant 0 : i32
    %swap3A_445 = arith.constant 0 : i32
    %swap3A_446 = arith.constant 4 : i32
    %swap3A_447 = arith.index_cast %swap3A_444 : i32 to index
    %swap3A_448 = arith.index_cast %swap3A_445 : i32 to index
    %swap3A_449 = arith.index_cast %swap3A_446 : i32 to index
    %swap3A_450 = arith.constant 96 : index
    %swap3A_451 = tpu.vector_load %arg6[%swap3A_447, %swap3A_448, %swap3A_449, %swap3A_450] {strides = array<i32>} : memref<2x3x8x128xf32, #tpu.memory_space<vmem>>, vector<16xf32>,
    tpu.vector_store %arg6[%swap3A_447, %swap3A_448, %swap3A_449, %swap3A_450], %get3A_411 {strides = array<i32>} : memref<2x3x8x128xf32, #tpu.memory_space<vmem>>, vector<16xf32>,
    %swap3A_452 = arith.constant 0 : i32
    %swap3A_453 = arith.constant 0 : i32
    %swap3A_454 = arith.constant 5 : i32
    %swap3A_455 = arith.index_cast %swap3A_452 : i32 to index
    %swap3A_456 = arith.index_cast %swap3A_453 : i32 to index
    %swap3A_457 = arith.index_cast %swap3A_454 : i32 to index
    %swap3A_458 = arith.constant 96 : index
    %swap3A_459 = tpu.vector_load %arg6[%swap3A_455, %swap3A_456, %swap3A_457, %swap3A_458] {strides = array<i32>} : memref<2x3x8x128xf32, #tpu.memory_space<vmem>>, vector<16xf32>,
    tpu.vector_store %arg6[%swap3A_455, %swap3A_456, %swap3A_457, %swap3A_458], %get3A_411 {strides = array<i32>} : memref<2x3x8x128xf32, #tpu.memory_space<vmem>>, vector<16xf32>,
    %swap3A_460 = arith.constant 0 : i32
    %swap3A_461 = arith.constant 0 : i32
    %swap3A_462 = arith.constant 6 : i32
    %swap3A_463 = arith.index_cast %swap3A_460 : i32 to index
    %swap3A_464 = arith.index_cast %swap3A_461 : i32 to index
    %swap3A_465 = arith.index_cast %swap3A_462 : i32 to index
    %swap3A_466 = arith.constant 96 : index
    %swap3A_467 = tpu.vector_load %arg6[%swap3A_463, %swap3A_464, %swap3A_465, %swap3A_466] {strides = array<i32>} : memref<2x3x8x128xf32, #tpu.memory_space<vmem>>, vector<16xf32>,
    tpu.vector_store %arg6[%swap3A_463, %swap3A_464, %swap3A_465, %swap3A_466], %get3A_411 {strides = array<i32>} : memref<2x3x8x128xf32, #tpu.memory_space<vmem>>, vector<16xf32>,
    %swap3A_468 = arith.constant 0 : i32
    %swap3A_469 = arith.constant 0 : i32
    %swap3A_470 = arith.constant 7 : i32
    %swap3A_471 = arith.index_cast %swap3A_468 : i32 to index
    %swap3A_472 = arith.index_cast %swap3A_469 : i32 to index
    %swap3A_473 = arith.index_cast %swap3A_470 : i32 to index
    %swap3A_474 = arith.constant 96 : index
    %swap3A_475 = tpu.vector_load %arg6[%swap3A_471, %swap3A_472, %swap3A_473, %swap3A_474] {strides = array<i32>} : memref<2x3x8x128xf32, #tpu.memory_space<vmem>>, vector<16xf32>,
    tpu.vector_store %arg6[%swap3A_471, %swap3A_472, %swap3A_473, %swap3A_474], %get3A_411 {strides = array<i32>} : memref<2x3x8x128xf32, #tpu.memory_space<vmem>>, vector<16xf32>,
    %get3A_476 = arith.constant 0 : i32
    %get3A_477 = arith.index_cast %get3A_476 : i32 to index
    %get3A_478 = arith.constant 112 : index
    %get3A_479 = tpu.vector_load %arg5[%get3A_477, %get3A_478] {strides = array<i32>} : memref<2x384xf32, #tpu.memory_space<vmem>>, vector<16xf32>,
    %swap3A_480 = arith.constant 0 : i32
    %swap3A_481 = arith.constant 0 : i32
    %swap3A_482 = arith.constant 0 : i32
    %swap3A_483 = arith.index_cast %swap3A_480 : i32 to index
    %swap3A_484 = arith.index_cast %swap3A_481 : i32 to index
    %swap3A_485 = arith.index_cast %swap3A_482 : i32 to index
    %swap3A_486 = arith.constant 112 : index
    %swap3A_487 = tpu.vector_load %arg6[%swap3A_483, %swap3A_484, %swap3A_485, %swap3A_486] {strides = array<i32>} : memref<2x3x8x128xf32, #tpu.memory_space<vmem>>, vector<16xf32>,
    tpu.vector_store %arg6[%swap3A_483, %swap3A_484, %swap3A_485, %swap3A_486], %get3A_479 {strides = array<i32>} : memref<2x3x8x128xf32, #tpu.memory_space<vmem>>, vector<16xf32>,
    %swap3A_488 = arith.constant 0 : i32
    %swap3A_489 = arith.constant 0 : i32
    %swap3A_490 = arith.constant 1 : i32
    %swap3A_491 = arith.index_cast %swap3A_488 : i32 to index
    %swap3A_492 = arith.index_cast %swap3A_489 : i32 to index
    %swap3A_493 = arith.index_cast %swap3A_490 : i32 to index
    %swap3A_494 = arith.constant 112 : index
    %swap3A_495 = tpu.vector_load %arg6[%swap3A_491, %swap3A_492, %swap3A_493, %swap3A_494] {strides = array<i32>} : memref<2x3x8x128xf32, #tpu.memory_space<vmem>>, vector<16xf32>,
    tpu.vector_store %arg6[%swap3A_491, %swap3A_492, %swap3A_493, %swap3A_494], %get3A_479 {strides = array<i32>} : memref<2x3x8x128xf32, #tpu.memory_space<vmem>>, vector<16xf32>,
    %swap3A_496 = arith.constant 0 : i32
    %swap3A_497 = arith.constant 0 : i32
    %swap3A_498 = arith.constant 2 : i32
    %swap3A_499 = arith.index_cast %swap3A_496 : i32 to index
    %swap3A_500 = arith.index_cast %swap3A_497 : i32 to index
    %swap3A_501 = arith.index_cast %swap3A_498 : i32 to index
    %swap3A_502 = arith.constant 112 : index
    %swap3A_503 = tpu.vector_load %arg6[%swap3A_499, %swap3A_500, %swap3A_501, %swap3A_502] {strides = array<i32>} : memref<2x3x8x128xf32, #tpu.memory_space<vmem>>, vector<16xf32>,
    tpu.vector_store %arg6[%swap3A_499, %swap3A_500, %swap3A_501, %swap3A_502], %get3A_479 {strides = array<i32>} : memref<2x3x8x128xf32, #tpu.memory_space<vmem>>, vector<16xf32>,
    %swap3A_504 = arith.constant 0 : i32
    %swap3A_505 = arith.constant 0 : i32
    %swap3A_506 = arith.constant 3 : i32
    %swap3A_507 = arith.index_cast %swap3A_504 : i32 to index
    %swap3A_508 = arith.index_cast %swap3A_505 : i32 to index
    %swap3A_509 = arith.index_cast %swap3A_506 : i32 to index
    %swap3A_510 = arith.constant 112 : index
    %swap3A_511 = tpu.vector_load %arg6[%swap3A_507, %swap3A_508, %swap3A_509, %swap3A_510] {strides = array<i32>} : memref<2x3x8x128xf32, #tpu.memory_space<vmem>>, vector<16xf32>,
    tpu.vector_store %arg6[%swap3A_507, %swap3A_508, %swap3A_509, %swap3A_510], %get3A_479 {strides = array<i32>} : memref<2x3x8x128xf32, #tpu.memory_space<vmem>>, vector<16xf32>,
    %swap3A_512 = arith.constant 0 : i32
    %swap3A_513 = arith.constant 0 : i32
    %swap3A_514 = arith.constant 4 : i32
    %swap3A_515 = arith.index_cast %swap3A_512 : i32 to index
    %swap3A_516 = arith.index_cast %swap3A_513 : i32 to index
    %swap3A_517 = arith.index_cast %swap3A_514 : i32 to index
    %swap3A_518 = arith.constant 112 : index
    %swap3A_519 = tpu.vector_load %arg6[%swap3A_515, %swap3A_516, %swap3A_517, %swap3A_518] {strides = array<i32>} : memref<2x3x8x128xf32, #tpu.memory_space<vmem>>, vector<16xf32>,
    tpu.vector_store %arg6[%swap3A_515, %swap3A_516, %swap3A_517, %swap3A_518], %get3A_479 {strides = array<i32>} : memref<2x3x8x128xf32, #tpu.memory_space<vmem>>, vector<16xf32>,
    %swap3A_520 = arith.constant 0 : i32
    %swap3A_521 = arith.constant 0 : i32
    %swap3A_522 = arith.constant 5 : i32
    %swap3A_523 = arith.index_cast %swap3A_520 : i32 to index
    %swap3A_524 = arith.index_cast %swap3A_521 : i32 to index
    %swap3A_525 = arith.index_cast %swap3A_522 : i32 to index
    %swap3A_526 = arith.constant 112 : index
    %swap3A_527 = tpu.vector_load %arg6[%swap3A_523, %swap3A_524, %swap3A_525, %swap3A_526] {strides = array<i32>} : memref<2x3x8x128xf32, #tpu.memory_space<vmem>>, vector<16xf32>,
    tpu.vector_store %arg6[%swap3A_523, %swap3A_524, %swap3A_525, %swap3A_526], %get3A_479 {strides = array<i32>} : memref<2x3x8x128xf32, #tpu.memory_space<vmem>>, vector<16xf32>,
    %swap3A_528 = arith.constant 0 : i32
    %swap3A_529 = arith.constant 0 : i32
    %swap3A_530 = arith.constant 6 : i32
    %swap3A_531 = arith.index_cast %swap3A_528 : i32 to index
    %swap3A_532 = arith.index_cast %swap3A_529 : i32 to index
    %swap3A_533 = arith.index_cast %swap3A_530 : i32 to index
    %swap3A_534 = arith.constant 112 : index
    %swap3A_535 = tpu.vector_load %arg6[%swap3A_531, %swap3A_532, %swap3A_533, %swap3A_534] {strides = array<i32>} : memref<2x3x8x128xf32, #tpu.memory_space<vmem>>, vector<16xf32>,
    tpu.vector_store %arg6[%swap3A_531, %swap3A_532, %swap3A_533, %swap3A_534], %get3A_479 {strides = array<i32>} : memref<2x3x8x128xf32, #tpu.memory_space<vmem>>, vector<16xf32>,
    %swap3A_536 = arith.constant 0 : i32
    %swap3A_537 = arith.constant 0 : i32
    %swap3A_538 = arith.constant 7 : i32
    %swap3A_539 = arith.index_cast %swap3A_536 : i32 to index
    %swap3A_540 = arith.index_cast %swap3A_537 : i32 to index
    %swap3A_541 = arith.index_cast %swap3A_538 : i32 to index
    %swap3A_542 = arith.constant 112 : index
    %swap3A_543 = tpu.vector_load %arg6[%swap3A_539, %swap3A_540, %swap3A_541, %swap3A_542] {strides = array<i32>} : memref<2x3x8x128xf32, #tpu.memory_space<vmem>>, vector<16xf32>,
    tpu.vector_store %arg6[%swap3A_539, %swap3A_540, %swap3A_541, %swap3A_542], %get3A_479 {strides = array<i32>} : memref<2x3x8x128xf32, #tpu.memory_space<vmem>>, vector<16xf32>,
    %get3A_544 = arith.constant 0 : i32
    %get3A_545 = arith.index_cast %get3A_544 : i32 to index
    %get3A_546 = arith.constant 128 : index
    %get3A_547 = tpu.vector_load %arg5[%get3A_545, %get3A_546] {strides = array<i32>} : memref<2x384xf32, #tpu.memory_space<vmem>>, vector<16xf32>,
    %swap3A_548 = arith.constant 0 : i32
    %swap3A_549 = arith.constant 1 : i32
    %swap3A_550 = arith.constant 0 : i32
    %swap3A_551 = arith.index_cast %swap3A_548 : i32 to index
    %swap3A_552 = arith.index_cast %swap3A_549 : i32 to index
    %swap3A_553 = arith.index_cast %swap3A_550 : i32 to index
    %swap3A_554 = arith.constant 0 : index
    %swap3A_555 = tpu.vector_load %arg6[%swap3A_551, %swap3A_552, %swap3A_553, %swap3A_554] {strides = array<i32>} : memref<2x3x8x128xf32, #tpu.memory_space<vmem>>, vector<16xf32>,
    tpu.vector_store %arg6[%swap3A_551, %swap3A_552, %swap3A_553, %swap3A_554], %get3A_547 {strides = array<i32>} : memref<2x3x8x128xf32, #tpu.memory_space<vmem>>, vector<16xf32>,
    %swap3A_556 = arith.constant 0 : i32
    %swap3A_557 = arith.constant 1 : i32
    %swap3A_558 = arith.constant 1 : i32
    %swap3A_559 = arith.index_cast %swap3A_556 : i32 to index
    %swap3A_560 = arith.index_cast %swap3A_557 : i32 to index
    %swap3A_561 = arith.index_cast %swap3A_558 : i32 to index
    %swap3A_562 = arith.constant 0 : index
    %swap3A_563 = tpu.vector_load %arg6[%swap3A_559, %swap3A_560, %swap3A_561, %swap3A_562] {strides = array<i32>} : memref<2x3x8x128xf32, #tpu.memory_space<vmem>>, vector<16xf32>,
    tpu.vector_store %arg6[%swap3A_559, %swap3A_560, %swap3A_561, %swap3A_562], %get3A_547 {strides = array<i32>} : memref<2x3x8x128xf32, #tpu.memory_space<vmem>>, vector<16xf32>,
    %swap3A_564 = arith.constant 0 : i32
    %swap3A_565 = arith.constant 1 : i32
    %swap3A_566 = arith.constant 2 : i32
    %swap3A_567 = arith.index_cast %swap3A_564 : i32 to index
    %swap3A_568 = arith.index_cast %swap3A_565 : i32 to index
    %swap3A_569 = arith.index_cast %swap3A_566 : i32 to index
    %swap3A_570 = arith.constant 0 : index
    %swap3A_571 = tpu.vector_load %arg6[%swap3A_567, %swap3A_568, %swap3A_569, %swap3A_570] {strides = array<i32>} : memref<2x3x8x128xf32, #tpu.memory_space<vmem>>, vector<16xf32>,
    tpu.vector_store %arg6[%swap3A_567, %swap3A_568, %swap3A_569, %swap3A_570], %get3A_547 {strides = array<i32>} : memref<2x3x8x128xf32, #tpu.memory_space<vmem>>, vector<16xf32>,
    %swap3A_572 = arith.constant 0 : i32
    %swap3A_573 = arith.constant 1 : i32
    %swap3A_574 = arith.constant 3 : i32
    %swap3A_575 = arith.index_cast %swap3A_572 : i32 to index
    %swap3A_576 = arith.index_cast %swap3A_573 : i32 to index
    %swap3A_577 = arith.index_cast %swap3A_574 : i32 to index
    %swap3A_578 = arith.constant 0 : index
    %swap3A_579 = tpu.vector_load %arg6[%swap3A_575, %swap3A_576, %swap3A_577, %swap3A_578] {strides = array<i32>} : memref<2x3x8x128xf32, #tpu.memory_space<vmem>>, vector<16xf32>,
    tpu.vector_store %arg6[%swap3A_575, %swap3A_576, %swap3A_577, %swap3A_578], %get3A_547 {strides = array<i32>} : memref<2x3x8x128xf32, #tpu.memory_space<vmem>>, vector<16xf32>,
    %swap3A_580 = arith.constant 0 : i32
    %swap3A_581 = arith.constant 1 : i32
    %swap3A_582 = arith.constant 4 : i32
    %swap3A_583 = arith.index_cast %swap3A_580 : i32 to index
    %swap3A_584 = arith.index_cast %swap3A_581 : i32 to index
    %swap3A_585 = arith.index_cast %swap3A_582 : i32 to index
    %swap3A_586 = arith.constant 0 : index
    %swap3A_587 = tpu.vector_load %arg6[%swap3A_583, %swap3A_584, %swap3A_585, %swap3A_586] {strides = array<i32>} : memref<2x3x8x128xf32, #tpu.memory_space<vmem>>, vector<16xf32>,
    tpu.vector_store %arg6[%swap3A_583, %swap3A_584, %swap3A_585, %swap3A_586], %get3A_547 {strides = array<i32>} : memref<2x3x8x128xf32, #tpu.memory_space<vmem>>, vector<16xf32>,
    %swap3A_588 = arith.constant 0 : i32
    %swap3A_589 = arith.constant 1 : i32
    %swap3A_590 = arith.constant 5 : i32
    %swap3A_591 = arith.index_cast %swap3A_588 : i32 to index
    %swap3A_592 = arith.index_cast %swap3A_589 : i32 to index
    %swap3A_593 = arith.index_cast %swap3A_590 : i32 to index
    %swap3A_594 = arith.constant 0 : index
    %swap3A_595 = tpu.vector_load %arg6[%swap3A_591, %swap3A_592, %swap3A_593, %swap3A_594] {strides = array<i32>} : memref<2x3x8x128xf32, #tpu.memory_space<vmem>>, vector<16xf32>,
    tpu.vector_store %arg6[%swap3A_591, %swap3A_592, %swap3A_593, %swap3A_594], %get3A_547 {strides = array<i32>} : memref<2x3x8x128xf32, #tpu.memory_space<vmem>>, vector<16xf32>,
    %swap3A_596 = arith.constant 0 : i32
    %swap3A_597 = arith.constant 1 : i32
    %swap3A_598 = arith.constant 6 : i32
    %swap3A_599 = arith.index_cast %swap3A_596 : i32 to index
    %swap3A_600 = arith.index_cast %swap3A_597 : i32 to index
    %swap3A_601 = arith.index_cast %swap3A_598 : i32 to index
    %swap3A_602 = arith.constant 0 : index
    %swap3A_603 = tpu.vector_load %arg6[%swap3A_599, %swap3A_600, %swap3A_601, %swap3A_602] {strides = array<i32>} : memref<2x3x8x128xf32, #tpu.memory_space<vmem>>, vector<16xf32>,
    tpu.vector_store %arg6[%swap3A_599, %swap3A_600, %swap3A_601, %swap3A_602], %get3A_547 {strides = array<i32>} : memref<2x3x8x128xf32, #tpu.memory_space<vmem>>, vector<16xf32>,
    %swap3A_604 = arith.constant 0 : i32
    %swap3A_605 = arith.constant 1 : i32
    %swap3A_606 = arith.constant 7 : i32
    %swap3A_607 = arith.index_cast %swap3A_604 : i32 to index
    %swap3A_608 = arith.index_cast %swap3A_605 : i32 to index
    %swap3A_609 = arith.index_cast %swap3A_606 : i32 to index
    %swap3A_610 = arith.constant 0 : index
    %swap3A_611 = tpu.vector_load %arg6[%swap3A_607, %swap3A_608, %swap3A_609, %swap3A_610] {strides = array<i32>} : memref<2x3x8x128xf32, #tpu.memory_space<vmem>>, vector<16xf32>,
    tpu.vector_store %arg6[%swap3A_607, %swap3A_608, %swap3A_609, %swap3A_610], %get3A_547 {strides = array<i32>} : memref<2x3x8x128xf32, #tpu.memory_space<vmem>>, vector<16xf32>,
    %get3A_612 = arith.constant 0 : i32
    %get3A_613 = arith.index_cast %get3A_612 : i32 to index
    %get3A_614 = arith.constant 144 : index
    %get3A_615 = tpu.vector_load %arg5[%get3A_613, %get3A_614] {strides = array<i32>} : memref<2x384xf32, #tpu.memory_space<vmem>>, vector<16xf32>,
    %swap3A_616 = arith.constant 0 : i32
    %swap3A_617 = arith.constant 1 : i32
    %swap3A_618 = arith.constant 0 : i32
    %swap3A_619 = arith.index_cast %swap3A_616 : i32 to index
    %swap3A_620 = arith.index_cast %swap3A_617 : i32 to index
    %swap3A_621 = arith.index_cast %swap3A_618 : i32 to index
    %swap3A_622 = arith.constant 16 : index
    %swap3A_623 = tpu.vector_load %arg6[%swap3A_619, %swap3A_620, %swap3A_621, %swap3A_622] {strides = array<i32>} : memref<2x3x8x128xf32, #tpu.memory_space<vmem>>, vector<16xf32>,
    tpu.vector_store %arg6[%swap3A_619, %swap3A_620, %swap3A_621, %swap3A_622], %get3A_615 {strides = array<i32>} : memref<2x3x8x128xf32, #tpu.memory_space<vmem>>, vector<16xf32>,
    %swap3A_624 = arith.constant 0 : i32
    %swap3A_625 = arith.constant 1 : i32
    %swap3A_626 = arith.constant 1 : i32
    %swap3A_627 = arith.index_cast %swap3A_624 : i32 to index
    %swap3A_628 = arith.index_cast %swap3A_625 : i32 to index
    %swap3A_629 = arith.index_cast %swap3A_626 : i32 to index
    %swap3A_630 = arith.constant 16 : index
    %swap3A_631 = tpu.vector_load %arg6[%swap3A_627, %swap3A_628, %swap3A_629, %swap3A_630] {strides = array<i32>} : memref<2x3x8x128xf32, #tpu.memory_space<vmem>>, vector<16xf32>,
    tpu.vector_store %arg6[%swap3A_627, %swap3A_628, %swap3A_629, %swap3A_630], %get3A_615 {strides = array<i32>} : memref<2x3x8x128xf32, #tpu.memory_space<vmem>>, vector<16xf32>,
    %swap3A_632 = arith.constant 0 : i32
    %swap3A_633 = arith.constant 1 : i32
    %swap3A_634 = arith.constant 2 : i32
    %swap3A_635 = arith.index_cast %swap3A_632 : i32 to index
    %swap3A_636 = arith.index_cast %swap3A_633 : i32 to index
    %swap3A_637 = arith.index_cast %swap3A_634 : i32 to index
    %swap3A_638 = arith.constant 16 : index
    %swap3A_639 = tpu.vector_load %arg6[%swap3A_635, %swap3A_636, %swap3A_637, %swap3A_638] {strides = array<i32>} : memref<2x3x8x128xf32, #tpu.memory_space<vmem>>, vector<16xf32>,
    tpu.vector_store %arg6[%swap3A_635, %swap3A_636, %swap3A_637, %swap3A_638], %get3A_615 {strides = array<i32>} : memref<2x3x8x128xf32, #tpu.memory_space<vmem>>, vector<16xf32>,
    %swap3A_640 = arith.constant 0 : i32
    %swap3A_641 = arith.constant 1 : i32
    %swap3A_642 = arith.constant 3 : i32
    %swap3A_643 = arith.index_cast %swap3A_640 : i32 to index
    %swap3A_644 = arith.index_cast %swap3A_641 : i32 to index
    %swap3A_645 = arith.index_cast %swap3A_642 : i32 to index
    %swap3A_646 = arith.constant 16 : index
    %swap3A_647 = tpu.vector_load %arg6[%swap3A_643, %swap3A_644, %swap3A_645, %swap3A_646] {strides = array<i32>} : memref<2x3x8x128xf32, #tpu.memory_space<vmem>>, vector<16xf32>,
    tpu.vector_store %arg6[%swap3A_643, %swap3A_644, %swap3A_645, %swap3A_646], %get3A_615 {strides = array<i32>} : memref<2x3x8x128xf32, #tpu.memory_space<vmem>>, vector<16xf32>,
    %swap3A_648 = arith.constant 0 : i32
    %swap3A_649 = arith.constant 1 : i32
    %swap3A_650 = arith.constant 4 : i32
    %swap3A_651 = arith.index_cast %swap3A_648 : i32 to index
    %swap3A_652 = arith.index_cast %swap3A_649 : i32 to index
    %swap3A_653 = arith.index_cast %swap3A_650 : i32 to index
    %swap3A_654 = arith.constant 16 : index
    %swap3A_655 = tpu.vector_load %arg6[%swap3A_651, %swap3A_652, %swap3A_653, %swap3A_654] {strides = array<i32>} : memref<2x3x8x128xf32, #tpu.memory_space<vmem>>, vector<16xf32>,
    tpu.vector_store %arg6[%swap3A_651, %swap3A_652, %swap3A_653, %swap3A_654], %get3A_615 {strides = array<i32>} : memref<2x3x8x128xf32, #tpu.memory_space<vmem>>, vector<16xf32>,
    %swap3A_656 = arith.constant 0 : i32
    %swap3A_657 = arith.constant 1 : i32
    %swap3A_658 = arith.constant 5 : i32
    %swap3A_659 = arith.index_cast %swap3A_656 : i32 to index
    %swap3A_660 = arith.index_cast %swap3A_657 : i32 to index
    %swap3A_661 = arith.index_cast %swap3A_658 : i32 to index
    %swap3A_662 = arith.constant 16 : index
    %swap3A_663 = tpu.vector_load %arg6[%swap3A_659, %swap3A_660, %swap3A_661, %swap3A_662] {strides = array<i32>} : memref<2x3x8x128xf32, #tpu.memory_space<vmem>>, vector<16xf32>,
    tpu.vector_store %arg6[%swap3A_659, %swap3A_660, %swap3A_661, %swap3A_662], %get3A_615 {strides = array<i32>} : memref<2x3x8x128xf32, #tpu.memory_space<vmem>>, vector<16xf32>,
    %swap3A_664 = arith.constant 0 : i32
    %swap3A_665 = arith.constant 1 : i32
    %swap3A_666 = arith.constant 6 : i32
    %swap3A_667 = arith.index_cast %swap3A_664 : i32 to index
    %swap3A_668 = arith.index_cast %swap3A_665 : i32 to index
    %swap3A_669 = arith.index_cast %swap3A_666 : i32 to index
    %swap3A_670 = arith.constant 16 : index
    %swap3A_671 = tpu.vector_load %arg6[%swap3A_667, %swap3A_668, %swap3A_669, %swap3A_670] {strides = array<i32>} : memref<2x3x8x128xf32, #tpu.memory_space<vmem>>, vector<16xf32>,
    tpu.vector_store %arg6[%swap3A_667, %swap3A_668, %swap3A_669, %swap3A_670], %get3A_615 {strides = array<i32>} : memref<2x3x8x128xf32, #tpu.memory_space<vmem>>, vector<16xf32>,
    %swap3A_672 = arith.constant 0 : i32
    %swap3A_673 = arith.constant 1 : i32
    %swap3A_674 = arith.constant 7 : i32
    %swap3A_675 = arith.index_cast %swap3A_672 : i32 to index
    %swap3A_676 = arith.index_cast %swap3A_673 : i32 to index
    %swap3A_677 = arith.index_cast %swap3A_674 : i32 to index
    %swap3A_678 = arith.constant 16 : index
    %swap3A_679 = tpu.vector_load %arg6[%swap3A_675, %swap3A_676, %swap3A_677, %swap3A_678] {strides = array<i32>} : memref<2x3x8x128xf32, #tpu.memory_space<vmem>>, vector<16xf32>,
    tpu.vector_store %arg6[%swap3A_675, %swap3A_676, %swap3A_677, %swap3A_678], %get3A_615 {strides = array<i32>} : memref<2x3x8x128xf32, #tpu.memory_space<vmem>>, vector<16xf32>,
    %get3A_680 = arith.constant 0 : i32
    %get3A_681 = arith.index_cast %get3A_680 : i32 to index
    %get3A_682 = arith.constant 160 : index
    %get3A_683 = tpu.vector_load %arg5[%get3A_681, %get3A_682] {strides = array<i32>} : memref<2x384xf32, #tpu.memory_space<vmem>>, vector<16xf32>,
    %swap3A_684 = arith.constant 0 : i32
    %swap3A_685 = arith.constant 1 : i32
    %swap3A_686 = arith.constant 0 : i32
    %swap3A_687 = arith.index_cast %swap3A_684 : i32 to index
    %swap3A_688 = arith.index_cast %swap3A_685 : i32 to index
    %swap3A_689 = arith.index_cast %swap3A_686 : i32 to index
    %swap3A_690 = arith.constant 32 : index
    %swap3A_691 = tpu.vector_load %arg6[%swap3A_687, %swap3A_688, %swap3A_689, %swap3A_690] {strides = array<i32>} : memref<2x3x8x128xf32, #tpu.memory_space<vmem>>, vector<16xf32>,
    tpu.vector_store %arg6[%swap3A_687, %swap3A_688, %swap3A_689, %swap3A_690], %get3A_683 {strides = array<i32>} : memref<2x3x8x128xf32, #tpu.memory_space<vmem>>, vector<16xf32>,
    %swap3A_692 = arith.constant 0 : i32
    %swap3A_693 = arith.constant 1 : i32
    %swap3A_694 = arith.constant 1 : i32
    %swap3A_695 = arith.index_cast %swap3A_692 : i32 to index
    %swap3A_696 = arith.index_cast %swap3A_693 : i32 to index
    %swap3A_697 = arith.index_cast %swap3A_694 : i32 to index
    %swap3A_698 = arith.constant 32 : index
    %swap3A_699 = tpu.vector_load %arg6[%swap3A_695, %swap3A_696, %swap3A_697, %swap3A_698] {strides = array<i32>} : memref<2x3x8x128xf32, #tpu.memory_space<vmem>>, vector<16xf32>,
    tpu.vector_store %arg6[%swap3A_695, %swap3A_696, %swap3A_697, %swap3A_698], %get3A_683 {strides = array<i32>} : memref<2x3x8x128xf32, #tpu.memory_space<vmem>>, vector<16xf32>,
    %swap3A_700 = arith.constant 0 : i32
    %swap3A_701 = arith.constant 1 : i32
    %swap3A_702 = arith.constant 2 : i32
    %swap3A_703 = arith.index_cast %swap3A_700 : i32 to index
    %swap3A_704 = arith.index_cast %swap3A_701 : i32 to index
    %swap3A_705 = arith.index_cast %swap3A_702 : i32 to index
    %swap3A_706 = arith.constant 32 : index
    %swap3A_707 = tpu.vector_load %arg6[%swap3A_703, %swap3A_704, %swap3A_705, %swap3A_706] {strides = array<i32>} : memref<2x3x8x128xf32, #tpu.memory_space<vmem>>, vector<16xf32>,
    tpu.vector_store %arg6[%swap3A_703, %swap3A_704, %swap3A_705, %swap3A_706], %get3A_683 {strides = array<i32>} : memref<2x3x8x128xf32, #tpu.memory_space<vmem>>, vector<16xf32>,
    %swap3A_708 = arith.constant 0 : i32
    %swap3A_709 = arith.constant 1 : i32
    %swap3A_710 = arith.constant 3 : i32
    %swap3A_711 = arith.index_cast %swap3A_708 : i32 to index
    %swap3A_712 = arith.index_cast %swap3A_709 : i32 to index
    %swap3A_713 = arith.index_cast %swap3A_710 : i32 to index
    %swap3A_714 = arith.constant 32 : index
    %swap3A_715 = tpu.vector_load %arg6[%swap3A_711, %swap3A_712, %swap3A_713, %swap3A_714] {strides = array<i32>} : memref<2x3x8x128xf32, #tpu.memory_space<vmem>>, vector<16xf32>,
    tpu.vector_store %arg6[%swap3A_711, %swap3A_712, %swap3A_713, %swap3A_714], %get3A_683 {strides = array<i32>} : memref<2x3x8x128xf32, #tpu.memory_space<vmem>>, vector<16xf32>,
    %swap3A_716 = arith.constant 0 : i32
    %swap3A_717 = arith.constant 1 : i32
    %swap3A_718 = arith.constant 4 : i32
    %swap3A_719 = arith.index_cast %swap3A_716 : i32 to index
    %swap3A_720 = arith.index_cast %swap3A_717 : i32 to index
    %swap3A_721 = arith.index_cast %swap3A_718 : i32 to index
    %swap3A_722 = arith.constant 32 : index
    %swap3A_723 = tpu.vector_load %arg6[%swap3A_719, %swap3A_720, %swap3A_721, %swap3A_722] {strides = array<i32>} : memref<2x3x8x128xf32, #tpu.memory_space<vmem>>, vector<16xf32>,
    tpu.vector_store %arg6[%swap3A_719, %swap3A_720, %swap3A_721, %swap3A_722], %get3A_683 {strides = array<i32>} : memref<2x3x8x128xf32, #tpu.memory_space<vmem>>, vector<16xf32>,
    %swap3A_724 = arith.constant 0 : i32
    %swap3A_725 = arith.constant 1 : i32
    %swap3A_726 = arith.constant 5 : i32
    %swap3A_727 = arith.index_cast %swap3A_724 : i32 to index
    %swap3A_728 = arith.index_cast %swap3A_725 : i32 to index
    %swap3A_729 = arith.index_cast %swap3A_726 : i32 to index
    %swap3A_730 = arith.constant 32 : index
    %swap3A_731 = tpu.vector_load %arg6[%swap3A_727, %swap3A_728, %swap3A_729, %swap3A_730] {strides = array<i32>} : memref<2x3x8x128xf32, #tpu.memory_space<vmem>>, vector<16xf32>,
    tpu.vector_store %arg6[%swap3A_727, %swap3A_728, %swap3A_729, %swap3A_730], %get3A_683 {strides = array<i32>} : memref<2x3x8x128xf32, #tpu.memory_space<vmem>>, vector<16xf32>,
    %swap3A_732 = arith.constant 0 : i32
    %swap3A_733 = arith.constant 1 : i32
    %swap3A_734 = arith.constant 6 : i32
    %swap3A_735 = arith.index_cast %swap3A_732 : i32 to index
    %swap3A_736 = arith.index_cast %swap3A_733 : i32 to index
    %swap3A_737 = arith.index_cast %swap3A_734 : i32 to index
    %swap3A_738 = arith.constant 32 : index
    %swap3A_739 = tpu.vector_load %arg6[%swap3A_735, %swap3A_736, %swap3A_737, %swap3A_738] {strides = array<i32>} : memref<2x3x8x128xf32, #tpu.memory_space<vmem>>, vector<16xf32>,
    tpu.vector_store %arg6[%swap3A_735, %swap3A_736, %swap3A_737, %swap3A_738], %get3A_683 {strides = array<i32>} : memref<2x3x8x128xf32, #tpu.memory_space<vmem>>, vector<16xf32>,
    %swap3A_740 = arith.constant 0 : i32
    %swap3A_741 = arith.constant 1 : i32
    %swap3A_742 = arith.constant 7 : i32
    %swap3A_743 = arith.index_cast %swap3A_740 : i32 to index
    %swap3A_744 = arith.index_cast %swap3A_741 : i32 to index
    %swap3A_745 = arith.index_cast %swap3A_742 : i32 to index
    %swap3A_746 = arith.constant 32 : index
    %swap3A_747 = tpu.vector_load %arg6[%swap3A_743, %swap3A_744, %swap3A_745, %swap3A_746] {strides = array<i32>} : memref<2x3x8x128xf32, #tpu.memory_space<vmem>>, vector<16xf32>,
    tpu.vector_store %arg6[%swap3A_743, %swap3A_744, %swap3A_745, %swap3A_746], %get3A_683 {strides = array<i32>} : memref<2x3x8x128xf32, #tpu.memory_space<vmem>>, vector<16xf32>,
    %get3A_748 = arith.constant 0 : i32
    %get3A_749 = arith.index_cast %get3A_748 : i32 to index
    %get3A_750 = arith.constant 176 : index
    %get3A_751 = tpu.vector_load %arg5[%get3A_749, %get3A_750] {strides = array<i32>} : memref<2x384xf32, #tpu.memory_space<vmem>>, vector<16xf32>,
    %swap3A_752 = arith.constant 0 : i32
    %swap3A_753 = arith.constant 1 : i32
    %swap3A_754 = arith.constant 0 : i32
    %swap3A_755 = arith.index_cast %swap3A_752 : i32 to index
    %swap3A_756 = arith.index_cast %swap3A_753 : i32 to index
    %swap3A_757 = arith.index_cast %swap3A_754 : i32 to index
    %swap3A_758 = arith.constant 48 : index
    %swap3A_759 = tpu.vector_load %arg6[%swap3A_755, %swap3A_756, %swap3A_757, %swap3A_758] {strides = array<i32>} : memref<2x3x8x128xf32, #tpu.memory_space<vmem>>, vector<16xf32>,
    tpu.vector_store %arg6[%swap3A_755, %swap3A_756, %swap3A_757, %swap3A_758], %get3A_751 {strides = array<i32>} : memref<2x3x8x128xf32, #tpu.memory_space<vmem>>, vector<16xf32>,
    %swap3A_760 = arith.constant 0 : i32
    %swap3A_761 = arith.constant 1 : i32
    %swap3A_762 = arith.constant 1 : i32
    %swap3A_763 = arith.index_cast %swap3A_760 : i32 to index
    %swap3A_764 = arith.index_cast %swap3A_761 : i32 to index
    %swap3A_765 = arith.index_cast %swap3A_762 : i32 to index
    %swap3A_766 = arith.constant 48 : index
    %swap3A_767 = tpu.vector_load %arg6[%swap3A_763, %swap3A_764, %swap3A_765, %swap3A_766] {strides = array<i32>} : memref<2x3x8x128xf32, #tpu.memory_space<vmem>>, vector<16xf32>,
    tpu.vector_store %arg6[%swap3A_763, %swap3A_764, %swap3A_765, %swap3A_766], %get3A_751 {strides = array<i32>} : memref<2x3x8x128xf32, #tpu.memory_space<vmem>>, vector<16xf32>,
    %swap3A_768 = arith.constant 0 : i32
    %swap3A_769 = arith.constant 1 : i32
    %swap3A_770 = arith.constant 2 : i32
    %swap3A_771 = arith.index_cast %swap3A_768 : i32 to index
    %swap3A_772 = arith.index_cast %swap3A_769 : i32 to index
    %swap3A_773 = arith.index_cast %swap3A_770 : i32 to index
    %swap3A_774 = arith.constant 48 : index
    %swap3A_775 = tpu.vector_load %arg6[%swap3A_771, %swap3A_772, %swap3A_773, %swap3A_774] {strides = array<i32>} : memref<2x3x8x128xf32, #tpu.memory_space<vmem>>, vector<16xf32>,
    tpu.vector_store %arg6[%swap3A_771, %swap3A_772, %swap3A_773, %swap3A_774], %get3A_751 {strides = array<i32>} : memref<2x3x8x128xf32, #tpu.memory_space<vmem>>, vector<16xf32>,
    %swap3A_776 = arith.constant 0 : i32
    %swap3A_777 = arith.constant 1 : i32
    %swap3A_778 = arith.constant 3 : i32
    %swap3A_779 = arith.index_cast %swap3A_776 : i32 to index
    %swap3A_780 = arith.index_cast %swap3A_777 : i32 to index
    %swap3A_781 = arith.index_cast %swap3A_778 : i32 to index
    %swap3A_782 = arith.constant 48 : index
    %swap3A_783 = tpu.vector_load %arg6[%swap3A_779, %swap3A_780, %swap3A_781, %swap3A_782] {strides = array<i32>} : memref<2x3x8x128xf32, #tpu.memory_space<vmem>>, vector<16xf32>,
    tpu.vector_store %arg6[%swap3A_779, %swap3A_780, %swap3A_781, %swap3A_782], %get3A_751 {strides = array<i32>} : memref<2x3x8x128xf32, #tpu.memory_space<vmem>>, vector<16xf32>,
    %swap3A_784 = arith.constant 0 : i32
    %swap3A_785 = arith.constant 1 : i32
    %swap3A_786 = arith.constant 4 : i32
    %swap3A_787 = arith.index_cast %swap3A_784 : i32 to index
    %swap3A_788 = arith.index_cast %swap3A_785 : i32 to index
    %swap3A_789 = arith.index_cast %swap3A_786 : i32 to index
    %swap3A_790 = arith.constant 48 : index
    %swap3A_791 = tpu.vector_load %arg6[%swap3A_787, %swap3A_788, %swap3A_789, %swap3A_790] {strides = array<i32>} : memref<2x3x8x128xf32, #tpu.memory_space<vmem>>, vector<16xf32>,
    tpu.vector_store %arg6[%swap3A_787, %swap3A_788, %swap3A_789, %swap3A_790], %get3A_751 {strides = array<i32>} : memref<2x3x8x128xf32, #tpu.memory_space<vmem>>, vector<16xf32>,
    %swap3A_792 = arith.constant 0 : i32
    %swap3A_793 = arith.constant 1 : i32
    %swap3A_794 = arith.constant 5 : i32
    %swap3A_795 = arith.index_cast %swap3A_792 : i32 to index
    %swap3A_796 = arith.index_cast %swap3A_793 : i32 to index
    %swap3A_797 = arith.index_cast %swap3A_794 : i32 to index
    %swap3A_798 = arith.constant 48 : index
    %swap3A_799 = tpu.vector_load %arg6[%swap3A_795, %swap3A_796, %swap3A_797, %swap3A_798] {strides = array<i32>} : memref<2x3x8x128xf32, #tpu.memory_space<vmem>>, vector<16xf32>,
    tpu.vector_store %arg6[%swap3A_795, %swap3A_796, %swap3A_797, %swap3A_798], %get3A_751 {strides = array<i32>} : memref<2x3x8x128xf32, #tpu.memory_space<vmem>>, vector<16xf32>,
    %swap3A_800 = arith.constant 0 : i32
    %swap3A_801 = arith.constant 1 : i32
    %swap3A_802 = arith.constant 6 : i32
    %swap3A_803 = arith.index_cast %swap3A_800 : i32 to index
    %swap3A_804 = arith.index_cast %swap3A_801 : i32 to index
    %swap3A_805 = arith.index_cast %swap3A_802 : i32 to index
    %swap3A_806 = arith.constant 48 : index
    %swap3A_807 = tpu.vector_load %arg6[%swap3A_803, %swap3A_804, %swap3A_805, %swap3A_806] {strides = array<i32>} : memref<2x3x8x128xf32, #tpu.memory_space<vmem>>, vector<16xf32>,
    tpu.vector_store %arg6[%swap3A_803, %swap3A_804, %swap3A_805, %swap3A_806], %get3A_751 {strides = array<i32>} : memref<2x3x8x128xf32, #tpu.memory_space<vmem>>, vector<16xf32>,
    %swap3A_808 = arith.constant 0 : i32
    %swap3A_809 = arith.constant 1 : i32
    %swap3A_810 = arith.constant 7 : i32
    %swap3A_811 = arith.index_cast %swap3A_808 : i32 to index
    %swap3A_812 = arith.index_cast %swap3A_809 : i32 to index
    %swap3A_813 = arith.index_cast %swap3A_810 : i32 to index
    %swap3A_814 = arith.constant 48 : index
    %swap3A_815 = tpu.vector_load %arg6[%swap3A_811, %swap3A_812, %swap3A_813, %swap3A_814] {strides = array<i32>} : memref<2x3x8x128xf32, #tpu.memory_space<vmem>>, vector<16xf32>,
    tpu.vector_store %arg6[%swap3A_811, %swap3A_812, %swap3A_813, %swap3A_814], %get3A_751 {strides = array<i32>} : memref<2x3x8x128xf32, #tpu.memory_space<vmem>>, vector<16xf32>,
    %get3A_816 = arith.constant 0 : i32
    %get3A_817 = arith.index_cast %get3A_816 : i32 to index
    %get3A_818 = arith.constant 192 : index
    %get3A_819 = tpu.vector_load %arg5[%get3A_817, %get3A_818] {strides = array<i32>} : memref<2x384xf32, #tpu.memory_space<vmem>>, vector<16xf32>,
    %swap3A_820 = arith.constant 0 : i32
    %swap3A_821 = arith.constant 1 : i32
    %swap3A_822 = arith.constant 0 : i32
    %swap3A_823 = arith.index_cast %swap3A_820 : i32 to index
    %swap3A_824 = arith.index_cast %swap3A_821 : i32 to index
    %swap3A_825 = arith.index_cast %swap3A_822 : i32 to index
    %swap3A_826 = arith.constant 64 : index
    %swap3A_827 = tpu.vector_load %arg6[%swap3A_823, %swap3A_824, %swap3A_825, %swap3A_826] {strides = array<i32>} : memref<2x3x8x128xf32, #tpu.memory_space<vmem>>, vector<16xf32>,
    tpu.vector_store %arg6[%swap3A_823, %swap3A_824, %swap3A_825, %swap3A_826], %get3A_819 {strides = array<i32>} : memref<2x3x8x128xf32, #tpu.memory_space<vmem>>, vector<16xf32>,
    %swap3A_828 = arith.constant 0 : i32
    %swap3A_829 = arith.constant 1 : i32
    %swap3A_830 = arith.constant 1 : i32
    %swap3A_831 = arith.index_cast %swap3A_828 : i32 to index
    %swap3A_832 = arith.index_cast %swap3A_829 : i32 to index
    %swap3A_833 = arith.index_cast %swap3A_830 : i32 to index
    %swap3A_834 = arith.constant 64 : index
    %swap3A_835 = tpu.vector_load %arg6[%swap3A_831, %swap3A_832, %swap3A_833, %swap3A_834] {strides = array<i32>} : memref<2x3x8x128xf32, #tpu.memory_space<vmem>>, vector<16xf32>,
    tpu.vector_store %arg6[%swap3A_831, %swap3A_832, %swap3A_833, %swap3A_834], %get3A_819 {strides = array<i32>} : memref<2x3x8x128xf32, #tpu.memory_space<vmem>>, vector<16xf32>,
    %swap3A_836 = arith.constant 0 : i32
    %swap3A_837 = arith.constant 1 : i32
    %swap3A_838 = arith.constant 2 : i32
    %swap3A_839 = arith.index_cast %swap3A_836 : i32 to index
    %swap3A_840 = arith.index_cast %swap3A_837 : i32 to index
    %swap3A_841 = arith.index_cast %swap3A_838 : i32 to index
    %swap3A_842 = arith.constant 64 : index
    %swap3A_843 = tpu.vector_load %arg6[%swap3A_839, %swap3A_840, %swap3A_841, %swap3A_842] {strides = array<i32>} : memref<2x3x8x128xf32, #tpu.memory_space<vmem>>, vector<16xf32>,
    tpu.vector_store %arg6[%swap3A_839, %swap3A_840, %swap3A_841, %swap3A_842], %get3A_819 {strides = array<i32>} : memref<2x3x8x128xf32, #tpu.memory_space<vmem>>, vector<16xf32>,
    %swap3A_844 = arith.constant 0 : i32
    %swap3A_845 = arith.constant 1 : i32
    %swap3A_846 = arith.constant 3 : i32
    %swap3A_847 = arith.index_cast %swap3A_844 : i32 to index
    %swap3A_848 = arith.index_cast %swap3A_845 : i32 to index
    %swap3A_849 = arith.index_cast %swap3A_846 : i32 to index
    %swap3A_850 = arith.constant 64 : index
    %swap3A_851 = tpu.vector_load %arg6[%swap3A_847, %swap3A_848, %swap3A_849, %swap3A_850] {strides = array<i32>} : memref<2x3x8x128xf32, #tpu.memory_space<vmem>>, vector<16xf32>,
    tpu.vector_store %arg6[%swap3A_847, %swap3A_848, %swap3A_849, %swap3A_850], %get3A_819 {strides = array<i32>} : memref<2x3x8x128xf32, #tpu.memory_space<vmem>>, vector<16xf32>,
    %swap3A_852 = arith.constant 0 : i32
    %swap3A_853 = arith.constant 1 : i32
    %swap3A_854 = arith.constant 4 : i32
    %swap3A_855 = arith.index_cast %swap3A_852 : i32 to index
    %swap3A_856 = arith.index_cast %swap3A_853 : i32 to index
    %swap3A_857 = arith.index_cast %swap3A_854 : i32 to index
    %swap3A_858 = arith.constant 64 : index
    %swap3A_859 = tpu.vector_load %arg6[%swap3A_855, %swap3A_856, %swap3A_857, %swap3A_858] {strides = array<i32>} : memref<2x3x8x128xf32, #tpu.memory_space<vmem>>, vector<16xf32>,
    tpu.vector_store %arg6[%swap3A_855, %swap3A_856, %swap3A_857, %swap3A_858], %get3A_819 {strides = array<i32>} : memref<2x3x8x128xf32, #tpu.memory_space<vmem>>, vector<16xf32>,
    %swap3A_860 = arith.constant 0 : i32
    %swap3A_861 = arith.constant 1 : i32
    %swap3A_862 = arith.constant 5 : i32
    %swap3A_863 = arith.index_cast %swap3A_860 : i32 to index
    %swap3A_864 = arith.index_cast %swap3A_861 : i32 to index
    %swap3A_865 = arith.index_cast %swap3A_862 : i32 to index
    %swap3A_866 = arith.constant 64 : index
    %swap3A_867 = tpu.vector_load %arg6[%swap3A_863, %swap3A_864, %swap3A_865, %swap3A_866] {strides = array<i32>} : memref<2x3x8x128xf32, #tpu.memory_space<vmem>>, vector<16xf32>,
    tpu.vector_store %arg6[%swap3A_863, %swap3A_864, %swap3A_865, %swap3A_866], %get3A_819 {strides = array<i32>} : memref<2x3x8x128xf32, #tpu.memory_space<vmem>>, vector<16xf32>,
    %swap3A_868 = arith.constant 0 : i32
    %swap3A_869 = arith.constant 1 : i32
    %swap3A_870 = arith.constant 6 : i32
    %swap3A_871 = arith.index_cast %swap3A_868 : i32 to index
    %swap3A_872 = arith.index_cast %swap3A_869 : i32 to index
    %swap3A_873 = arith.index_cast %swap3A_870 : i32 to index
    %swap3A_874 = arith.constant 64 : index
    %swap3A_875 = tpu.vector_load %arg6[%swap3A_871, %swap3A_872, %swap3A_873, %swap3A_874] {strides = array<i32>} : memref<2x3x8x128xf32, #tpu.memory_space<vmem>>, vector<16xf32>,
    tpu.vector_store %arg6[%swap3A_871, %swap3A_872, %swap3A_873, %swap3A_874], %get3A_819 {strides = array<i32>} : memref<2x3x8x128xf32, #tpu.memory_space<vmem>>, vector<16xf32>,
    %swap3A_876 = arith.constant 0 : i32
    %swap3A_877 = arith.constant 1 : i32
    %swap3A_878 = arith.constant 7 : i32
    %swap3A_879 = arith.index_cast %swap3A_876 : i32 to index
    %swap3A_880 = arith.index_cast %swap3A_877 : i32 to index
    %swap3A_881 = arith.index_cast %swap3A_878 : i32 to index
    %swap3A_882 = arith.constant 64 : index
    %swap3A_883 = tpu.vector_load %arg6[%swap3A_879, %swap3A_880, %swap3A_881, %swap3A_882] {strides = array<i32>} : memref<2x3x8x128xf32, #tpu.memory_space<vmem>>, vector<16xf32>,
    tpu.vector_store %arg6[%swap3A_879, %swap3A_880, %swap3A_881, %swap3A_882], %get3A_819 {strides = array<i32>} : memref<2x3x8x128xf32, #tpu.memory_space<vmem>>, vector<16xf32>,
    %get3A_884 = arith.constant 0 : i32
    %get3A_885 = arith.index_cast %get3A_884 : i32 to index
    %get3A_886 = arith.constant 208 : index
    %get3A_887 = tpu.vector_load %arg5[%get3A_885, %get3A_886] {strides = array<i32>} : memref<2x384xf32, #tpu.memory_space<vmem>>, vector<16xf32>,
    %swap3A_888 = arith.constant 0 : i32
    %swap3A_889 = arith.constant 1 : i32
    %swap3A_890 = arith.constant 0 : i32
    %swap3A_891 = arith.index_cast %swap3A_888 : i32 to index
    %swap3A_892 = arith.index_cast %swap3A_889 : i32 to index
    %swap3A_893 = arith.index_cast %swap3A_890 : i32 to index
    %swap3A_894 = arith.constant 80 : index
    %swap3A_895 = tpu.vector_load %arg6[%swap3A_891, %swap3A_892, %swap3A_893, %swap3A_894] {strides = array<i32>} : memref<2x3x8x128xf32, #tpu.memory_space<vmem>>, vector<16xf32>,
    tpu.vector_store %arg6[%swap3A_891, %swap3A_892, %swap3A_893, %swap3A_894], %get3A_887 {strides = array<i32>} : memref<2x3x8x128xf32, #tpu.memory_space<vmem>>, vector<16xf32>,
    %swap3A_896 = arith.constant 0 : i32
    %swap3A_897 = arith.constant 1 : i32
    %swap3A_898 = arith.constant 1 : i32
    %swap3A_899 = arith.index_cast %swap3A_896 : i32 to index
    %swap3A_900 = arith.index_cast %swap3A_897 : i32 to index
    %swap3A_901 = arith.index_cast %swap3A_898 : i32 to index
    %swap3A_902 = arith.constant 80 : index
    %swap3A_903 = tpu.vector_load %arg6[%swap3A_899, %swap3A_900, %swap3A_901, %swap3A_902] {strides = array<i32>} : memref<2x3x8x128xf32, #tpu.memory_space<vmem>>, vector<16xf32>,
    tpu.vector_store %arg6[%swap3A_899, %swap3A_900, %swap3A_901, %swap3A_902], %get3A_887 {strides = array<i32>} : memref<2x3x8x128xf32, #tpu.memory_space<vmem>>, vector<16xf32>,
    %swap3A_904 = arith.constant 0 : i32
    %swap3A_905 = arith.constant 1 : i32
    %swap3A_906 = arith.constant 2 : i32
    %swap3A_907 = arith.index_cast %swap3A_904 : i32 to index
    %swap3A_908 = arith.index_cast %swap3A_905 : i32 to index
    %swap3A_909 = arith.index_cast %swap3A_906 : i32 to index
    %swap3A_910 = arith.constant 80 : index
    %swap3A_911 = tpu.vector_load %arg6[%swap3A_907, %swap3A_908, %swap3A_909, %swap3A_910] {strides = array<i32>} : memref<2x3x8x128xf32, #tpu.memory_space<vmem>>, vector<16xf32>,
    tpu.vector_store %arg6[%swap3A_907, %swap3A_908, %swap3A_909, %swap3A_910], %get3A_887 {strides = array<i32>} : memref<2x3x8x128xf32, #tpu.memory_space<vmem>>, vector<16xf32>,
    %swap3A_912 = arith.constant 0 : i32
    %swap3A_913 = arith.constant 1 : i32
    %swap3A_914 = arith.constant 3 : i32
    %swap3A_915 = arith.index_cast %swap3A_912 : i32 to index
    %swap3A_916 = arith.index_cast %swap3A_913 : i32 to index
    %swap3A_917 = arith.index_cast %swap3A_914 : i32 to index
    %swap3A_918 = arith.constant 80 : index
    %swap3A_919 = tpu.vector_load %arg6[%swap3A_915, %swap3A_916, %swap3A_917, %swap3A_918] {strides = array<i32>} : memref<2x3x8x128xf32, #tpu.memory_space<vmem>>, vector<16xf32>,
    tpu.vector_store %arg6[%swap3A_915, %swap3A_916, %swap3A_917, %swap3A_918], %get3A_887 {strides = array<i32>} : memref<2x3x8x128xf32, #tpu.memory_space<vmem>>, vector<16xf32>,
    %swap3A_920 = arith.constant 0 : i32
    %swap3A_921 = arith.constant 1 : i32
    %swap3A_922 = arith.constant 4 : i32
    %swap3A_923 = arith.index_cast %swap3A_920 : i32 to index
    %swap3A_924 = arith.index_cast %swap3A_921 : i32 to index
    %swap3A_925 = arith.index_cast %swap3A_922 : i32 to index
    %swap3A_926 = arith.constant 80 : index
    %swap3A_927 = tpu.vector_load %arg6[%swap3A_923, %swap3A_924, %swap3A_925, %swap3A_926] {strides = array<i32>} : memref<2x3x8x128xf32, #tpu.memory_space<vmem>>, vector<16xf32>,
    tpu.vector_store %arg6[%swap3A_923, %swap3A_924, %swap3A_925, %swap3A_926], %get3A_887 {strides = array<i32>} : memref<2x3x8x128xf32, #tpu.memory_space<vmem>>, vector<16xf32>,
    %swap3A_928 = arith.constant 0 : i32
    %swap3A_929 = arith.constant 1 : i32
    %swap3A_930 = arith.constant 5 : i32
    %swap3A_931 = arith.index_cast %swap3A_928 : i32 to index
    %swap3A_932 = arith.index_cast %swap3A_929 : i32 to index
    %swap3A_933 = arith.index_cast %swap3A_930 : i32 to index
    %swap3A_934 = arith.constant 80 : index
    %swap3A_935 = tpu.vector_load %arg6[%swap3A_931, %swap3A_932, %swap3A_933, %swap3A_934] {strides = array<i32>} : memref<2x3x8x128xf32, #tpu.memory_space<vmem>>, vector<16xf32>,
    tpu.vector_store %arg6[%swap3A_931, %swap3A_932, %swap3A_933, %swap3A_934], %get3A_887 {strides = array<i32>} : memref<2x3x8x128xf32, #tpu.memory_space<vmem>>, vector<16xf32>,
    %swap3A_936 = arith.constant 0 : i32
    %swap3A_937 = arith.constant 1 : i32
    %swap3A_938 = arith.constant 6 : i32
    %swap3A_939 = arith.index_cast %swap3A_936 : i32 to index
    %swap3A_940 = arith.index_cast %swap3A_937 : i32 to index
    %swap3A_941 = arith.index_cast %swap3A_938 : i32 to index
    %swap3A_942 = arith.constant 80 : index
    %swap3A_943 = tpu.vector_load %arg6[%swap3A_939, %swap3A_940, %swap3A_941, %swap3A_942] {strides = array<i32>} : memref<2x3x8x128xf32, #tpu.memory_space<vmem>>, vector<16xf32>,
    tpu.vector_store %arg6[%swap3A_939, %swap3A_940, %swap3A_941, %swap3A_942], %get3A_887 {strides = array<i32>} : memref<2x3x8x128xf32, #tpu.memory_space<vmem>>, vector<16xf32>,
    %swap3A_944 = arith.constant 0 : i32
    %swap3A_945 = arith.constant 1 : i32
    %swap3A_946 = arith.constant 7 : i32
    %swap3A_947 = arith.index_cast %swap3A_944 : i32 to index
    %swap3A_948 = arith.index_cast %swap3A_945 : i32 to index
    %swap3A_949 = arith.index_cast %swap3A_946 : i32 to index
    %swap3A_950 = arith.constant 80 : index
    %swap3A_951 = tpu.vector_load %arg6[%swap3A_947, %swap3A_948, %swap3A_949, %swap3A_950] {strides = array<i32>} : memref<2x3x8x128xf32, #tpu.memory_space<vmem>>, vector<16xf32>,
    tpu.vector_store %arg6[%swap3A_947, %swap3A_948, %swap3A_949, %swap3A_950], %get3A_887 {strides = array<i32>} : memref<2x3x8x128xf32, #tpu.memory_space<vmem>>, vector<16xf32>,
    %get3A_952 = arith.constant 0 : i32
    %get3A_953 = arith.index_cast %get3A_952 : i32 to index
    %get3A_954 = arith.constant 224 : index
    %get3A_955 = tpu.vector_load %arg5[%get3A_953, %get3A_954] {strides = array<i32>} : memref<2x384xf32, #tpu.memory_space<vmem>>, vector<16xf32>,
    %swap3A_956 = arith.constant 0 : i32
    %swap3A_957 = arith.constant 1 : i32
    %swap3A_958 = arith.constant 0 : i32
    %swap3A_959 = arith.index_cast %swap3A_956 : i32 to index
    %swap3A_960 = arith.index_cast %swap3A_957 : i32 to index
    %swap3A_961 = arith.index_cast %swap3A_958 : i32 to index
    %swap3A_962 = arith.constant 96 : index
    %swap3A_963 = tpu.vector_load %arg6[%swap3A_959, %swap3A_960, %swap3A_961, %swap3A_962] {strides = array<i32>} : memref<2x3x8x128xf32, #tpu.memory_space<vmem>>, vector<16xf32>,
    tpu.vector_store %arg6[%swap3A_959, %swap3A_960, %swap3A_961, %swap3A_962], %get3A_955 {strides = array<i32>} : memref<2x3x8x128xf32, #tpu.memory_space<vmem>>, vector<16xf32>,
    %swap3A_964 = arith.constant 0 : i32
    %swap3A_965 = arith.constant 1 : i32
    %swap3A_966 = arith.constant 1 : i32
    %swap3A_967 = arith.index_cast %swap3A_964 : i32 to index
    %swap3A_968 = arith.index_cast %swap3A_965 : i32 to index
    %swap3A_969 = arith.index_cast %swap3A_966 : i32 to index
    %swap3A_970 = arith.constant 96 : index
    %swap3A_971 = tpu.vector_load %arg6[%swap3A_967, %swap3A_968, %swap3A_969, %swap3A_970] {strides = array<i32>} : memref<2x3x8x128xf32, #tpu.memory_space<vmem>>, vector<16xf32>,
    tpu.vector_store %arg6[%swap3A_967, %swap3A_968, %swap3A_969, %swap3A_970], %get3A_955 {strides = array<i32>} : memref<2x3x8x128xf32, #tpu.memory_space<vmem>>, vector<16xf32>,
    %swap3A_972 = arith.constant 0 : i32
    %swap3A_973 = arith.constant 1 : i32
    %swap3A_974 = arith.constant 2 : i32
    %swap3A_975 = arith.index_cast %swap3A_972 : i32 to index
    %swap3A_976 = arith.index_cast %swap3A_973 : i32 to index
    %swap3A_977 = arith.index_cast %swap3A_974 : i32 to index
    %swap3A_978 = arith.constant 96 : index
    %swap3A_979 = tpu.vector_load %arg6[%swap3A_975, %swap3A_976, %swap3A_977, %swap3A_978] {strides = array<i32>} : memref<2x3x8x128xf32, #tpu.memory_space<vmem>>, vector<16xf32>,
    tpu.vector_store %arg6[%swap3A_975, %swap3A_976, %swap3A_977, %swap3A_978], %get3A_955 {strides = array<i32>} : memref<2x3x8x128xf32, #tpu.memory_space<vmem>>, vector<16xf32>,
    %swap3A_980 = arith.constant 0 : i32
    %swap3A_981 = arith.constant 1 : i32
    %swap3A_982 = arith.constant 3 : i32
    %swap3A_983 = arith.index_cast %swap3A_980 : i32 to index
    %swap3A_984 = arith.index_cast %swap3A_981 : i32 to index
    %swap3A_985 = arith.index_cast %swap3A_982 : i32 to index
    %swap3A_986 = arith.constant 96 : index
    %swap3A_987 = tpu.vector_load %arg6[%swap3A_983, %swap3A_984, %swap3A_985, %swap3A_986] {strides = array<i32>} : memref<2x3x8x128xf32, #tpu.memory_space<vmem>>, vector<16xf32>,
    tpu.vector_store %arg6[%swap3A_983, %swap3A_984, %swap3A_985, %swap3A_986], %get3A_955 {strides = array<i32>} : memref<2x3x8x128xf32, #tpu.memory_space<vmem>>, vector<16xf32>,
    %swap3A_988 = arith.constant 0 : i32
    %swap3A_989 = arith.constant 1 : i32
    %swap3A_990 = arith.constant 4 : i32
    %swap3A_991 = arith.index_cast %swap3A_988 : i32 to index
    %swap3A_992 = arith.index_cast %swap3A_989 : i32 to index
    %swap3A_993 = arith.index_cast %swap3A_990 : i32 to index
    %swap3A_994 = arith.constant 96 : index
    %swap3A_995 = tpu.vector_load %arg6[%swap3A_991, %swap3A_992, %swap3A_993, %swap3A_994] {strides = array<i32>} : memref<2x3x8x128xf32, #tpu.memory_space<vmem>>, vector<16xf32>,
    tpu.vector_store %arg6[%swap3A_991, %swap3A_992, %swap3A_993, %swap3A_994], %get3A_955 {strides = array<i32>} : memref<2x3x8x128xf32, #tpu.memory_space<vmem>>, vector<16xf32>,
    %swap3A_996 = arith.constant 0 : i32
    %swap3A_997 = arith.constant 1 : i32
    %swap3A_998 = arith.constant 5 : i32
    %swap3A_999 = arith.index_cast %swap3A_996 : i32 to index
    %swap3A_1000 = arith.index_cast %swap3A_997 : i32 to index
    %swap3A_1001 = arith.index_cast %swap3A_998 : i32 to index
    %swap3A_1002 = arith.constant 96 : index
    %swap3A_1003 = tpu.vector_load %arg6[%swap3A_999, %swap3A_1000, %swap3A_1001, %swap3A_1002] {strides = array<i32>} : memref<2x3x8x128xf32, #tpu.memory_space<vmem>>, vector<16xf32>,
    tpu.vector_store %arg6[%swap3A_999, %swap3A_1000, %swap3A_1001, %swap3A_1002], %get3A_955 {strides = array<i32>} : memref<2x3x8x128xf32, #tpu.memory_space<vmem>>, vector<16xf32>,
    %swap3A_1004 = arith.constant 0 : i32
    %swap3A_1005 = arith.constant 1 : i32
    %swap3A_1006 = arith.constant 6 : i32
    %swap3A_1007 = arith.index_cast %swap3A_1004 : i32 to index
    %swap3A_1008 = arith.index_cast %swap3A_1005 : i32 to index
    %swap3A_1009 = arith.index_cast %swap3A_1006 : i32 to index
    %swap3A_1010 = arith.constant 96 : index
    %swap3A_1011 = tpu.vector_load %arg6[%swap3A_1007, %swap3A_1008, %swap3A_1009, %swap3A_1010] {strides = array<i32>} : memref<2x3x8x128xf32, #tpu.memory_space<vmem>>, vector<16xf32>,
    tpu.vector_store %arg6[%swap3A_1007, %swap3A_1008, %swap3A_1009, %swap3A_1010], %get3A_955 {strides = array<i32>} : memref<2x3x8x128xf32, #tpu.memory_space<vmem>>, vector<16xf32>,
    %swap3A_1012 = arith.constant 0 : i32
    %swap3A_1013 = arith.constant 1 : i32
    %swap3A_1014 = arith.constant 7 : i32
    %swap3A_1015 = arith.index_cast %swap3A_1012 : i32 to index
    %swap3A_1016 = arith.index_cast %swap3A_1013 : i32 to index
    %swap3A_1017 = arith.index_cast %swap3A_1014 : i32 to index
    %swap3A_1018 = arith.constant 96 : index
    %swap3A_1019 = tpu.vector_load %arg6[%swap3A_1015, %swap3A_1016, %swap3A_1017, %swap3A_1018] {strides = array<i32>} : memref<2x3x8x128xf32, #tpu.memory_space<vmem>>, vector<16xf32>,
    tpu.vector_store %arg6[%swap3A_1015, %swap3A_1016, %swap3A_1017, %swap3A_1018], %get3A_955 {strides = array<i32>} : memref<2x3x8x128xf32, #tpu.memory_space<vmem>>, vector<16xf32>,
    %get3A_1020 = arith.constant 0 : i32
    %get3A_1021 = arith.index_cast %get3A_1020 : i32 to index
    %get3A_1022 = arith.constant 240 : index
    %get3A_1023 = tpu.vector_load %arg5[%get3A_1021, %get3A_1022] {strides = array<i32>} : memref<2x384xf32, #tpu.memory_space<vmem>>, vector<16xf32>,
    %swap3A_1024 = arith.constant 0 : i32
    %swap3A_1025 = arith.constant 1 : i32
    %swap3A_1026 = arith.constant 0 : i32
    %swap3A_1027 = arith.index_cast %swap3A_1024 : i32 to index
    %swap3A_1028 = arith.index_cast %swap3A_1025 : i32 to index
    %swap3A_1029 = arith.index_cast %swap3A_1026 : i32 to index
    %swap3A_1030 = arith.constant 112 : index
    %swap3A_1031 = tpu.vector_load %arg6[%swap3A_1027, %swap3A_1028, %swap3A_1029, %swap3A_1030] {strides = array<i32>} : memref<2x3x8x128xf32, #tpu.memory_space<vmem>>, vector<16xf32>,
    tpu.vector_store %arg6[%swap3A_1027, %swap3A_1028, %swap3A_1029, %swap3A_1030], %get3A_1023 {strides = array<i32>} : memref<2x3x8x128xf32, #tpu.memory_space<vmem>>, vector<16xf32>,
    %swap3A_1032 = arith.constant 0 : i32
    %swap3A_1033 = arith.constant 1 : i32
    %swap3A_1034 = arith.constant 1 : i32
    %swap3A_1035 = arith.index_cast %swap3A_1032 : i32 to index
    %swap3A_1036 = arith.index_cast %swap3A_1033 : i32 to index
    %swap3A_1037 = arith.index_cast %swap3A_1034 : i32 to index
    %swap3A_1038 = arith.constant 112 : index
    %swap3A_1039 = tpu.vector_load %arg6[%swap3A_1035, %swap3A_1036, %swap3A_1037, %swap3A_1038] {strides = array<i32>} : memref<2x3x8x128xf32, #tpu.memory_space<vmem>>, vector<16xf32>,
    tpu.vector_store %arg6[%swap3A_1035, %swap3A_1036, %swap3A_1037, %swap3A_1038], %get3A_1023 {strides = array<i32>} : memref<2x3x8x128xf32, #tpu.memory_space<vmem>>, vector<16xf32>,
    %swap3A_1040 = arith.constant 0 : i32
    %swap3A_1041 = arith.constant 1 : i32
    %swap3A_1042 = arith.constant 2 : i32
    %swap3A_1043 = arith.index_cast %swap3A_1040 : i32 to index
    %swap3A_1044 = arith.index_cast %swap3A_1041 : i32 to index
    %swap3A_1045 = arith.index_cast %swap3A_1042 : i32 to index
    %swap3A_1046 = arith.constant 112 : index
    %swap3A_1047 = tpu.vector_load %arg6[%swap3A_1043, %swap3A_1044, %swap3A_1045, %swap3A_1046] {strides = array<i32>} : memref<2x3x8x128xf32, #tpu.memory_space<vmem>>, vector<16xf32>,
    tpu.vector_store %arg6[%swap3A_1043, %swap3A_1044, %swap3A_1045, %swap3A_1046], %get3A_1023 {strides = array<i32>} : memref<2x3x8x128xf32, #tpu.memory_space<vmem>>, vector<16xf32>,
    %swap3A_1048 = arith.constant 0 : i32
    %swap3A_1049 = arith.constant 1 : i32
    %swap3A_1050 = arith.constant 3 : i32
    %swap3A_1051 = arith.index_cast %swap3A_1048 : i32 to index
    %swap3A_1052 = arith.index_cast %swap3A_1049 : i32 to index
    %swap3A_1053 = arith.index_cast %swap3A_1050 : i32 to index
    %swap3A_1054 = arith.constant 112 : index
    %swap3A_1055 = tpu.vector_load %arg6[%swap3A_1051, %swap3A_1052, %swap3A_1053, %swap3A_1054] {strides = array<i32>} : memref<2x3x8x128xf32, #tpu.memory_space<vmem>>, vector<16xf32>,
    tpu.vector_store %arg6[%swap3A_1051, %swap3A_1052, %swap3A_1053, %swap3A_1054], %get3A_1023 {strides = array<i32>} : memref<2x3x8x128xf32, #tpu.memory_space<vmem>>, vector<16xf32>,
    %swap3A_1056 = arith.constant 0 : i32
    %swap3A_1057 = arith.constant 1 : i32
    %swap3A_1058 = arith.constant 4 : i32
    %swap3A_1059 = arith.index_cast %swap3A_1056 : i32 to index
    %swap3A_1060 = arith.index_cast %swap3A_1057 : i32 to index
    %swap3A_1061 = arith.index_cast %swap3A_1058 : i32 to index
    %swap3A_1062 = arith.constant 112 : index
    %swap3A_1063 = tpu.vector_load %arg6[%swap3A_1059, %swap3A_1060, %swap3A_1061, %swap3A_1062] {strides = array<i32>} : memref<2x3x8x128xf32, #tpu.memory_space<vmem>>, vector<16xf32>,
    tpu.vector_store %arg6[%swap3A_1059, %swap3A_1060, %swap3A_1061, %swap3A_1062], %get3A_1023 {strides = array<i32>} : memref<2x3x8x128xf32, #tpu.memory_space<vmem>>, vector<16xf32>,
    %swap3A_1064 = arith.constant 0 : i32
    %swap3A_1065 = arith.constant 1 : i32
    %swap3A_1066 = arith.constant 5 : i32
    %swap3A_1067 = arith.index_cast %swap3A_1064 : i32 to index
    %swap3A_1068 = arith.index_cast %swap3A_1065 : i32 to index
    %swap3A_1069 = arith.index_cast %swap3A_1066 : i32 to index
    %swap3A_1070 = arith.constant 112 : index
    %swap3A_1071 = tpu.vector_load %arg6[%swap3A_1067, %swap3A_1068, %swap3A_1069, %swap3A_1070] {strides = array<i32>} : memref<2x3x8x128xf32, #tpu.memory_space<vmem>>, vector<16xf32>,
    tpu.vector_store %arg6[%swap3A_1067, %swap3A_1068, %swap3A_1069, %swap3A_1070], %get3A_1023 {strides = array<i32>} : memref<2x3x8x128xf32, #tpu.memory_space<vmem>>, vector<16xf32>,
    %swap3A_1072 = arith.constant 0 : i32
    %swap3A_1073 = arith.constant 1 : i32
    %swap3A_1074 = arith.constant 6 : i32
    %swap3A_1075 = arith.index_cast %swap3A_1072 : i32 to index
    %swap3A_1076 = arith.index_cast %swap3A_1073 : i32 to index
    %swap3A_1077 = arith.index_cast %swap3A_1074 : i32 to index
    %swap3A_1078 = arith.constant 112 : index
    %swap3A_1079 = tpu.vector_load %arg6[%swap3A_1075, %swap3A_1076, %swap3A_1077, %swap3A_1078] {strides = array<i32>} : memref<2x3x8x128xf32, #tpu.memory_space<vmem>>, vector<16xf32>,
    tpu.vector_store %arg6[%swap3A_1075, %swap3A_1076, %swap3A_1077, %swap3A_1078], %get3A_1023 {strides = array<i32>} : memref<2x3x8x128xf32, #tpu.memory_space<vmem>>, vector<16xf32>,
    %swap3A_1080 = arith.constant 0 : i32
    %swap3A_1081 = arith.constant 1 : i32
    %swap3A_1082 = arith.constant 7 : i32
    %swap3A_1083 = arith.index_cast %swap3A_1080 : i32 to index
    %swap3A_1084 = arith.index_cast %swap3A_1081 : i32 to index
    %swap3A_1085 = arith.index_cast %swap3A_1082 : i32 to index
    %swap3A_1086 = arith.constant 112 : index
    %swap3A_1087 = tpu.vector_load %arg6[%swap3A_1083, %swap3A_1084, %swap3A_1085, %swap3A_1086] {strides = array<i32>} : memref<2x3x8x128xf32, #tpu.memory_space<vmem>>, vector<16xf32>,
    tpu.vector_store %arg6[%swap3A_1083, %swap3A_1084, %swap3A_1085, %swap3A_1086], %get3A_1023 {strides = array<i32>} : memref<2x3x8x128xf32, #tpu.memory_space<vmem>>, vector<16xf32>,
    %get3A_1088 = arith.constant 0 : i32
    %get3A_1089 = arith.index_cast %get3A_1088 : i32 to index
    %get3A_1090 = arith.constant 256 : index
    %get3A_1091 = tpu.vector_load %arg5[%get3A_1089, %get3A_1090] {strides = array<i32>} : memref<2x384xf32, #tpu.memory_space<vmem>>, vector<16xf32>,
    %swap3A_1092 = arith.constant 0 : i32
    %swap3A_1093 = arith.constant 2 : i32
    %swap3A_1094 = arith.constant 0 : i32
    %swap3A_1095 = arith.index_cast %swap3A_1092 : i32 to index
    %swap3A_1096 = arith.index_cast %swap3A_1093 : i32 to index
    %swap3A_1097 = arith.index_cast %swap3A_1094 : i32 to index
    %swap3A_1098 = arith.constant 0 : index
    %swap3A_1099 = tpu.vector_load %arg6[%swap3A_1095, %swap3A_1096, %swap3A_1097, %swap3A_1098] {strides = array<i32>} : memref<2x3x8x128xf32, #tpu.memory_space<vmem>>, vector<16xf32>,
    tpu.vector_store %arg6[%swap3A_1095, %swap3A_1096, %swap3A_1097, %swap3A_1098], %get3A_1091 {strides = array<i32>} : memref<2x3x8x128xf32, #tpu.memory_space<vmem>>, vector<16xf32>,
    %swap3A_1100 = arith.constant 0 : i32
    %swap3A_1101 = arith.constant 2 : i32
    %swap3A_1102 = arith.constant 1 : i32
    %swap3A_1103 = arith.index_cast %swap3A_1100 : i32 to index
    %swap3A_1104 = arith.index_cast %swap3A_1101 : i32 to index
    %swap3A_1105 = arith.index_cast %swap3A_1102 : i32 to index
    %swap3A_1106 = arith.constant 0 : index
    %swap3A_1107 = tpu.vector_load %arg6[%swap3A_1103, %swap3A_1104, %swap3A_1105, %swap3A_1106] {strides = array<i32>} : memref<2x3x8x128xf32, #tpu.memory_space<vmem>>, vector<16xf32>,
    tpu.vector_store %arg6[%swap3A_1103, %swap3A_1104, %swap3A_1105, %swap3A_1106], %get3A_1091 {strides = array<i32>} : memref<2x3x8x128xf32, #tpu.memory_space<vmem>>, vector<16xf32>,
    %swap3A_1108 = arith.constant 0 : i32
    %swap3A_1109 = arith.constant 2 : i32
    %swap3A_1110 = arith.constant 2 : i32
    %swap3A_1111 = arith.index_cast %swap3A_1108 : i32 to index
    %swap3A_1112 = arith.index_cast %swap3A_1109 : i32 to index
    %swap3A_1113 = arith.index_cast %swap3A_1110 : i32 to index
    %swap3A_1114 = arith.constant 0 : index
    %swap3A_1115 = tpu.vector_load %arg6[%swap3A_1111, %swap3A_1112, %swap3A_1113, %swap3A_1114] {strides = array<i32>} : memref<2x3x8x128xf32, #tpu.memory_space<vmem>>, vector<16xf32>,
    tpu.vector_store %arg6[%swap3A_1111, %swap3A_1112, %swap3A_1113, %swap3A_1114], %get3A_1091 {strides = array<i32>} : memref<2x3x8x128xf32, #tpu.memory_space<vmem>>, vector<16xf32>,
    %swap3A_1116 = arith.constant 0 : i32
    %swap3A_1117 = arith.constant 2 : i32
    %swap3A_1118 = arith.constant 3 : i32
    %swap3A_1119 = arith.index_cast %swap3A_1116 : i32 to index
    %swap3A_1120 = arith.index_cast %swap3A_1117 : i32 to index
    %swap3A_1121 = arith.index_cast %swap3A_1118 : i32 to index
    %swap3A_1122 = arith.constant 0 : index
    %swap3A_1123 = tpu.vector_load %arg6[%swap3A_1119, %swap3A_1120, %swap3A_1121, %swap3A_1122] {strides = array<i32>} : memref<2x3x8x128xf32, #tpu.memory_space<vmem>>, vector<16xf32>,
    tpu.vector_store %arg6[%swap3A_1119, %swap3A_1120, %swap3A_1121, %swap3A_1122], %get3A_1091 {strides = array<i32>} : memref<2x3x8x128xf32, #tpu.memory_space<vmem>>, vector<16xf32>,
    %swap3A_1124 = arith.constant 0 : i32
    %swap3A_1125 = arith.constant 2 : i32
    %swap3A_1126 = arith.constant 4 : i32
    %swap3A_1127 = arith.index_cast %swap3A_1124 : i32 to index
    %swap3A_1128 = arith.index_cast %swap3A_1125 : i32 to index
    %swap3A_1129 = arith.index_cast %swap3A_1126 : i32 to index
    %swap3A_1130 = arith.constant 0 : index
    %swap3A_1131 = tpu.vector_load %arg6[%swap3A_1127, %swap3A_1128, %swap3A_1129, %swap3A_1130] {strides = array<i32>} : memref<2x3x8x128xf32, #tpu.memory_space<vmem>>, vector<16xf32>,
    tpu.vector_store %arg6[%swap3A_1127, %swap3A_1128, %swap3A_1129, %swap3A_1130], %get3A_1091 {strides = array<i32>} : memref<2x3x8x128xf32, #tpu.memory_space<vmem>>, vector<16xf32>,
    %swap3A_1132 = arith.constant 0 : i32
    %swap3A_1133 = arith.constant 2 : i32
    %swap3A_1134 = arith.constant 5 : i32
    %swap3A_1135 = arith.index_cast %swap3A_1132 : i32 to index
    %swap3A_1136 = arith.index_cast %swap3A_1133 : i32 to index
    %swap3A_1137 = arith.index_cast %swap3A_1134 : i32 to index
    %swap3A_1138 = arith.constant 0 : index
    %swap3A_1139 = tpu.vector_load %arg6[%swap3A_1135, %swap3A_1136, %swap3A_1137, %swap3A_1138] {strides = array<i32>} : memref<2x3x8x128xf32, #tpu.memory_space<vmem>>, vector<16xf32>,
    tpu.vector_store %arg6[%swap3A_1135, %swap3A_1136, %swap3A_1137, %swap3A_1138], %get3A_1091 {strides = array<i32>} : memref<2x3x8x128xf32, #tpu.memory_space<vmem>>, vector<16xf32>,
    %swap3A_1140 = arith.constant 0 : i32
    %swap3A_1141 = arith.constant 2 : i32
    %swap3A_1142 = arith.constant 6 : i32
    %swap3A_1143 = arith.index_cast %swap3A_1140 : i32 to index
    %swap3A_1144 = arith.index_cast %swap3A_1141 : i32 to index
    %swap3A_1145 = arith.index_cast %swap3A_1142 : i32 to index
    %swap3A_1146 = arith.constant 0 : index
    %swap3A_1147 = tpu.vector_load %arg6[%swap3A_1143, %swap3A_1144, %swap3A_1145, %swap3A_1146] {strides = array<i32>} : memref<2x3x8x128xf32, #tpu.memory_space<vmem>>, vector<16xf32>,
    tpu.vector_store %arg6[%swap3A_1143, %swap3A_1144, %swap3A_1145, %swap3A_1146], %get3A_1091 {strides = array<i32>} : memref<2x3x8x128xf32, #tpu.memory_space<vmem>>, vector<16xf32>,
    %swap3A_1148 = arith.constant 0 : i32
    %swap3A_1149 = arith.constant 2 : i32
    %swap3A_1150 = arith.constant 7 : i32
    %swap3A_1151 = arith.index_cast %swap3A_1148 : i32 to index
    %swap3A_1152 = arith.index_cast %swap3A_1149 : i32 to index
    %swap3A_1153 = arith.index_cast %swap3A_1150 : i32 to index
    %swap3A_1154 = arith.constant 0 : index
    %swap3A_1155 = tpu.vector_load %arg6[%swap3A_1151, %swap3A_1152, %swap3A_1153, %swap3A_1154] {strides = array<i32>} : memref<2x3x8x128xf32, #tpu.memory_space<vmem>>, vector<16xf32>,
    tpu.vector_store %arg6[%swap3A_1151, %swap3A_1152, %swap3A_1153, %swap3A_1154], %get3A_1091 {strides = array<i32>} : memref<2x3x8x128xf32, #tpu.memory_space<vmem>>, vector<16xf32>,
    %get3A_1156 = arith.constant 0 : i32
    %get3A_1157 = arith.index_cast %get3A_1156 : i32 to index
    %get3A_1158 = arith.constant 272 : index
    %get3A_1159 = tpu.vector_load %arg5[%get3A_1157, %get3A_1158] {strides = array<i32>} : memref<2x384xf32, #tpu.memory_space<vmem>>, vector<16xf32>,
    %swap3A_1160 = arith.constant 0 : i32
    %swap3A_1161 = arith.constant 2 : i32
    %swap3A_1162 = arith.constant 0 : i32
    %swap3A_1163 = arith.index_cast %swap3A_1160 : i32 to index
    %swap3A_1164 = arith.index_cast %swap3A_1161 : i32 to index
    %swap3A_1165 = arith.index_cast %swap3A_1162 : i32 to index
    %swap3A_1166 = arith.constant 16 : index
    %swap3A_1167 = tpu.vector_load %arg6[%swap3A_1163, %swap3A_1164, %swap3A_1165, %swap3A_1166] {strides = array<i32>} : memref<2x3x8x128xf32, #tpu.memory_space<vmem>>, vector<16xf32>,
    tpu.vector_store %arg6[%swap3A_1163, %swap3A_1164, %swap3A_1165, %swap3A_1166], %get3A_1159 {strides = array<i32>} : memref<2x3x8x128xf32, #tpu.memory_space<vmem>>, vector<16xf32>,
    %swap3A_1168 = arith.constant 0 : i32
    %swap3A_1169 = arith.constant 2 : i32
    %swap3A_1170 = arith.constant 1 : i32
    %swap3A_1171 = arith.index_cast %swap3A_1168 : i32 to index
    %swap3A_1172 = arith.index_cast %swap3A_1169 : i32 to index
    %swap3A_1173 = arith.index_cast %swap3A_1170 : i32 to index
    %swap3A_1174 = arith.constant 16 : index
    %swap3A_1175 = tpu.vector_load %arg6[%swap3A_1171, %swap3A_1172, %swap3A_1173, %swap3A_1174] {strides = array<i32>} : memref<2x3x8x128xf32, #tpu.memory_space<vmem>>, vector<16xf32>,
    tpu.vector_store %arg6[%swap3A_1171, %swap3A_1172, %swap3A_1173, %swap3A_1174], %get3A_1159 {strides = array<i32>} : memref<2x3x8x128xf32, #tpu.memory_space<vmem>>, vector<16xf32>,
    %swap3A_1176 = arith.constant 0 : i32
    %swap3A_1177 = arith.constant 2 : i32
    %swap3A_1178 = arith.constant 2 : i32
    %swap3A_1179 = arith.index_cast %swap3A_1176 : i32 to index
    %swap3A_1180 = arith.index_cast %swap3A_1177 : i32 to index
    %swap3A_1181 = arith.index_cast %swap3A_1178 : i32 to index
    %swap3A_1182 = arith.constant 16 : index
    %swap3A_1183 = tpu.vector_load %arg6[%swap3A_1179, %swap3A_1180, %swap3A_1181, %swap3A_1182] {strides = array<i32>} : memref<2x3x8x128xf32, #tpu.memory_space<vmem>>, vector<16xf32>,
    tpu.vector_store %arg6[%swap3A_1179, %swap3A_1180, %swap3A_1181, %swap3A_1182], %get3A_1159 {strides = array<i32>} : memref<2x3x8x128xf32, #tpu.memory_space<vmem>>, vector<16xf32>,
    %swap3A_1184 = arith.constant 0 : i32
    %swap3A_1185 = arith.constant 2 : i32
    %swap3A_1186 = arith.constant 3 : i32
    %swap3A_1187 = arith.index_cast %swap3A_1184 : i32 to index
    %swap3A_1188 = arith.index_cast %swap3A_1185 : i32 to index
    %swap3A_1189 = arith.index_cast %swap3A_1186 : i32 to index
    %swap3A_1190 = arith.constant 16 : index
    %swap3A_1191 = tpu.vector_load %arg6[%swap3A_1187, %swap3A_1188, %swap3A_1189, %swap3A_1190] {strides = array<i32>} : memref<2x3x8x128xf32, #tpu.memory_space<vmem>>, vector<16xf32>,
    tpu.vector_store %arg6[%swap3A_1187, %swap3A_1188, %swap3A_1189, %swap3A_1190], %get3A_1159 {strides = array<i32>} : memref<2x3x8x128xf32, #tpu.memory_space<vmem>>, vector<16xf32>,
    %swap3A_1192 = arith.constant 0 : i32
    %swap3A_1193 = arith.constant 2 : i32
    %swap3A_1194 = arith.constant 4 : i32
    %swap3A_1195 = arith.index_cast %swap3A_1192 : i32 to index
    %swap3A_1196 = arith.index_cast %swap3A_1193 : i32 to index
    %swap3A_1197 = arith.index_cast %swap3A_1194 : i32 to index
    %swap3A_1198 = arith.constant 16 : index
    %swap3A_1199 = tpu.vector_load %arg6[%swap3A_1195, %swap3A_1196, %swap3A_1197, %swap3A_1198] {strides = array<i32>} : memref<2x3x8x128xf32, #tpu.memory_space<vmem>>, vector<16xf32>,
    tpu.vector_store %arg6[%swap3A_1195, %swap3A_1196, %swap3A_1197, %swap3A_1198], %get3A_1159 {strides = array<i32>} : memref<2x3x8x128xf32, #tpu.memory_space<vmem>>, vector<16xf32>,
    %swap3A_1200 = arith.constant 0 : i32
    %swap3A_1201 = arith.constant 2 : i32
    %swap3A_1202 = arith.constant 5 : i32
    %swap3A_1203 = arith.index_cast %swap3A_1200 : i32 to index
    %swap3A_1204 = arith.index_cast %swap3A_1201 : i32 to index
    %swap3A_1205 = arith.index_cast %swap3A_1202 : i32 to index
    %swap3A_1206 = arith.constant 16 : index
    %swap3A_1207 = tpu.vector_load %arg6[%swap3A_1203, %swap3A_1204, %swap3A_1205, %swap3A_1206] {strides = array<i32>} : memref<2x3x8x128xf32, #tpu.memory_space<vmem>>, vector<16xf32>,
    tpu.vector_store %arg6[%swap3A_1203, %swap3A_1204, %swap3A_1205, %swap3A_1206], %get3A_1159 {strides = array<i32>} : memref<2x3x8x128xf32, #tpu.memory_space<vmem>>, vector<16xf32>,
    %swap3A_1208 = arith.constant 0 : i32
    %swap3A_1209 = arith.constant 2 : i32
    %swap3A_1210 = arith.constant 6 : i32
    %swap3A_1211 = arith.index_cast %swap3A_1208 : i32 to index
    %swap3A_1212 = arith.index_cast %swap3A_1209 : i32 to index
    %swap3A_1213 = arith.index_cast %swap3A_1210 : i32 to index
    %swap3A_1214 = arith.constant 16 : index
    %swap3A_1215 = tpu.vector_load %arg6[%swap3A_1211, %swap3A_1212, %swap3A_1213, %swap3A_1214] {strides = array<i32>} : memref<2x3x8x128xf32, #tpu.memory_space<vmem>>, vector<16xf32>,
    tpu.vector_store %arg6[%swap3A_1211, %swap3A_1212, %swap3A_1213, %swap3A_1214], %get3A_1159 {strides = array<i32>} : memref<2x3x8x128xf32, #tpu.memory_space<vmem>>, vector<16xf32>,
    %swap3A_1216 = arith.constant 0 : i32
    %swap3A_1217 = arith.constant 2 : i32
    %swap3A_1218 = arith.constant 7 : i32
    %swap3A_1219 = arith.index_cast %swap3A_1216 : i32 to index
    %swap3A_1220 = arith.index_cast %swap3A_1217 : i32 to index
    %swap3A_1221 = arith.index_cast %swap3A_1218 : i32 to index
    %swap3A_1222 = arith.constant 16 : index
    %swap3A_1223 = tpu.vector_load %arg6[%swap3A_1219, %swap3A_1220, %swap3A_1221, %swap3A_1222] {strides = array<i32>} : memref<2x3x8x128xf32, #tpu.memory_space<vmem>>, vector<16xf32>,
    tpu.vector_store %arg6[%swap3A_1219, %swap3A_1220, %swap3A_1221, %swap3A_1222], %get3A_1159 {strides = array<i32>} : memref<2x3x8x128xf32, #tpu.memory_space<vmem>>, vector<16xf32>,
    %get3A_1224 = arith.constant 0 : i32
    %get3A_1225 = arith.index_cast %get3A_1224 : i32 to index
    %get3A_1226 = arith.constant 288 : index
    %get3A_1227 = tpu.vector_load %arg5[%get3A_1225, %get3A_1226] {strides = array<i32>} : memref<2x384xf32, #tpu.memory_space<vmem>>, vector<16xf32>,
    %swap3A_1228 = arith.constant 0 : i32
    %swap3A_1229 = arith.constant 2 : i32
    %swap3A_1230 = arith.constant 0 : i32
    %swap3A_1231 = arith.index_cast %swap3A_1228 : i32 to index
    %swap3A_1232 = arith.index_cast %swap3A_1229 : i32 to index
    %swap3A_1233 = arith.index_cast %swap3A_1230 : i32 to index
    %swap3A_1234 = arith.constant 32 : index
    %swap3A_1235 = tpu.vector_load %arg6[%swap3A_1231, %swap3A_1232, %swap3A_1233, %swap3A_1234] {strides = array<i32>} : memref<2x3x8x128xf32, #tpu.memory_space<vmem>>, vector<16xf32>,
    tpu.vector_store %arg6[%swap3A_1231, %swap3A_1232, %swap3A_1233, %swap3A_1234], %get3A_1227 {strides = array<i32>} : memref<2x3x8x128xf32, #tpu.memory_space<vmem>>, vector<16xf32>,
    %swap3A_1236 = arith.constant 0 : i32
    %swap3A_1237 = arith.constant 2 : i32
    %swap3A_1238 = arith.constant 1 : i32
    %swap3A_1239 = arith.index_cast %swap3A_1236 : i32 to index
    %swap3A_1240 = arith.index_cast %swap3A_1237 : i32 to index
    %swap3A_1241 = arith.index_cast %swap3A_1238 : i32 to index
    %swap3A_1242 = arith.constant 32 : index
    %swap3A_1243 = tpu.vector_load %arg6[%swap3A_1239, %swap3A_1240, %swap3A_1241, %swap3A_1242] {strides = array<i32>} : memref<2x3x8x128xf32, #tpu.memory_space<vmem>>, vector<16xf32>,
    tpu.vector_store %arg6[%swap3A_1239, %swap3A_1240, %swap3A_1241, %swap3A_1242], %get3A_1227 {strides = array<i32>} : memref<2x3x8x128xf32, #tpu.memory_space<vmem>>, vector<16xf32>,
    %swap3A_1244 = arith.constant 0 : i32
    %swap3A_1245 = arith.constant 2 : i32
    %swap3A_1246 = arith.constant 2 : i32
    %swap3A_1247 = arith.index_cast %swap3A_1244 : i32 to index
    %swap3A_1248 = arith.index_cast %swap3A_1245 : i32 to index
    %swap3A_1249 = arith.index_cast %swap3A_1246 : i32 to index
    %swap3A_1250 = arith.constant 32 : index
    %swap3A_1251 = tpu.vector_load %arg6[%swap3A_1247, %swap3A_1248, %swap3A_1249, %swap3A_1250] {strides = array<i32>} : memref<2x3x8x128xf32, #tpu.memory_space<vmem>>, vector<16xf32>,
    tpu.vector_store %arg6[%swap3A_1247, %swap3A_1248, %swap3A_1249, %swap3A_1250], %get3A_1227 {strides = array<i32>} : memref<2x3x8x128xf32, #tpu.memory_space<vmem>>, vector<16xf32>,
    %swap3A_1252 = arith.constant 0 : i32
    %swap3A_1253 = arith.constant 2 : i32
    %swap3A_1254 = arith.constant 3 : i32
    %swap3A_1255 = arith.index_cast %swap3A_1252 : i32 to index
    %swap3A_1256 = arith.index_cast %swap3A_1253 : i32 to index
    %swap3A_1257 = arith.index_cast %swap3A_1254 : i32 to index
    %swap3A_1258 = arith.constant 32 : index
    %swap3A_1259 = tpu.vector_load %arg6[%swap3A_1255, %swap3A_1256, %swap3A_1257, %swap3A_1258] {strides = array<i32>} : memref<2x3x8x128xf32, #tpu.memory_space<vmem>>, vector<16xf32>,
    tpu.vector_store %arg6[%swap3A_1255, %swap3A_1256, %swap3A_1257, %swap3A_1258], %get3A_1227 {strides = array<i32>} : memref<2x3x8x128xf32, #tpu.memory_space<vmem>>, vector<16xf32>,
    %swap3A_1260 = arith.constant 0 : i32
    %swap3A_1261 = arith.constant 2 : i32
    %swap3A_1262 = arith.constant 4 : i32
    %swap3A_1263 = arith.index_cast %swap3A_1260 : i32 to index
    %swap3A_1264 = arith.index_cast %swap3A_1261 : i32 to index
    %swap3A_1265 = arith.index_cast %swap3A_1262 : i32 to index
    %swap3A_1266 = arith.constant 32 : index
    %swap3A_1267 = tpu.vector_load %arg6[%swap3A_1263, %swap3A_1264, %swap3A_1265, %swap3A_1266] {strides = array<i32>} : memref<2x3x8x128xf32, #tpu.memory_space<vmem>>, vector<16xf32>,
    tpu.vector_store %arg6[%swap3A_1263, %swap3A_1264, %swap3A_1265, %swap3A_1266], %get3A_1227 {strides = array<i32>} : memref<2x3x8x128xf32, #tpu.memory_space<vmem>>, vector<16xf32>,
    %swap3A_1268 = arith.constant 0 : i32
    %swap3A_1269 = arith.constant 2 : i32
    %swap3A_1270 = arith.constant 5 : i32
    %swap3A_1271 = arith.index_cast %swap3A_1268 : i32 to index
    %swap3A_1272 = arith.index_cast %swap3A_1269 : i32 to index
    %swap3A_1273 = arith.index_cast %swap3A_1270 : i32 to index
    %swap3A_1274 = arith.constant 32 : index
    %swap3A_1275 = tpu.vector_load %arg6[%swap3A_1271, %swap3A_1272, %swap3A_1273, %swap3A_1274] {strides = array<i32>} : memref<2x3x8x128xf32, #tpu.memory_space<vmem>>, vector<16xf32>,
    tpu.vector_store %arg6[%swap3A_1271, %swap3A_1272, %swap3A_1273, %swap3A_1274], %get3A_1227 {strides = array<i32>} : memref<2x3x8x128xf32, #tpu.memory_space<vmem>>, vector<16xf32>,
    %swap3A_1276 = arith.constant 0 : i32
    %swap3A_1277 = arith.constant 2 : i32
    %swap3A_1278 = arith.constant 6 : i32
    %swap3A_1279 = arith.index_cast %swap3A_1276 : i32 to index
    %swap3A_1280 = arith.index_cast %swap3A_1277 : i32 to index
    %swap3A_1281 = arith.index_cast %swap3A_1278 : i32 to index
    %swap3A_1282 = arith.constant 32 : index
    %swap3A_1283 = tpu.vector_load %arg6[%swap3A_1279, %swap3A_1280, %swap3A_1281, %swap3A_1282] {strides = array<i32>} : memref<2x3x8x128xf32, #tpu.memory_space<vmem>>, vector<16xf32>,
    tpu.vector_store %arg6[%swap3A_1279, %swap3A_1280, %swap3A_1281, %swap3A_1282], %get3A_1227 {strides = array<i32>} : memref<2x3x8x128xf32, #tpu.memory_space<vmem>>, vector<16xf32>,
    %swap3A_1284 = arith.constant 0 : i32
    %swap3A_1285 = arith.constant 2 : i32
    %swap3A_1286 = arith.constant 7 : i32
    %swap3A_1287 = arith.index_cast %swap3A_1284 : i32 to index
    %swap3A_1288 = arith.index_cast %swap3A_1285 : i32 to index
    %swap3A_1289 = arith.index_cast %swap3A_1286 : i32 to index
    %swap3A_1290 = arith.constant 32 : index
    %swap3A_1291 = tpu.vector_load %arg6[%swap3A_1287, %swap3A_1288, %swap3A_1289, %swap3A_1290] {strides = array<i32>} : memref<2x3x8x128xf32, #tpu.memory_space<vmem>>, vector<16xf32>,
    tpu.vector_store %arg6[%swap3A_1287, %swap3A_1288, %swap3A_1289, %swap3A_1290], %get3A_1227 {strides = array<i32>} : memref<2x3x8x128xf32, #tpu.memory_space<vmem>>, vector<16xf32>,
    %get3A_1292 = arith.constant 0 : i32
    %get3A_1293 = arith.index_cast %get3A_1292 : i32 to index
    %get3A_1294 = arith.constant 304 : index
    %get3A_1295 = tpu.vector_load %arg5[%get3A_1293, %get3A_1294] {strides = array<i32>} : memref<2x384xf32, #tpu.memory_space<vmem>>, vector<16xf32>,
    %swap3A_1296 = arith.constant 0 : i32
    %swap3A_1297 = arith.constant 2 : i32
    %swap3A_1298 = arith.constant 0 : i32
    %swap3A_1299 = arith.index_cast %swap3A_1296 : i32 to index
    %swap3A_1300 = arith.index_cast %swap3A_1297 : i32 to index
    %swap3A_1301 = arith.index_cast %swap3A_1298 : i32 to index
    %swap3A_1302 = arith.constant 48 : index
    %swap3A_1303 = tpu.vector_load %arg6[%swap3A_1299, %swap3A_1300, %swap3A_1301, %swap3A_1302] {strides = array<i32>} : memref<2x3x8x128xf32, #tpu.memory_space<vmem>>, vector<16xf32>,
    tpu.vector_store %arg6[%swap3A_1299, %swap3A_1300, %swap3A_1301, %swap3A_1302], %get3A_1295 {strides = array<i32>} : memref<2x3x8x128xf32, #tpu.memory_space<vmem>>, vector<16xf32>,
    %swap3A_1304 = arith.constant 0 : i32
    %swap3A_1305 = arith.constant 2 : i32
    %swap3A_1306 = arith.constant 1 : i32
    %swap3A_1307 = arith.index_cast %swap3A_1304 : i32 to index
    %swap3A_1308 = arith.index_cast %swap3A_1305 : i32 to index
    %swap3A_1309 = arith.index_cast %swap3A_1306 : i32 to index
    %swap3A_1310 = arith.constant 48 : index
    %swap3A_1311 = tpu.vector_load %arg6[%swap3A_1307, %swap3A_1308, %swap3A_1309, %swap3A_1310] {strides = array<i32>} : memref<2x3x8x128xf32, #tpu.memory_space<vmem>>, vector<16xf32>,
    tpu.vector_store %arg6[%swap3A_1307, %swap3A_1308, %swap3A_1309, %swap3A_1310], %get3A_1295 {strides = array<i32>} : memref<2x3x8x128xf32, #tpu.memory_space<vmem>>, vector<16xf32>,
    %swap3A_1312 = arith.constant 0 : i32
    %swap3A_1313 = arith.constant 2 : i32
    %swap3A_1314 = arith.constant 2 : i32
    %swap3A_1315 = arith.index_cast %swap3A_1312 : i32 to index
    %swap3A_1316 = arith.index_cast %swap3A_1313 : i32 to index
    %swap3A_1317 = arith.index_cast %swap3A_1314 : i32 to index
    %swap3A_1318 = arith.constant 48 : index
    %swap3A_1319 = tpu.vector_load %arg6[%swap3A_1315, %swap3A_1316, %swap3A_1317, %swap3A_1318] {strides = array<i32>} : memref<2x3x8x128xf32, #tpu.memory_space<vmem>>, vector<16xf32>,
    tpu.vector_store %arg6[%swap3A_1315, %swap3A_1316, %swap3A_1317, %swap3A_1318], %get3A_1295 {strides = array<i32>} : memref<2x3x8x128xf32, #tpu.memory_space<vmem>>, vector<16xf32>,
    %swap3A_1320 = arith.constant 0 : i32
    %swap3A_1321 = arith.constant 2 : i32
    %swap3A_1322 = arith.constant 3 : i32
    %swap3A_1323 = arith.index_cast %swap3A_1320 : i32 to index
    %swap3A_1324 = arith.index_cast %swap3A_1321 : i32 to index
    %swap3A_1325 = arith.index_cast %swap3A_1322 : i32 to index
    %swap3A_1326 = arith.constant 48 : index
    %swap3A_1327 = tpu.vector_load %arg6[%swap3A_1323, %swap3A_1324, %swap3A_1325, %swap3A_1326] {strides = array<i32>} : memref<2x3x8x128xf32, #tpu.memory_space<vmem>>, vector<16xf32>,
    tpu.vector_store %arg6[%swap3A_1323, %swap3A_1324, %swap3A_1325, %swap3A_1326], %get3A_1295 {strides = array<i32>} : memref<2x3x8x128xf32, #tpu.memory_space<vmem>>, vector<16xf32>,
    %swap3A_1328 = arith.constant 0 : i32
    %swap3A_1329 = arith.constant 2 : i32
    %swap3A_1330 = arith.constant 4 : i32
    %swap3A_1331 = arith.index_cast %swap3A_1328 : i32 to index
    %swap3A_1332 = arith.index_cast %swap3A_1329 : i32 to index
    %swap3A_1333 = arith.index_cast %swap3A_1330 : i32 to index
    %swap3A_1334 = arith.constant 48 : index
    %swap3A_1335 = tpu.vector_load %arg6[%swap3A_1331, %swap3A_1332, %swap3A_1333, %swap3A_1334] {strides = array<i32>} : memref<2x3x8x128xf32, #tpu.memory_space<vmem>>, vector<16xf32>,
    tpu.vector_store %arg6[%swap3A_1331, %swap3A_1332, %swap3A_1333, %swap3A_1334], %get3A_1295 {strides = array<i32>} : memref<2x3x8x128xf32, #tpu.memory_space<vmem>>, vector<16xf32>,
    %swap3A_1336 = arith.constant 0 : i32
    %swap3A_1337 = arith.constant 2 : i32
    %swap3A_1338 = arith.constant 5 : i32
    %swap3A_1339 = arith.index_cast %swap3A_1336 : i32 to index
    %swap3A_1340 = arith.index_cast %swap3A_1337 : i32 to index
    %swap3A_1341 = arith.index_cast %swap3A_1338 : i32 to index
    %swap3A_1342 = arith.constant 48 : index
    %swap3A_1343 = tpu.vector_load %arg6[%swap3A_1339, %swap3A_1340, %swap3A_1341, %swap3A_1342] {strides = array<i32>} : memref<2x3x8x128xf32, #tpu.memory_space<vmem>>, vector<16xf32>,
    tpu.vector_store %arg6[%swap3A_1339, %swap3A_1340, %swap3A_1341, %swap3A_1342], %get3A_1295 {strides = array<i32>} : memref<2x3x8x128xf32, #tpu.memory_space<vmem>>, vector<16xf32>,
    %swap3A_1344 = arith.constant 0 : i32
    %swap3A_1345 = arith.constant 2 : i32
    %swap3A_1346 = arith.constant 6 : i32
    %swap3A_1347 = arith.index_cast %swap3A_1344 : i32 to index
    %swap3A_1348 = arith.index_cast %swap3A_1345 : i32 to index
    %swap3A_1349 = arith.index_cast %swap3A_1346 : i32 to index
    %swap3A_1350 = arith.constant 48 : index
    %swap3A_1351 = tpu.vector_load %arg6[%swap3A_1347, %swap3A_1348, %swap3A_1349, %swap3A_1350] {strides = array<i32>} : memref<2x3x8x128xf32, #tpu.memory_space<vmem>>, vector<16xf32>,
    tpu.vector_store %arg6[%swap3A_1347, %swap3A_1348, %swap3A_1349, %swap3A_1350], %get3A_1295 {strides = array<i32>} : memref<2x3x8x128xf32, #tpu.memory_space<vmem>>, vector<16xf32>,
    %swap3A_1352 = arith.constant 0 : i32
    %swap3A_1353 = arith.constant 2 : i32
    %swap3A_1354 = arith.constant 7 : i32
    %swap3A_1355 = arith.index_cast %swap3A_1352 : i32 to index
    %swap3A_1356 = arith.index_cast %swap3A_1353 : i32 to index
    %swap3A_1357 = arith.index_cast %swap3A_1354 : i32 to index
    %swap3A_1358 = arith.constant 48 : index
    %swap3A_1359 = tpu.vector_load %arg6[%swap3A_1355, %swap3A_1356, %swap3A_1357, %swap3A_1358] {strides = array<i32>} : memref<2x3x8x128xf32, #tpu.memory_space<vmem>>, vector<16xf32>,
    tpu.vector_store %arg6[%swap3A_1355, %swap3A_1356, %swap3A_1357, %swap3A_1358], %get3A_1295 {strides = array<i32>} : memref<2x3x8x128xf32, #tpu.memory_space<vmem>>, vector<16xf32>,
    %get3A_1360 = arith.constant 0 : i32
    %get3A_1361 = arith.index_cast %get3A_1360 : i32 to index
    %get3A_1362 = arith.constant 320 : index
    %get3A_1363 = tpu.vector_load %arg5[%get3A_1361, %get3A_1362] {strides = array<i32>} : memref<2x384xf32, #tpu.memory_space<vmem>>, vector<16xf32>,
    %swap3A_1364 = arith.constant 0 : i32
    %swap3A_1365 = arith.constant 2 : i32
    %swap3A_1366 = arith.constant 0 : i32
    %swap3A_1367 = arith.index_cast %swap3A_1364 : i32 to index
    %swap3A_1368 = arith.index_cast %swap3A_1365 : i32 to index
    %swap3A_1369 = arith.index_cast %swap3A_1366 : i32 to index
    %swap3A_1370 = arith.constant 64 : index
    %swap3A_1371 = tpu.vector_load %arg6[%swap3A_1367, %swap3A_1368, %swap3A_1369, %swap3A_1370] {strides = array<i32>} : memref<2x3x8x128xf32, #tpu.memory_space<vmem>>, vector<16xf32>,
    tpu.vector_store %arg6[%swap3A_1367, %swap3A_1368, %swap3A_1369, %swap3A_1370], %get3A_1363 {strides = array<i32>} : memref<2x3x8x128xf32, #tpu.memory_space<vmem>>, vector<16xf32>,
    %swap3A_1372 = arith.constant 0 : i32
    %swap3A_1373 = arith.constant 2 : i32
    %swap3A_1374 = arith.constant 1 : i32
    %swap3A_1375 = arith.index_cast %swap3A_1372 : i32 to index
    %swap3A_1376 = arith.index_cast %swap3A_1373 : i32 to index
    %swap3A_1377 = arith.index_cast %swap3A_1374 : i32 to index
    %swap3A_1378 = arith.constant 64 : index
    %swap3A_1379 = tpu.vector_load %arg6[%swap3A_1375, %swap3A_1376, %swap3A_1377, %swap3A_1378] {strides = array<i32>} : memref<2x3x8x128xf32, #tpu.memory_space<vmem>>, vector<16xf32>,
    tpu.vector_store %arg6[%swap3A_1375, %swap3A_1376, %swap3A_1377, %swap3A_1378], %get3A_1363 {strides = array<i32>} : memref<2x3x8x128xf32, #tpu.memory_space<vmem>>, vector<16xf32>,
    %swap3A_1380 = arith.constant 0 : i32
    %swap3A_1381 = arith.constant 2 : i32
    %swap3A_1382 = arith.constant 2 : i32
    %swap3A_1383 = arith.index_cast %swap3A_1380 : i32 to index
    %swap3A_1384 = arith.index_cast %swap3A_1381 : i32 to index
    %swap3A_1385 = arith.index_cast %swap3A_1382 : i32 to index
    %swap3A_1386 = arith.constant 64 : index
    %swap3A_1387 = tpu.vector_load %arg6[%swap3A_1383, %swap3A_1384, %swap3A_1385, %swap3A_1386] {strides = array<i32>} : memref<2x3x8x128xf32, #tpu.memory_space<vmem>>, vector<16xf32>,
    tpu.vector_store %arg6[%swap3A_1383, %swap3A_1384, %swap3A_1385, %swap3A_1386], %get3A_1363 {strides = array<i32>} : memref<2x3x8x128xf32, #tpu.memory_space<vmem>>, vector<16xf32>,
    %swap3A_1388 = arith.constant 0 : i32
    %swap3A_1389 = arith.constant 2 : i32
    %swap3A_1390 = arith.constant 3 : i32
    %swap3A_1391 = arith.index_cast %swap3A_1388 : i32 to index
    %swap3A_1392 = arith.index_cast %swap3A_1389 : i32 to index
    %swap3A_1393 = arith.index_cast %swap3A_1390 : i32 to index
    %swap3A_1394 = arith.constant 64 : index
    %swap3A_1395 = tpu.vector_load %arg6[%swap3A_1391, %swap3A_1392, %swap3A_1393, %swap3A_1394] {strides = array<i32>} : memref<2x3x8x128xf32, #tpu.memory_space<vmem>>, vector<16xf32>,
    tpu.vector_store %arg6[%swap3A_1391, %swap3A_1392, %swap3A_1393, %swap3A_1394], %get3A_1363 {strides = array<i32>} : memref<2x3x8x128xf32, #tpu.memory_space<vmem>>, vector<16xf32>,
    %swap3A_1396 = arith.constant 0 : i32
    %swap3A_1397 = arith.constant 2 : i32
    %swap3A_1398 = arith.constant 4 : i32
    %swap3A_1399 = arith.index_cast %swap3A_1396 : i32 to index
    %swap3A_1400 = arith.index_cast %swap3A_1397 : i32 to index
    %swap3A_1401 = arith.index_cast %swap3A_1398 : i32 to index
    %swap3A_1402 = arith.constant 64 : index
    %swap3A_1403 = tpu.vector_load %arg6[%swap3A_1399, %swap3A_1400, %swap3A_1401, %swap3A_1402] {strides = array<i32>} : memref<2x3x8x128xf32, #tpu.memory_space<vmem>>, vector<16xf32>,
    tpu.vector_store %arg6[%swap3A_1399, %swap3A_1400, %swap3A_1401, %swap3A_1402], %get3A_1363 {strides = array<i32>} : memref<2x3x8x128xf32, #tpu.memory_space<vmem>>, vector<16xf32>,
    %swap3A_1404 = arith.constant 0 : i32
    %swap3A_1405 = arith.constant 2 : i32
    %swap3A_1406 = arith.constant 5 : i32
    %swap3A_1407 = arith.index_cast %swap3A_1404 : i32 to index
    %swap3A_1408 = arith.index_cast %swap3A_1405 : i32 to index
    %swap3A_1409 = arith.index_cast %swap3A_1406 : i32 to index
    %swap3A_1410 = arith.constant 64 : index
    %swap3A_1411 = tpu.vector_load %arg6[%swap3A_1407, %swap3A_1408, %swap3A_1409, %swap3A_1410] {strides = array<i32>} : memref<2x3x8x128xf32, #tpu.memory_space<vmem>>, vector<16xf32>,
    tpu.vector_store %arg6[%swap3A_1407, %swap3A_1408, %swap3A_1409, %swap3A_1410], %get3A_1363 {strides = array<i32>} : memref<2x3x8x128xf32, #tpu.memory_space<vmem>>, vector<16xf32>,
    %swap3A_1412 = arith.constant 0 : i32
    %swap3A_1413 = arith.constant 2 : i32
    %swap3A_1414 = arith.constant 6 : i32
    %swap3A_1415 = arith.index_cast %swap3A_1412 : i32 to index
    %swap3A_1416 = arith.index_cast %swap3A_1413 : i32 to index
    %swap3A_1417 = arith.index_cast %swap3A_1414 : i32 to index
    %swap3A_1418 = arith.constant 64 : index
    %swap3A_1419 = tpu.vector_load %arg6[%swap3A_1415, %swap3A_1416, %swap3A_1417, %swap3A_1418] {strides = array<i32>} : memref<2x3x8x128xf32, #tpu.memory_space<vmem>>, vector<16xf32>,
    tpu.vector_store %arg6[%swap3A_1415, %swap3A_1416, %swap3A_1417, %swap3A_1418], %get3A_1363 {strides = array<i32>} : memref<2x3x8x128xf32, #tpu.memory_space<vmem>>, vector<16xf32>,
    %swap3A_1420 = arith.constant 0 : i32
    %swap3A_1421 = arith.constant 2 : i32
    %swap3A_1422 = arith.constant 7 : i32
    %swap3A_1423 = arith.index_cast %swap3A_1420 : i32 to index
    %swap3A_1424 = arith.index_cast %swap3A_1421 : i32 to index
    %swap3A_1425 = arith.index_cast %swap3A_1422 : i32 to index
    %swap3A_1426 = arith.constant 64 : index
    %swap3A_1427 = tpu.vector_load %arg6[%swap3A_1423, %swap3A_1424, %swap3A_1425, %swap3A_1426] {strides = array<i32>} : memref<2x3x8x128xf32, #tpu.memory_space<vmem>>, vector<16xf32>,
    tpu.vector_store %arg6[%swap3A_1423, %swap3A_1424, %swap3A_1425, %swap3A_1426], %get3A_1363 {strides = array<i32>} : memref<2x3x8x128xf32, #tpu.memory_space<vmem>>, vector<16xf32>,
    %get3A_1428 = arith.constant 0 : i32
    %get3A_1429 = arith.index_cast %get3A_1428 : i32 to index
    %get3A_1430 = arith.constant 336 : index
    %get3A_1431 = tpu.vector_load %arg5[%get3A_1429, %get3A_1430] {strides = array<i32>} : memref<2x384xf32, #tpu.memory_space<vmem>>, vector<16xf32>,
    %swap3A_1432 = arith.constant 0 : i32
    %swap3A_1433 = arith.constant 2 : i32
    %swap3A_1434 = arith.constant 0 : i32
    %swap3A_1435 = arith.index_cast %swap3A_1432 : i32 to index
    %swap3A_1436 = arith.index_cast %swap3A_1433 : i32 to index
    %swap3A_1437 = arith.index_cast %swap3A_1434 : i32 to index
    %swap3A_1438 = arith.constant 80 : index
    %swap3A_1439 = tpu.vector_load %arg6[%swap3A_1435, %swap3A_1436, %swap3A_1437, %swap3A_1438] {strides = array<i32>} : memref<2x3x8x128xf32, #tpu.memory_space<vmem>>, vector<16xf32>,
    tpu.vector_store %arg6[%swap3A_1435, %swap3A_1436, %swap3A_1437, %swap3A_1438], %get3A_1431 {strides = array<i32>} : memref<2x3x8x128xf32, #tpu.memory_space<vmem>>, vector<16xf32>,
    %swap3A_1440 = arith.constant 0 : i32
    %swap3A_1441 = arith.constant 2 : i32
    %swap3A_1442 = arith.constant 1 : i32
    %swap3A_1443 = arith.index_cast %swap3A_1440 : i32 to index
    %swap3A_1444 = arith.index_cast %swap3A_1441 : i32 to index
    %swap3A_1445 = arith.index_cast %swap3A_1442 : i32 to index
    %swap3A_1446 = arith.constant 80 : index
    %swap3A_1447 = tpu.vector_load %arg6[%swap3A_1443, %swap3A_1444, %swap3A_1445, %swap3A_1446] {strides = array<i32>} : memref<2x3x8x128xf32, #tpu.memory_space<vmem>>, vector<16xf32>,
    tpu.vector_store %arg6[%swap3A_1443, %swap3A_1444, %swap3A_1445, %swap3A_1446], %get3A_1431 {strides = array<i32>} : memref<2x3x8x128xf32, #tpu.memory_space<vmem>>, vector<16xf32>,
    %swap3A_1448 = arith.constant 0 : i32
    %swap3A_1449 = arith.constant 2 : i32
    %swap3A_1450 = arith.constant 2 : i32
    %swap3A_1451 = arith.index_cast %swap3A_1448 : i32 to index
    %swap3A_1452 = arith.index_cast %swap3A_1449 : i32 to index
    %swap3A_1453 = arith.index_cast %swap3A_1450 : i32 to index
    %swap3A_1454 = arith.constant 80 : index
    %swap3A_1455 = tpu.vector_load %arg6[%swap3A_1451, %swap3A_1452, %swap3A_1453, %swap3A_1454] {strides = array<i32>} : memref<2x3x8x128xf32, #tpu.memory_space<vmem>>, vector<16xf32>,
    tpu.vector_store %arg6[%swap3A_1451, %swap3A_1452, %swap3A_1453, %swap3A_1454], %get3A_1431 {strides = array<i32>} : memref<2x3x8x128xf32, #tpu.memory_space<vmem>>, vector<16xf32>,
    %swap3A_1456 = arith.constant 0 : i32
    %swap3A_1457 = arith.constant 2 : i32
    %swap3A_1458 = arith.constant 3 : i32
    %swap3A_1459 = arith.index_cast %swap3A_1456 : i32 to index
    %swap3A_1460 = arith.index_cast %swap3A_1457 : i32 to index
    %swap3A_1461 = arith.index_cast %swap3A_1458 : i32 to index
    %swap3A_1462 = arith.constant 80 : index
    %swap3A_1463 = tpu.vector_load %arg6[%swap3A_1459, %swap3A_1460, %swap3A_1461, %swap3A_1462] {strides = array<i32>} : memref<2x3x8x128xf32, #tpu.memory_space<vmem>>, vector<16xf32>,
    tpu.vector_store %arg6[%swap3A_1459, %swap3A_1460, %swap3A_1461, %swap3A_1462], %get3A_1431 {strides = array<i32>} : memref<2x3x8x128xf32, #tpu.memory_space<vmem>>, vector<16xf32>,
    %swap3A_1464 = arith.constant 0 : i32
    %swap3A_1465 = arith.constant 2 : i32
    %swap3A_1466 = arith.constant 4 : i32
    %swap3A_1467 = arith.index_cast %swap3A_1464 : i32 to index
    %swap3A_1468 = arith.index_cast %swap3A_1465 : i32 to index
    %swap3A_1469 = arith.index_cast %swap3A_1466 : i32 to index
    %swap3A_1470 = arith.constant 80 : index
    %swap3A_1471 = tpu.vector_load %arg6[%swap3A_1467, %swap3A_1468, %swap3A_1469, %swap3A_1470] {strides = array<i32>} : memref<2x3x8x128xf32, #tpu.memory_space<vmem>>, vector<16xf32>,
    tpu.vector_store %arg6[%swap3A_1467, %swap3A_1468, %swap3A_1469, %swap3A_1470], %get3A_1431 {strides = array<i32>} : memref<2x3x8x128xf32, #tpu.memory_space<vmem>>, vector<16xf32>,
    %swap3A_1472 = arith.constant 0 : i32
    %swap3A_1473 = arith.constant 2 : i32
    %swap3A_1474 = arith.constant 5 : i32
    %swap3A_1475 = arith.index_cast %swap3A_1472 : i32 to index
    %swap3A_1476 = arith.index_cast %swap3A_1473 : i32 to index
    %swap3A_1477 = arith.index_cast %swap3A_1474 : i32 to index
    %swap3A_1478 = arith.constant 80 : index
    %swap3A_1479 = tpu.vector_load %arg6[%swap3A_1475, %swap3A_1476, %swap3A_1477, %swap3A_1478] {strides = array<i32>} : memref<2x3x8x128xf32, #tpu.memory_space<vmem>>, vector<16xf32>,
    tpu.vector_store %arg6[%swap3A_1475, %swap3A_1476, %swap3A_1477, %swap3A_1478], %get3A_1431 {strides = array<i32>} : memref<2x3x8x128xf32, #tpu.memory_space<vmem>>, vector<16xf32>,
    %swap3A_1480 = arith.constant 0 : i32
    %swap3A_1481 = arith.constant 2 : i32
    %swap3A_1482 = arith.constant 6 : i32
    %swap3A_1483 = arith.index_cast %swap3A_1480 : i32 to index
    %swap3A_1484 = arith.index_cast %swap3A_1481 : i32 to index
    %swap3A_1485 = arith.index_cast %swap3A_1482 : i32 to index
    %swap3A_1486 = arith.constant 80 : index
    %swap3A_1487 = tpu.vector_load %arg6[%swap3A_1483, %swap3A_1484, %swap3A_1485, %swap3A_1486] {strides = array<i32>} : memref<2x3x8x128xf32, #tpu.memory_space<vmem>>, vector<16xf32>,
    tpu.vector_store %arg6[%swap3A_1483, %swap3A_1484, %swap3A_1485, %swap3A_1486], %get3A_1431 {strides = array<i32>} : memref<2x3x8x128xf32, #tpu.memory_space<vmem>>, vector<16xf32>,
    %swap3A_1488 = arith.constant 0 : i32
    %swap3A_1489 = arith.constant 2 : i32
    %swap3A_1490 = arith.constant 7 : i32
    %swap3A_1491 = arith.index_cast %swap3A_1488 : i32 to index
    %swap3A_1492 = arith.index_cast %swap3A_1489 : i32 to index
    %swap3A_1493 = arith.index_cast %swap3A_1490 : i32 to index
    %swap3A_1494 = arith.constant 80 : index
    %swap3A_1495 = tpu.vector_load %arg6[%swap3A_1491, %swap3A_1492, %swap3A_1493, %swap3A_1494] {strides = array<i32>} : memref<2x3x8x128xf32, #tpu.memory_space<vmem>>, vector<16xf32>,
    tpu.vector_store %arg6[%swap3A_1491, %swap3A_1492, %swap3A_1493, %swap3A_1494], %get3A_1431 {strides = array<i32>} : memref<2x3x8x128xf32, #tpu.memory_space<vmem>>, vector<16xf32>,
    %get3A_1496 = arith.constant 0 : i32
    %get3A_1497 = arith.index_cast %get3A_1496 : i32 to index
    %get3A_1498 = arith.constant 352 : index
    %get3A_1499 = tpu.vector_load %arg5[%get3A_1497, %get3A_1498] {strides = array<i32>} : memref<2x384xf32, #tpu.memory_space<vmem>>, vector<16xf32>,
    %swap3A_1500 = arith.constant 0 : i32
    %swap3A_1501 = arith.constant 2 : i32
    %swap3A_1502 = arith.constant 0 : i32
    %swap3A_1503 = arith.index_cast %swap3A_1500 : i32 to index
    %swap3A_1504 = arith.index_cast %swap3A_1501 : i32 to index
    %swap3A_1505 = arith.index_cast %swap3A_1502 : i32 to index
    %swap3A_1506 = arith.constant 96 : index
    %swap3A_1507 = tpu.vector_load %arg6[%swap3A_1503, %swap3A_1504, %swap3A_1505, %swap3A_1506] {strides = array<i32>} : memref<2x3x8x128xf32, #tpu.memory_space<vmem>>, vector<16xf32>,
    tpu.vector_store %arg6[%swap3A_1503, %swap3A_1504, %swap3A_1505, %swap3A_1506], %get3A_1499 {strides = array<i32>} : memref<2x3x8x128xf32, #tpu.memory_space<vmem>>, vector<16xf32>,
    %swap3A_1508 = arith.constant 0 : i32
    %swap3A_1509 = arith.constant 2 : i32
    %swap3A_1510 = arith.constant 1 : i32
    %swap3A_1511 = arith.index_cast %swap3A_1508 : i32 to index
    %swap3A_1512 = arith.index_cast %swap3A_1509 : i32 to index
    %swap3A_1513 = arith.index_cast %swap3A_1510 : i32 to index
    %swap3A_1514 = arith.constant 96 : index
    %swap3A_1515 = tpu.vector_load %arg6[%swap3A_1511, %swap3A_1512, %swap3A_1513, %swap3A_1514] {strides = array<i32>} : memref<2x3x8x128xf32, #tpu.memory_space<vmem>>, vector<16xf32>,
    tpu.vector_store %arg6[%swap3A_1511, %swap3A_1512, %swap3A_1513, %swap3A_1514], %get3A_1499 {strides = array<i32>} : memref<2x3x8x128xf32, #tpu.memory_space<vmem>>, vector<16xf32>,
    %swap3A_1516 = arith.constant 0 : i32
    %swap3A_1517 = arith.constant 2 : i32
    %swap3A_1518 = arith.constant 2 : i32
    %swap3A_1519 = arith.index_cast %swap3A_1516 : i32 to index
    %swap3A_1520 = arith.index_cast %swap3A_1517 : i32 to index
    %swap3A_1521 = arith.index_cast %swap3A_1518 : i32 to index
    %swap3A_1522 = arith.constant 96 : index
    %swap3A_1523 = tpu.vector_load %arg6[%swap3A_1519, %swap3A_1520, %swap3A_1521, %swap3A_1522] {strides = array<i32>} : memref<2x3x8x128xf32, #tpu.memory_space<vmem>>, vector<16xf32>,
    tpu.vector_store %arg6[%swap3A_1519, %swap3A_1520, %swap3A_1521, %swap3A_1522], %get3A_1499 {strides = array<i32>} : memref<2x3x8x128xf32, #tpu.memory_space<vmem>>, vector<16xf32>,
    %swap3A_1524 = arith.constant 0 : i32
    %swap3A_1525 = arith.constant 2 : i32
    %swap3A_1526 = arith.constant 3 : i32
    %swap3A_1527 = arith.index_cast %swap3A_1524 : i32 to index
    %swap3A_1528 = arith.index_cast %swap3A_1525 : i32 to index
    %swap3A_1529 = arith.index_cast %swap3A_1526 : i32 to index
    %swap3A_1530 = arith.constant 96 : index
    %swap3A_1531 = tpu.vector_load %arg6[%swap3A_1527, %swap3A_1528, %swap3A_1529, %swap3A_1530] {strides = array<i32>} : memref<2x3x8x128xf32, #tpu.memory_space<vmem>>, vector<16xf32>,
    tpu.vector_store %arg6[%swap3A_1527, %swap3A_1528, %swap3A_1529, %swap3A_1530], %get3A_1499 {strides = array<i32>} : memref<2x3x8x128xf32, #tpu.memory_space<vmem>>, vector<16xf32>,
    %swap3A_1532 = arith.constant 0 : i32
    %swap3A_1533 = arith.constant 2 : i32
    %swap3A_1534 = arith.constant 4 : i32
    %swap3A_1535 = arith.index_cast %swap3A_1532 : i32 to index
    %swap3A_1536 = arith.index_cast %swap3A_1533 : i32 to index
    %swap3A_1537 = arith.index_cast %swap3A_1534 : i32 to index
    %swap3A_1538 = arith.constant 96 : index
    %swap3A_1539 = tpu.vector_load %arg6[%swap3A_1535, %swap3A_1536, %swap3A_1537, %swap3A_1538] {strides = array<i32>} : memref<2x3x8x128xf32, #tpu.memory_space<vmem>>, vector<16xf32>,
    tpu.vector_store %arg6[%swap3A_1535, %swap3A_1536, %swap3A_1537, %swap3A_1538], %get3A_1499 {strides = array<i32>} : memref<2x3x8x128xf32, #tpu.memory_space<vmem>>, vector<16xf32>,
    %swap3A_1540 = arith.constant 0 : i32
    %swap3A_1541 = arith.constant 2 : i32
    %swap3A_1542 = arith.constant 5 : i32
    %swap3A_1543 = arith.index_cast %swap3A_1540 : i32 to index
    %swap3A_1544 = arith.index_cast %swap3A_1541 : i32 to index
    %swap3A_1545 = arith.index_cast %swap3A_1542 : i32 to index
    %swap3A_1546 = arith.constant 96 : index
    %swap3A_1547 = tpu.vector_load %arg6[%swap3A_1543, %swap3A_1544, %swap3A_1545, %swap3A_1546] {strides = array<i32>} : memref<2x3x8x128xf32, #tpu.memory_space<vmem>>, vector<16xf32>,
    tpu.vector_store %arg6[%swap3A_1543, %swap3A_1544, %swap3A_1545, %swap3A_1546], %get3A_1499 {strides = array<i32>} : memref<2x3x8x128xf32, #tpu.memory_space<vmem>>, vector<16xf32>,
    %swap3A_1548 = arith.constant 0 : i32
    %swap3A_1549 = arith.constant 2 : i32
    %swap3A_1550 = arith.constant 6 : i32
    %swap3A_1551 = arith.index_cast %swap3A_1548 : i32 to index
    %swap3A_1552 = arith.index_cast %swap3A_1549 : i32 to index
    %swap3A_1553 = arith.index_cast %swap3A_1550 : i32 to index
    %swap3A_1554 = arith.constant 96 : index
    %swap3A_1555 = tpu.vector_load %arg6[%swap3A_1551, %swap3A_1552, %swap3A_1553, %swap3A_1554] {strides = array<i32>} : memref<2x3x8x128xf32, #tpu.memory_space<vmem>>, vector<16xf32>,
    tpu.vector_store %arg6[%swap3A_1551, %swap3A_1552, %swap3A_1553, %swap3A_1554], %get3A_1499 {strides = array<i32>} : memref<2x3x8x128xf32, #tpu.memory_space<vmem>>, vector<16xf32>,
    %swap3A_1556 = arith.constant 0 : i32
    %swap3A_1557 = arith.constant 2 : i32
    %swap3A_1558 = arith.constant 7 : i32
    %swap3A_1559 = arith.index_cast %swap3A_1556 : i32 to index
    %swap3A_1560 = arith.index_cast %swap3A_1557 : i32 to index
    %swap3A_1561 = arith.index_cast %swap3A_1558 : i32 to index
    %swap3A_1562 = arith.constant 96 : index
    %swap3A_1563 = tpu.vector_load %arg6[%swap3A_1559, %swap3A_1560, %swap3A_1561, %swap3A_1562] {strides = array<i32>} : memref<2x3x8x128xf32, #tpu.memory_space<vmem>>, vector<16xf32>,
    tpu.vector_store %arg6[%swap3A_1559, %swap3A_1560, %swap3A_1561, %swap3A_1562], %get3A_1499 {strides = array<i32>} : memref<2x3x8x128xf32, #tpu.memory_space<vmem>>, vector<16xf32>,
    %get3A_1564 = arith.constant 0 : i32
    %get3A_1565 = arith.index_cast %get3A_1564 : i32 to index
    %get3A_1566 = arith.constant 368 : index
    %get3A_1567 = tpu.vector_load %arg5[%get3A_1565, %get3A_1566] {strides = array<i32>} : memref<2x384xf32, #tpu.memory_space<vmem>>, vector<16xf32>,
    %swap3A_1568 = arith.constant 0 : i32
    %swap3A_1569 = arith.constant 2 : i32
    %swap3A_1570 = arith.constant 0 : i32
    %swap3A_1571 = arith.index_cast %swap3A_1568 : i32 to index
    %swap3A_1572 = arith.index_cast %swap3A_1569 : i32 to index
    %swap3A_1573 = arith.index_cast %swap3A_1570 : i32 to index
    %swap3A_1574 = arith.constant 112 : index
    %swap3A_1575 = tpu.vector_load %arg6[%swap3A_1571, %swap3A_1572, %swap3A_1573, %swap3A_1574] {strides = array<i32>} : memref<2x3x8x128xf32, #tpu.memory_space<vmem>>, vector<16xf32>,
    tpu.vector_store %arg6[%swap3A_1571, %swap3A_1572, %swap3A_1573, %swap3A_1574], %get3A_1567 {strides = array<i32>} : memref<2x3x8x128xf32, #tpu.memory_space<vmem>>, vector<16xf32>,
    %swap3A_1576 = arith.constant 0 : i32
    %swap3A_1577 = arith.constant 2 : i32
    %swap3A_1578 = arith.constant 1 : i32
    %swap3A_1579 = arith.index_cast %swap3A_1576 : i32 to index
    %swap3A_1580 = arith.index_cast %swap3A_1577 : i32 to index
    %swap3A_1581 = arith.index_cast %swap3A_1578 : i32 to index
    %swap3A_1582 = arith.constant 112 : index
    %swap3A_1583 = tpu.vector_load %arg6[%swap3A_1579, %swap3A_1580, %swap3A_1581, %swap3A_1582] {strides = array<i32>} : memref<2x3x8x128xf32, #tpu.memory_space<vmem>>, vector<16xf32>,
    tpu.vector_store %arg6[%swap3A_1579, %swap3A_1580, %swap3A_1581, %swap3A_1582], %get3A_1567 {strides = array<i32>} : memref<2x3x8x128xf32, #tpu.memory_space<vmem>>, vector<16xf32>,
    %swap3A_1584 = arith.constant 0 : i32
    %swap3A_1585 = arith.constant 2 : i32
    %swap3A_1586 = arith.constant 2 : i32
    %swap3A_1587 = arith.index_cast %swap3A_1584 : i32 to index
    %swap3A_1588 = arith.index_cast %swap3A_1585 : i32 to index
    %swap3A_1589 = arith.index_cast %swap3A_1586 : i32 to index
    %swap3A_1590 = arith.constant 112 : index
    %swap3A_1591 = tpu.vector_load %arg6[%swap3A_1587, %swap3A_1588, %swap3A_1589, %swap3A_1590] {strides = array<i32>} : memref<2x3x8x128xf32, #tpu.memory_space<vmem>>, vector<16xf32>,
    tpu.vector_store %arg6[%swap3A_1587, %swap3A_1588, %swap3A_1589, %swap3A_1590], %get3A_1567 {strides = array<i32>} : memref<2x3x8x128xf32, #tpu.memory_space<vmem>>, vector<16xf32>,
    %swap3A_1592 = arith.constant 0 : i32
    %swap3A_1593 = arith.constant 2 : i32
    %swap3A_1594 = arith.constant 3 : i32
    %swap3A_1595 = arith.index_cast %swap3A_1592 : i32 to index
    %swap3A_1596 = arith.index_cast %swap3A_1593 : i32 to index
    %swap3A_1597 = arith.index_cast %swap3A_1594 : i32 to index
    %swap3A_1598 = arith.constant 112 : index
    %swap3A_1599 = tpu.vector_load %arg6[%swap3A_1595, %swap3A_1596, %swap3A_1597, %swap3A_1598] {strides = array<i32>} : memref<2x3x8x128xf32, #tpu.memory_space<vmem>>, vector<16xf32>,
    tpu.vector_store %arg6[%swap3A_1595, %swap3A_1596, %swap3A_1597, %swap3A_1598], %get3A_1567 {strides = array<i32>} : memref<2x3x8x128xf32, #tpu.memory_space<vmem>>, vector<16xf32>,
    %swap3A_1600 = arith.constant 0 : i32
    %swap3A_1601 = arith.constant 2 : i32
    %swap3A_1602 = arith.constant 4 : i32
    %swap3A_1603 = arith.index_cast %swap3A_1600 : i32 to index
    %swap3A_1604 = arith.index_cast %swap3A_1601 : i32 to index
    %swap3A_1605 = arith.index_cast %swap3A_1602 : i32 to index
    %swap3A_1606 = arith.constant 112 : index
    %swap3A_1607 = tpu.vector_load %arg6[%swap3A_1603, %swap3A_1604, %swap3A_1605, %swap3A_1606] {strides = array<i32>} : memref<2x3x8x128xf32, #tpu.memory_space<vmem>>, vector<16xf32>,
    tpu.vector_store %arg6[%swap3A_1603, %swap3A_1604, %swap3A_1605, %swap3A_1606], %get3A_1567 {strides = array<i32>} : memref<2x3x8x128xf32, #tpu.memory_space<vmem>>, vector<16xf32>,
    %swap3A_1608 = arith.constant 0 : i32
    %swap3A_1609 = arith.constant 2 : i32
    %swap3A_1610 = arith.constant 5 : i32
    %swap3A_1611 = arith.index_cast %swap3A_1608 : i32 to index
    %swap3A_1612 = arith.index_cast %swap3A_1609 : i32 to index
    %swap3A_1613 = arith.index_cast %swap3A_1610 : i32 to index
    %swap3A_1614 = arith.constant 112 : index
    %swap3A_1615 = tpu.vector_load %arg6[%swap3A_1611, %swap3A_1612, %swap3A_1613, %swap3A_1614] {strides = array<i32>} : memref<2x3x8x128xf32, #tpu.memory_space<vmem>>, vector<16xf32>,
    tpu.vector_store %arg6[%swap3A_1611, %swap3A_1612, %swap3A_1613, %swap3A_1614], %get3A_1567 {strides = array<i32>} : memref<2x3x8x128xf32, #tpu.memory_space<vmem>>, vector<16xf32>,
    %swap3A_1616 = arith.constant 0 : i32
    %swap3A_1617 = arith.constant 2 : i32
    %swap3A_1618 = arith.constant 6 : i32
    %swap3A_1619 = arith.index_cast %swap3A_1616 : i32 to index
    %swap3A_1620 = arith.index_cast %swap3A_1617 : i32 to index
    %swap3A_1621 = arith.index_cast %swap3A_1618 : i32 to index
    %swap3A_1622 = arith.constant 112 : index
    %swap3A_1623 = tpu.vector_load %arg6[%swap3A_1619, %swap3A_1620, %swap3A_1621, %swap3A_1622] {strides = array<i32>} : memref<2x3x8x128xf32, #tpu.memory_space<vmem>>, vector<16xf32>,
    tpu.vector_store %arg6[%swap3A_1619, %swap3A_1620, %swap3A_1621, %swap3A_1622], %get3A_1567 {strides = array<i32>} : memref<2x3x8x128xf32, #tpu.memory_space<vmem>>, vector<16xf32>,
    %swap3A_1624 = arith.constant 0 : i32
    %swap3A_1625 = arith.constant 2 : i32
    %swap3A_1626 = arith.constant 7 : i32
    %swap3A_1627 = arith.index_cast %swap3A_1624 : i32 to index
    %swap3A_1628 = arith.index_cast %swap3A_1625 : i32 to index
    %swap3A_1629 = arith.index_cast %swap3A_1626 : i32 to index
    %swap3A_1630 = arith.constant 112 : index
    %swap3A_1631 = tpu.vector_load %arg6[%swap3A_1627, %swap3A_1628, %swap3A_1629, %swap3A_1630] {strides = array<i32>} : memref<2x3x8x128xf32, #tpu.memory_space<vmem>>, vector<16xf32>,
    tpu.vector_store %arg6[%swap3A_1627, %swap3A_1628, %swap3A_1629, %swap3A_1630], %get3A_1567 {strides = array<i32>} : memref<2x3x8x128xf32, #tpu.memory_space<vmem>>, vector<16xf32>,
    %mul3A_1632 = arith.constant 4 : i32
    %mul3A_1633 = arith.muli %add3A_1, %mul3A_1632 : i32
    %add3A_1634 = arith.constant 0 : i32
    %add3A_1635 = arith.addi %mul3A_1633, %add3A_1634 : i32
    %mul3A_1636 = arith.constant 6 : i32
    %mul3A_1637 = arith.muli %add3A_1635, %mul3A_1636 : i32
    %dma_start3A = arith.constant 0 : i32
    %dma_start3A_1638 = arith.constant 0 : i32
    %dma_start3A_1639 = arith.constant 0 : i32
    %dma_start3A_1640 = arith.constant 0 : i32
    %dma_start3A_1641 = tpu.memref_slice %arg6[%dma_start3A, %dma_start3A_1638, %dma_start3A_1639, %dma_start3A_1640] : memref<2x3x8x128xf32, #tpu.memory_space<vmem>> -> memref<1x3x8x128xf32, #tpu.memory_space<vmem>>
    %dma_start3A_1642 = tpu.memref_squeeze %dma_start3A_1641 : memref<1x3x8x128xf32, #tpu.memory_space<vmem>> -> memref<3x8x128xf32, #tpu.memory_space<vmem>>
    %dma_start3A_1643 = arith.constant 0 : i32
    %dma_start3A_1644 = arith.constant 0 : i32
    %dma_start3A_1645 = tpu.memref_slice %arg7[%mul3A_1637, %dma_start3A_1643, %dma_start3A_1644] : memref<768x8x128xf32, #tpu.memory_space<vmem_shared>> -> memref<3x8x128xf32, #tpu.memory_space<vmem_shared>>
    %dma_start3A_1646 = arith.constant 0 : i32
    %dma_start3A_1647 = arith.constant 0 : i32
    %dma_start3A_1648 = tpu.memref_slice %arg7[%mul3A_1637, %dma_start3A_1646, %dma_start3A_1647] : memref<768x8x128xf32, #tpu.memory_space<vmem_shared>> -> memref<3x8x128xf32, #tpu.memory_space<vmem_shared>>
    %dma_start3A_1649 = arith.constant 0 : i32
    %dma_start3A_1650 = arith.constant 0 : i32
    %dma_start3A_1651 = arith.constant 0 : i32
    %dma_start3A_1652 = tpu.memref_slice %arg6[%dma_start3A, %dma_start3A_1649, %dma_start3A_1650, %dma_start3A_1651] : memref<2x3x8x128xf32, #tpu.memory_space<vmem>> -> memref<1x3x8x128xf32, #tpu.memory_space<vmem>>
    %dma_start3A_1653 = tpu.memref_squeeze %dma_start3A_1652 : memref<1x3x8x128xf32, #tpu.memory_space<vmem>> -> memref<3x8x128xf32, #tpu.memory_space<vmem>>
    tpu.enqueue_dma source(%dma_start3A_1653 : memref<3x8x128xf32, #tpu.memory_space<vmem>>) target(%dma_start3A_1648 : memref<3x8x128xf32, #tpu.memory_space<vmem_shared>>) target_semaphore(%arg8 : memref<!tpu.dma_semaphore, #tpu.memory_space<semaphore_mem>>)
    %add3A_1654 = arith.constant 3 : i32
    %add3A_1655 = arith.addi %mul3A_1637, %add3A_1654 : i32
    %add3A_1656 = arith.constant 0 : i32
    %add3A_1657 = arith.addi %add3A_1655, %add3A_1656 : i32
    %dma_start3A_1658 = arith.constant 0 : i32
    %dma_start3A_1659 = arith.constant 0 : i32
    %dma_start3A_1660 = tpu.memref_slice %arg7[%add3A_1657, %dma_start3A_1658, %dma_start3A_1659] : memref<768x8x128xf32, #tpu.memory_space<vmem_shared>> -> memref<1x8x128xf32, #tpu.memory_space<vmem_shared>>
    %dma_start3A_1661 = tpu.memref_squeeze %dma_start3A_1660 : memref<1x8x128xf32, #tpu.memory_space<vmem_shared>> -> memref<8x128xf32, #tpu.memory_space<vmem_shared>>
    %dma_start3A_1662 = arith.constant 0 : i32
    %dma_start3A_1663 = arith.constant 0 : i32
    %dma_start3A_1664 = tpu.memref_slice %arg3[%dma_start3A_1662, %dma_start3A_1663] : memref<64x384xf32, #tpu.memory_space<hbm>> -> memref<8x128xf32, #tpu.memory_space<hbm>>
    tpu.enqueue_dma source(%dma_start3A_1664 : memref<8x128xf32, #tpu.memory_space<hbm>>) target(%dma_start3A_1661 : memref<8x128xf32, #tpu.memory_space<vmem_shared>>) target_semaphore(%arg8 : memref<!tpu.dma_semaphore, #tpu.memory_space<semaphore_mem>>)
    %add3A_1665 = arith.constant 3 : i32
    %add3A_1666 = arith.addi %mul3A_1637, %add3A_1665 : i32
    %add3A_1667 = arith.constant 1 : i32
    %add3A_1668 = arith.addi %add3A_1666, %add3A_1667 : i32
    %dma_start3A_1669 = arith.constant 0 : i32
    %dma_start3A_1670 = arith.constant 0 : i32
    %dma_start3A_1671 = tpu.memref_slice %arg7[%add3A_1668, %dma_start3A_1669, %dma_start3A_1670] : memref<768x8x128xf32, #tpu.memory_space<vmem_shared>> -> memref<1x8x128xf32, #tpu.memory_space<vmem_shared>>
    %dma_start3A_1672 = tpu.memref_squeeze %dma_start3A_1671 : memref<1x8x128xf32, #tpu.memory_space<vmem_shared>> -> memref<8x128xf32, #tpu.memory_space<vmem_shared>>
    %dma_start3A_1673 = arith.constant 0 : i32
    %dma_start3A_1674 = arith.constant 128 : i32
    %dma_start3A_1675 = tpu.memref_slice %arg3[%dma_start3A_1673, %dma_start3A_1674] : memref<64x384xf32, #tpu.memory_space<hbm>> -> memref<8x128xf32, #tpu.memory_space<hbm>>
    tpu.enqueue_dma source(%dma_start3A_1675 : memref<8x128xf32, #tpu.memory_space<hbm>>) target(%dma_start3A_1672 : memref<8x128xf32, #tpu.memory_space<vmem_shared>>) target_semaphore(%arg8 : memref<!tpu.dma_semaphore, #tpu.memory_space<semaphore_mem>>)
    %add3A_1676 = arith.constant 3 : i32
    %add3A_1677 = arith.addi %mul3A_1637, %add3A_1676 : i32
    %add3A_1678 = arith.constant 2 : i32
    %add3A_1679 = arith.addi %add3A_1677, %add3A_1678 : i32
    %dma_start3A_1680 = arith.constant 0 : i32
    %dma_start3A_1681 = arith.constant 0 : i32
    %dma_start3A_1682 = tpu.memref_slice %arg7[%add3A_1679, %dma_start3A_1680, %dma_start3A_1681] : memref<768x8x128xf32, #tpu.memory_space<vmem_shared>> -> memref<1x8x128xf32, #tpu.memory_space<vmem_shared>>
    %dma_start3A_1683 = tpu.memref_squeeze %dma_start3A_1682 : memref<1x8x128xf32, #tpu.memory_space<vmem_shared>> -> memref<8x128xf32, #tpu.memory_space<vmem_shared>>
    %dma_start3A_1684 = arith.constant 0 : i32
    %dma_start3A_1685 = arith.constant 256 : i32
    %dma_start3A_1686 = tpu.memref_slice %arg3[%dma_start3A_1684, %dma_start3A_1685] : memref<64x384xf32, #tpu.memory_space<hbm>> -> memref<8x128xf32, #tpu.memory_space<hbm>>
    tpu.enqueue_dma source(%dma_start3A_1686 : memref<8x128xf32, #tpu.memory_space<hbm>>) target(%dma_start3A_1683 : memref<8x128xf32, #tpu.memory_space<vmem_shared>>) target_semaphore(%arg8 : memref<!tpu.dma_semaphore, #tpu.memory_space<semaphore_mem>>)
    %mul3A_1687 = arith.constant 4 : i32
    %mul3A_1688 = arith.muli %add3A_1, %mul3A_1687 : i32
    %add3A_1689 = arith.constant 1 : i32
    %add3A_1690 = arith.addi %mul3A_1688, %add3A_1689 : i32
    %mul3A_1691 = arith.constant 6 : i32
    %mul3A_1692 = arith.muli %add3A_1690, %mul3A_1691 : i32
    %dma_start3A_1693 = arith.constant 0 : i32
    %dma_start3A_1694 = arith.constant 0 : i32
    %dma_start3A_1695 = arith.constant 0 : i32
    %dma_start3A_1696 = arith.constant 0 : i32
    %dma_start3A_1697 = tpu.memref_slice %arg6[%dma_start3A_1693, %dma_start3A_1694, %dma_start3A_1695, %dma_start3A_1696] : memref<2x3x8x128xf32, #tpu.memory_space<vmem>> -> memref<1x3x8x128xf32, #tpu.memory_space<vmem>>
    %dma_start3A_1698 = tpu.memref_squeeze %dma_start3A_1697 : memref<1x3x8x128xf32, #tpu.memory_space<vmem>> -> memref<3x8x128xf32, #tpu.memory_space<vmem>>
    %dma_start3A_1699 = arith.constant 0 : i32
    %dma_start3A_1700 = arith.constant 0 : i32
    %dma_start3A_1701 = tpu.memref_slice %arg7[%mul3A_1692, %dma_start3A_1699, %dma_start3A_1700] : memref<768x8x128xf32, #tpu.memory_space<vmem_shared>> -> memref<3x8x128xf32, #tpu.memory_space<vmem_shared>>
    %dma_start3A_1702 = arith.constant 0 : i32
    %dma_start3A_1703 = arith.constant 0 : i32
    %dma_start3A_1704 = tpu.memref_slice %arg7[%mul3A_1692, %dma_start3A_1702, %dma_start3A_1703] : memref<768x8x128xf32, #tpu.memory_space<vmem_shared>> -> memref<3x8x128xf32, #tpu.memory_space<vmem_shared>>
    %dma_start3A_1705 = arith.constant 0 : i32
    %dma_start3A_1706 = arith.constant 0 : i32
    %dma_start3A_1707 = arith.constant 0 : i32
    %dma_start3A_1708 = tpu.memref_slice %arg6[%dma_start3A_1693, %dma_start3A_1705, %dma_start3A_1706, %dma_start3A_1707] : memref<2x3x8x128xf32, #tpu.memory_space<vmem>> -> memref<1x3x8x128xf32, #tpu.memory_space<vmem>>
    %dma_start3A_1709 = tpu.memref_squeeze %dma_start3A_1708 : memref<1x3x8x128xf32, #tpu.memory_space<vmem>> -> memref<3x8x128xf32, #tpu.memory_space<vmem>>
    tpu.enqueue_dma source(%dma_start3A_1709 : memref<3x8x128xf32, #tpu.memory_space<vmem>>) target(%dma_start3A_1704 : memref<3x8x128xf32, #tpu.memory_space<vmem_shared>>) target_semaphore(%arg8 : memref<!tpu.dma_semaphore, #tpu.memory_space<semaphore_mem>>)
    %add3A_1710 = arith.constant 3 : i32
    %add3A_1711 = arith.addi %mul3A_1692, %add3A_1710 : i32
    %add3A_1712 = arith.constant 0 : i32
    %add3A_1713 = arith.addi %add3A_1711, %add3A_1712 : i32
    %dma_start3A_1714 = arith.constant 0 : i32
    %dma_start3A_1715 = arith.constant 0 : i32
    %dma_start3A_1716 = tpu.memref_slice %arg7[%add3A_1713, %dma_start3A_1714, %dma_start3A_1715] : memref<768x8x128xf32, #tpu.memory_space<vmem_shared>> -> memref<1x8x128xf32, #tpu.memory_space<vmem_shared>>
    %dma_start3A_1717 = tpu.memref_squeeze %dma_start3A_1716 : memref<1x8x128xf32, #tpu.memory_space<vmem_shared>> -> memref<8x128xf32, #tpu.memory_space<vmem_shared>>
    %dma_start3A_1718 = arith.constant 8 : i32
    %dma_start3A_1719 = arith.constant 0 : i32
    %dma_start3A_1720 = tpu.memref_slice %arg3[%dma_start3A_1718, %dma_start3A_1719] : memref<64x384xf32, #tpu.memory_space<hbm>> -> memref<8x128xf32, #tpu.memory_space<hbm>>
    tpu.enqueue_dma source(%dma_start3A_1720 : memref<8x128xf32, #tpu.memory_space<hbm>>) target(%dma_start3A_1717 : memref<8x128xf32, #tpu.memory_space<vmem_shared>>) target_semaphore(%arg8 : memref<!tpu.dma_semaphore, #tpu.memory_space<semaphore_mem>>)
    %add3A_1721 = arith.constant 3 : i32
    %add3A_1722 = arith.addi %mul3A_1692, %add3A_1721 : i32
    %add3A_1723 = arith.constant 1 : i32
    %add3A_1724 = arith.addi %add3A_1722, %add3A_1723 : i32
    %dma_start3A_1725 = arith.constant 0 : i32
    %dma_start3A_1726 = arith.constant 0 : i32
    %dma_start3A_1727 = tpu.memref_slice %arg7[%add3A_1724, %dma_start3A_1725, %dma_start3A_1726] : memref<768x8x128xf32, #tpu.memory_space<vmem_shared>> -> memref<1x8x128xf32, #tpu.memory_space<vmem_shared>>
    %dma_start3A_1728 = tpu.memref_squeeze %dma_start3A_1727 : memref<1x8x128xf32, #tpu.memory_space<vmem_shared>> -> memref<8x128xf32, #tpu.memory_space<vmem_shared>>
    %dma_start3A_1729 = arith.constant 8 : i32
    %dma_start3A_1730 = arith.constant 128 : i32
    %dma_start3A_1731 = tpu.memref_slice %arg3[%dma_start3A_1729, %dma_start3A_1730] : memref<64x384xf32, #tpu.memory_space<hbm>> -> memref<8x128xf32, #tpu.memory_space<hbm>>
    tpu.enqueue_dma source(%dma_start3A_1731 : memref<8x128xf32, #tpu.memory_space<hbm>>) target(%dma_start3A_1728 : memref<8x128xf32, #tpu.memory_space<vmem_shared>>) target_semaphore(%arg8 : memref<!tpu.dma_semaphore, #tpu.memory_space<semaphore_mem>>)
    %add3A_1732 = arith.constant 3 : i32
    %add3A_1733 = arith.addi %mul3A_1692, %add3A_1732 : i32
    %add3A_1734 = arith.constant 2 : i32
    %add3A_1735 = arith.addi %add3A_1733, %add3A_1734 : i32
    %dma_start3A_1736 = arith.constant 0 : i32
    %dma_start3A_1737 = arith.constant 0 : i32
    %dma_start3A_1738 = tpu.memref_slice %arg7[%add3A_1735, %dma_start3A_1736, %dma_start3A_1737] : memref<768x8x128xf32, #tpu.memory_space<vmem_shared>> -> memref<1x8x128xf32, #tpu.memory_space<vmem_shared>>
    %dma_start3A_1739 = tpu.memref_squeeze %dma_start3A_1738 : memref<1x8x128xf32, #tpu.memory_space<vmem_shared>> -> memref<8x128xf32, #tpu.memory_space<vmem_shared>>
    %dma_start3A_1740 = arith.constant 8 : i32
    %dma_start3A_1741 = arith.constant 256 : i32
    %dma_start3A_1742 = tpu.memref_slice %arg3[%dma_start3A_1740, %dma_start3A_1741] : memref<64x384xf32, #tpu.memory_space<hbm>> -> memref<8x128xf32, #tpu.memory_space<hbm>>
    tpu.enqueue_dma source(%dma_start3A_1742 : memref<8x128xf32, #tpu.memory_space<hbm>>) target(%dma_start3A_1739 : memref<8x128xf32, #tpu.memory_space<vmem_shared>>) target_semaphore(%arg8 : memref<!tpu.dma_semaphore, #tpu.memory_space<semaphore_mem>>)
    %mul3A_1743 = arith.constant 4 : i32
    %mul3A_1744 = arith.muli %add3A_1, %mul3A_1743 : i32
    %add3A_1745 = arith.constant 2 : i32
    %add3A_1746 = arith.addi %mul3A_1744, %add3A_1745 : i32
    %mul3A_1747 = arith.constant 6 : i32
    %mul3A_1748 = arith.muli %add3A_1746, %mul3A_1747 : i32
    %dma_start3A_1749 = arith.constant 0 : i32
    %dma_start3A_1750 = arith.constant 0 : i32
    %dma_start3A_1751 = arith.constant 0 : i32
    %dma_start3A_1752 = arith.constant 0 : i32
    %dma_start3A_1753 = tpu.memref_slice %arg6[%dma_start3A_1749, %dma_start3A_1750, %dma_start3A_1751, %dma_start3A_1752] : memref<2x3x8x128xf32, #tpu.memory_space<vmem>> -> memref<1x3x8x128xf32, #tpu.memory_space<vmem>>
    %dma_start3A_1754 = tpu.memref_squeeze %dma_start3A_1753 : memref<1x3x8x128xf32, #tpu.memory_space<vmem>> -> memref<3x8x128xf32, #tpu.memory_space<vmem>>
    %dma_start3A_1755 = arith.constant 0 : i32
    %dma_start3A_1756 = arith.constant 0 : i32
    %dma_start3A_1757 = tpu.memref_slice %arg7[%mul3A_1748, %dma_start3A_1755, %dma_start3A_1756] : memref<768x8x128xf32, #tpu.memory_space<vmem_shared>> -> memref<3x8x128xf32, #tpu.memory_space<vmem_shared>>
    %dma_start3A_1758 = arith.constant 0 : i32
    %dma_start3A_1759 = arith.constant 0 : i32
    %dma_start3A_1760 = tpu.memref_slice %arg7[%mul3A_1748, %dma_start3A_1758, %dma_start3A_1759] : memref<768x8x128xf32, #tpu.memory_space<vmem_shared>> -> memref<3x8x128xf32, #tpu.memory_space<vmem_shared>>
    %dma_start3A_1761 = arith.constant 0 : i32
    %dma_start3A_1762 = arith.constant 0 : i32
    %dma_start3A_1763 = arith.constant 0 : i32
    %dma_start3A_1764 = tpu.memref_slice %arg6[%dma_start3A_1749, %dma_start3A_1761, %dma_start3A_1762, %dma_start3A_1763] : memref<2x3x8x128xf32, #tpu.memory_space<vmem>> -> memref<1x3x8x128xf32, #tpu.memory_space<vmem>>
    %dma_start3A_1765 = tpu.memref_squeeze %dma_start3A_1764 : memref<1x3x8x128xf32, #tpu.memory_space<vmem>> -> memref<3x8x128xf32, #tpu.memory_space<vmem>>
    tpu.enqueue_dma source(%dma_start3A_1765 : memref<3x8x128xf32, #tpu.memory_space<vmem>>) target(%dma_start3A_1760 : memref<3x8x128xf32, #tpu.memory_space<vmem_shared>>) target_semaphore(%arg8 : memref<!tpu.dma_semaphore, #tpu.memory_space<semaphore_mem>>)
    %add3A_1766 = arith.constant 3 : i32
    %add3A_1767 = arith.addi %mul3A_1748, %add3A_1766 : i32
    %add3A_1768 = arith.constant 0 : i32
    %add3A_1769 = arith.addi %add3A_1767, %add3A_1768 : i32
    %dma_start3A_1770 = arith.constant 0 : i32
    %dma_start3A_1771 = arith.constant 0 : i32
    %dma_start3A_1772 = tpu.memref_slice %arg7[%add3A_1769, %dma_start3A_1770, %dma_start3A_1771] : memref<768x8x128xf32, #tpu.memory_space<vmem_shared>> -> memref<1x8x128xf32, #tpu.memory_space<vmem_shared>>
    %dma_start3A_1773 = tpu.memref_squeeze %dma_start3A_1772 : memref<1x8x128xf32, #tpu.memory_space<vmem_shared>> -> memref<8x128xf32, #tpu.memory_space<vmem_shared>>
    %dma_start3A_1774 = arith.constant 16 : i32
    %dma_start3A_1775 = arith.constant 0 : i32
    %dma_start3A_1776 = tpu.memref_slice %arg3[%dma_start3A_1774, %dma_start3A_1775] : memref<64x384xf32, #tpu.memory_space<hbm>> -> memref<8x128xf32, #tpu.memory_space<hbm>>
    tpu.enqueue_dma source(%dma_start3A_1776 : memref<8x128xf32, #tpu.memory_space<hbm>>) target(%dma_start3A_1773 : memref<8x128xf32, #tpu.memory_space<vmem_shared>>) target_semaphore(%arg8 : memref<!tpu.dma_semaphore, #tpu.memory_space<semaphore_mem>>)
    %add3A_1777 = arith.constant 3 : i32
    %add3A_1778 = arith.addi %mul3A_1748, %add3A_1777 : i32
    %add3A_1779 = arith.constant 1 : i32
    %add3A_1780 = arith.addi %add3A_1778, %add3A_1779 : i32
    %dma_start3A_1781 = arith.constant 0 : i32
    %dma_start3A_1782 = arith.constant 0 : i32
    %dma_start3A_1783 = tpu.memref_slice %arg7[%add3A_1780, %dma_start3A_1781, %dma_start3A_1782] : memref<768x8x128xf32, #tpu.memory_space<vmem_shared>> -> memref<1x8x128xf32, #tpu.memory_space<vmem_shared>>
    %dma_start3A_1784 = tpu.memref_squeeze %dma_start3A_1783 : memref<1x8x128xf32, #tpu.memory_space<vmem_shared>> -> memref<8x128xf32, #tpu.memory_space<vmem_shared>>
    %dma_start3A_1785 = arith.constant 16 : i32
    %dma_start3A_1786 = arith.constant 128 : i32
    %dma_start3A_1787 = tpu.memref_slice %arg3[%dma_start3A_1785, %dma_start3A_1786] : memref<64x384xf32, #tpu.memory_space<hbm>> -> memref<8x128xf32, #tpu.memory_space<hbm>>
    tpu.enqueue_dma source(%dma_start3A_1787 : memref<8x128xf32, #tpu.memory_space<hbm>>) target(%dma_start3A_1784 : memref<8x128xf32, #tpu.memory_space<vmem_shared>>) target_semaphore(%arg8 : memref<!tpu.dma_semaphore, #tpu.memory_space<semaphore_mem>>)
    %add3A_1788 = arith.constant 3 : i32
    %add3A_1789 = arith.addi %mul3A_1748, %add3A_1788 : i32
    %add3A_1790 = arith.constant 2 : i32
    %add3A_1791 = arith.addi %add3A_1789, %add3A_1790 : i32
    %dma_start3A_1792 = arith.constant 0 : i32
    %dma_start3A_1793 = arith.constant 0 : i32
    %dma_start3A_1794 = tpu.memref_slice %arg7[%add3A_1791, %dma_start3A_1792, %dma_start3A_1793] : memref<768x8x128xf32, #tpu.memory_space<vmem_shared>> -> memref<1x8x128xf32, #tpu.memory_space<vmem_shared>>
    %dma_start3A_1795 = tpu.memref_squeeze %dma_start3A_1794 : memref<1x8x128xf32, #tpu.memory_space<vmem_shared>> -> memref<8x128xf32, #tpu.memory_space<vmem_shared>>
    %dma_start3A_1796 = arith.constant 16 : i32
    %dma_start3A_1797 = arith.constant 256 : i32
    %dma_start3A_1798 = tpu.memref_slice %arg3[%dma_start3A_1796, %dma_start3A_1797] : memref<64x384xf32, #tpu.memory_space<hbm>> -> memref<8x128xf32, #tpu.memory_space<hbm>>
    tpu.enqueue_dma source(%dma_start3A_1798 : memref<8x128xf32, #tpu.memory_space<hbm>>) target(%dma_start3A_1795 : memref<8x128xf32, #tpu.memory_space<vmem_shared>>) target_semaphore(%arg8 : memref<!tpu.dma_semaphore, #tpu.memory_space<semaphore_mem>>)
    %mul3A_1799 = arith.constant 4 : i32
    %mul3A_1800 = arith.muli %add3A_1, %mul3A_1799 : i32
    %add3A_1801 = arith.constant 3 : i32
    %add3A_1802 = arith.addi %mul3A_1800, %add3A_1801 : i32
    %mul3A_1803 = arith.constant 6 : i32
    %mul3A_1804 = arith.muli %add3A_1802, %mul3A_1803 : i32
    %dma_start3A_1805 = arith.constant 0 : i32
    %dma_start3A_1806 = arith.constant 0 : i32
    %dma_start3A_1807 = arith.constant 0 : i32
    %dma_start3A_1808 = arith.constant 0 : i32
    %dma_start3A_1809 = tpu.memref_slice %arg6[%dma_start3A_1805, %dma_start3A_1806, %dma_start3A_1807, %dma_start3A_1808] : memref<2x3x8x128xf32, #tpu.memory_space<vmem>> -> memref<1x3x8x128xf32, #tpu.memory_space<vmem>>
    %dma_start3A_1810 = tpu.memref_squeeze %dma_start3A_1809 : memref<1x3x8x128xf32, #tpu.memory_space<vmem>> -> memref<3x8x128xf32, #tpu.memory_space<vmem>>
    %dma_start3A_1811 = arith.constant 0 : i32
    %dma_start3A_1812 = arith.constant 0 : i32
    %dma_start3A_1813 = tpu.memref_slice %arg7[%mul3A_1804, %dma_start3A_1811, %dma_start3A_1812] : memref<768x8x128xf32, #tpu.memory_space<vmem_shared>> -> memref<3x8x128xf32, #tpu.memory_space<vmem_shared>>
    %dma_start3A_1814 = arith.constant 0 : i32
    %dma_start3A_1815 = arith.constant 0 : i32
    %dma_start3A_1816 = tpu.memref_slice %arg7[%mul3A_1804, %dma_start3A_1814, %dma_start3A_1815] : memref<768x8x128xf32, #tpu.memory_space<vmem_shared>> -> memref<3x8x128xf32, #tpu.memory_space<vmem_shared>>
    %dma_start3A_1817 = arith.constant 0 : i32
    %dma_start3A_1818 = arith.constant 0 : i32
    %dma_start3A_1819 = arith.constant 0 : i32
    %dma_start3A_1820 = tpu.memref_slice %arg6[%dma_start3A_1805, %dma_start3A_1817, %dma_start3A_1818, %dma_start3A_1819] : memref<2x3x8x128xf32, #tpu.memory_space<vmem>> -> memref<1x3x8x128xf32, #tpu.memory_space<vmem>>
    %dma_start3A_1821 = tpu.memref_squeeze %dma_start3A_1820 : memref<1x3x8x128xf32, #tpu.memory_space<vmem>> -> memref<3x8x128xf32, #tpu.memory_space<vmem>>
    tpu.enqueue_dma source(%dma_start3A_1821 : memref<3x8x128xf32, #tpu.memory_space<vmem>>) target(%dma_start3A_1816 : memref<3x8x128xf32, #tpu.memory_space<vmem_shared>>) target_semaphore(%arg8 : memref<!tpu.dma_semaphore, #tpu.memory_space<semaphore_mem>>)
    %add3A_1822 = arith.constant 3 : i32
    %add3A_1823 = arith.addi %mul3A_1804, %add3A_1822 : i32
    %add3A_1824 = arith.constant 0 : i32
    %add3A_1825 = arith.addi %add3A_1823, %add3A_1824 : i32
    %dma_start3A_1826 = arith.constant 0 : i32
    %dma_start3A_1827 = arith.constant 0 : i32
    %dma_start3A_1828 = tpu.memref_slice %arg7[%add3A_1825, %dma_start3A_1826, %dma_start3A_1827] : memref<768x8x128xf32, #tpu.memory_space<vmem_shared>> -> memref<1x8x128xf32, #tpu.memory_space<vmem_shared>>
    %dma_start3A_1829 = tpu.memref_squeeze %dma_start3A_1828 : memref<1x8x128xf32, #tpu.memory_space<vmem_shared>> -> memref<8x128xf32, #tpu.memory_space<vmem_shared>>
    %dma_start3A_1830 = arith.constant 24 : i32
    %dma_start3A_1831 = arith.constant 0 : i32
    %dma_start3A_1832 = tpu.memref_slice %arg3[%dma_start3A_1830, %dma_start3A_1831] : memref<64x384xf32, #tpu.memory_space<hbm>> -> memref<8x128xf32, #tpu.memory_space<hbm>>
    tpu.enqueue_dma source(%dma_start3A_1832 : memref<8x128xf32, #tpu.memory_space<hbm>>) target(%dma_start3A_1829 : memref<8x128xf32, #tpu.memory_space<vmem_shared>>) target_semaphore(%arg8 : memref<!tpu.dma_semaphore, #tpu.memory_space<semaphore_mem>>)
    %add3A_1833 = arith.constant 3 : i32
    %add3A_1834 = arith.addi %mul3A_1804, %add3A_1833 : i32
    %add3A_1835 = arith.constant 1 : i32
    %add3A_1836 = arith.addi %add3A_1834, %add3A_1835 : i32
    %dma_start3A_1837 = arith.constant 0 : i32
    %dma_start3A_1838 = arith.constant 0 : i32
    %dma_start3A_1839 = tpu.memref_slice %arg7[%add3A_1836, %dma_start3A_1837, %dma_start3A_1838] : memref<768x8x128xf32, #tpu.memory_space<vmem_shared>> -> memref<1x8x128xf32, #tpu.memory_space<vmem_shared>>
    %dma_start3A_1840 = tpu.memref_squeeze %dma_start3A_1839 : memref<1x8x128xf32, #tpu.memory_space<vmem_shared>> -> memref<8x128xf32, #tpu.memory_space<vmem_shared>>
    %dma_start3A_1841 = arith.constant 24 : i32
    %dma_start3A_1842 = arith.constant 128 : i32
    %dma_start3A_1843 = tpu.memref_slice %arg3[%dma_start3A_1841, %dma_start3A_1842] : memref<64x384xf32, #tpu.memory_space<hbm>> -> memref<8x128xf32, #tpu.memory_space<hbm>>
    tpu.enqueue_dma source(%dma_start3A_1843 : memref<8x128xf32, #tpu.memory_space<hbm>>) target(%dma_start3A_1840 : memref<8x128xf32, #tpu.memory_space<vmem_shared>>) target_semaphore(%arg8 : memref<!tpu.dma_semaphore, #tpu.memory_space<semaphore_mem>>)
    %add3A_1844 = arith.constant 3 : i32
    %add3A_1845 = arith.addi %mul3A_1804, %add3A_1844 : i32
    %add3A_1846 = arith.constant 2 : i32
    %add3A_1847 = arith.addi %add3A_1845, %add3A_1846 : i32
    %dma_start3A_1848 = arith.constant 0 : i32
    %dma_start3A_1849 = arith.constant 0 : i32
    %dma_start3A_1850 = tpu.memref_slice %arg7[%add3A_1847, %dma_start3A_1848, %dma_start3A_1849] : memref<768x8x128xf32, #tpu.memory_space<vmem_shared>> -> memref<1x8x128xf32, #tpu.memory_space<vmem_shared>>
    %dma_start3A_1851 = tpu.memref_squeeze %dma_start3A_1850 : memref<1x8x128xf32, #tpu.memory_space<vmem_shared>> -> memref<8x128xf32, #tpu.memory_space<vmem_shared>>
    %dma_start3A_1852 = arith.constant 24 : i32
    %dma_start3A_1853 = arith.constant 256 : i32
    %dma_start3A_1854 = tpu.memref_slice %arg3[%dma_start3A_1852, %dma_start3A_1853] : memref<64x384xf32, #tpu.memory_space<hbm>> -> memref<8x128xf32, #tpu.memory_space<hbm>>
    tpu.enqueue_dma source(%dma_start3A_1854 : memref<8x128xf32, #tpu.memory_space<hbm>>) target(%dma_start3A_1851 : memref<8x128xf32, #tpu.memory_space<vmem_shared>>) target_semaphore(%arg8 : memref<!tpu.dma_semaphore, #tpu.memory_space<semaphore_mem>>)
    %mul3A_1855 = arith.constant 2 : i32
    %mul3A_1856 = arith.muli %arg1, %mul3A_1855 : i32
    %add3A_1857 = arith.constant 1 : i32
    %add3A_1858 = arith.addi %mul3A_1856, %add3A_1857 : i32
    %run_scoped3A_1859 = arith.constant 1 : i32
    "tpu.region"() ({
      %run_scoped3A_4069 = tpu.sem_alloc : memref<!tpu.dma_semaphore, #tpu.memory_space<semaphore_mem>>
      %dma_start3A_4070 = arith.constant 0 : i32
      %dma_start3A_4071 = tpu.memref_slice %arg5[%run_scoped3A_1859, %dma_start3A_4070] : memref<2x384xf32, #tpu.memory_space<vmem>> -> memref<1x384xf32, #tpu.memory_space<vmem>>
      %dma_start3A_4072 = tpu.memref_squeeze %dma_start3A_4071 : memref<1x384xf32, #tpu.memory_space<vmem>> -> memref<384xf32, #tpu.memory_space<vmem>>
      %dma_start3A_4073 = arith.constant 0 : i32
      %dma_start3A_4074 = tpu.memref_slice %arg2[%add3A_1858, %dma_start3A_4073] : memref<64x384xf32, #tpu.memory_space<hbm>> -> memref<1x384xf32, #tpu.memory_space<hbm>>
      %dma_start3A_4075 = tpu.memref_squeeze %dma_start3A_4074 : memref<1x384xf32, #tpu.memory_space<hbm>> -> memref<384xf32, #tpu.memory_space<hbm>>
      %dma_start3A_4076 = arith.constant 0 : i32
      %dma_start3A_4077 = tpu.memref_slice %arg5[%run_scoped3A_1859, %dma_start3A_4076] : memref<2x384xf32, #tpu.memory_space<vmem>> -> memref<1x384xf32, #tpu.memory_space<vmem>>
      %dma_start3A_4078 = tpu.memref_squeeze %dma_start3A_4077 : memref<1x384xf32, #tpu.memory_space<vmem>> -> memref<384xf32, #tpu.memory_space<vmem>>
      %dma_start3A_4079 = arith.constant 0 : i32
      %dma_start3A_4080 = tpu.memref_slice %arg2[%add3A_1858, %dma_start3A_4079] : memref<64x384xf32, #tpu.memory_space<hbm>> -> memref<1x384xf32, #tpu.memory_space<hbm>>
      %dma_start3A_4081 = tpu.memref_squeeze %dma_start3A_4080 : memref<1x384xf32, #tpu.memory_space<hbm>> -> memref<384xf32, #tpu.memory_space<hbm>>
      tpu.enqueue_dma source(%dma_start3A_4081 : memref<384xf32, #tpu.memory_space<hbm>>) target(%dma_start3A_4078 : memref<384xf32, #tpu.memory_space<vmem>>) target_semaphore(%run_scoped3A_4069 : memref<!tpu.dma_semaphore, #tpu.memory_space<semaphore_mem>>)
      %dma_wait3A_4082 = arith.constant 0 : i32
      %dma_wait3A_4083 = tpu.memref_slice %arg5[%run_scoped3A_1859, %dma_wait3A_4082] : memref<2x384xf32, #tpu.memory_space<vmem>> -> memref<1x384xf32, #tpu.memory_space<vmem>>
      %dma_wait3A_4084 = tpu.memref_squeeze %dma_wait3A_4083 : memref<1x384xf32, #tpu.memory_space<vmem>> -> memref<384xf32, #tpu.memory_space<vmem>>
      %dma_wait3A_4085 = arith.constant 0 : i32
      %dma_wait3A_4086 = tpu.memref_slice %arg2[%add3A_1858, %dma_wait3A_4085] : memref<64x384xf32, #tpu.memory_space<hbm>> -> memref<1x384xf32, #tpu.memory_space<hbm>>
      %dma_wait3A_4087 = tpu.memref_squeeze %dma_wait3A_4086 : memref<1x384xf32, #tpu.memory_space<hbm>> -> memref<384xf32, #tpu.memory_space<hbm>>
      %dma_wait3A_4088 = arith.constant 0 : i32
      %dma_wait3A_4089 = tpu.memref_slice %arg5[%run_scoped3A_1859, %dma_wait3A_4088] : memref<2x384xf32, #tpu.memory_space<vmem>> -> memref<1x384xf32, #tpu.memory_space<vmem>>
      %dma_wait3A_4090 = tpu.memref_squeeze %dma_wait3A_4089 : memref<1x384xf32, #tpu.memory_space<vmem>> -> memref<384xf32, #tpu.memory_space<vmem>>
      %dma_wait3A_4091 = arith.constant 0 : i32
      %dma_wait3A_4092 = tpu.memref_slice %arg2[%add3A_1858, %dma_wait3A_4091] : memref<64x384xf32, #tpu.memory_space<hbm>> -> memref<1x384xf32, #tpu.memory_space<hbm>>
      %dma_wait3A_4093 = tpu.memref_squeeze %dma_wait3A_4092 : memref<1x384xf32, #tpu.memory_space<hbm>> -> memref<384xf32, #tpu.memory_space<hbm>>
      tpu.wait_dma2 semaphore(%run_scoped3A_4069 : memref<!tpu.dma_semaphore, #tpu.memory_space<semaphore_mem>>) src(%dma_wait3A_4093 : memref<384xf32, #tpu.memory_space<hbm>>) dst(%dma_wait3A_4090 : memref<384xf32, #tpu.memory_space<vmem>>)
      tpu.yield
    }) : () -> ()
    %get3A_1860 = arith.constant 1 : i32
    %get3A_1861 = arith.index_cast %get3A_1860 : i32 to index
    %get3A_1862 = arith.constant 0 : index
    %get3A_1863 = tpu.vector_load %arg5[%get3A_1861, %get3A_1862] {strides = array<i32>} : memref<2x384xf32, #tpu.memory_space<vmem>>, vector<16xf32>,
    %swap3A_1864 = arith.constant 1 : i32
    %swap3A_1865 = arith.constant 0 : i32
    %swap3A_1866 = arith.constant 0 : i32
    %swap3A_1867 = arith.index_cast %swap3A_1864 : i32 to index
    %swap3A_1868 = arith.index_cast %swap3A_1865 : i32 to index
    %swap3A_1869 = arith.index_cast %swap3A_1866 : i32 to index
    %swap3A_1870 = arith.constant 0 : index
    %swap3A_1871 = tpu.vector_load %arg6[%swap3A_1867, %swap3A_1868, %swap3A_1869, %swap3A_1870] {strides = array<i32>} : memref<2x3x8x128xf32, #tpu.memory_space<vmem>>, vector<16xf32>,
    tpu.vector_store %arg6[%swap3A_1867, %swap3A_1868, %swap3A_1869, %swap3A_1870], %get3A_1863 {strides = array<i32>} : memref<2x3x8x128xf32, #tpu.memory_space<vmem>>, vector<16xf32>,
    %swap3A_1872 = arith.constant 1 : i32
    %swap3A_1873 = arith.constant 0 : i32
    %swap3A_1874 = arith.constant 1 : i32
    %swap3A_1875 = arith.index_cast %swap3A_1872 : i32 to index
    %swap3A_1876 = arith.index_cast %swap3A_1873 : i32 to index
    %swap3A_1877 = arith.index_cast %swap3A_1874 : i32 to index
    %swap3A_1878 = arith.constant 0 : index
    %swap3A_1879 = tpu.vector_load %arg6[%swap3A_1875, %swap3A_1876, %swap3A_1877, %swap3A_1878] {strides = array<i32>} : memref<2x3x8x128xf32, #tpu.memory_space<vmem>>, vector<16xf32>,
    tpu.vector_store %arg6[%swap3A_1875, %swap3A_1876, %swap3A_1877, %swap3A_1878], %get3A_1863 {strides = array<i32>} : memref<2x3x8x128xf32, #tpu.memory_space<vmem>>, vector<16xf32>,
    %swap3A_1880 = arith.constant 1 : i32
    %swap3A_1881 = arith.constant 0 : i32
    %swap3A_1882 = arith.constant 2 : i32
    %swap3A_1883 = arith.index_cast %swap3A_1880 : i32 to index
    %swap3A_1884 = arith.index_cast %swap3A_1881 : i32 to index
    %swap3A_1885 = arith.index_cast %swap3A_1882 : i32 to index
    %swap3A_1886 = arith.constant 0 : index
    %swap3A_1887 = tpu.vector_load %arg6[%swap3A_1883, %swap3A_1884, %swap3A_1885, %swap3A_1886] {strides = array<i32>} : memref<2x3x8x128xf32, #tpu.memory_space<vmem>>, vector<16xf32>,
    tpu.vector_store %arg6[%swap3A_1883, %swap3A_1884, %swap3A_1885, %swap3A_1886], %get3A_1863 {strides = array<i32>} : memref<2x3x8x128xf32, #tpu.memory_space<vmem>>, vector<16xf32>,
    %swap3A_1888 = arith.constant 1 : i32
    %swap3A_1889 = arith.constant 0 : i32
    %swap3A_1890 = arith.constant 3 : i32
    %swap3A_1891 = arith.index_cast %swap3A_1888 : i32 to index
    %swap3A_1892 = arith.index_cast %swap3A_1889 : i32 to index
    %swap3A_1893 = arith.index_cast %swap3A_1890 : i32 to index
    %swap3A_1894 = arith.constant 0 : index
    %swap3A_1895 = tpu.vector_load %arg6[%swap3A_1891, %swap3A_1892, %swap3A_1893, %swap3A_1894] {strides = array<i32>} : memref<2x3x8x128xf32, #tpu.memory_space<vmem>>, vector<16xf32>,
    tpu.vector_store %arg6[%swap3A_1891, %swap3A_1892, %swap3A_1893, %swap3A_1894], %get3A_1863 {strides = array<i32>} : memref<2x3x8x128xf32, #tpu.memory_space<vmem>>, vector<16xf32>,
    %swap3A_1896 = arith.constant 1 : i32
    %swap3A_1897 = arith.constant 0 : i32
    %swap3A_1898 = arith.constant 4 : i32
    %swap3A_1899 = arith.index_cast %swap3A_1896 : i32 to index
    %swap3A_1900 = arith.index_cast %swap3A_1897 : i32 to index
    %swap3A_1901 = arith.index_cast %swap3A_1898 : i32 to index
    %swap3A_1902 = arith.constant 0 : index
    %swap3A_1903 = tpu.vector_load %arg6[%swap3A_1899, %swap3A_1900, %swap3A_1901, %swap3A_1902] {strides = array<i32>} : memref<2x3x8x128xf32, #tpu.memory_space<vmem>>, vector<16xf32>,
    tpu.vector_store %arg6[%swap3A_1899, %swap3A_1900, %swap3A_1901, %swap3A_1902], %get3A_1863 {strides = array<i32>} : memref<2x3x8x128xf32, #tpu.memory_space<vmem>>, vector<16xf32>,
    %swap3A_1904 = arith.constant 1 : i32
    %swap3A_1905 = arith.constant 0 : i32
    %swap3A_1906 = arith.constant 5 : i32
    %swap3A_1907 = arith.index_cast %swap3A_1904 : i32 to index
    %swap3A_1908 = arith.index_cast %swap3A_1905 : i32 to index
    %swap3A_1909 = arith.index_cast %swap3A_1906 : i32 to index
    %swap3A_1910 = arith.constant 0 : index
    %swap3A_1911 = tpu.vector_load %arg6[%swap3A_1907, %swap3A_1908, %swap3A_1909, %swap3A_1910] {strides = array<i32>} : memref<2x3x8x128xf32, #tpu.memory_space<vmem>>, vector<16xf32>,
    tpu.vector_store %arg6[%swap3A_1907, %swap3A_1908, %swap3A_1909, %swap3A_1910], %get3A_1863 {strides = array<i32>} : memref<2x3x8x128xf32, #tpu.memory_space<vmem>>, vector<16xf32>,
    %swap3A_1912 = arith.constant 1 : i32
    %swap3A_1913 = arith.constant 0 : i32
    %swap3A_1914 = arith.constant 6 : i32
    %swap3A_1915 = arith.index_cast %swap3A_1912 : i32 to index
    %swap3A_1916 = arith.index_cast %swap3A_1913 : i32 to index
    %swap3A_1917 = arith.index_cast %swap3A_1914 : i32 to index
    %swap3A_1918 = arith.constant 0 : index
    %swap3A_1919 = tpu.vector_load %arg6[%swap3A_1915, %swap3A_1916, %swap3A_1917, %swap3A_1918] {strides = array<i32>} : memref<2x3x8x128xf32, #tpu.memory_space<vmem>>, vector<16xf32>,
    tpu.vector_store %arg6[%swap3A_1915, %swap3A_1916, %swap3A_1917, %swap3A_1918], %get3A_1863 {strides = array<i32>} : memref<2x3x8x128xf32, #tpu.memory_space<vmem>>, vector<16xf32>,
    %swap3A_1920 = arith.constant 1 : i32
    %swap3A_1921 = arith.constant 0 : i32
    %swap3A_1922 = arith.constant 7 : i32
    %swap3A_1923 = arith.index_cast %swap3A_1920 : i32 to index
    %swap3A_1924 = arith.index_cast %swap3A_1921 : i32 to index
    %swap3A_1925 = arith.index_cast %swap3A_1922 : i32 to index
    %swap3A_1926 = arith.constant 0 : index
    %swap3A_1927 = tpu.vector_load %arg6[%swap3A_1923, %swap3A_1924, %swap3A_1925, %swap3A_1926] {strides = array<i32>} : memref<2x3x8x128xf32, #tpu.memory_space<vmem>>, vector<16xf32>,
    tpu.vector_store %arg6[%swap3A_1923, %swap3A_1924, %swap3A_1925, %swap3A_1926], %get3A_1863 {strides = array<i32>} : memref<2x3x8x128xf32, #tpu.memory_space<vmem>>, vector<16xf32>,
    %get3A_1928 = arith.constant 1 : i32
    %get3A_1929 = arith.index_cast %get3A_1928 : i32 to index
    %get3A_1930 = arith.constant 16 : index
    %get3A_1931 = tpu.vector_load %arg5[%get3A_1929, %get3A_1930] {strides = array<i32>} : memref<2x384xf32, #tpu.memory_space<vmem>>, vector<16xf32>,
    %swap3A_1932 = arith.constant 1 : i32
    %swap3A_1933 = arith.constant 0 : i32
    %swap3A_1934 = arith.constant 0 : i32
    %swap3A_1935 = arith.index_cast %swap3A_1932 : i32 to index
    %swap3A_1936 = arith.index_cast %swap3A_1933 : i32 to index
    %swap3A_1937 = arith.index_cast %swap3A_1934 : i32 to index
    %swap3A_1938 = arith.constant 16 : index
    %swap3A_1939 = tpu.vector_load %arg6[%swap3A_1935, %swap3A_1936, %swap3A_1937, %swap3A_1938] {strides = array<i32>} : memref<2x3x8x128xf32, #tpu.memory_space<vmem>>, vector<16xf32>,
    tpu.vector_store %arg6[%swap3A_1935, %swap3A_1936, %swap3A_1937, %swap3A_1938], %get3A_1931 {strides = array<i32>} : memref<2x3x8x128xf32, #tpu.memory_space<vmem>>, vector<16xf32>,
    %swap3A_1940 = arith.constant 1 : i32
    %swap3A_1941 = arith.constant 0 : i32
    %swap3A_1942 = arith.constant 1 : i32
    %swap3A_1943 = arith.index_cast %swap3A_1940 : i32 to index
    %swap3A_1944 = arith.index_cast %swap3A_1941 : i32 to index
    %swap3A_1945 = arith.index_cast %swap3A_1942 : i32 to index
    %swap3A_1946 = arith.constant 16 : index
    %swap3A_1947 = tpu.vector_load %arg6[%swap3A_1943, %swap3A_1944, %swap3A_1945, %swap3A_1946] {strides = array<i32>} : memref<2x3x8x128xf32, #tpu.memory_space<vmem>>, vector<16xf32>,
    tpu.vector_store %arg6[%swap3A_1943, %swap3A_1944, %swap3A_1945, %swap3A_1946], %get3A_1931 {strides = array<i32>} : memref<2x3x8x128xf32, #tpu.memory_space<vmem>>, vector<16xf32>,
    %swap3A_1948 = arith.constant 1 : i32
    %swap3A_1949 = arith.constant 0 : i32
    %swap3A_1950 = arith.constant 2 : i32
    %swap3A_1951 = arith.index_cast %swap3A_1948 : i32 to index
    %swap3A_1952 = arith.index_cast %swap3A_1949 : i32 to index
    %swap3A_1953 = arith.index_cast %swap3A_1950 : i32 to index
    %swap3A_1954 = arith.constant 16 : index
    %swap3A_1955 = tpu.vector_load %arg6[%swap3A_1951, %swap3A_1952, %swap3A_1953, %swap3A_1954] {strides = array<i32>} : memref<2x3x8x128xf32, #tpu.memory_space<vmem>>, vector<16xf32>,
    tpu.vector_store %arg6[%swap3A_1951, %swap3A_1952, %swap3A_1953, %swap3A_1954], %get3A_1931 {strides = array<i32>} : memref<2x3x8x128xf32, #tpu.memory_space<vmem>>, vector<16xf32>,
    %swap3A_1956 = arith.constant 1 : i32
    %swap3A_1957 = arith.constant 0 : i32
    %swap3A_1958 = arith.constant 3 : i32
    %swap3A_1959 = arith.index_cast %swap3A_1956 : i32 to index
    %swap3A_1960 = arith.index_cast %swap3A_1957 : i32 to index
    %swap3A_1961 = arith.index_cast %swap3A_1958 : i32 to index
    %swap3A_1962 = arith.constant 16 : index
    %swap3A_1963 = tpu.vector_load %arg6[%swap3A_1959, %swap3A_1960, %swap3A_1961, %swap3A_1962] {strides = array<i32>} : memref<2x3x8x128xf32, #tpu.memory_space<vmem>>, vector<16xf32>,
    tpu.vector_store %arg6[%swap3A_1959, %swap3A_1960, %swap3A_1961, %swap3A_1962], %get3A_1931 {strides = array<i32>} : memref<2x3x8x128xf32, #tpu.memory_space<vmem>>, vector<16xf32>,
    %swap3A_1964 = arith.constant 1 : i32
    %swap3A_1965 = arith.constant 0 : i32
    %swap3A_1966 = arith.constant 4 : i32
    %swap3A_1967 = arith.index_cast %swap3A_1964 : i32 to index
    %swap3A_1968 = arith.index_cast %swap3A_1965 : i32 to index
    %swap3A_1969 = arith.index_cast %swap3A_1966 : i32 to index
    %swap3A_1970 = arith.constant 16 : index
    %swap3A_1971 = tpu.vector_load %arg6[%swap3A_1967, %swap3A_1968, %swap3A_1969, %swap3A_1970] {strides = array<i32>} : memref<2x3x8x128xf32, #tpu.memory_space<vmem>>, vector<16xf32>,
    tpu.vector_store %arg6[%swap3A_1967, %swap3A_1968, %swap3A_1969, %swap3A_1970], %get3A_1931 {strides = array<i32>} : memref<2x3x8x128xf32, #tpu.memory_space<vmem>>, vector<16xf32>,
    %swap3A_1972 = arith.constant 1 : i32
    %swap3A_1973 = arith.constant 0 : i32
    %swap3A_1974 = arith.constant 5 : i32
    %swap3A_1975 = arith.index_cast %swap3A_1972 : i32 to index
    %swap3A_1976 = arith.index_cast %swap3A_1973 : i32 to index
    %swap3A_1977 = arith.index_cast %swap3A_1974 : i32 to index
    %swap3A_1978 = arith.constant 16 : index
    %swap3A_1979 = tpu.vector_load %arg6[%swap3A_1975, %swap3A_1976, %swap3A_1977, %swap3A_1978] {strides = array<i32>} : memref<2x3x8x128xf32, #tpu.memory_space<vmem>>, vector<16xf32>,
    tpu.vector_store %arg6[%swap3A_1975, %swap3A_1976, %swap3A_1977, %swap3A_1978], %get3A_1931 {strides = array<i32>} : memref<2x3x8x128xf32, #tpu.memory_space<vmem>>, vector<16xf32>,
    %swap3A_1980 = arith.constant 1 : i32
    %swap3A_1981 = arith.constant 0 : i32
    %swap3A_1982 = arith.constant 6 : i32
    %swap3A_1983 = arith.index_cast %swap3A_1980 : i32 to index
    %swap3A_1984 = arith.index_cast %swap3A_1981 : i32 to index
    %swap3A_1985 = arith.index_cast %swap3A_1982 : i32 to index
    %swap3A_1986 = arith.constant 16 : index
    %swap3A_1987 = tpu.vector_load %arg6[%swap3A_1983, %swap3A_1984, %swap3A_1985, %swap3A_1986] {strides = array<i32>} : memref<2x3x8x128xf32, #tpu.memory_space<vmem>>, vector<16xf32>,
    tpu.vector_store %arg6[%swap3A_1983, %swap3A_1984, %swap3A_1985, %swap3A_1986], %get3A_1931 {strides = array<i32>} : memref<2x3x8x128xf32, #tpu.memory_space<vmem>>, vector<16xf32>,
    %swap3A_1988 = arith.constant 1 : i32
    %swap3A_1989 = arith.constant 0 : i32
    %swap3A_1990 = arith.constant 7 : i32
    %swap3A_1991 = arith.index_cast %swap3A_1988 : i32 to index
    %swap3A_1992 = arith.index_cast %swap3A_1989 : i32 to index
    %swap3A_1993 = arith.index_cast %swap3A_1990 : i32 to index
    %swap3A_1994 = arith.constant 16 : index
    %swap3A_1995 = tpu.vector_load %arg6[%swap3A_1991, %swap3A_1992, %swap3A_1993, %swap3A_1994] {strides = array<i32>} : memref<2x3x8x128xf32, #tpu.memory_space<vmem>>, vector<16xf32>,
    tpu.vector_store %arg6[%swap3A_1991, %swap3A_1992, %swap3A_1993, %swap3A_1994], %get3A_1931 {strides = array<i32>} : memref<2x3x8x128xf32, #tpu.memory_space<vmem>>, vector<16xf32>,
    %get3A_1996 = arith.constant 1 : i32
    %get3A_1997 = arith.index_cast %get3A_1996 : i32 to index
    %get3A_1998 = arith.constant 32 : index
    %get3A_1999 = tpu.vector_load %arg5[%get3A_1997, %get3A_1998] {strides = array<i32>} : memref<2x384xf32, #tpu.memory_space<vmem>>, vector<16xf32>,
    %swap3A_2000 = arith.constant 1 : i32
    %swap3A_2001 = arith.constant 0 : i32
    %swap3A_2002 = arith.constant 0 : i32
    %swap3A_2003 = arith.index_cast %swap3A_2000 : i32 to index
    %swap3A_2004 = arith.index_cast %swap3A_2001 : i32 to index
    %swap3A_2005 = arith.index_cast %swap3A_2002 : i32 to index
    %swap3A_2006 = arith.constant 32 : index
    %swap3A_2007 = tpu.vector_load %arg6[%swap3A_2003, %swap3A_2004, %swap3A_2005, %swap3A_2006] {strides = array<i32>} : memref<2x3x8x128xf32, #tpu.memory_space<vmem>>, vector<16xf32>,
    tpu.vector_store %arg6[%swap3A_2003, %swap3A_2004, %swap3A_2005, %swap3A_2006], %get3A_1999 {strides = array<i32>} : memref<2x3x8x128xf32, #tpu.memory_space<vmem>>, vector<16xf32>,
    %swap3A_2008 = arith.constant 1 : i32
    %swap3A_2009 = arith.constant 0 : i32
    %swap3A_2010 = arith.constant 1 : i32
    %swap3A_2011 = arith.index_cast %swap3A_2008 : i32 to index
    %swap3A_2012 = arith.index_cast %swap3A_2009 : i32 to index
    %swap3A_2013 = arith.index_cast %swap3A_2010 : i32 to index
    %swap3A_2014 = arith.constant 32 : index
    %swap3A_2015 = tpu.vector_load %arg6[%swap3A_2011, %swap3A_2012, %swap3A_2013, %swap3A_2014] {strides = array<i32>} : memref<2x3x8x128xf32, #tpu.memory_space<vmem>>, vector<16xf32>,
    tpu.vector_store %arg6[%swap3A_2011, %swap3A_2012, %swap3A_2013, %swap3A_2014], %get3A_1999 {strides = array<i32>} : memref<2x3x8x128xf32, #tpu.memory_space<vmem>>, vector<16xf32>,
    %swap3A_2016 = arith.constant 1 : i32
    %swap3A_2017 = arith.constant 0 : i32
    %swap3A_2018 = arith.constant 2 : i32
    %swap3A_2019 = arith.index_cast %swap3A_2016 : i32 to index
    %swap3A_2020 = arith.index_cast %swap3A_2017 : i32 to index
    %swap3A_2021 = arith.index_cast %swap3A_2018 : i32 to index
    %swap3A_2022 = arith.constant 32 : index
    %swap3A_2023 = tpu.vector_load %arg6[%swap3A_2019, %swap3A_2020, %swap3A_2021, %swap3A_2022] {strides = array<i32>} : memref<2x3x8x128xf32, #tpu.memory_space<vmem>>, vector<16xf32>,
    tpu.vector_store %arg6[%swap3A_2019, %swap3A_2020, %swap3A_2021, %swap3A_2022], %get3A_1999 {strides = array<i32>} : memref<2x3x8x128xf32, #tpu.memory_space<vmem>>, vector<16xf32>,
    %swap3A_2024 = arith.constant 1 : i32
    %swap3A_2025 = arith.constant 0 : i32
    %swap3A_2026 = arith.constant 3 : i32
    %swap3A_2027 = arith.index_cast %swap3A_2024 : i32 to index
    %swap3A_2028 = arith.index_cast %swap3A_2025 : i32 to index
    %swap3A_2029 = arith.index_cast %swap3A_2026 : i32 to index
    %swap3A_2030 = arith.constant 32 : index
    %swap3A_2031 = tpu.vector_load %arg6[%swap3A_2027, %swap3A_2028, %swap3A_2029, %swap3A_2030] {strides = array<i32>} : memref<2x3x8x128xf32, #tpu.memory_space<vmem>>, vector<16xf32>,
    tpu.vector_store %arg6[%swap3A_2027, %swap3A_2028, %swap3A_2029, %swap3A_2030], %get3A_1999 {strides = array<i32>} : memref<2x3x8x128xf32, #tpu.memory_space<vmem>>, vector<16xf32>,
    %swap3A_2032 = arith.constant 1 : i32
    %swap3A_2033 = arith.constant 0 : i32
    %swap3A_2034 = arith.constant 4 : i32
    %swap3A_2035 = arith.index_cast %swap3A_2032 : i32 to index
    %swap3A_2036 = arith.index_cast %swap3A_2033 : i32 to index
    %swap3A_2037 = arith.index_cast %swap3A_2034 : i32 to index
    %swap3A_2038 = arith.constant 32 : index
    %swap3A_2039 = tpu.vector_load %arg6[%swap3A_2035, %swap3A_2036, %swap3A_2037, %swap3A_2038] {strides = array<i32>} : memref<2x3x8x128xf32, #tpu.memory_space<vmem>>, vector<16xf32>,
    tpu.vector_store %arg6[%swap3A_2035, %swap3A_2036, %swap3A_2037, %swap3A_2038], %get3A_1999 {strides = array<i32>} : memref<2x3x8x128xf32, #tpu.memory_space<vmem>>, vector<16xf32>,
    %swap3A_2040 = arith.constant 1 : i32
    %swap3A_2041 = arith.constant 0 : i32
    %swap3A_2042 = arith.constant 5 : i32
    %swap3A_2043 = arith.index_cast %swap3A_2040 : i32 to index
    %swap3A_2044 = arith.index_cast %swap3A_2041 : i32 to index
    %swap3A_2045 = arith.index_cast %swap3A_2042 : i32 to index
    %swap3A_2046 = arith.constant 32 : index
    %swap3A_2047 = tpu.vector_load %arg6[%swap3A_2043, %swap3A_2044, %swap3A_2045, %swap3A_2046] {strides = array<i32>} : memref<2x3x8x128xf32, #tpu.memory_space<vmem>>, vector<16xf32>,
    tpu.vector_store %arg6[%swap3A_2043, %swap3A_2044, %swap3A_2045, %swap3A_2046], %get3A_1999 {strides = array<i32>} : memref<2x3x8x128xf32, #tpu.memory_space<vmem>>, vector<16xf32>,
    %swap3A_2048 = arith.constant 1 : i32
    %swap3A_2049 = arith.constant 0 : i32
    %swap3A_2050 = arith.constant 6 : i32
    %swap3A_2051 = arith.index_cast %swap3A_2048 : i32 to index
    %swap3A_2052 = arith.index_cast %swap3A_2049 : i32 to index
    %swap3A_2053 = arith.index_cast %swap3A_2050 : i32 to index
    %swap3A_2054 = arith.constant 32 : index
    %swap3A_2055 = tpu.vector_load %arg6[%swap3A_2051, %swap3A_2052, %swap3A_2053, %swap3A_2054] {strides = array<i32>} : memref<2x3x8x128xf32, #tpu.memory_space<vmem>>, vector<16xf32>,
    tpu.vector_store %arg6[%swap3A_2051, %swap3A_2052, %swap3A_2053, %swap3A_2054], %get3A_1999 {strides = array<i32>} : memref<2x3x8x128xf32, #tpu.memory_space<vmem>>, vector<16xf32>,
    %swap3A_2056 = arith.constant 1 : i32
    %swap3A_2057 = arith.constant 0 : i32
    %swap3A_2058 = arith.constant 7 : i32
    %swap3A_2059 = arith.index_cast %swap3A_2056 : i32 to index
    %swap3A_2060 = arith.index_cast %swap3A_2057 : i32 to index
    %swap3A_2061 = arith.index_cast %swap3A_2058 : i32 to index
    %swap3A_2062 = arith.constant 32 : index
    %swap3A_2063 = tpu.vector_load %arg6[%swap3A_2059, %swap3A_2060, %swap3A_2061, %swap3A_2062] {strides = array<i32>} : memref<2x3x8x128xf32, #tpu.memory_space<vmem>>, vector<16xf32>,
    tpu.vector_store %arg6[%swap3A_2059, %swap3A_2060, %swap3A_2061, %swap3A_2062], %get3A_1999 {strides = array<i32>} : memref<2x3x8x128xf32, #tpu.memory_space<vmem>>, vector<16xf32>,
    %get3A_2064 = arith.constant 1 : i32
    %get3A_2065 = arith.index_cast %get3A_2064 : i32 to index
    %get3A_2066 = arith.constant 48 : index
    %get3A_2067 = tpu.vector_load %arg5[%get3A_2065, %get3A_2066] {strides = array<i32>} : memref<2x384xf32, #tpu.memory_space<vmem>>, vector<16xf32>,
    %swap3A_2068 = arith.constant 1 : i32
    %swap3A_2069 = arith.constant 0 : i32
    %swap3A_2070 = arith.constant 0 : i32
    %swap3A_2071 = arith.index_cast %swap3A_2068 : i32 to index
    %swap3A_2072 = arith.index_cast %swap3A_2069 : i32 to index
    %swap3A_2073 = arith.index_cast %swap3A_2070 : i32 to index
    %swap3A_2074 = arith.constant 48 : index
    %swap3A_2075 = tpu.vector_load %arg6[%swap3A_2071, %swap3A_2072, %swap3A_2073, %swap3A_2074] {strides = array<i32>} : memref<2x3x8x128xf32, #tpu.memory_space<vmem>>, vector<16xf32>,
    tpu.vector_store %arg6[%swap3A_2071, %swap3A_2072, %swap3A_2073, %swap3A_2074], %get3A_2067 {strides = array<i32>} : memref<2x3x8x128xf32, #tpu.memory_space<vmem>>, vector<16xf32>,
    %swap3A_2076 = arith.constant 1 : i32
    %swap3A_2077 = arith.constant 0 : i32
    %swap3A_2078 = arith.constant 1 : i32
    %swap3A_2079 = arith.index_cast %swap3A_2076 : i32 to index
    %swap3A_2080 = arith.index_cast %swap3A_2077 : i32 to index
    %swap3A_2081 = arith.index_cast %swap3A_2078 : i32 to index
    %swap3A_2082 = arith.constant 48 : index
    %swap3A_2083 = tpu.vector_load %arg6[%swap3A_2079, %swap3A_2080, %swap3A_2081, %swap3A_2082] {strides = array<i32>} : memref<2x3x8x128xf32, #tpu.memory_space<vmem>>, vector<16xf32>,
    tpu.vector_store %arg6[%swap3A_2079, %swap3A_2080, %swap3A_2081, %swap3A_2082], %get3A_2067 {strides = array<i32>} : memref<2x3x8x128xf32, #tpu.memory_space<vmem>>, vector<16xf32>,
    %swap3A_2084 = arith.constant 1 : i32
    %swap3A_2085 = arith.constant 0 : i32
    %swap3A_2086 = arith.constant 2 : i32
    %swap3A_2087 = arith.index_cast %swap3A_2084 : i32 to index
    %swap3A_2088 = arith.index_cast %swap3A_2085 : i32 to index
    %swap3A_2089 = arith.index_cast %swap3A_2086 : i32 to index
    %swap3A_2090 = arith.constant 48 : index
    %swap3A_2091 = tpu.vector_load %arg6[%swap3A_2087, %swap3A_2088, %swap3A_2089, %swap3A_2090] {strides = array<i32>} : memref<2x3x8x128xf32, #tpu.memory_space<vmem>>, vector<16xf32>,
    tpu.vector_store %arg6[%swap3A_2087, %swap3A_2088, %swap3A_2089, %swap3A_2090], %get3A_2067 {strides = array<i32>} : memref<2x3x8x128xf32, #tpu.memory_space<vmem>>, vector<16xf32>,
    %swap3A_2092 = arith.constant 1 : i32
    %swap3A_2093 = arith.constant 0 : i32
    %swap3A_2094 = arith.constant 3 : i32
    %swap3A_2095 = arith.index_cast %swap3A_2092 : i32 to index
    %swap3A_2096 = arith.index_cast %swap3A_2093 : i32 to index
    %swap3A_2097 = arith.index_cast %swap3A_2094 : i32 to index
    %swap3A_2098 = arith.constant 48 : index
    %swap3A_2099 = tpu.vector_load %arg6[%swap3A_2095, %swap3A_2096, %swap3A_2097, %swap3A_2098] {strides = array<i32>} : memref<2x3x8x128xf32, #tpu.memory_space<vmem>>, vector<16xf32>,
    tpu.vector_store %arg6[%swap3A_2095, %swap3A_2096, %swap3A_2097, %swap3A_2098], %get3A_2067 {strides = array<i32>} : memref<2x3x8x128xf32, #tpu.memory_space<vmem>>, vector<16xf32>,
    %swap3A_2100 = arith.constant 1 : i32
    %swap3A_2101 = arith.constant 0 : i32
    %swap3A_2102 = arith.constant 4 : i32
    %swap3A_2103 = arith.index_cast %swap3A_2100 : i32 to index
    %swap3A_2104 = arith.index_cast %swap3A_2101 : i32 to index
    %swap3A_2105 = arith.index_cast %swap3A_2102 : i32 to index
    %swap3A_2106 = arith.constant 48 : index
    %swap3A_2107 = tpu.vector_load %arg6[%swap3A_2103, %swap3A_2104, %swap3A_2105, %swap3A_2106] {strides = array<i32>} : memref<2x3x8x128xf32, #tpu.memory_space<vmem>>, vector<16xf32>,
    tpu.vector_store %arg6[%swap3A_2103, %swap3A_2104, %swap3A_2105, %swap3A_2106], %get3A_2067 {strides = array<i32>} : memref<2x3x8x128xf32, #tpu.memory_space<vmem>>, vector<16xf32>,
    %swap3A_2108 = arith.constant 1 : i32
    %swap3A_2109 = arith.constant 0 : i32
    %swap3A_2110 = arith.constant 5 : i32
    %swap3A_2111 = arith.index_cast %swap3A_2108 : i32 to index
    %swap3A_2112 = arith.index_cast %swap3A_2109 : i32 to index
    %swap3A_2113 = arith.index_cast %swap3A_2110 : i32 to index
    %swap3A_2114 = arith.constant 48 : index
    %swap3A_2115 = tpu.vector_load %arg6[%swap3A_2111, %swap3A_2112, %swap3A_2113, %swap3A_2114] {strides = array<i32>} : memref<2x3x8x128xf32, #tpu.memory_space<vmem>>, vector<16xf32>,
    tpu.vector_store %arg6[%swap3A_2111, %swap3A_2112, %swap3A_2113, %swap3A_2114], %get3A_2067 {strides = array<i32>} : memref<2x3x8x128xf32, #tpu.memory_space<vmem>>, vector<16xf32>,
    %swap3A_2116 = arith.constant 1 : i32
    %swap3A_2117 = arith.constant 0 : i32
    %swap3A_2118 = arith.constant 6 : i32
    %swap3A_2119 = arith.index_cast %swap3A_2116 : i32 to index
    %swap3A_2120 = arith.index_cast %swap3A_2117 : i32 to index
    %swap3A_2121 = arith.index_cast %swap3A_2118 : i32 to index
    %swap3A_2122 = arith.constant 48 : index
    %swap3A_2123 = tpu.vector_load %arg6[%swap3A_2119, %swap3A_2120, %swap3A_2121, %swap3A_2122] {strides = array<i32>} : memref<2x3x8x128xf32, #tpu.memory_space<vmem>>, vector<16xf32>,
    tpu.vector_store %arg6[%swap3A_2119, %swap3A_2120, %swap3A_2121, %swap3A_2122], %get3A_2067 {strides = array<i32>} : memref<2x3x8x128xf32, #tpu.memory_space<vmem>>, vector<16xf32>,
    %swap3A_2124 = arith.constant 1 : i32
    %swap3A_2125 = arith.constant 0 : i32
    %swap3A_2126 = arith.constant 7 : i32
    %swap3A_2127 = arith.index_cast %swap3A_2124 : i32 to index
    %swap3A_2128 = arith.index_cast %swap3A_2125 : i32 to index
    %swap3A_2129 = arith.index_cast %swap3A_2126 : i32 to index
    %swap3A_2130 = arith.constant 48 : index
    %swap3A_2131 = tpu.vector_load %arg6[%swap3A_2127, %swap3A_2128, %swap3A_2129, %swap3A_2130] {strides = array<i32>} : memref<2x3x8x128xf32, #tpu.memory_space<vmem>>, vector<16xf32>,
    tpu.vector_store %arg6[%swap3A_2127, %swap3A_2128, %swap3A_2129, %swap3A_2130], %get3A_2067 {strides = array<i32>} : memref<2x3x8x128xf32, #tpu.memory_space<vmem>>, vector<16xf32>,
    %get3A_2132 = arith.constant 1 : i32
    %get3A_2133 = arith.index_cast %get3A_2132 : i32 to index
    %get3A_2134 = arith.constant 64 : index
    %get3A_2135 = tpu.vector_load %arg5[%get3A_2133, %get3A_2134] {strides = array<i32>} : memref<2x384xf32, #tpu.memory_space<vmem>>, vector<16xf32>,
    %swap3A_2136 = arith.constant 1 : i32
    %swap3A_2137 = arith.constant 0 : i32
    %swap3A_2138 = arith.constant 0 : i32
    %swap3A_2139 = arith.index_cast %swap3A_2136 : i32 to index
    %swap3A_2140 = arith.index_cast %swap3A_2137 : i32 to index
    %swap3A_2141 = arith.index_cast %swap3A_2138 : i32 to index
    %swap3A_2142 = arith.constant 64 : index
    %swap3A_2143 = tpu.vector_load %arg6[%swap3A_2139, %swap3A_2140, %swap3A_2141, %swap3A_2142] {strides = array<i32>} : memref<2x3x8x128xf32, #tpu.memory_space<vmem>>, vector<16xf32>,
    tpu.vector_store %arg6[%swap3A_2139, %swap3A_2140, %swap3A_2141, %swap3A_2142], %get3A_2135 {strides = array<i32>} : memref<2x3x8x128xf32, #tpu.memory_space<vmem>>, vector<16xf32>,
    %swap3A_2144 = arith.constant 1 : i32
    %swap3A_2145 = arith.constant 0 : i32
    %swap3A_2146 = arith.constant 1 : i32
    %swap3A_2147 = arith.index_cast %swap3A_2144 : i32 to index
    %swap3A_2148 = arith.index_cast %swap3A_2145 : i32 to index
    %swap3A_2149 = arith.index_cast %swap3A_2146 : i32 to index
    %swap3A_2150 = arith.constant 64 : index
    %swap3A_2151 = tpu.vector_load %arg6[%swap3A_2147, %swap3A_2148, %swap3A_2149, %swap3A_2150] {strides = array<i32>} : memref<2x3x8x128xf32, #tpu.memory_space<vmem>>, vector<16xf32>,
    tpu.vector_store %arg6[%swap3A_2147, %swap3A_2148, %swap3A_2149, %swap3A_2150], %get3A_2135 {strides = array<i32>} : memref<2x3x8x128xf32, #tpu.memory_space<vmem>>, vector<16xf32>,
    %swap3A_2152 = arith.constant 1 : i32
    %swap3A_2153 = arith.constant 0 : i32
    %swap3A_2154 = arith.constant 2 : i32
    %swap3A_2155 = arith.index_cast %swap3A_2152 : i32 to index
    %swap3A_2156 = arith.index_cast %swap3A_2153 : i32 to index
    %swap3A_2157 = arith.index_cast %swap3A_2154 : i32 to index
    %swap3A_2158 = arith.constant 64 : index
    %swap3A_2159 = tpu.vector_load %arg6[%swap3A_2155, %swap3A_2156, %swap3A_2157, %swap3A_2158] {strides = array<i32>} : memref<2x3x8x128xf32, #tpu.memory_space<vmem>>, vector<16xf32>,
    tpu.vector_store %arg6[%swap3A_2155, %swap3A_2156, %swap3A_2157, %swap3A_2158], %get3A_2135 {strides = array<i32>} : memref<2x3x8x128xf32, #tpu.memory_space<vmem>>, vector<16xf32>,
    %swap3A_2160 = arith.constant 1 : i32
    %swap3A_2161 = arith.constant 0 : i32
    %swap3A_2162 = arith.constant 3 : i32
    %swap3A_2163 = arith.index_cast %swap3A_2160 : i32 to index
    %swap3A_2164 = arith.index_cast %swap3A_2161 : i32 to index
    %swap3A_2165 = arith.index_cast %swap3A_2162 : i32 to index
    %swap3A_2166 = arith.constant 64 : index
    %swap3A_2167 = tpu.vector_load %arg6[%swap3A_2163, %swap3A_2164, %swap3A_2165, %swap3A_2166] {strides = array<i32>} : memref<2x3x8x128xf32, #tpu.memory_space<vmem>>, vector<16xf32>,
    tpu.vector_store %arg6[%swap3A_2163, %swap3A_2164, %swap3A_2165, %swap3A_2166], %get3A_2135 {strides = array<i32>} : memref<2x3x8x128xf32, #tpu.memory_space<vmem>>, vector<16xf32>,
    %swap3A_2168 = arith.constant 1 : i32
    %swap3A_2169 = arith.constant 0 : i32
    %swap3A_2170 = arith.constant 4 : i32
    %swap3A_2171 = arith.index_cast %swap3A_2168 : i32 to index
    %swap3A_2172 = arith.index_cast %swap3A_2169 : i32 to index
    %swap3A_2173 = arith.index_cast %swap3A_2170 : i32 to index
    %swap3A_2174 = arith.constant 64 : index
    %swap3A_2175 = tpu.vector_load %arg6[%swap3A_2171, %swap3A_2172, %swap3A_2173, %swap3A_2174] {strides = array<i32>} : memref<2x3x8x128xf32, #tpu.memory_space<vmem>>, vector<16xf32>,
    tpu.vector_store %arg6[%swap3A_2171, %swap3A_2172, %swap3A_2173, %swap3A_2174], %get3A_2135 {strides = array<i32>} : memref<2x3x8x128xf32, #tpu.memory_space<vmem>>, vector<16xf32>,
    %swap3A_2176 = arith.constant 1 : i32
    %swap3A_2177 = arith.constant 0 : i32
    %swap3A_2178 = arith.constant 5 : i32
    %swap3A_2179 = arith.index_cast %swap3A_2176 : i32 to index
    %swap3A_2180 = arith.index_cast %swap3A_2177 : i32 to index
    %swap3A_2181 = arith.index_cast %swap3A_2178 : i32 to index
    %swap3A_2182 = arith.constant 64 : index
    %swap3A_2183 = tpu.vector_load %arg6[%swap3A_2179, %swap3A_2180, %swap3A_2181, %swap3A_2182] {strides = array<i32>} : memref<2x3x8x128xf32, #tpu.memory_space<vmem>>, vector<16xf32>,
    tpu.vector_store %arg6[%swap3A_2179, %swap3A_2180, %swap3A_2181, %swap3A_2182], %get3A_2135 {strides = array<i32>} : memref<2x3x8x128xf32, #tpu.memory_space<vmem>>, vector<16xf32>,
    %swap3A_2184 = arith.constant 1 : i32
    %swap3A_2185 = arith.constant 0 : i32
    %swap3A_2186 = arith.constant 6 : i32
    %swap3A_2187 = arith.index_cast %swap3A_2184 : i32 to index
    %swap3A_2188 = arith.index_cast %swap3A_2185 : i32 to index
    %swap3A_2189 = arith.index_cast %swap3A_2186 : i32 to index
    %swap3A_2190 = arith.constant 64 : index
    %swap3A_2191 = tpu.vector_load %arg6[%swap3A_2187, %swap3A_2188, %swap3A_2189, %swap3A_2190] {strides = array<i32>} : memref<2x3x8x128xf32, #tpu.memory_space<vmem>>, vector<16xf32>,
    tpu.vector_store %arg6[%swap3A_2187, %swap3A_2188, %swap3A_2189, %swap3A_2190], %get3A_2135 {strides = array<i32>} : memref<2x3x8x128xf32, #tpu.memory_space<vmem>>, vector<16xf32>,
    %swap3A_2192 = arith.constant 1 : i32
    %swap3A_2193 = arith.constant 0 : i32
    %swap3A_2194 = arith.constant 7 : i32
    %swap3A_2195 = arith.index_cast %swap3A_2192 : i32 to index
    %swap3A_2196 = arith.index_cast %swap3A_2193 : i32 to index
    %swap3A_2197 = arith.index_cast %swap3A_2194 : i32 to index
    %swap3A_2198 = arith.constant 64 : index
    %swap3A_2199 = tpu.vector_load %arg6[%swap3A_2195, %swap3A_2196, %swap3A_2197, %swap3A_2198] {strides = array<i32>} : memref<2x3x8x128xf32, #tpu.memory_space<vmem>>, vector<16xf32>,
    tpu.vector_store %arg6[%swap3A_2195, %swap3A_2196, %swap3A_2197, %swap3A_2198], %get3A_2135 {strides = array<i32>} : memref<2x3x8x128xf32, #tpu.memory_space<vmem>>, vector<16xf32>,
    %get3A_2200 = arith.constant 1 : i32
    %get3A_2201 = arith.index_cast %get3A_2200 : i32 to index
    %get3A_2202 = arith.constant 80 : index
    %get3A_2203 = tpu.vector_load %arg5[%get3A_2201, %get3A_2202] {strides = array<i32>} : memref<2x384xf32, #tpu.memory_space<vmem>>, vector<16xf32>,
    %swap3A_2204 = arith.constant 1 : i32
    %swap3A_2205 = arith.constant 0 : i32
    %swap3A_2206 = arith.constant 0 : i32
    %swap3A_2207 = arith.index_cast %swap3A_2204 : i32 to index
    %swap3A_2208 = arith.index_cast %swap3A_2205 : i32 to index
    %swap3A_2209 = arith.index_cast %swap3A_2206 : i32 to index
    %swap3A_2210 = arith.constant 80 : index
    %swap3A_2211 = tpu.vector_load %arg6[%swap3A_2207, %swap3A_2208, %swap3A_2209, %swap3A_2210] {strides = array<i32>} : memref<2x3x8x128xf32, #tpu.memory_space<vmem>>, vector<16xf32>,
    tpu.vector_store %arg6[%swap3A_2207, %swap3A_2208, %swap3A_2209, %swap3A_2210], %get3A_2203 {strides = array<i32>} : memref<2x3x8x128xf32, #tpu.memory_space<vmem>>, vector<16xf32>,
    %swap3A_2212 = arith.constant 1 : i32
    %swap3A_2213 = arith.constant 0 : i32
    %swap3A_2214 = arith.constant 1 : i32
    %swap3A_2215 = arith.index_cast %swap3A_2212 : i32 to index
    %swap3A_2216 = arith.index_cast %swap3A_2213 : i32 to index
    %swap3A_2217 = arith.index_cast %swap3A_2214 : i32 to index
    %swap3A_2218 = arith.constant 80 : index
    %swap3A_2219 = tpu.vector_load %arg6[%swap3A_2215, %swap3A_2216, %swap3A_2217, %swap3A_2218] {strides = array<i32>} : memref<2x3x8x128xf32, #tpu.memory_space<vmem>>, vector<16xf32>,
    tpu.vector_store %arg6[%swap3A_2215, %swap3A_2216, %swap3A_2217, %swap3A_2218], %get3A_2203 {strides = array<i32>} : memref<2x3x8x128xf32, #tpu.memory_space<vmem>>, vector<16xf32>,
    %swap3A_2220 = arith.constant 1 : i32
    %swap3A_2221 = arith.constant 0 : i32
    %swap3A_2222 = arith.constant 2 : i32
    %swap3A_2223 = arith.index_cast %swap3A_2220 : i32 to index
    %swap3A_2224 = arith.index_cast %swap3A_2221 : i32 to index
    %swap3A_2225 = arith.index_cast %swap3A_2222 : i32 to index
    %swap3A_2226 = arith.constant 80 : index
    %swap3A_2227 = tpu.vector_load %arg6[%swap3A_2223, %swap3A_2224, %swap3A_2225, %swap3A_2226] {strides = array<i32>} : memref<2x3x8x128xf32, #tpu.memory_space<vmem>>, vector<16xf32>,
    tpu.vector_store %arg6[%swap3A_2223, %swap3A_2224, %swap3A_2225, %swap3A_2226], %get3A_2203 {strides = array<i32>} : memref<2x3x8x128xf32, #tpu.memory_space<vmem>>, vector<16xf32>,
    %swap3A_2228 = arith.constant 1 : i32
    %swap3A_2229 = arith.constant 0 : i32
    %swap3A_2230 = arith.constant 3 : i32
    %swap3A_2231 = arith.index_cast %swap3A_2228 : i32 to index
    %swap3A_2232 = arith.index_cast %swap3A_2229 : i32 to index
    %swap3A_2233 = arith.index_cast %swap3A_2230 : i32 to index
    %swap3A_2234 = arith.constant 80 : index
    %swap3A_2235 = tpu.vector_load %arg6[%swap3A_2231, %swap3A_2232, %swap3A_2233, %swap3A_2234] {strides = array<i32>} : memref<2x3x8x128xf32, #tpu.memory_space<vmem>>, vector<16xf32>,
    tpu.vector_store %arg6[%swap3A_2231, %swap3A_2232, %swap3A_2233, %swap3A_2234], %get3A_2203 {strides = array<i32>} : memref<2x3x8x128xf32, #tpu.memory_space<vmem>>, vector<16xf32>,
    %swap3A_2236 = arith.constant 1 : i32
    %swap3A_2237 = arith.constant 0 : i32
    %swap3A_2238 = arith.constant 4 : i32
    %swap3A_2239 = arith.index_cast %swap3A_2236 : i32 to index
    %swap3A_2240 = arith.index_cast %swap3A_2237 : i32 to index
    %swap3A_2241 = arith.index_cast %swap3A_2238 : i32 to index
    %swap3A_2242 = arith.constant 80 : index
    %swap3A_2243 = tpu.vector_load %arg6[%swap3A_2239, %swap3A_2240, %swap3A_2241, %swap3A_2242] {strides = array<i32>} : memref<2x3x8x128xf32, #tpu.memory_space<vmem>>, vector<16xf32>,
    tpu.vector_store %arg6[%swap3A_2239, %swap3A_2240, %swap3A_2241, %swap3A_2242], %get3A_2203 {strides = array<i32>} : memref<2x3x8x128xf32, #tpu.memory_space<vmem>>, vector<16xf32>,
    %swap3A_2244 = arith.constant 1 : i32
    %swap3A_2245 = arith.constant 0 : i32
    %swap3A_2246 = arith.constant 5 : i32
    %swap3A_2247 = arith.index_cast %swap3A_2244 : i32 to index
    %swap3A_2248 = arith.index_cast %swap3A_2245 : i32 to index
    %swap3A_2249 = arith.index_cast %swap3A_2246 : i32 to index
    %swap3A_2250 = arith.constant 80 : index
    %swap3A_2251 = tpu.vector_load %arg6[%swap3A_2247, %swap3A_2248, %swap3A_2249, %swap3A_2250] {strides = array<i32>} : memref<2x3x8x128xf32, #tpu.memory_space<vmem>>, vector<16xf32>,
    tpu.vector_store %arg6[%swap3A_2247, %swap3A_2248, %swap3A_2249, %swap3A_2250], %get3A_2203 {strides = array<i32>} : memref<2x3x8x128xf32, #tpu.memory_space<vmem>>, vector<16xf32>,
    %swap3A_2252 = arith.constant 1 : i32
    %swap3A_2253 = arith.constant 0 : i32
    %swap3A_2254 = arith.constant 6 : i32
    %swap3A_2255 = arith.index_cast %swap3A_2252 : i32 to index
    %swap3A_2256 = arith.index_cast %swap3A_2253 : i32 to index
    %swap3A_2257 = arith.index_cast %swap3A_2254 : i32 to index
    %swap3A_2258 = arith.constant 80 : index
    %swap3A_2259 = tpu.vector_load %arg6[%swap3A_2255, %swap3A_2256, %swap3A_2257, %swap3A_2258] {strides = array<i32>} : memref<2x3x8x128xf32, #tpu.memory_space<vmem>>, vector<16xf32>,
    tpu.vector_store %arg6[%swap3A_2255, %swap3A_2256, %swap3A_2257, %swap3A_2258], %get3A_2203 {strides = array<i32>} : memref<2x3x8x128xf32, #tpu.memory_space<vmem>>, vector<16xf32>,
    %swap3A_2260 = arith.constant 1 : i32
    %swap3A_2261 = arith.constant 0 : i32
    %swap3A_2262 = arith.constant 7 : i32
    %swap3A_2263 = arith.index_cast %swap3A_2260 : i32 to index
    %swap3A_2264 = arith.index_cast %swap3A_2261 : i32 to index
    %swap3A_2265 = arith.index_cast %swap3A_2262 : i32 to index
    %swap3A_2266 = arith.constant 80 : index
    %swap3A_2267 = tpu.vector_load %arg6[%swap3A_2263, %swap3A_2264, %swap3A_2265, %swap3A_2266] {strides = array<i32>} : memref<2x3x8x128xf32, #tpu.memory_space<vmem>>, vector<16xf32>,
    tpu.vector_store %arg6[%swap3A_2263, %swap3A_2264, %swap3A_2265, %swap3A_2266], %get3A_2203 {strides = array<i32>} : memref<2x3x8x128xf32, #tpu.memory_space<vmem>>, vector<16xf32>,
    %get3A_2268 = arith.constant 1 : i32
    %get3A_2269 = arith.index_cast %get3A_2268 : i32 to index
    %get3A_2270 = arith.constant 96 : index
    %get3A_2271 = tpu.vector_load %arg5[%get3A_2269, %get3A_2270] {strides = array<i32>} : memref<2x384xf32, #tpu.memory_space<vmem>>, vector<16xf32>,
    %swap3A_2272 = arith.constant 1 : i32
    %swap3A_2273 = arith.constant 0 : i32
    %swap3A_2274 = arith.constant 0 : i32
    %swap3A_2275 = arith.index_cast %swap3A_2272 : i32 to index
    %swap3A_2276 = arith.index_cast %swap3A_2273 : i32 to index
    %swap3A_2277 = arith.index_cast %swap3A_2274 : i32 to index
    %swap3A_2278 = arith.constant 96 : index
    %swap3A_2279 = tpu.vector_load %arg6[%swap3A_2275, %swap3A_2276, %swap3A_2277, %swap3A_2278] {strides = array<i32>} : memref<2x3x8x128xf32, #tpu.memory_space<vmem>>, vector<16xf32>,
    tpu.vector_store %arg6[%swap3A_2275, %swap3A_2276, %swap3A_2277, %swap3A_2278], %get3A_2271 {strides = array<i32>} : memref<2x3x8x128xf32, #tpu.memory_space<vmem>>, vector<16xf32>,
    %swap3A_2280 = arith.constant 1 : i32
    %swap3A_2281 = arith.constant 0 : i32
    %swap3A_2282 = arith.constant 1 : i32
    %swap3A_2283 = arith.index_cast %swap3A_2280 : i32 to index
    %swap3A_2284 = arith.index_cast %swap3A_2281 : i32 to index
    %swap3A_2285 = arith.index_cast %swap3A_2282 : i32 to index
    %swap3A_2286 = arith.constant 96 : index
    %swap3A_2287 = tpu.vector_load %arg6[%swap3A_2283, %swap3A_2284, %swap3A_2285, %swap3A_2286] {strides = array<i32>} : memref<2x3x8x128xf32, #tpu.memory_space<vmem>>, vector<16xf32>,
    tpu.vector_store %arg6[%swap3A_2283, %swap3A_2284, %swap3A_2285, %swap3A_2286], %get3A_2271 {strides = array<i32>} : memref<2x3x8x128xf32, #tpu.memory_space<vmem>>, vector<16xf32>,
    %swap3A_2288 = arith.constant 1 : i32
    %swap3A_2289 = arith.constant 0 : i32
    %swap3A_2290 = arith.constant 2 : i32
    %swap3A_2291 = arith.index_cast %swap3A_2288 : i32 to index
    %swap3A_2292 = arith.index_cast %swap3A_2289 : i32 to index
    %swap3A_2293 = arith.index_cast %swap3A_2290 : i32 to index
    %swap3A_2294 = arith.constant 96 : index
    %swap3A_2295 = tpu.vector_load %arg6[%swap3A_2291, %swap3A_2292, %swap3A_2293, %swap3A_2294] {strides = array<i32>} : memref<2x3x8x128xf32, #tpu.memory_space<vmem>>, vector<16xf32>,
    tpu.vector_store %arg6[%swap3A_2291, %swap3A_2292, %swap3A_2293, %swap3A_2294], %get3A_2271 {strides = array<i32>} : memref<2x3x8x128xf32, #tpu.memory_space<vmem>>, vector<16xf32>,
    %swap3A_2296 = arith.constant 1 : i32
    %swap3A_2297 = arith.constant 0 : i32
    %swap3A_2298 = arith.constant 3 : i32
    %swap3A_2299 = arith.index_cast %swap3A_2296 : i32 to index
    %swap3A_2300 = arith.index_cast %swap3A_2297 : i32 to index
    %swap3A_2301 = arith.index_cast %swap3A_2298 : i32 to index
    %swap3A_2302 = arith.constant 96 : index
    %swap3A_2303 = tpu.vector_load %arg6[%swap3A_2299, %swap3A_2300, %swap3A_2301, %swap3A_2302] {strides = array<i32>} : memref<2x3x8x128xf32, #tpu.memory_space<vmem>>, vector<16xf32>,
    tpu.vector_store %arg6[%swap3A_2299, %swap3A_2300, %swap3A_2301, %swap3A_2302], %get3A_2271 {strides = array<i32>} : memref<2x3x8x128xf32, #tpu.memory_space<vmem>>, vector<16xf32>,
    %swap3A_2304 = arith.constant 1 : i32
    %swap3A_2305 = arith.constant 0 : i32
    %swap3A_2306 = arith.constant 4 : i32
    %swap3A_2307 = arith.index_cast %swap3A_2304 : i32 to index
    %swap3A_2308 = arith.index_cast %swap3A_2305 : i32 to index
    %swap3A_2309 = arith.index_cast %swap3A_2306 : i32 to index
    %swap3A_2310 = arith.constant 96 : index
    %swap3A_2311 = tpu.vector_load %arg6[%swap3A_2307, %swap3A_2308, %swap3A_2309, %swap3A_2310] {strides = array<i32>} : memref<2x3x8x128xf32, #tpu.memory_space<vmem>>, vector<16xf32>,
    tpu.vector_store %arg6[%swap3A_2307, %swap3A_2308, %swap3A_2309, %swap3A_2310], %get3A_2271 {strides = array<i32>} : memref<2x3x8x128xf32, #tpu.memory_space<vmem>>, vector<16xf32>,
    %swap3A_2312 = arith.constant 1 : i32
    %swap3A_2313 = arith.constant 0 : i32
    %swap3A_2314 = arith.constant 5 : i32
    %swap3A_2315 = arith.index_cast %swap3A_2312 : i32 to index
    %swap3A_2316 = arith.index_cast %swap3A_2313 : i32 to index
    %swap3A_2317 = arith.index_cast %swap3A_2314 : i32 to index
    %swap3A_2318 = arith.constant 96 : index
    %swap3A_2319 = tpu.vector_load %arg6[%swap3A_2315, %swap3A_2316, %swap3A_2317, %swap3A_2318] {strides = array<i32>} : memref<2x3x8x128xf32, #tpu.memory_space<vmem>>, vector<16xf32>,
    tpu.vector_store %arg6[%swap3A_2315, %swap3A_2316, %swap3A_2317, %swap3A_2318], %get3A_2271 {strides = array<i32>} : memref<2x3x8x128xf32, #tpu.memory_space<vmem>>, vector<16xf32>,
    %swap3A_2320 = arith.constant 1 : i32
    %swap3A_2321 = arith.constant 0 : i32
    %swap3A_2322 = arith.constant 6 : i32
    %swap3A_2323 = arith.index_cast %swap3A_2320 : i32 to index
    %swap3A_2324 = arith.index_cast %swap3A_2321 : i32 to index
    %swap3A_2325 = arith.index_cast %swap3A_2322 : i32 to index
    %swap3A_2326 = arith.constant 96 : index
    %swap3A_2327 = tpu.vector_load %arg6[%swap3A_2323, %swap3A_2324, %swap3A_2325, %swap3A_2326] {strides = array<i32>} : memref<2x3x8x128xf32, #tpu.memory_space<vmem>>, vector<16xf32>,
    tpu.vector_store %arg6[%swap3A_2323, %swap3A_2324, %swap3A_2325, %swap3A_2326], %get3A_2271 {strides = array<i32>} : memref<2x3x8x128xf32, #tpu.memory_space<vmem>>, vector<16xf32>,
    %swap3A_2328 = arith.constant 1 : i32
    %swap3A_2329 = arith.constant 0 : i32
    %swap3A_2330 = arith.constant 7 : i32
    %swap3A_2331 = arith.index_cast %swap3A_2328 : i32 to index
    %swap3A_2332 = arith.index_cast %swap3A_2329 : i32 to index
    %swap3A_2333 = arith.index_cast %swap3A_2330 : i32 to index
    %swap3A_2334 = arith.constant 96 : index
    %swap3A_2335 = tpu.vector_load %arg6[%swap3A_2331, %swap3A_2332, %swap3A_2333, %swap3A_2334] {strides = array<i32>} : memref<2x3x8x128xf32, #tpu.memory_space<vmem>>, vector<16xf32>,
    tpu.vector_store %arg6[%swap3A_2331, %swap3A_2332, %swap3A_2333, %swap3A_2334], %get3A_2271 {strides = array<i32>} : memref<2x3x8x128xf32, #tpu.memory_space<vmem>>, vector<16xf32>,
    %get3A_2336 = arith.constant 1 : i32
    %get3A_2337 = arith.index_cast %get3A_2336 : i32 to index
    %get3A_2338 = arith.constant 112 : index
    %get3A_2339 = tpu.vector_load %arg5[%get3A_2337, %get3A_2338] {strides = array<i32>} : memref<2x384xf32, #tpu.memory_space<vmem>>, vector<16xf32>,
    %swap3A_2340 = arith.constant 1 : i32
    %swap3A_2341 = arith.constant 0 : i32
    %swap3A_2342 = arith.constant 0 : i32
    %swap3A_2343 = arith.index_cast %swap3A_2340 : i32 to index
    %swap3A_2344 = arith.index_cast %swap3A_2341 : i32 to index
    %swap3A_2345 = arith.index_cast %swap3A_2342 : i32 to index
    %swap3A_2346 = arith.constant 112 : index
    %swap3A_2347 = tpu.vector_load %arg6[%swap3A_2343, %swap3A_2344, %swap3A_2345, %swap3A_2346] {strides = array<i32>} : memref<2x3x8x128xf32, #tpu.memory_space<vmem>>, vector<16xf32>,
    tpu.vector_store %arg6[%swap3A_2343, %swap3A_2344, %swap3A_2345, %swap3A_2346], %get3A_2339 {strides = array<i32>} : memref<2x3x8x128xf32, #tpu.memory_space<vmem>>, vector<16xf32>,
    %swap3A_2348 = arith.constant 1 : i32
    %swap3A_2349 = arith.constant 0 : i32
    %swap3A_2350 = arith.constant 1 : i32
    %swap3A_2351 = arith.index_cast %swap3A_2348 : i32 to index
    %swap3A_2352 = arith.index_cast %swap3A_2349 : i32 to index
    %swap3A_2353 = arith.index_cast %swap3A_2350 : i32 to index
    %swap3A_2354 = arith.constant 112 : index
    %swap3A_2355 = tpu.vector_load %arg6[%swap3A_2351, %swap3A_2352, %swap3A_2353, %swap3A_2354] {strides = array<i32>} : memref<2x3x8x128xf32, #tpu.memory_space<vmem>>, vector<16xf32>,
    tpu.vector_store %arg6[%swap3A_2351, %swap3A_2352, %swap3A_2353, %swap3A_2354], %get3A_2339 {strides = array<i32>} : memref<2x3x8x128xf32, #tpu.memory_space<vmem>>, vector<16xf32>,
    %swap3A_2356 = arith.constant 1 : i32
    %swap3A_2357 = arith.constant 0 : i32
    %swap3A_2358 = arith.constant 2 : i32
    %swap3A_2359 = arith.index_cast %swap3A_2356 : i32 to index
    %swap3A_2360 = arith.index_cast %swap3A_2357 : i32 to index
    %swap3A_2361 = arith.index_cast %swap3A_2358 : i32 to index
    %swap3A_2362 = arith.constant 112 : index
    %swap3A_2363 = tpu.vector_load %arg6[%swap3A_2359, %swap3A_2360, %swap3A_2361, %swap3A_2362] {strides = array<i32>} : memref<2x3x8x128xf32, #tpu.memory_space<vmem>>, vector<16xf32>,
    tpu.vector_store %arg6[%swap3A_2359, %swap3A_2360, %swap3A_2361, %swap3A_2362], %get3A_2339 {strides = array<i32>} : memref<2x3x8x128xf32, #tpu.memory_space<vmem>>, vector<16xf32>,
    %swap3A_2364 = arith.constant 1 : i32
    %swap3A_2365 = arith.constant 0 : i32
    %swap3A_2366 = arith.constant 3 : i32
    %swap3A_2367 = arith.index_cast %swap3A_2364 : i32 to index
    %swap3A_2368 = arith.index_cast %swap3A_2365 : i32 to index
    %swap3A_2369 = arith.index_cast %swap3A_2366 : i32 to index
    %swap3A_2370 = arith.constant 112 : index
    %swap3A_2371 = tpu.vector_load %arg6[%swap3A_2367, %swap3A_2368, %swap3A_2369, %swap3A_2370] {strides = array<i32>} : memref<2x3x8x128xf32, #tpu.memory_space<vmem>>, vector<16xf32>,
    tpu.vector_store %arg6[%swap3A_2367, %swap3A_2368, %swap3A_2369, %swap3A_2370], %get3A_2339 {strides = array<i32>} : memref<2x3x8x128xf32, #tpu.memory_space<vmem>>, vector<16xf32>,
    %swap3A_2372 = arith.constant 1 : i32
    %swap3A_2373 = arith.constant 0 : i32
    %swap3A_2374 = arith.constant 4 : i32
    %swap3A_2375 = arith.index_cast %swap3A_2372 : i32 to index
    %swap3A_2376 = arith.index_cast %swap3A_2373 : i32 to index
    %swap3A_2377 = arith.index_cast %swap3A_2374 : i32 to index
    %swap3A_2378 = arith.constant 112 : index
    %swap3A_2379 = tpu.vector_load %arg6[%swap3A_2375, %swap3A_2376, %swap3A_2377, %swap3A_2378] {strides = array<i32>} : memref<2x3x8x128xf32, #tpu.memory_space<vmem>>, vector<16xf32>,
    tpu.vector_store %arg6[%swap3A_2375, %swap3A_2376, %swap3A_2377, %swap3A_2378], %get3A_2339 {strides = array<i32>} : memref<2x3x8x128xf32, #tpu.memory_space<vmem>>, vector<16xf32>,
    %swap3A_2380 = arith.constant 1 : i32
    %swap3A_2381 = arith.constant 0 : i32
    %swap3A_2382 = arith.constant 5 : i32
    %swap3A_2383 = arith.index_cast %swap3A_2380 : i32 to index
    %swap3A_2384 = arith.index_cast %swap3A_2381 : i32 to index
    %swap3A_2385 = arith.index_cast %swap3A_2382 : i32 to index
    %swap3A_2386 = arith.constant 112 : index
    %swap3A_2387 = tpu.vector_load %arg6[%swap3A_2383, %swap3A_2384, %swap3A_2385, %swap3A_2386] {strides = array<i32>} : memref<2x3x8x128xf32, #tpu.memory_space<vmem>>, vector<16xf32>,
    tpu.vector_store %arg6[%swap3A_2383, %swap3A_2384, %swap3A_2385, %swap3A_2386], %get3A_2339 {strides = array<i32>} : memref<2x3x8x128xf32, #tpu.memory_space<vmem>>, vector<16xf32>,
    %swap3A_2388 = arith.constant 1 : i32
    %swap3A_2389 = arith.constant 0 : i32
    %swap3A_2390 = arith.constant 6 : i32
    %swap3A_2391 = arith.index_cast %swap3A_2388 : i32 to index
    %swap3A_2392 = arith.index_cast %swap3A_2389 : i32 to index
    %swap3A_2393 = arith.index_cast %swap3A_2390 : i32 to index
    %swap3A_2394 = arith.constant 112 : index
    %swap3A_2395 = tpu.vector_load %arg6[%swap3A_2391, %swap3A_2392, %swap3A_2393, %swap3A_2394] {strides = array<i32>} : memref<2x3x8x128xf32, #tpu.memory_space<vmem>>, vector<16xf32>,
    tpu.vector_store %arg6[%swap3A_2391, %swap3A_2392, %swap3A_2393, %swap3A_2394], %get3A_2339 {strides = array<i32>} : memref<2x3x8x128xf32, #tpu.memory_space<vmem>>, vector<16xf32>,
    %swap3A_2396 = arith.constant 1 : i32
    %swap3A_2397 = arith.constant 0 : i32
    %swap3A_2398 = arith.constant 7 : i32
    %swap3A_2399 = arith.index_cast %swap3A_2396 : i32 to index
    %swap3A_2400 = arith.index_cast %swap3A_2397 : i32 to index
    %swap3A_2401 = arith.index_cast %swap3A_2398 : i32 to index
    %swap3A_2402 = arith.constant 112 : index
    %swap3A_2403 = tpu.vector_load %arg6[%swap3A_2399, %swap3A_2400, %swap3A_2401, %swap3A_2402] {strides = array<i32>} : memref<2x3x8x128xf32, #tpu.memory_space<vmem>>, vector<16xf32>,
    tpu.vector_store %arg6[%swap3A_2399, %swap3A_2400, %swap3A_2401, %swap3A_2402], %get3A_2339 {strides = array<i32>} : memref<2x3x8x128xf32, #tpu.memory_space<vmem>>, vector<16xf32>,
    %get3A_2404 = arith.constant 1 : i32
    %get3A_2405 = arith.index_cast %get3A_2404 : i32 to index
    %get3A_2406 = arith.constant 128 : index
    %get3A_2407 = tpu.vector_load %arg5[%get3A_2405, %get3A_2406] {strides = array<i32>} : memref<2x384xf32, #tpu.memory_space<vmem>>, vector<16xf32>,
    %swap3A_2408 = arith.constant 1 : i32
    %swap3A_2409 = arith.constant 1 : i32
    %swap3A_2410 = arith.constant 0 : i32
    %swap3A_2411 = arith.index_cast %swap3A_2408 : i32 to index
    %swap3A_2412 = arith.index_cast %swap3A_2409 : i32 to index
    %swap3A_2413 = arith.index_cast %swap3A_2410 : i32 to index
    %swap3A_2414 = arith.constant 0 : index
    %swap3A_2415 = tpu.vector_load %arg6[%swap3A_2411, %swap3A_2412, %swap3A_2413, %swap3A_2414] {strides = array<i32>} : memref<2x3x8x128xf32, #tpu.memory_space<vmem>>, vector<16xf32>,
    tpu.vector_store %arg6[%swap3A_2411, %swap3A_2412, %swap3A_2413, %swap3A_2414], %get3A_2407 {strides = array<i32>} : memref<2x3x8x128xf32, #tpu.memory_space<vmem>>, vector<16xf32>,
    %swap3A_2416 = arith.constant 1 : i32
    %swap3A_2417 = arith.constant 1 : i32
    %swap3A_2418 = arith.constant 1 : i32
    %swap3A_2419 = arith.index_cast %swap3A_2416 : i32 to index
    %swap3A_2420 = arith.index_cast %swap3A_2417 : i32 to index
    %swap3A_2421 = arith.index_cast %swap3A_2418 : i32 to index
    %swap3A_2422 = arith.constant 0 : index
    %swap3A_2423 = tpu.vector_load %arg6[%swap3A_2419, %swap3A_2420, %swap3A_2421, %swap3A_2422] {strides = array<i32>} : memref<2x3x8x128xf32, #tpu.memory_space<vmem>>, vector<16xf32>,
    tpu.vector_store %arg6[%swap3A_2419, %swap3A_2420, %swap3A_2421, %swap3A_2422], %get3A_2407 {strides = array<i32>} : memref<2x3x8x128xf32, #tpu.memory_space<vmem>>, vector<16xf32>,
    %swap3A_2424 = arith.constant 1 : i32
    %swap3A_2425 = arith.constant 1 : i32
    %swap3A_2426 = arith.constant 2 : i32
    %swap3A_2427 = arith.index_cast %swap3A_2424 : i32 to index
    %swap3A_2428 = arith.index_cast %swap3A_2425 : i32 to index
    %swap3A_2429 = arith.index_cast %swap3A_2426 : i32 to index
    %swap3A_2430 = arith.constant 0 : index
    %swap3A_2431 = tpu.vector_load %arg6[%swap3A_2427, %swap3A_2428, %swap3A_2429, %swap3A_2430] {strides = array<i32>} : memref<2x3x8x128xf32, #tpu.memory_space<vmem>>, vector<16xf32>,
    tpu.vector_store %arg6[%swap3A_2427, %swap3A_2428, %swap3A_2429, %swap3A_2430], %get3A_2407 {strides = array<i32>} : memref<2x3x8x128xf32, #tpu.memory_space<vmem>>, vector<16xf32>,
    %swap3A_2432 = arith.constant 1 : i32
    %swap3A_2433 = arith.constant 1 : i32
    %swap3A_2434 = arith.constant 3 : i32
    %swap3A_2435 = arith.index_cast %swap3A_2432 : i32 to index
    %swap3A_2436 = arith.index_cast %swap3A_2433 : i32 to index
    %swap3A_2437 = arith.index_cast %swap3A_2434 : i32 to index
    %swap3A_2438 = arith.constant 0 : index
    %swap3A_2439 = tpu.vector_load %arg6[%swap3A_2435, %swap3A_2436, %swap3A_2437, %swap3A_2438] {strides = array<i32>} : memref<2x3x8x128xf32, #tpu.memory_space<vmem>>, vector<16xf32>,
    tpu.vector_store %arg6[%swap3A_2435, %swap3A_2436, %swap3A_2437, %swap3A_2438], %get3A_2407 {strides = array<i32>} : memref<2x3x8x128xf32, #tpu.memory_space<vmem>>, vector<16xf32>,
    %swap3A_2440 = arith.constant 1 : i32
    %swap3A_2441 = arith.constant 1 : i32
    %swap3A_2442 = arith.constant 4 : i32
    %swap3A_2443 = arith.index_cast %swap3A_2440 : i32 to index
    %swap3A_2444 = arith.index_cast %swap3A_2441 : i32 to index
    %swap3A_2445 = arith.index_cast %swap3A_2442 : i32 to index
    %swap3A_2446 = arith.constant 0 : index
    %swap3A_2447 = tpu.vector_load %arg6[%swap3A_2443, %swap3A_2444, %swap3A_2445, %swap3A_2446] {strides = array<i32>} : memref<2x3x8x128xf32, #tpu.memory_space<vmem>>, vector<16xf32>,
    tpu.vector_store %arg6[%swap3A_2443, %swap3A_2444, %swap3A_2445, %swap3A_2446], %get3A_2407 {strides = array<i32>} : memref<2x3x8x128xf32, #tpu.memory_space<vmem>>, vector<16xf32>,
    %swap3A_2448 = arith.constant 1 : i32
    %swap3A_2449 = arith.constant 1 : i32
    %swap3A_2450 = arith.constant 5 : i32
    %swap3A_2451 = arith.index_cast %swap3A_2448 : i32 to index
    %swap3A_2452 = arith.index_cast %swap3A_2449 : i32 to index
    %swap3A_2453 = arith.index_cast %swap3A_2450 : i32 to index
    %swap3A_2454 = arith.constant 0 : index
    %swap3A_2455 = tpu.vector_load %arg6[%swap3A_2451, %swap3A_2452, %swap3A_2453, %swap3A_2454] {strides = array<i32>} : memref<2x3x8x128xf32, #tpu.memory_space<vmem>>, vector<16xf32>,
    tpu.vector_store %arg6[%swap3A_2451, %swap3A_2452, %swap3A_2453, %swap3A_2454], %get3A_2407 {strides = array<i32>} : memref<2x3x8x128xf32, #tpu.memory_space<vmem>>, vector<16xf32>,
    %swap3A_2456 = arith.constant 1 : i32
    %swap3A_2457 = arith.constant 1 : i32
    %swap3A_2458 = arith.constant 6 : i32
    %swap3A_2459 = arith.index_cast %swap3A_2456 : i32 to index
    %swap3A_2460 = arith.index_cast %swap3A_2457 : i32 to index
    %swap3A_2461 = arith.index_cast %swap3A_2458 : i32 to index
    %swap3A_2462 = arith.constant 0 : index
    %swap3A_2463 = tpu.vector_load %arg6[%swap3A_2459, %swap3A_2460, %swap3A_2461, %swap3A_2462] {strides = array<i32>} : memref<2x3x8x128xf32, #tpu.memory_space<vmem>>, vector<16xf32>,
    tpu.vector_store %arg6[%swap3A_2459, %swap3A_2460, %swap3A_2461, %swap3A_2462], %get3A_2407 {strides = array<i32>} : memref<2x3x8x128xf32, #tpu.memory_space<vmem>>, vector<16xf32>,
    %swap3A_2464 = arith.constant 1 : i32
    %swap3A_2465 = arith.constant 1 : i32
    %swap3A_2466 = arith.constant 7 : i32
    %swap3A_2467 = arith.index_cast %swap3A_2464 : i32 to index
    %swap3A_2468 = arith.index_cast %swap3A_2465 : i32 to index
    %swap3A_2469 = arith.index_cast %swap3A_2466 : i32 to index
    %swap3A_2470 = arith.constant 0 : index
    %swap3A_2471 = tpu.vector_load %arg6[%swap3A_2467, %swap3A_2468, %swap3A_2469, %swap3A_2470] {strides = array<i32>} : memref<2x3x8x128xf32, #tpu.memory_space<vmem>>, vector<16xf32>,
    tpu.vector_store %arg6[%swap3A_2467, %swap3A_2468, %swap3A_2469, %swap3A_2470], %get3A_2407 {strides = array<i32>} : memref<2x3x8x128xf32, #tpu.memory_space<vmem>>, vector<16xf32>,
    %get3A_2472 = arith.constant 1 : i32
    %get3A_2473 = arith.index_cast %get3A_2472 : i32 to index
    %get3A_2474 = arith.constant 144 : index
    %get3A_2475 = tpu.vector_load %arg5[%get3A_2473, %get3A_2474] {strides = array<i32>} : memref<2x384xf32, #tpu.memory_space<vmem>>, vector<16xf32>,
    %swap3A_2476 = arith.constant 1 : i32
    %swap3A_2477 = arith.constant 1 : i32
    %swap3A_2478 = arith.constant 0 : i32
    %swap3A_2479 = arith.index_cast %swap3A_2476 : i32 to index
    %swap3A_2480 = arith.index_cast %swap3A_2477 : i32 to index
    %swap3A_2481 = arith.index_cast %swap3A_2478 : i32 to index
    %swap3A_2482 = arith.constant 16 : index
    %swap3A_2483 = tpu.vector_load %arg6[%swap3A_2479, %swap3A_2480, %swap3A_2481, %swap3A_2482] {strides = array<i32>} : memref<2x3x8x128xf32, #tpu.memory_space<vmem>>, vector<16xf32>,
    tpu.vector_store %arg6[%swap3A_2479, %swap3A_2480, %swap3A_2481, %swap3A_2482], %get3A_2475 {strides = array<i32>} : memref<2x3x8x128xf32, #tpu.memory_space<vmem>>, vector<16xf32>,
    %swap3A_2484 = arith.constant 1 : i32
    %swap3A_2485 = arith.constant 1 : i32
    %swap3A_2486 = arith.constant 1 : i32
    %swap3A_2487 = arith.index_cast %swap3A_2484 : i32 to index
    %swap3A_2488 = arith.index_cast %swap3A_2485 : i32 to index
    %swap3A_2489 = arith.index_cast %swap3A_2486 : i32 to index
    %swap3A_2490 = arith.constant 16 : index
    %swap3A_2491 = tpu.vector_load %arg6[%swap3A_2487, %swap3A_2488, %swap3A_2489, %swap3A_2490] {strides = array<i32>} : memref<2x3x8x128xf32, #tpu.memory_space<vmem>>, vector<16xf32>,
    tpu.vector_store %arg6[%swap3A_2487, %swap3A_2488, %swap3A_2489, %swap3A_2490], %get3A_2475 {strides = array<i32>} : memref<2x3x8x128xf32, #tpu.memory_space<vmem>>, vector<16xf32>,
    %swap3A_2492 = arith.constant 1 : i32
    %swap3A_2493 = arith.constant 1 : i32
    %swap3A_2494 = arith.constant 2 : i32
    %swap3A_2495 = arith.index_cast %swap3A_2492 : i32 to index
    %swap3A_2496 = arith.index_cast %swap3A_2493 : i32 to index
    %swap3A_2497 = arith.index_cast %swap3A_2494 : i32 to index
    %swap3A_2498 = arith.constant 16 : index
    %swap3A_2499 = tpu.vector_load %arg6[%swap3A_2495, %swap3A_2496, %swap3A_2497, %swap3A_2498] {strides = array<i32>} : memref<2x3x8x128xf32, #tpu.memory_space<vmem>>, vector<16xf32>,
    tpu.vector_store %arg6[%swap3A_2495, %swap3A_2496, %swap3A_2497, %swap3A_2498], %get3A_2475 {strides = array<i32>} : memref<2x3x8x128xf32, #tpu.memory_space<vmem>>, vector<16xf32>,
    %swap3A_2500 = arith.constant 1 : i32
    %swap3A_2501 = arith.constant 1 : i32
    %swap3A_2502 = arith.constant 3 : i32
    %swap3A_2503 = arith.index_cast %swap3A_2500 : i32 to index
    %swap3A_2504 = arith.index_cast %swap3A_2501 : i32 to index
    %swap3A_2505 = arith.index_cast %swap3A_2502 : i32 to index
    %swap3A_2506 = arith.constant 16 : index
    %swap3A_2507 = tpu.vector_load %arg6[%swap3A_2503, %swap3A_2504, %swap3A_2505, %swap3A_2506] {strides = array<i32>} : memref<2x3x8x128xf32, #tpu.memory_space<vmem>>, vector<16xf32>,
    tpu.vector_store %arg6[%swap3A_2503, %swap3A_2504, %swap3A_2505, %swap3A_2506], %get3A_2475 {strides = array<i32>} : memref<2x3x8x128xf32, #tpu.memory_space<vmem>>, vector<16xf32>,
    %swap3A_2508 = arith.constant 1 : i32
    %swap3A_2509 = arith.constant 1 : i32
    %swap3A_2510 = arith.constant 4 : i32
    %swap3A_2511 = arith.index_cast %swap3A_2508 : i32 to index
    %swap3A_2512 = arith.index_cast %swap3A_2509 : i32 to index
    %swap3A_2513 = arith.index_cast %swap3A_2510 : i32 to index
    %swap3A_2514 = arith.constant 16 : index
    %swap3A_2515 = tpu.vector_load %arg6[%swap3A_2511, %swap3A_2512, %swap3A_2513, %swap3A_2514] {strides = array<i32>} : memref<2x3x8x128xf32, #tpu.memory_space<vmem>>, vector<16xf32>,
    tpu.vector_store %arg6[%swap3A_2511, %swap3A_2512, %swap3A_2513, %swap3A_2514], %get3A_2475 {strides = array<i32>} : memref<2x3x8x128xf32, #tpu.memory_space<vmem>>, vector<16xf32>,
    %swap3A_2516 = arith.constant 1 : i32
    %swap3A_2517 = arith.constant 1 : i32
    %swap3A_2518 = arith.constant 5 : i32
    %swap3A_2519 = arith.index_cast %swap3A_2516 : i32 to index
    %swap3A_2520 = arith.index_cast %swap3A_2517 : i32 to index
    %swap3A_2521 = arith.index_cast %swap3A_2518 : i32 to index
    %swap3A_2522 = arith.constant 16 : index
    %swap3A_2523 = tpu.vector_load %arg6[%swap3A_2519, %swap3A_2520, %swap3A_2521, %swap3A_2522] {strides = array<i32>} : memref<2x3x8x128xf32, #tpu.memory_space<vmem>>, vector<16xf32>,
    tpu.vector_store %arg6[%swap3A_2519, %swap3A_2520, %swap3A_2521, %swap3A_2522], %get3A_2475 {strides = array<i32>} : memref<2x3x8x128xf32, #tpu.memory_space<vmem>>, vector<16xf32>,
    %swap3A_2524 = arith.constant 1 : i32
    %swap3A_2525 = arith.constant 1 : i32
    %swap3A_2526 = arith.constant 6 : i32
    %swap3A_2527 = arith.index_cast %swap3A_2524 : i32 to index
    %swap3A_2528 = arith.index_cast %swap3A_2525 : i32 to index
    %swap3A_2529 = arith.index_cast %swap3A_2526 : i32 to index
    %swap3A_2530 = arith.constant 16 : index
    %swap3A_2531 = tpu.vector_load %arg6[%swap3A_2527, %swap3A_2528, %swap3A_2529, %swap3A_2530] {strides = array<i32>} : memref<2x3x8x128xf32, #tpu.memory_space<vmem>>, vector<16xf32>,
    tpu.vector_store %arg6[%swap3A_2527, %swap3A_2528, %swap3A_2529, %swap3A_2530], %get3A_2475 {strides = array<i32>} : memref<2x3x8x128xf32, #tpu.memory_space<vmem>>, vector<16xf32>,
    %swap3A_2532 = arith.constant 1 : i32
    %swap3A_2533 = arith.constant 1 : i32
    %swap3A_2534 = arith.constant 7 : i32
    %swap3A_2535 = arith.index_cast %swap3A_2532 : i32 to index
    %swap3A_2536 = arith.index_cast %swap3A_2533 : i32 to index
    %swap3A_2537 = arith.index_cast %swap3A_2534 : i32 to index
    %swap3A_2538 = arith.constant 16 : index
    %swap3A_2539 = tpu.vector_load %arg6[%swap3A_2535, %swap3A_2536, %swap3A_2537, %swap3A_2538] {strides = array<i32>} : memref<2x3x8x128xf32, #tpu.memory_space<vmem>>, vector<16xf32>,
    tpu.vector_store %arg6[%swap3A_2535, %swap3A_2536, %swap3A_2537, %swap3A_2538], %get3A_2475 {strides = array<i32>} : memref<2x3x8x128xf32, #tpu.memory_space<vmem>>, vector<16xf32>,
    %get3A_2540 = arith.constant 1 : i32
    %get3A_2541 = arith.index_cast %get3A_2540 : i32 to index
    %get3A_2542 = arith.constant 160 : index
    %get3A_2543 = tpu.vector_load %arg5[%get3A_2541, %get3A_2542] {strides = array<i32>} : memref<2x384xf32, #tpu.memory_space<vmem>>, vector<16xf32>,
    %swap3A_2544 = arith.constant 1 : i32
    %swap3A_2545 = arith.constant 1 : i32
    %swap3A_2546 = arith.constant 0 : i32
    %swap3A_2547 = arith.index_cast %swap3A_2544 : i32 to index
    %swap3A_2548 = arith.index_cast %swap3A_2545 : i32 to index
    %swap3A_2549 = arith.index_cast %swap3A_2546 : i32 to index
    %swap3A_2550 = arith.constant 32 : index
    %swap3A_2551 = tpu.vector_load %arg6[%swap3A_2547, %swap3A_2548, %swap3A_2549, %swap3A_2550] {strides = array<i32>} : memref<2x3x8x128xf32, #tpu.memory_space<vmem>>, vector<16xf32>,
    tpu.vector_store %arg6[%swap3A_2547, %swap3A_2548, %swap3A_2549, %swap3A_2550], %get3A_2543 {strides = array<i32>} : memref<2x3x8x128xf32, #tpu.memory_space<vmem>>, vector<16xf32>,
    %swap3A_2552 = arith.constant 1 : i32
    %swap3A_2553 = arith.constant 1 : i32
    %swap3A_2554 = arith.constant 1 : i32
    %swap3A_2555 = arith.index_cast %swap3A_2552 : i32 to index
    %swap3A_2556 = arith.index_cast %swap3A_2553 : i32 to index
    %swap3A_2557 = arith.index_cast %swap3A_2554 : i32 to index
    %swap3A_2558 = arith.constant 32 : index
    %swap3A_2559 = tpu.vector_load %arg6[%swap3A_2555, %swap3A_2556, %swap3A_2557, %swap3A_2558] {strides = array<i32>} : memref<2x3x8x128xf32, #tpu.memory_space<vmem>>, vector<16xf32>,
    tpu.vector_store %arg6[%swap3A_2555, %swap3A_2556, %swap3A_2557, %swap3A_2558], %get3A_2543 {strides = array<i32>} : memref<2x3x8x128xf32, #tpu.memory_space<vmem>>, vector<16xf32>,
    %swap3A_2560 = arith.constant 1 : i32
    %swap3A_2561 = arith.constant 1 : i32
    %swap3A_2562 = arith.constant 2 : i32
    %swap3A_2563 = arith.index_cast %swap3A_2560 : i32 to index
    %swap3A_2564 = arith.index_cast %swap3A_2561 : i32 to index
    %swap3A_2565 = arith.index_cast %swap3A_2562 : i32 to index
    %swap3A_2566 = arith.constant 32 : index
    %swap3A_2567 = tpu.vector_load %arg6[%swap3A_2563, %swap3A_2564, %swap3A_2565, %swap3A_2566] {strides = array<i32>} : memref<2x3x8x128xf32, #tpu.memory_space<vmem>>, vector<16xf32>,
    tpu.vector_store %arg6[%swap3A_2563, %swap3A_2564, %swap3A_2565, %swap3A_2566], %get3A_2543 {strides = array<i32>} : memref<2x3x8x128xf32, #tpu.memory_space<vmem>>, vector<16xf32>,
    %swap3A_2568 = arith.constant 1 : i32
    %swap3A_2569 = arith.constant 1 : i32
    %swap3A_2570 = arith.constant 3 : i32
    %swap3A_2571 = arith.index_cast %swap3A_2568 : i32 to index
    %swap3A_2572 = arith.index_cast %swap3A_2569 : i32 to index
    %swap3A_2573 = arith.index_cast %swap3A_2570 : i32 to index
    %swap3A_2574 = arith.constant 32 : index
    %swap3A_2575 = tpu.vector_load %arg6[%swap3A_2571, %swap3A_2572, %swap3A_2573, %swap3A_2574] {strides = array<i32>} : memref<2x3x8x128xf32, #tpu.memory_space<vmem>>, vector<16xf32>,
    tpu.vector_store %arg6[%swap3A_2571, %swap3A_2572, %swap3A_2573, %swap3A_2574], %get3A_2543 {strides = array<i32>} : memref<2x3x8x128xf32, #tpu.memory_space<vmem>>, vector<16xf32>,
    %swap3A_2576 = arith.constant 1 : i32
    %swap3A_2577 = arith.constant 1 : i32
    %swap3A_2578 = arith.constant 4 : i32
    %swap3A_2579 = arith.index_cast %swap3A_2576 : i32 to index
    %swap3A_2580 = arith.index_cast %swap3A_2577 : i32 to index
    %swap3A_2581 = arith.index_cast %swap3A_2578 : i32 to index
    %swap3A_2582 = arith.constant 32 : index
    %swap3A_2583 = tpu.vector_load %arg6[%swap3A_2579, %swap3A_2580, %swap3A_2581, %swap3A_2582] {strides = array<i32>} : memref<2x3x8x128xf32, #tpu.memory_space<vmem>>, vector<16xf32>,
    tpu.vector_store %arg6[%swap3A_2579, %swap3A_2580, %swap3A_2581, %swap3A_2582], %get3A_2543 {strides = array<i32>} : memref<2x3x8x128xf32, #tpu.memory_space<vmem>>, vector<16xf32>,
    %swap3A_2584 = arith.constant 1 : i32
    %swap3A_2585 = arith.constant 1 : i32
    %swap3A_2586 = arith.constant 5 : i32
    %swap3A_2587 = arith.index_cast %swap3A_2584 : i32 to index
    %swap3A_2588 = arith.index_cast %swap3A_2585 : i32 to index
    %swap3A_2589 = arith.index_cast %swap3A_2586 : i32 to index
    %swap3A_2590 = arith.constant 32 : index
    %swap3A_2591 = tpu.vector_load %arg6[%swap3A_2587, %swap3A_2588, %swap3A_2589, %swap3A_2590] {strides = array<i32>} : memref<2x3x8x128xf32, #tpu.memory_space<vmem>>, vector<16xf32>,
    tpu.vector_store %arg6[%swap3A_2587, %swap3A_2588, %swap3A_2589, %swap3A_2590], %get3A_2543 {strides = array<i32>} : memref<2x3x8x128xf32, #tpu.memory_space<vmem>>, vector<16xf32>,
    %swap3A_2592 = arith.constant 1 : i32
    %swap3A_2593 = arith.constant 1 : i32
    %swap3A_2594 = arith.constant 6 : i32
    %swap3A_2595 = arith.index_cast %swap3A_2592 : i32 to index
    %swap3A_2596 = arith.index_cast %swap3A_2593 : i32 to index
    %swap3A_2597 = arith.index_cast %swap3A_2594 : i32 to index
    %swap3A_2598 = arith.constant 32 : index
    %swap3A_2599 = tpu.vector_load %arg6[%swap3A_2595, %swap3A_2596, %swap3A_2597, %swap3A_2598] {strides = array<i32>} : memref<2x3x8x128xf32, #tpu.memory_space<vmem>>, vector<16xf32>,
    tpu.vector_store %arg6[%swap3A_2595, %swap3A_2596, %swap3A_2597, %swap3A_2598], %get3A_2543 {strides = array<i32>} : memref<2x3x8x128xf32, #tpu.memory_space<vmem>>, vector<16xf32>,
    %swap3A_2600 = arith.constant 1 : i32
    %swap3A_2601 = arith.constant 1 : i32
    %swap3A_2602 = arith.constant 7 : i32
    %swap3A_2603 = arith.index_cast %swap3A_2600 : i32 to index
    %swap3A_2604 = arith.index_cast %swap3A_2601 : i32 to index
    %swap3A_2605 = arith.index_cast %swap3A_2602 : i32 to index
    %swap3A_2606 = arith.constant 32 : index
    %swap3A_2607 = tpu.vector_load %arg6[%swap3A_2603, %swap3A_2604, %swap3A_2605, %swap3A_2606] {strides = array<i32>} : memref<2x3x8x128xf32, #tpu.memory_space<vmem>>, vector<16xf32>,
    tpu.vector_store %arg6[%swap3A_2603, %swap3A_2604, %swap3A_2605, %swap3A_2606], %get3A_2543 {strides = array<i32>} : memref<2x3x8x128xf32, #tpu.memory_space<vmem>>, vector<16xf32>,
    %get3A_2608 = arith.constant 1 : i32
    %get3A_2609 = arith.index_cast %get3A_2608 : i32 to index
    %get3A_2610 = arith.constant 176 : index
    %get3A_2611 = tpu.vector_load %arg5[%get3A_2609, %get3A_2610] {strides = array<i32>} : memref<2x384xf32, #tpu.memory_space<vmem>>, vector<16xf32>,
    %swap3A_2612 = arith.constant 1 : i32
    %swap3A_2613 = arith.constant 1 : i32
    %swap3A_2614 = arith.constant 0 : i32
    %swap3A_2615 = arith.index_cast %swap3A_2612 : i32 to index
    %swap3A_2616 = arith.index_cast %swap3A_2613 : i32 to index
    %swap3A_2617 = arith.index_cast %swap3A_2614 : i32 to index
    %swap3A_2618 = arith.constant 48 : index
    %swap3A_2619 = tpu.vector_load %arg6[%swap3A_2615, %swap3A_2616, %swap3A_2617, %swap3A_2618] {strides = array<i32>} : memref<2x3x8x128xf32, #tpu.memory_space<vmem>>, vector<16xf32>,
    tpu.vector_store %arg6[%swap3A_2615, %swap3A_2616, %swap3A_2617, %swap3A_2618], %get3A_2611 {strides = array<i32>} : memref<2x3x8x128xf32, #tpu.memory_space<vmem>>, vector<16xf32>,
    %swap3A_2620 = arith.constant 1 : i32
    %swap3A_2621 = arith.constant 1 : i32
    %swap3A_2622 = arith.constant 1 : i32
    %swap3A_2623 = arith.index_cast %swap3A_2620 : i32 to index
    %swap3A_2624 = arith.index_cast %swap3A_2621 : i32 to index
    %swap3A_2625 = arith.index_cast %swap3A_2622 : i32 to index
    %swap3A_2626 = arith.constant 48 : index
    %swap3A_2627 = tpu.vector_load %arg6[%swap3A_2623, %swap3A_2624, %swap3A_2625, %swap3A_2626] {strides = array<i32>} : memref<2x3x8x128xf32, #tpu.memory_space<vmem>>, vector<16xf32>,
    tpu.vector_store %arg6[%swap3A_2623, %swap3A_2624, %swap3A_2625, %swap3A_2626], %get3A_2611 {strides = array<i32>} : memref<2x3x8x128xf32, #tpu.memory_space<vmem>>, vector<16xf32>,
    %swap3A_2628 = arith.constant 1 : i32
    %swap3A_2629 = arith.constant 1 : i32
    %swap3A_2630 = arith.constant 2 : i32
    %swap3A_2631 = arith.index_cast %swap3A_2628 : i32 to index
    %swap3A_2632 = arith.index_cast %swap3A_2629 : i32 to index
    %swap3A_2633 = arith.index_cast %swap3A_2630 : i32 to index
    %swap3A_2634 = arith.constant 48 : index
    %swap3A_2635 = tpu.vector_load %arg6[%swap3A_2631, %swap3A_2632, %swap3A_2633, %swap3A_2634] {strides = array<i32>} : memref<2x3x8x128xf32, #tpu.memory_space<vmem>>, vector<16xf32>,
    tpu.vector_store %arg6[%swap3A_2631, %swap3A_2632, %swap3A_2633, %swap3A_2634], %get3A_2611 {strides = array<i32>} : memref<2x3x8x128xf32, #tpu.memory_space<vmem>>, vector<16xf32>,
    %swap3A_2636 = arith.constant 1 : i32
    %swap3A_2637 = arith.constant 1 : i32
    %swap3A_2638 = arith.constant 3 : i32
    %swap3A_2639 = arith.index_cast %swap3A_2636 : i32 to index
    %swap3A_2640 = arith.index_cast %swap3A_2637 : i32 to index
    %swap3A_2641 = arith.index_cast %swap3A_2638 : i32 to index
    %swap3A_2642 = arith.constant 48 : index
    %swap3A_2643 = tpu.vector_load %arg6[%swap3A_2639, %swap3A_2640, %swap3A_2641, %swap3A_2642] {strides = array<i32>} : memref<2x3x8x128xf32, #tpu.memory_space<vmem>>, vector<16xf32>,
    tpu.vector_store %arg6[%swap3A_2639, %swap3A_2640, %swap3A_2641, %swap3A_2642], %get3A_2611 {strides = array<i32>} : memref<2x3x8x128xf32, #tpu.memory_space<vmem>>, vector<16xf32>,
    %swap3A_2644 = arith.constant 1 : i32
    %swap3A_2645 = arith.constant 1 : i32
    %swap3A_2646 = arith.constant 4 : i32
    %swap3A_2647 = arith.index_cast %swap3A_2644 : i32 to index
    %swap3A_2648 = arith.index_cast %swap3A_2645 : i32 to index
    %swap3A_2649 = arith.index_cast %swap3A_2646 : i32 to index
    %swap3A_2650 = arith.constant 48 : index
    %swap3A_2651 = tpu.vector_load %arg6[%swap3A_2647, %swap3A_2648, %swap3A_2649, %swap3A_2650] {strides = array<i32>} : memref<2x3x8x128xf32, #tpu.memory_space<vmem>>, vector<16xf32>,
    tpu.vector_store %arg6[%swap3A_2647, %swap3A_2648, %swap3A_2649, %swap3A_2650], %get3A_2611 {strides = array<i32>} : memref<2x3x8x128xf32, #tpu.memory_space<vmem>>, vector<16xf32>,
    %swap3A_2652 = arith.constant 1 : i32
    %swap3A_2653 = arith.constant 1 : i32
    %swap3A_2654 = arith.constant 5 : i32
    %swap3A_2655 = arith.index_cast %swap3A_2652 : i32 to index
    %swap3A_2656 = arith.index_cast %swap3A_2653 : i32 to index
    %swap3A_2657 = arith.index_cast %swap3A_2654 : i32 to index
    %swap3A_2658 = arith.constant 48 : index
    %swap3A_2659 = tpu.vector_load %arg6[%swap3A_2655, %swap3A_2656, %swap3A_2657, %swap3A_2658] {strides = array<i32>} : memref<2x3x8x128xf32, #tpu.memory_space<vmem>>, vector<16xf32>,
    tpu.vector_store %arg6[%swap3A_2655, %swap3A_2656, %swap3A_2657, %swap3A_2658], %get3A_2611 {strides = array<i32>} : memref<2x3x8x128xf32, #tpu.memory_space<vmem>>, vector<16xf32>,
    %swap3A_2660 = arith.constant 1 : i32
    %swap3A_2661 = arith.constant 1 : i32
    %swap3A_2662 = arith.constant 6 : i32
    %swap3A_2663 = arith.index_cast %swap3A_2660 : i32 to index
    %swap3A_2664 = arith.index_cast %swap3A_2661 : i32 to index
    %swap3A_2665 = arith.index_cast %swap3A_2662 : i32 to index
    %swap3A_2666 = arith.constant 48 : index
    %swap3A_2667 = tpu.vector_load %arg6[%swap3A_2663, %swap3A_2664, %swap3A_2665, %swap3A_2666] {strides = array<i32>} : memref<2x3x8x128xf32, #tpu.memory_space<vmem>>, vector<16xf32>,
    tpu.vector_store %arg6[%swap3A_2663, %swap3A_2664, %swap3A_2665, %swap3A_2666], %get3A_2611 {strides = array<i32>} : memref<2x3x8x128xf32, #tpu.memory_space<vmem>>, vector<16xf32>,
    %swap3A_2668 = arith.constant 1 : i32
    %swap3A_2669 = arith.constant 1 : i32
    %swap3A_2670 = arith.constant 7 : i32
    %swap3A_2671 = arith.index_cast %swap3A_2668 : i32 to index
    %swap3A_2672 = arith.index_cast %swap3A_2669 : i32 to index
    %swap3A_2673 = arith.index_cast %swap3A_2670 : i32 to index
    %swap3A_2674 = arith.constant 48 : index
    %swap3A_2675 = tpu.vector_load %arg6[%swap3A_2671, %swap3A_2672, %swap3A_2673, %swap3A_2674] {strides = array<i32>} : memref<2x3x8x128xf32, #tpu.memory_space<vmem>>, vector<16xf32>,
    tpu.vector_store %arg6[%swap3A_2671, %swap3A_2672, %swap3A_2673, %swap3A_2674], %get3A_2611 {strides = array<i32>} : memref<2x3x8x128xf32, #tpu.memory_space<vmem>>, vector<16xf32>,
    %get3A_2676 = arith.constant 1 : i32
    %get3A_2677 = arith.index_cast %get3A_2676 : i32 to index
    %get3A_2678 = arith.constant 192 : index
    %get3A_2679 = tpu.vector_load %arg5[%get3A_2677, %get3A_2678] {strides = array<i32>} : memref<2x384xf32, #tpu.memory_space<vmem>>, vector<16xf32>,
    %swap3A_2680 = arith.constant 1 : i32
    %swap3A_2681 = arith.constant 1 : i32
    %swap3A_2682 = arith.constant 0 : i32
    %swap3A_2683 = arith.index_cast %swap3A_2680 : i32 to index
    %swap3A_2684 = arith.index_cast %swap3A_2681 : i32 to index
    %swap3A_2685 = arith.index_cast %swap3A_2682 : i32 to index
    %swap3A_2686 = arith.constant 64 : index
    %swap3A_2687 = tpu.vector_load %arg6[%swap3A_2683, %swap3A_2684, %swap3A_2685, %swap3A_2686] {strides = array<i32>} : memref<2x3x8x128xf32, #tpu.memory_space<vmem>>, vector<16xf32>,
    tpu.vector_store %arg6[%swap3A_2683, %swap3A_2684, %swap3A_2685, %swap3A_2686], %get3A_2679 {strides = array<i32>} : memref<2x3x8x128xf32, #tpu.memory_space<vmem>>, vector<16xf32>,
    %swap3A_2688 = arith.constant 1 : i32
    %swap3A_2689 = arith.constant 1 : i32
    %swap3A_2690 = arith.constant 1 : i32
    %swap3A_2691 = arith.index_cast %swap3A_2688 : i32 to index
    %swap3A_2692 = arith.index_cast %swap3A_2689 : i32 to index
    %swap3A_2693 = arith.index_cast %swap3A_2690 : i32 to index
    %swap3A_2694 = arith.constant 64 : index
    %swap3A_2695 = tpu.vector_load %arg6[%swap3A_2691, %swap3A_2692, %swap3A_2693, %swap3A_2694] {strides = array<i32>} : memref<2x3x8x128xf32, #tpu.memory_space<vmem>>, vector<16xf32>,
    tpu.vector_store %arg6[%swap3A_2691, %swap3A_2692, %swap3A_2693, %swap3A_2694], %get3A_2679 {strides = array<i32>} : memref<2x3x8x128xf32, #tpu.memory_space<vmem>>, vector<16xf32>,
    %swap3A_2696 = arith.constant 1 : i32
    %swap3A_2697 = arith.constant 1 : i32
    %swap3A_2698 = arith.constant 2 : i32
    %swap3A_2699 = arith.index_cast %swap3A_2696 : i32 to index
    %swap3A_2700 = arith.index_cast %swap3A_2697 : i32 to index
    %swap3A_2701 = arith.index_cast %swap3A_2698 : i32 to index
    %swap3A_2702 = arith.constant 64 : index
    %swap3A_2703 = tpu.vector_load %arg6[%swap3A_2699, %swap3A_2700, %swap3A_2701, %swap3A_2702] {strides = array<i32>} : memref<2x3x8x128xf32, #tpu.memory_space<vmem>>, vector<16xf32>,
    tpu.vector_store %arg6[%swap3A_2699, %swap3A_2700, %swap3A_2701, %swap3A_2702], %get3A_2679 {strides = array<i32>} : memref<2x3x8x128xf32, #tpu.memory_space<vmem>>, vector<16xf32>,
    %swap3A_2704 = arith.constant 1 : i32
    %swap3A_2705 = arith.constant 1 : i32
    %swap3A_2706 = arith.constant 3 : i32
    %swap3A_2707 = arith.index_cast %swap3A_2704 : i32 to index
    %swap3A_2708 = arith.index_cast %swap3A_2705 : i32 to index
    %swap3A_2709 = arith.index_cast %swap3A_2706 : i32 to index
    %swap3A_2710 = arith.constant 64 : index
    %swap3A_2711 = tpu.vector_load %arg6[%swap3A_2707, %swap3A_2708, %swap3A_2709, %swap3A_2710] {strides = array<i32>} : memref<2x3x8x128xf32, #tpu.memory_space<vmem>>, vector<16xf32>,
    tpu.vector_store %arg6[%swap3A_2707, %swap3A_2708, %swap3A_2709, %swap3A_2710], %get3A_2679 {strides = array<i32>} : memref<2x3x8x128xf32, #tpu.memory_space<vmem>>, vector<16xf32>,
    %swap3A_2712 = arith.constant 1 : i32
    %swap3A_2713 = arith.constant 1 : i32
    %swap3A_2714 = arith.constant 4 : i32
    %swap3A_2715 = arith.index_cast %swap3A_2712 : i32 to index
    %swap3A_2716 = arith.index_cast %swap3A_2713 : i32 to index
    %swap3A_2717 = arith.index_cast %swap3A_2714 : i32 to index
    %swap3A_2718 = arith.constant 64 : index
    %swap3A_2719 = tpu.vector_load %arg6[%swap3A_2715, %swap3A_2716, %swap3A_2717, %swap3A_2718] {strides = array<i32>} : memref<2x3x8x128xf32, #tpu.memory_space<vmem>>, vector<16xf32>,
    tpu.vector_store %arg6[%swap3A_2715, %swap3A_2716, %swap3A_2717, %swap3A_2718], %get3A_2679 {strides = array<i32>} : memref<2x3x8x128xf32, #tpu.memory_space<vmem>>, vector<16xf32>,
    %swap3A_2720 = arith.constant 1 : i32
    %swap3A_2721 = arith.constant 1 : i32
    %swap3A_2722 = arith.constant 5 : i32
    %swap3A_2723 = arith.index_cast %swap3A_2720 : i32 to index
    %swap3A_2724 = arith.index_cast %swap3A_2721 : i32 to index
    %swap3A_2725 = arith.index_cast %swap3A_2722 : i32 to index
    %swap3A_2726 = arith.constant 64 : index
    %swap3A_2727 = tpu.vector_load %arg6[%swap3A_2723, %swap3A_2724, %swap3A_2725, %swap3A_2726] {strides = array<i32>} : memref<2x3x8x128xf32, #tpu.memory_space<vmem>>, vector<16xf32>,
    tpu.vector_store %arg6[%swap3A_2723, %swap3A_2724, %swap3A_2725, %swap3A_2726], %get3A_2679 {strides = array<i32>} : memref<2x3x8x128xf32, #tpu.memory_space<vmem>>, vector<16xf32>,
    %swap3A_2728 = arith.constant 1 : i32
    %swap3A_2729 = arith.constant 1 : i32
    %swap3A_2730 = arith.constant 6 : i32
    %swap3A_2731 = arith.index_cast %swap3A_2728 : i32 to index
    %swap3A_2732 = arith.index_cast %swap3A_2729 : i32 to index
    %swap3A_2733 = arith.index_cast %swap3A_2730 : i32 to index
    %swap3A_2734 = arith.constant 64 : index
    %swap3A_2735 = tpu.vector_load %arg6[%swap3A_2731, %swap3A_2732, %swap3A_2733, %swap3A_2734] {strides = array<i32>} : memref<2x3x8x128xf32, #tpu.memory_space<vmem>>, vector<16xf32>,
    tpu.vector_store %arg6[%swap3A_2731, %swap3A_2732, %swap3A_2733, %swap3A_2734], %get3A_2679 {strides = array<i32>} : memref<2x3x8x128xf32, #tpu.memory_space<vmem>>, vector<16xf32>,
    %swap3A_2736 = arith.constant 1 : i32
    %swap3A_2737 = arith.constant 1 : i32
    %swap3A_2738 = arith.constant 7 : i32
    %swap3A_2739 = arith.index_cast %swap3A_2736 : i32 to index
    %swap3A_2740 = arith.index_cast %swap3A_2737 : i32 to index
    %swap3A_2741 = arith.index_cast %swap3A_2738 : i32 to index
    %swap3A_2742 = arith.constant 64 : index
    %swap3A_2743 = tpu.vector_load %arg6[%swap3A_2739, %swap3A_2740, %swap3A_2741, %swap3A_2742] {strides = array<i32>} : memref<2x3x8x128xf32, #tpu.memory_space<vmem>>, vector<16xf32>,
    tpu.vector_store %arg6[%swap3A_2739, %swap3A_2740, %swap3A_2741, %swap3A_2742], %get3A_2679 {strides = array<i32>} : memref<2x3x8x128xf32, #tpu.memory_space<vmem>>, vector<16xf32>,
    %get3A_2744 = arith.constant 1 : i32
    %get3A_2745 = arith.index_cast %get3A_2744 : i32 to index
    %get3A_2746 = arith.constant 208 : index
    %get3A_2747 = tpu.vector_load %arg5[%get3A_2745, %get3A_2746] {strides = array<i32>} : memref<2x384xf32, #tpu.memory_space<vmem>>, vector<16xf32>,
    %swap3A_2748 = arith.constant 1 : i32
    %swap3A_2749 = arith.constant 1 : i32
    %swap3A_2750 = arith.constant 0 : i32
    %swap3A_2751 = arith.index_cast %swap3A_2748 : i32 to index
    %swap3A_2752 = arith.index_cast %swap3A_2749 : i32 to index
    %swap3A_2753 = arith.index_cast %swap3A_2750 : i32 to index
    %swap3A_2754 = arith.constant 80 : index
    %swap3A_2755 = tpu.vector_load %arg6[%swap3A_2751, %swap3A_2752, %swap3A_2753, %swap3A_2754] {strides = array<i32>} : memref<2x3x8x128xf32, #tpu.memory_space<vmem>>, vector<16xf32>,
    tpu.vector_store %arg6[%swap3A_2751, %swap3A_2752, %swap3A_2753, %swap3A_2754], %get3A_2747 {strides = array<i32>} : memref<2x3x8x128xf32, #tpu.memory_space<vmem>>, vector<16xf32>,
    %swap3A_2756 = arith.constant 1 : i32
    %swap3A_2757 = arith.constant 1 : i32
    %swap3A_2758 = arith.constant 1 : i32
    %swap3A_2759 = arith.index_cast %swap3A_2756 : i32 to index
    %swap3A_2760 = arith.index_cast %swap3A_2757 : i32 to index
    %swap3A_2761 = arith.index_cast %swap3A_2758 : i32 to index
    %swap3A_2762 = arith.constant 80 : index
    %swap3A_2763 = tpu.vector_load %arg6[%swap3A_2759, %swap3A_2760, %swap3A_2761, %swap3A_2762] {strides = array<i32>} : memref<2x3x8x128xf32, #tpu.memory_space<vmem>>, vector<16xf32>,
    tpu.vector_store %arg6[%swap3A_2759, %swap3A_2760, %swap3A_2761, %swap3A_2762], %get3A_2747 {strides = array<i32>} : memref<2x3x8x128xf32, #tpu.memory_space<vmem>>, vector<16xf32>,
    %swap3A_2764 = arith.constant 1 : i32
    %swap3A_2765 = arith.constant 1 : i32
    %swap3A_2766 = arith.constant 2 : i32
    %swap3A_2767 = arith.index_cast %swap3A_2764 : i32 to index
    %swap3A_2768 = arith.index_cast %swap3A_2765 : i32 to index
    %swap3A_2769 = arith.index_cast %swap3A_2766 : i32 to index
    %swap3A_2770 = arith.constant 80 : index
    %swap3A_2771 = tpu.vector_load %arg6[%swap3A_2767, %swap3A_2768, %swap3A_2769, %swap3A_2770] {strides = array<i32>} : memref<2x3x8x128xf32, #tpu.memory_space<vmem>>, vector<16xf32>,
    tpu.vector_store %arg6[%swap3A_2767, %swap3A_2768, %swap3A_2769, %swap3A_2770], %get3A_2747 {strides = array<i32>} : memref<2x3x8x128xf32, #tpu.memory_space<vmem>>, vector<16xf32>,
    %swap3A_2772 = arith.constant 1 : i32
    %swap3A_2773 = arith.constant 1 : i32
    %swap3A_2774 = arith.constant 3 : i32
    %swap3A_2775 = arith.index_cast %swap3A_2772 : i32 to index
    %swap3A_2776 = arith.index_cast %swap3A_2773 : i32 to index
    %swap3A_2777 = arith.index_cast %swap3A_2774 : i32 to index
    %swap3A_2778 = arith.constant 80 : index
    %swap3A_2779 = tpu.vector_load %arg6[%swap3A_2775, %swap3A_2776, %swap3A_2777, %swap3A_2778] {strides = array<i32>} : memref<2x3x8x128xf32, #tpu.memory_space<vmem>>, vector<16xf32>,
    tpu.vector_store %arg6[%swap3A_2775, %swap3A_2776, %swap3A_2777, %swap3A_2778], %get3A_2747 {strides = array<i32>} : memref<2x3x8x128xf32, #tpu.memory_space<vmem>>, vector<16xf32>,
    %swap3A_2780 = arith.constant 1 : i32
    %swap3A_2781 = arith.constant 1 : i32
    %swap3A_2782 = arith.constant 4 : i32
    %swap3A_2783 = arith.index_cast %swap3A_2780 : i32 to index
    %swap3A_2784 = arith.index_cast %swap3A_2781 : i32 to index
    %swap3A_2785 = arith.index_cast %swap3A_2782 : i32 to index
    %swap3A_2786 = arith.constant 80 : index
    %swap3A_2787 = tpu.vector_load %arg6[%swap3A_2783, %swap3A_2784, %swap3A_2785, %swap3A_2786] {strides = array<i32>} : memref<2x3x8x128xf32, #tpu.memory_space<vmem>>, vector<16xf32>,
    tpu.vector_store %arg6[%swap3A_2783, %swap3A_2784, %swap3A_2785, %swap3A_2786], %get3A_2747 {strides = array<i32>} : memref<2x3x8x128xf32, #tpu.memory_space<vmem>>, vector<16xf32>,
    %swap3A_2788 = arith.constant 1 : i32
    %swap3A_2789 = arith.constant 1 : i32
    %swap3A_2790 = arith.constant 5 : i32
    %swap3A_2791 = arith.index_cast %swap3A_2788 : i32 to index
    %swap3A_2792 = arith.index_cast %swap3A_2789 : i32 to index
    %swap3A_2793 = arith.index_cast %swap3A_2790 : i32 to index
    %swap3A_2794 = arith.constant 80 : index
    %swap3A_2795 = tpu.vector_load %arg6[%swap3A_2791, %swap3A_2792, %swap3A_2793, %swap3A_2794] {strides = array<i32>} : memref<2x3x8x128xf32, #tpu.memory_space<vmem>>, vector<16xf32>,
    tpu.vector_store %arg6[%swap3A_2791, %swap3A_2792, %swap3A_2793, %swap3A_2794], %get3A_2747 {strides = array<i32>} : memref<2x3x8x128xf32, #tpu.memory_space<vmem>>, vector<16xf32>,
    %swap3A_2796 = arith.constant 1 : i32
    %swap3A_2797 = arith.constant 1 : i32
    %swap3A_2798 = arith.constant 6 : i32
    %swap3A_2799 = arith.index_cast %swap3A_2796 : i32 to index
    %swap3A_2800 = arith.index_cast %swap3A_2797 : i32 to index
    %swap3A_2801 = arith.index_cast %swap3A_2798 : i32 to index
    %swap3A_2802 = arith.constant 80 : index
    %swap3A_2803 = tpu.vector_load %arg6[%swap3A_2799, %swap3A_2800, %swap3A_2801, %swap3A_2802] {strides = array<i32>} : memref<2x3x8x128xf32, #tpu.memory_space<vmem>>, vector<16xf32>,
    tpu.vector_store %arg6[%swap3A_2799, %swap3A_2800, %swap3A_2801, %swap3A_2802], %get3A_2747 {strides = array<i32>} : memref<2x3x8x128xf32, #tpu.memory_space<vmem>>, vector<16xf32>,
    %swap3A_2804 = arith.constant 1 : i32
    %swap3A_2805 = arith.constant 1 : i32
    %swap3A_2806 = arith.constant 7 : i32
    %swap3A_2807 = arith.index_cast %swap3A_2804 : i32 to index
    %swap3A_2808 = arith.index_cast %swap3A_2805 : i32 to index
    %swap3A_2809 = arith.index_cast %swap3A_2806 : i32 to index
    %swap3A_2810 = arith.constant 80 : index
    %swap3A_2811 = tpu.vector_load %arg6[%swap3A_2807, %swap3A_2808, %swap3A_2809, %swap3A_2810] {strides = array<i32>} : memref<2x3x8x128xf32, #tpu.memory_space<vmem>>, vector<16xf32>,
    tpu.vector_store %arg6[%swap3A_2807, %swap3A_2808, %swap3A_2809, %swap3A_2810], %get3A_2747 {strides = array<i32>} : memref<2x3x8x128xf32, #tpu.memory_space<vmem>>, vector<16xf32>,
    %get3A_2812 = arith.constant 1 : i32
    %get3A_2813 = arith.index_cast %get3A_2812 : i32 to index
    %get3A_2814 = arith.constant 224 : index
    %get3A_2815 = tpu.vector_load %arg5[%get3A_2813, %get3A_2814] {strides = array<i32>} : memref<2x384xf32, #tpu.memory_space<vmem>>, vector<16xf32>,
    %swap3A_2816 = arith.constant 1 : i32
    %swap3A_2817 = arith.constant 1 : i32
    %swap3A_2818 = arith.constant 0 : i32
    %swap3A_2819 = arith.index_cast %swap3A_2816 : i32 to index
    %swap3A_2820 = arith.index_cast %swap3A_2817 : i32 to index
    %swap3A_2821 = arith.index_cast %swap3A_2818 : i32 to index
    %swap3A_2822 = arith.constant 96 : index
    %swap3A_2823 = tpu.vector_load %arg6[%swap3A_2819, %swap3A_2820, %swap3A_2821, %swap3A_2822] {strides = array<i32>} : memref<2x3x8x128xf32, #tpu.memory_space<vmem>>, vector<16xf32>,
    tpu.vector_store %arg6[%swap3A_2819, %swap3A_2820, %swap3A_2821, %swap3A_2822], %get3A_2815 {strides = array<i32>} : memref<2x3x8x128xf32, #tpu.memory_space<vmem>>, vector<16xf32>,
    %swap3A_2824 = arith.constant 1 : i32
    %swap3A_2825 = arith.constant 1 : i32
    %swap3A_2826 = arith.constant 1 : i32
    %swap3A_2827 = arith.index_cast %swap3A_2824 : i32 to index
    %swap3A_2828 = arith.index_cast %swap3A_2825 : i32 to index
    %swap3A_2829 = arith.index_cast %swap3A_2826 : i32 to index
    %swap3A_2830 = arith.constant 96 : index
    %swap3A_2831 = tpu.vector_load %arg6[%swap3A_2827, %swap3A_2828, %swap3A_2829, %swap3A_2830] {strides = array<i32>} : memref<2x3x8x128xf32, #tpu.memory_space<vmem>>, vector<16xf32>,
    tpu.vector_store %arg6[%swap3A_2827, %swap3A_2828, %swap3A_2829, %swap3A_2830], %get3A_2815 {strides = array<i32>} : memref<2x3x8x128xf32, #tpu.memory_space<vmem>>, vector<16xf32>,
    %swap3A_2832 = arith.constant 1 : i32
    %swap3A_2833 = arith.constant 1 : i32
    %swap3A_2834 = arith.constant 2 : i32
    %swap3A_2835 = arith.index_cast %swap3A_2832 : i32 to index
    %swap3A_2836 = arith.index_cast %swap3A_2833 : i32 to index
    %swap3A_2837 = arith.index_cast %swap3A_2834 : i32 to index
    %swap3A_2838 = arith.constant 96 : index
    %swap3A_2839 = tpu.vector_load %arg6[%swap3A_2835, %swap3A_2836, %swap3A_2837, %swap3A_2838] {strides = array<i32>} : memref<2x3x8x128xf32, #tpu.memory_space<vmem>>, vector<16xf32>,
    tpu.vector_store %arg6[%swap3A_2835, %swap3A_2836, %swap3A_2837, %swap3A_2838], %get3A_2815 {strides = array<i32>} : memref<2x3x8x128xf32, #tpu.memory_space<vmem>>, vector<16xf32>,
    %swap3A_2840 = arith.constant 1 : i32
    %swap3A_2841 = arith.constant 1 : i32
    %swap3A_2842 = arith.constant 3 : i32
    %swap3A_2843 = arith.index_cast %swap3A_2840 : i32 to index
    %swap3A_2844 = arith.index_cast %swap3A_2841 : i32 to index
    %swap3A_2845 = arith.index_cast %swap3A_2842 : i32 to index
    %swap3A_2846 = arith.constant 96 : index
    %swap3A_2847 = tpu.vector_load %arg6[%swap3A_2843, %swap3A_2844, %swap3A_2845, %swap3A_2846] {strides = array<i32>} : memref<2x3x8x128xf32, #tpu.memory_space<vmem>>, vector<16xf32>,
    tpu.vector_store %arg6[%swap3A_2843, %swap3A_2844, %swap3A_2845, %swap3A_2846], %get3A_2815 {strides = array<i32>} : memref<2x3x8x128xf32, #tpu.memory_space<vmem>>, vector<16xf32>,
    %swap3A_2848 = arith.constant 1 : i32
    %swap3A_2849 = arith.constant 1 : i32
    %swap3A_2850 = arith.constant 4 : i32
    %swap3A_2851 = arith.index_cast %swap3A_2848 : i32 to index
    %swap3A_2852 = arith.index_cast %swap3A_2849 : i32 to index
    %swap3A_2853 = arith.index_cast %swap3A_2850 : i32 to index
    %swap3A_2854 = arith.constant 96 : index
    %swap3A_2855 = tpu.vector_load %arg6[%swap3A_2851, %swap3A_2852, %swap3A_2853, %swap3A_2854] {strides = array<i32>} : memref<2x3x8x128xf32, #tpu.memory_space<vmem>>, vector<16xf32>,
    tpu.vector_store %arg6[%swap3A_2851, %swap3A_2852, %swap3A_2853, %swap3A_2854], %get3A_2815 {strides = array<i32>} : memref<2x3x8x128xf32, #tpu.memory_space<vmem>>, vector<16xf32>,
    %swap3A_2856 = arith.constant 1 : i32
    %swap3A_2857 = arith.constant 1 : i32
    %swap3A_2858 = arith.constant 5 : i32
    %swap3A_2859 = arith.index_cast %swap3A_2856 : i32 to index
    %swap3A_2860 = arith.index_cast %swap3A_2857 : i32 to index
    %swap3A_2861 = arith.index_cast %swap3A_2858 : i32 to index
    %swap3A_2862 = arith.constant 96 : index
    %swap3A_2863 = tpu.vector_load %arg6[%swap3A_2859, %swap3A_2860, %swap3A_2861, %swap3A_2862] {strides = array<i32>} : memref<2x3x8x128xf32, #tpu.memory_space<vmem>>, vector<16xf32>,
    tpu.vector_store %arg6[%swap3A_2859, %swap3A_2860, %swap3A_2861, %swap3A_2862], %get3A_2815 {strides = array<i32>} : memref<2x3x8x128xf32, #tpu.memory_space<vmem>>, vector<16xf32>,
    %swap3A_2864 = arith.constant 1 : i32
    %swap3A_2865 = arith.constant 1 : i32
    %swap3A_2866 = arith.constant 6 : i32
    %swap3A_2867 = arith.index_cast %swap3A_2864 : i32 to index
    %swap3A_2868 = arith.index_cast %swap3A_2865 : i32 to index
    %swap3A_2869 = arith.index_cast %swap3A_2866 : i32 to index
    %swap3A_2870 = arith.constant 96 : index
    %swap3A_2871 = tpu.vector_load %arg6[%swap3A_2867, %swap3A_2868, %swap3A_2869, %swap3A_2870] {strides = array<i32>} : memref<2x3x8x128xf32, #tpu.memory_space<vmem>>, vector<16xf32>,
    tpu.vector_store %arg6[%swap3A_2867, %swap3A_2868, %swap3A_2869, %swap3A_2870], %get3A_2815 {strides = array<i32>} : memref<2x3x8x128xf32, #tpu.memory_space<vmem>>, vector<16xf32>,
    %swap3A_2872 = arith.constant 1 : i32
    %swap3A_2873 = arith.constant 1 : i32
    %swap3A_2874 = arith.constant 7 : i32
    %swap3A_2875 = arith.index_cast %swap3A_2872 : i32 to index
    %swap3A_2876 = arith.index_cast %swap3A_2873 : i32 to index
    %swap3A_2877 = arith.index_cast %swap3A_2874 : i32 to index
    %swap3A_2878 = arith.constant 96 : index
    %swap3A_2879 = tpu.vector_load %arg6[%swap3A_2875, %swap3A_2876, %swap3A_2877, %swap3A_2878] {strides = array<i32>} : memref<2x3x8x128xf32, #tpu.memory_space<vmem>>, vector<16xf32>,
    tpu.vector_store %arg6[%swap3A_2875, %swap3A_2876, %swap3A_2877, %swap3A_2878], %get3A_2815 {strides = array<i32>} : memref<2x3x8x128xf32, #tpu.memory_space<vmem>>, vector<16xf32>,
    %get3A_2880 = arith.constant 1 : i32
    %get3A_2881 = arith.index_cast %get3A_2880 : i32 to index
    %get3A_2882 = arith.constant 240 : index
    %get3A_2883 = tpu.vector_load %arg5[%get3A_2881, %get3A_2882] {strides = array<i32>} : memref<2x384xf32, #tpu.memory_space<vmem>>, vector<16xf32>,
    %swap3A_2884 = arith.constant 1 : i32
    %swap3A_2885 = arith.constant 1 : i32
    %swap3A_2886 = arith.constant 0 : i32
    %swap3A_2887 = arith.index_cast %swap3A_2884 : i32 to index
    %swap3A_2888 = arith.index_cast %swap3A_2885 : i32 to index
    %swap3A_2889 = arith.index_cast %swap3A_2886 : i32 to index
    %swap3A_2890 = arith.constant 112 : index
    %swap3A_2891 = tpu.vector_load %arg6[%swap3A_2887, %swap3A_2888, %swap3A_2889, %swap3A_2890] {strides = array<i32>} : memref<2x3x8x128xf32, #tpu.memory_space<vmem>>, vector<16xf32>,
    tpu.vector_store %arg6[%swap3A_2887, %swap3A_2888, %swap3A_2889, %swap3A_2890], %get3A_2883 {strides = array<i32>} : memref<2x3x8x128xf32, #tpu.memory_space<vmem>>, vector<16xf32>,
    %swap3A_2892 = arith.constant 1 : i32
    %swap3A_2893 = arith.constant 1 : i32
    %swap3A_2894 = arith.constant 1 : i32
    %swap3A_2895 = arith.index_cast %swap3A_2892 : i32 to index
    %swap3A_2896 = arith.index_cast %swap3A_2893 : i32 to index
    %swap3A_2897 = arith.index_cast %swap3A_2894 : i32 to index
    %swap3A_2898 = arith.constant 112 : index
    %swap3A_2899 = tpu.vector_load %arg6[%swap3A_2895, %swap3A_2896, %swap3A_2897, %swap3A_2898] {strides = array<i32>} : memref<2x3x8x128xf32, #tpu.memory_space<vmem>>, vector<16xf32>,
    tpu.vector_store %arg6[%swap3A_2895, %swap3A_2896, %swap3A_2897, %swap3A_2898], %get3A_2883 {strides = array<i32>} : memref<2x3x8x128xf32, #tpu.memory_space<vmem>>, vector<16xf32>,
    %swap3A_2900 = arith.constant 1 : i32
    %swap3A_2901 = arith.constant 1 : i32
    %swap3A_2902 = arith.constant 2 : i32
    %swap3A_2903 = arith.index_cast %swap3A_2900 : i32 to index
    %swap3A_2904 = arith.index_cast %swap3A_2901 : i32 to index
    %swap3A_2905 = arith.index_cast %swap3A_2902 : i32 to index
    %swap3A_2906 = arith.constant 112 : index
    %swap3A_2907 = tpu.vector_load %arg6[%swap3A_2903, %swap3A_2904, %swap3A_2905, %swap3A_2906] {strides = array<i32>} : memref<2x3x8x128xf32, #tpu.memory_space<vmem>>, vector<16xf32>,
    tpu.vector_store %arg6[%swap3A_2903, %swap3A_2904, %swap3A_2905, %swap3A_2906], %get3A_2883 {strides = array<i32>} : memref<2x3x8x128xf32, #tpu.memory_space<vmem>>, vector<16xf32>,
    %swap3A_2908 = arith.constant 1 : i32
    %swap3A_2909 = arith.constant 1 : i32
    %swap3A_2910 = arith.constant 3 : i32
    %swap3A_2911 = arith.index_cast %swap3A_2908 : i32 to index
    %swap3A_2912 = arith.index_cast %swap3A_2909 : i32 to index
    %swap3A_2913 = arith.index_cast %swap3A_2910 : i32 to index
    %swap3A_2914 = arith.constant 112 : index
    %swap3A_2915 = tpu.vector_load %arg6[%swap3A_2911, %swap3A_2912, %swap3A_2913, %swap3A_2914] {strides = array<i32>} : memref<2x3x8x128xf32, #tpu.memory_space<vmem>>, vector<16xf32>,
    tpu.vector_store %arg6[%swap3A_2911, %swap3A_2912, %swap3A_2913, %swap3A_2914], %get3A_2883 {strides = array<i32>} : memref<2x3x8x128xf32, #tpu.memory_space<vmem>>, vector<16xf32>,
    %swap3A_2916 = arith.constant 1 : i32
    %swap3A_2917 = arith.constant 1 : i32
    %swap3A_2918 = arith.constant 4 : i32
    %swap3A_2919 = arith.index_cast %swap3A_2916 : i32 to index
    %swap3A_2920 = arith.index_cast %swap3A_2917 : i32 to index
    %swap3A_2921 = arith.index_cast %swap3A_2918 : i32 to index
    %swap3A_2922 = arith.constant 112 : index
    %swap3A_2923 = tpu.vector_load %arg6[%swap3A_2919, %swap3A_2920, %swap3A_2921, %swap3A_2922] {strides = array<i32>} : memref<2x3x8x128xf32, #tpu.memory_space<vmem>>, vector<16xf32>,
    tpu.vector_store %arg6[%swap3A_2919, %swap3A_2920, %swap3A_2921, %swap3A_2922], %get3A_2883 {strides = array<i32>} : memref<2x3x8x128xf32, #tpu.memory_space<vmem>>, vector<16xf32>,
    %swap3A_2924 = arith.constant 1 : i32
    %swap3A_2925 = arith.constant 1 : i32
    %swap3A_2926 = arith.constant 5 : i32
    %swap3A_2927 = arith.index_cast %swap3A_2924 : i32 to index
    %swap3A_2928 = arith.index_cast %swap3A_2925 : i32 to index
    %swap3A_2929 = arith.index_cast %swap3A_2926 : i32 to index
    %swap3A_2930 = arith.constant 112 : index
    %swap3A_2931 = tpu.vector_load %arg6[%swap3A_2927, %swap3A_2928, %swap3A_2929, %swap3A_2930] {strides = array<i32>} : memref<2x3x8x128xf32, #tpu.memory_space<vmem>>, vector<16xf32>,
    tpu.vector_store %arg6[%swap3A_2927, %swap3A_2928, %swap3A_2929, %swap3A_2930], %get3A_2883 {strides = array<i32>} : memref<2x3x8x128xf32, #tpu.memory_space<vmem>>, vector<16xf32>,
    %swap3A_2932 = arith.constant 1 : i32
    %swap3A_2933 = arith.constant 1 : i32
    %swap3A_2934 = arith.constant 6 : i32
    %swap3A_2935 = arith.index_cast %swap3A_2932 : i32 to index
    %swap3A_2936 = arith.index_cast %swap3A_2933 : i32 to index
    %swap3A_2937 = arith.index_cast %swap3A_2934 : i32 to index
    %swap3A_2938 = arith.constant 112 : index
    %swap3A_2939 = tpu.vector_load %arg6[%swap3A_2935, %swap3A_2936, %swap3A_2937, %swap3A_2938] {strides = array<i32>} : memref<2x3x8x128xf32, #tpu.memory_space<vmem>>, vector<16xf32>,
    tpu.vector_store %arg6[%swap3A_2935, %swap3A_2936, %swap3A_2937, %swap3A_2938], %get3A_2883 {strides = array<i32>} : memref<2x3x8x128xf32, #tpu.memory_space<vmem>>, vector<16xf32>,
    %swap3A_2940 = arith.constant 1 : i32
    %swap3A_2941 = arith.constant 1 : i32
    %swap3A_2942 = arith.constant 7 : i32
    %swap3A_2943 = arith.index_cast %swap3A_2940 : i32 to index
    %swap3A_2944 = arith.index_cast %swap3A_2941 : i32 to index
    %swap3A_2945 = arith.index_cast %swap3A_2942 : i32 to index
    %swap3A_2946 = arith.constant 112 : index
    %swap3A_2947 = tpu.vector_load %arg6[%swap3A_2943, %swap3A_2944, %swap3A_2945, %swap3A_2946] {strides = array<i32>} : memref<2x3x8x128xf32, #tpu.memory_space<vmem>>, vector<16xf32>,
    tpu.vector_store %arg6[%swap3A_2943, %swap3A_2944, %swap3A_2945, %swap3A_2946], %get3A_2883 {strides = array<i32>} : memref<2x3x8x128xf32, #tpu.memory_space<vmem>>, vector<16xf32>,
    %get3A_2948 = arith.constant 1 : i32
    %get3A_2949 = arith.index_cast %get3A_2948 : i32 to index
    %get3A_2950 = arith.constant 256 : index
    %get3A_2951 = tpu.vector_load %arg5[%get3A_2949, %get3A_2950] {strides = array<i32>} : memref<2x384xf32, #tpu.memory_space<vmem>>, vector<16xf32>,
    %swap3A_2952 = arith.constant 1 : i32
    %swap3A_2953 = arith.constant 2 : i32
    %swap3A_2954 = arith.constant 0 : i32
    %swap3A_2955 = arith.index_cast %swap3A_2952 : i32 to index
    %swap3A_2956 = arith.index_cast %swap3A_2953 : i32 to index
    %swap3A_2957 = arith.index_cast %swap3A_2954 : i32 to index
    %swap3A_2958 = arith.constant 0 : index
    %swap3A_2959 = tpu.vector_load %arg6[%swap3A_2955, %swap3A_2956, %swap3A_2957, %swap3A_2958] {strides = array<i32>} : memref<2x3x8x128xf32, #tpu.memory_space<vmem>>, vector<16xf32>,
    tpu.vector_store %arg6[%swap3A_2955, %swap3A_2956, %swap3A_2957, %swap3A_2958], %get3A_2951 {strides = array<i32>} : memref<2x3x8x128xf32, #tpu.memory_space<vmem>>, vector<16xf32>,
    %swap3A_2960 = arith.constant 1 : i32
    %swap3A_2961 = arith.constant 2 : i32
    %swap3A_2962 = arith.constant 1 : i32
    %swap3A_2963 = arith.index_cast %swap3A_2960 : i32 to index
    %swap3A_2964 = arith.index_cast %swap3A_2961 : i32 to index
    %swap3A_2965 = arith.index_cast %swap3A_2962 : i32 to index
    %swap3A_2966 = arith.constant 0 : index
    %swap3A_2967 = tpu.vector_load %arg6[%swap3A_2963, %swap3A_2964, %swap3A_2965, %swap3A_2966] {strides = array<i32>} : memref<2x3x8x128xf32, #tpu.memory_space<vmem>>, vector<16xf32>,
    tpu.vector_store %arg6[%swap3A_2963, %swap3A_2964, %swap3A_2965, %swap3A_2966], %get3A_2951 {strides = array<i32>} : memref<2x3x8x128xf32, #tpu.memory_space<vmem>>, vector<16xf32>,
    %swap3A_2968 = arith.constant 1 : i32
    %swap3A_2969 = arith.constant 2 : i32
    %swap3A_2970 = arith.constant 2 : i32
    %swap3A_2971 = arith.index_cast %swap3A_2968 : i32 to index
    %swap3A_2972 = arith.index_cast %swap3A_2969 : i32 to index
    %swap3A_2973 = arith.index_cast %swap3A_2970 : i32 to index
    %swap3A_2974 = arith.constant 0 : index
    %swap3A_2975 = tpu.vector_load %arg6[%swap3A_2971, %swap3A_2972, %swap3A_2973, %swap3A_2974] {strides = array<i32>} : memref<2x3x8x128xf32, #tpu.memory_space<vmem>>, vector<16xf32>,
    tpu.vector_store %arg6[%swap3A_2971, %swap3A_2972, %swap3A_2973, %swap3A_2974], %get3A_2951 {strides = array<i32>} : memref<2x3x8x128xf32, #tpu.memory_space<vmem>>, vector<16xf32>,
    %swap3A_2976 = arith.constant 1 : i32
    %swap3A_2977 = arith.constant 2 : i32
    %swap3A_2978 = arith.constant 3 : i32
    %swap3A_2979 = arith.index_cast %swap3A_2976 : i32 to index
    %swap3A_2980 = arith.index_cast %swap3A_2977 : i32 to index
    %swap3A_2981 = arith.index_cast %swap3A_2978 : i32 to index
    %swap3A_2982 = arith.constant 0 : index
    %swap3A_2983 = tpu.vector_load %arg6[%swap3A_2979, %swap3A_2980, %swap3A_2981, %swap3A_2982] {strides = array<i32>} : memref<2x3x8x128xf32, #tpu.memory_space<vmem>>, vector<16xf32>,
    tpu.vector_store %arg6[%swap3A_2979, %swap3A_2980, %swap3A_2981, %swap3A_2982], %get3A_2951 {strides = array<i32>} : memref<2x3x8x128xf32, #tpu.memory_space<vmem>>, vector<16xf32>,
    %swap3A_2984 = arith.constant 1 : i32
    %swap3A_2985 = arith.constant 2 : i32
    %swap3A_2986 = arith.constant 4 : i32
    %swap3A_2987 = arith.index_cast %swap3A_2984 : i32 to index
    %swap3A_2988 = arith.index_cast %swap3A_2985 : i32 to index
    %swap3A_2989 = arith.index_cast %swap3A_2986 : i32 to index
    %swap3A_2990 = arith.constant 0 : index
    %swap3A_2991 = tpu.vector_load %arg6[%swap3A_2987, %swap3A_2988, %swap3A_2989, %swap3A_2990] {strides = array<i32>} : memref<2x3x8x128xf32, #tpu.memory_space<vmem>>, vector<16xf32>,
    tpu.vector_store %arg6[%swap3A_2987, %swap3A_2988, %swap3A_2989, %swap3A_2990], %get3A_2951 {strides = array<i32>} : memref<2x3x8x128xf32, #tpu.memory_space<vmem>>, vector<16xf32>,
    %swap3A_2992 = arith.constant 1 : i32
    %swap3A_2993 = arith.constant 2 : i32
    %swap3A_2994 = arith.constant 5 : i32
    %swap3A_2995 = arith.index_cast %swap3A_2992 : i32 to index
    %swap3A_2996 = arith.index_cast %swap3A_2993 : i32 to index
    %swap3A_2997 = arith.index_cast %swap3A_2994 : i32 to index
    %swap3A_2998 = arith.constant 0 : index
    %swap3A_2999 = tpu.vector_load %arg6[%swap3A_2995, %swap3A_2996, %swap3A_2997, %swap3A_2998] {strides = array<i32>} : memref<2x3x8x128xf32, #tpu.memory_space<vmem>>, vector<16xf32>,
    tpu.vector_store %arg6[%swap3A_2995, %swap3A_2996, %swap3A_2997, %swap3A_2998], %get3A_2951 {strides = array<i32>} : memref<2x3x8x128xf32, #tpu.memory_space<vmem>>, vector<16xf32>,
    %swap3A_3000 = arith.constant 1 : i32
    %swap3A_3001 = arith.constant 2 : i32
    %swap3A_3002 = arith.constant 6 : i32
    %swap3A_3003 = arith.index_cast %swap3A_3000 : i32 to index
    %swap3A_3004 = arith.index_cast %swap3A_3001 : i32 to index
    %swap3A_3005 = arith.index_cast %swap3A_3002 : i32 to index
    %swap3A_3006 = arith.constant 0 : index
    %swap3A_3007 = tpu.vector_load %arg6[%swap3A_3003, %swap3A_3004, %swap3A_3005, %swap3A_3006] {strides = array<i32>} : memref<2x3x8x128xf32, #tpu.memory_space<vmem>>, vector<16xf32>,
    tpu.vector_store %arg6[%swap3A_3003, %swap3A_3004, %swap3A_3005, %swap3A_3006], %get3A_2951 {strides = array<i32>} : memref<2x3x8x128xf32, #tpu.memory_space<vmem>>, vector<16xf32>,
    %swap3A_3008 = arith.constant 1 : i32
    %swap3A_3009 = arith.constant 2 : i32
    %swap3A_3010 = arith.constant 7 : i32
    %swap3A_3011 = arith.index_cast %swap3A_3008 : i32 to index
    %swap3A_3012 = arith.index_cast %swap3A_3009 : i32 to index
    %swap3A_3013 = arith.index_cast %swap3A_3010 : i32 to index
    %swap3A_3014 = arith.constant 0 : index
    %swap3A_3015 = tpu.vector_load %arg6[%swap3A_3011, %swap3A_3012, %swap3A_3013, %swap3A_3014] {strides = array<i32>} : memref<2x3x8x128xf32, #tpu.memory_space<vmem>>, vector<16xf32>,
    tpu.vector_store %arg6[%swap3A_3011, %swap3A_3012, %swap3A_3013, %swap3A_3014], %get3A_2951 {strides = array<i32>} : memref<2x3x8x128xf32, #tpu.memory_space<vmem>>, vector<16xf32>,
    %get3A_3016 = arith.constant 1 : i32
    %get3A_3017 = arith.index_cast %get3A_3016 : i32 to index
    %get3A_3018 = arith.constant 272 : index
    %get3A_3019 = tpu.vector_load %arg5[%get3A_3017, %get3A_3018] {strides = array<i32>} : memref<2x384xf32, #tpu.memory_space<vmem>>, vector<16xf32>,
    %swap3A_3020 = arith.constant 1 : i32
    %swap3A_3021 = arith.constant 2 : i32
    %swap3A_3022 = arith.constant 0 : i32
    %swap3A_3023 = arith.index_cast %swap3A_3020 : i32 to index
    %swap3A_3024 = arith.index_cast %swap3A_3021 : i32 to index
    %swap3A_3025 = arith.index_cast %swap3A_3022 : i32 to index
    %swap3A_3026 = arith.constant 16 : index
    %swap3A_3027 = tpu.vector_load %arg6[%swap3A_3023, %swap3A_3024, %swap3A_3025, %swap3A_3026] {strides = array<i32>} : memref<2x3x8x128xf32, #tpu.memory_space<vmem>>, vector<16xf32>,
    tpu.vector_store %arg6[%swap3A_3023, %swap3A_3024, %swap3A_3025, %swap3A_3026], %get3A_3019 {strides = array<i32>} : memref<2x3x8x128xf32, #tpu.memory_space<vmem>>, vector<16xf32>,
    %swap3A_3028 = arith.constant 1 : i32
    %swap3A_3029 = arith.constant 2 : i32
    %swap3A_3030 = arith.constant 1 : i32
    %swap3A_3031 = arith.index_cast %swap3A_3028 : i32 to index
    %swap3A_3032 = arith.index_cast %swap3A_3029 : i32 to index
    %swap3A_3033 = arith.index_cast %swap3A_3030 : i32 to index
    %swap3A_3034 = arith.constant 16 : index
    %swap3A_3035 = tpu.vector_load %arg6[%swap3A_3031, %swap3A_3032, %swap3A_3033, %swap3A_3034] {strides = array<i32>} : memref<2x3x8x128xf32, #tpu.memory_space<vmem>>, vector<16xf32>,
    tpu.vector_store %arg6[%swap3A_3031, %swap3A_3032, %swap3A_3033, %swap3A_3034], %get3A_3019 {strides = array<i32>} : memref<2x3x8x128xf32, #tpu.memory_space<vmem>>, vector<16xf32>,
    %swap3A_3036 = arith.constant 1 : i32
    %swap3A_3037 = arith.constant 2 : i32
    %swap3A_3038 = arith.constant 2 : i32
    %swap3A_3039 = arith.index_cast %swap3A_3036 : i32 to index
    %swap3A_3040 = arith.index_cast %swap3A_3037 : i32 to index
    %swap3A_3041 = arith.index_cast %swap3A_3038 : i32 to index
    %swap3A_3042 = arith.constant 16 : index
    %swap3A_3043 = tpu.vector_load %arg6[%swap3A_3039, %swap3A_3040, %swap3A_3041, %swap3A_3042] {strides = array<i32>} : memref<2x3x8x128xf32, #tpu.memory_space<vmem>>, vector<16xf32>,
    tpu.vector_store %arg6[%swap3A_3039, %swap3A_3040, %swap3A_3041, %swap3A_3042], %get3A_3019 {strides = array<i32>} : memref<2x3x8x128xf32, #tpu.memory_space<vmem>>, vector<16xf32>,
    %swap3A_3044 = arith.constant 1 : i32
    %swap3A_3045 = arith.constant 2 : i32
    %swap3A_3046 = arith.constant 3 : i32
    %swap3A_3047 = arith.index_cast %swap3A_3044 : i32 to index
    %swap3A_3048 = arith.index_cast %swap3A_3045 : i32 to index
    %swap3A_3049 = arith.index_cast %swap3A_3046 : i32 to index
    %swap3A_3050 = arith.constant 16 : index
    %swap3A_3051 = tpu.vector_load %arg6[%swap3A_3047, %swap3A_3048, %swap3A_3049, %swap3A_3050] {strides = array<i32>} : memref<2x3x8x128xf32, #tpu.memory_space<vmem>>, vector<16xf32>,
    tpu.vector_store %arg6[%swap3A_3047, %swap3A_3048, %swap3A_3049, %swap3A_3050], %get3A_3019 {strides = array<i32>} : memref<2x3x8x128xf32, #tpu.memory_space<vmem>>, vector<16xf32>,
    %swap3A_3052 = arith.constant 1 : i32
    %swap3A_3053 = arith.constant 2 : i32
    %swap3A_3054 = arith.constant 4 : i32
    %swap3A_3055 = arith.index_cast %swap3A_3052 : i32 to index
    %swap3A_3056 = arith.index_cast %swap3A_3053 : i32 to index
    %swap3A_3057 = arith.index_cast %swap3A_3054 : i32 to index
    %swap3A_3058 = arith.constant 16 : index
    %swap3A_3059 = tpu.vector_load %arg6[%swap3A_3055, %swap3A_3056, %swap3A_3057, %swap3A_3058] {strides = array<i32>} : memref<2x3x8x128xf32, #tpu.memory_space<vmem>>, vector<16xf32>,
    tpu.vector_store %arg6[%swap3A_3055, %swap3A_3056, %swap3A_3057, %swap3A_3058], %get3A_3019 {strides = array<i32>} : memref<2x3x8x128xf32, #tpu.memory_space<vmem>>, vector<16xf32>,
    %swap3A_3060 = arith.constant 1 : i32
    %swap3A_3061 = arith.constant 2 : i32
    %swap3A_3062 = arith.constant 5 : i32
    %swap3A_3063 = arith.index_cast %swap3A_3060 : i32 to index
    %swap3A_3064 = arith.index_cast %swap3A_3061 : i32 to index
    %swap3A_3065 = arith.index_cast %swap3A_3062 : i32 to index
    %swap3A_3066 = arith.constant 16 : index
    %swap3A_3067 = tpu.vector_load %arg6[%swap3A_3063, %swap3A_3064, %swap3A_3065, %swap3A_3066] {strides = array<i32>} : memref<2x3x8x128xf32, #tpu.memory_space<vmem>>, vector<16xf32>,
    tpu.vector_store %arg6[%swap3A_3063, %swap3A_3064, %swap3A_3065, %swap3A_3066], %get3A_3019 {strides = array<i32>} : memref<2x3x8x128xf32, #tpu.memory_space<vmem>>, vector<16xf32>,
    %swap3A_3068 = arith.constant 1 : i32
    %swap3A_3069 = arith.constant 2 : i32
    %swap3A_3070 = arith.constant 6 : i32
    %swap3A_3071 = arith.index_cast %swap3A_3068 : i32 to index
    %swap3A_3072 = arith.index_cast %swap3A_3069 : i32 to index
    %swap3A_3073 = arith.index_cast %swap3A_3070 : i32 to index
    %swap3A_3074 = arith.constant 16 : index
    %swap3A_3075 = tpu.vector_load %arg6[%swap3A_3071, %swap3A_3072, %swap3A_3073, %swap3A_3074] {strides = array<i32>} : memref<2x3x8x128xf32, #tpu.memory_space<vmem>>, vector<16xf32>,
    tpu.vector_store %arg6[%swap3A_3071, %swap3A_3072, %swap3A_3073, %swap3A_3074], %get3A_3019 {strides = array<i32>} : memref<2x3x8x128xf32, #tpu.memory_space<vmem>>, vector<16xf32>,
    %swap3A_3076 = arith.constant 1 : i32
    %swap3A_3077 = arith.constant 2 : i32
    %swap3A_3078 = arith.constant 7 : i32
    %swap3A_3079 = arith.index_cast %swap3A_3076 : i32 to index
    %swap3A_3080 = arith.index_cast %swap3A_3077 : i32 to index
    %swap3A_3081 = arith.index_cast %swap3A_3078 : i32 to index
    %swap3A_3082 = arith.constant 16 : index
    %swap3A_3083 = tpu.vector_load %arg6[%swap3A_3079, %swap3A_3080, %swap3A_3081, %swap3A_3082] {strides = array<i32>} : memref<2x3x8x128xf32, #tpu.memory_space<vmem>>, vector<16xf32>,
    tpu.vector_store %arg6[%swap3A_3079, %swap3A_3080, %swap3A_3081, %swap3A_3082], %get3A_3019 {strides = array<i32>} : memref<2x3x8x128xf32, #tpu.memory_space<vmem>>, vector<16xf32>,
    %get3A_3084 = arith.constant 1 : i32
    %get3A_3085 = arith.index_cast %get3A_3084 : i32 to index
    %get3A_3086 = arith.constant 288 : index
    %get3A_3087 = tpu.vector_load %arg5[%get3A_3085, %get3A_3086] {strides = array<i32>} : memref<2x384xf32, #tpu.memory_space<vmem>>, vector<16xf32>,
    %swap3A_3088 = arith.constant 1 : i32
    %swap3A_3089 = arith.constant 2 : i32
    %swap3A_3090 = arith.constant 0 : i32
    %swap3A_3091 = arith.index_cast %swap3A_3088 : i32 to index
    %swap3A_3092 = arith.index_cast %swap3A_3089 : i32 to index
    %swap3A_3093 = arith.index_cast %swap3A_3090 : i32 to index
    %swap3A_3094 = arith.constant 32 : index
    %swap3A_3095 = tpu.vector_load %arg6[%swap3A_3091, %swap3A_3092, %swap3A_3093, %swap3A_3094] {strides = array<i32>} : memref<2x3x8x128xf32, #tpu.memory_space<vmem>>, vector<16xf32>,
    tpu.vector_store %arg6[%swap3A_3091, %swap3A_3092, %swap3A_3093, %swap3A_3094], %get3A_3087 {strides = array<i32>} : memref<2x3x8x128xf32, #tpu.memory_space<vmem>>, vector<16xf32>,
    %swap3A_3096 = arith.constant 1 : i32
    %swap3A_3097 = arith.constant 2 : i32
    %swap3A_3098 = arith.constant 1 : i32
    %swap3A_3099 = arith.index_cast %swap3A_3096 : i32 to index
    %swap3A_3100 = arith.index_cast %swap3A_3097 : i32 to index
    %swap3A_3101 = arith.index_cast %swap3A_3098 : i32 to index
    %swap3A_3102 = arith.constant 32 : index
    %swap3A_3103 = tpu.vector_load %arg6[%swap3A_3099, %swap3A_3100, %swap3A_3101, %swap3A_3102] {strides = array<i32>} : memref<2x3x8x128xf32, #tpu.memory_space<vmem>>, vector<16xf32>,
    tpu.vector_store %arg6[%swap3A_3099, %swap3A_3100, %swap3A_3101, %swap3A_3102], %get3A_3087 {strides = array<i32>} : memref<2x3x8x128xf32, #tpu.memory_space<vmem>>, vector<16xf32>,
    %swap3A_3104 = arith.constant 1 : i32
    %swap3A_3105 = arith.constant 2 : i32
    %swap3A_3106 = arith.constant 2 : i32
    %swap3A_3107 = arith.index_cast %swap3A_3104 : i32 to index
    %swap3A_3108 = arith.index_cast %swap3A_3105 : i32 to index
    %swap3A_3109 = arith.index_cast %swap3A_3106 : i32 to index
    %swap3A_3110 = arith.constant 32 : index
    %swap3A_3111 = tpu.vector_load %arg6[%swap3A_3107, %swap3A_3108, %swap3A_3109, %swap3A_3110] {strides = array<i32>} : memref<2x3x8x128xf32, #tpu.memory_space<vmem>>, vector<16xf32>,
    tpu.vector_store %arg6[%swap3A_3107, %swap3A_3108, %swap3A_3109, %swap3A_3110], %get3A_3087 {strides = array<i32>} : memref<2x3x8x128xf32, #tpu.memory_space<vmem>>, vector<16xf32>,
    %swap3A_3112 = arith.constant 1 : i32
    %swap3A_3113 = arith.constant 2 : i32
    %swap3A_3114 = arith.constant 3 : i32
    %swap3A_3115 = arith.index_cast %swap3A_3112 : i32 to index
    %swap3A_3116 = arith.index_cast %swap3A_3113 : i32 to index
    %swap3A_3117 = arith.index_cast %swap3A_3114 : i32 to index
    %swap3A_3118 = arith.constant 32 : index
    %swap3A_3119 = tpu.vector_load %arg6[%swap3A_3115, %swap3A_3116, %swap3A_3117, %swap3A_3118] {strides = array<i32>} : memref<2x3x8x128xf32, #tpu.memory_space<vmem>>, vector<16xf32>,
    tpu.vector_store %arg6[%swap3A_3115, %swap3A_3116, %swap3A_3117, %swap3A_3118], %get3A_3087 {strides = array<i32>} : memref<2x3x8x128xf32, #tpu.memory_space<vmem>>, vector<16xf32>,
    %swap3A_3120 = arith.constant 1 : i32
    %swap3A_3121 = arith.constant 2 : i32
    %swap3A_3122 = arith.constant 4 : i32
    %swap3A_3123 = arith.index_cast %swap3A_3120 : i32 to index
    %swap3A_3124 = arith.index_cast %swap3A_3121 : i32 to index
    %swap3A_3125 = arith.index_cast %swap3A_3122 : i32 to index
    %swap3A_3126 = arith.constant 32 : index
    %swap3A_3127 = tpu.vector_load %arg6[%swap3A_3123, %swap3A_3124, %swap3A_3125, %swap3A_3126] {strides = array<i32>} : memref<2x3x8x128xf32, #tpu.memory_space<vmem>>, vector<16xf32>,
    tpu.vector_store %arg6[%swap3A_3123, %swap3A_3124, %swap3A_3125, %swap3A_3126], %get3A_3087 {strides = array<i32>} : memref<2x3x8x128xf32, #tpu.memory_space<vmem>>, vector<16xf32>,
    %swap3A_3128 = arith.constant 1 : i32
    %swap3A_3129 = arith.constant 2 : i32
    %swap3A_3130 = arith.constant 5 : i32
    %swap3A_3131 = arith.index_cast %swap3A_3128 : i32 to index
    %swap3A_3132 = arith.index_cast %swap3A_3129 : i32 to index
    %swap3A_3133 = arith.index_cast %swap3A_3130 : i32 to index
    %swap3A_3134 = arith.constant 32 : index
    %swap3A_3135 = tpu.vector_load %arg6[%swap3A_3131, %swap3A_3132, %swap3A_3133, %swap3A_3134] {strides = array<i32>} : memref<2x3x8x128xf32, #tpu.memory_space<vmem>>, vector<16xf32>,
    tpu.vector_store %arg6[%swap3A_3131, %swap3A_3132, %swap3A_3133, %swap3A_3134], %get3A_3087 {strides = array<i32>} : memref<2x3x8x128xf32, #tpu.memory_space<vmem>>, vector<16xf32>,
    %swap3A_3136 = arith.constant 1 : i32
    %swap3A_3137 = arith.constant 2 : i32
    %swap3A_3138 = arith.constant 6 : i32
    %swap3A_3139 = arith.index_cast %swap3A_3136 : i32 to index
    %swap3A_3140 = arith.index_cast %swap3A_3137 : i32 to index
    %swap3A_3141 = arith.index_cast %swap3A_3138 : i32 to index
    %swap3A_3142 = arith.constant 32 : index
    %swap3A_3143 = tpu.vector_load %arg6[%swap3A_3139, %swap3A_3140, %swap3A_3141, %swap3A_3142] {strides = array<i32>} : memref<2x3x8x128xf32, #tpu.memory_space<vmem>>, vector<16xf32>,
    tpu.vector_store %arg6[%swap3A_3139, %swap3A_3140, %swap3A_3141, %swap3A_3142], %get3A_3087 {strides = array<i32>} : memref<2x3x8x128xf32, #tpu.memory_space<vmem>>, vector<16xf32>,
    %swap3A_3144 = arith.constant 1 : i32
    %swap3A_3145 = arith.constant 2 : i32
    %swap3A_3146 = arith.constant 7 : i32
    %swap3A_3147 = arith.index_cast %swap3A_3144 : i32 to index
    %swap3A_3148 = arith.index_cast %swap3A_3145 : i32 to index
    %swap3A_3149 = arith.index_cast %swap3A_3146 : i32 to index
    %swap3A_3150 = arith.constant 32 : index
    %swap3A_3151 = tpu.vector_load %arg6[%swap3A_3147, %swap3A_3148, %swap3A_3149, %swap3A_3150] {strides = array<i32>} : memref<2x3x8x128xf32, #tpu.memory_space<vmem>>, vector<16xf32>,
    tpu.vector_store %arg6[%swap3A_3147, %swap3A_3148, %swap3A_3149, %swap3A_3150], %get3A_3087 {strides = array<i32>} : memref<2x3x8x128xf32, #tpu.memory_space<vmem>>, vector<16xf32>,
    %get3A_3152 = arith.constant 1 : i32
    %get3A_3153 = arith.index_cast %get3A_3152 : i32 to index
    %get3A_3154 = arith.constant 304 : index
    %get3A_3155 = tpu.vector_load %arg5[%get3A_3153, %get3A_3154] {strides = array<i32>} : memref<2x384xf32, #tpu.memory_space<vmem>>, vector<16xf32>,
    %swap3A_3156 = arith.constant 1 : i32
    %swap3A_3157 = arith.constant 2 : i32
    %swap3A_3158 = arith.constant 0 : i32
    %swap3A_3159 = arith.index_cast %swap3A_3156 : i32 to index
    %swap3A_3160 = arith.index_cast %swap3A_3157 : i32 to index
    %swap3A_3161 = arith.index_cast %swap3A_3158 : i32 to index
    %swap3A_3162 = arith.constant 48 : index
    %swap3A_3163 = tpu.vector_load %arg6[%swap3A_3159, %swap3A_3160, %swap3A_3161, %swap3A_3162] {strides = array<i32>} : memref<2x3x8x128xf32, #tpu.memory_space<vmem>>, vector<16xf32>,
    tpu.vector_store %arg6[%swap3A_3159, %swap3A_3160, %swap3A_3161, %swap3A_3162], %get3A_3155 {strides = array<i32>} : memref<2x3x8x128xf32, #tpu.memory_space<vmem>>, vector<16xf32>,
    %swap3A_3164 = arith.constant 1 : i32
    %swap3A_3165 = arith.constant 2 : i32
    %swap3A_3166 = arith.constant 1 : i32
    %swap3A_3167 = arith.index_cast %swap3A_3164 : i32 to index
    %swap3A_3168 = arith.index_cast %swap3A_3165 : i32 to index
    %swap3A_3169 = arith.index_cast %swap3A_3166 : i32 to index
    %swap3A_3170 = arith.constant 48 : index
    %swap3A_3171 = tpu.vector_load %arg6[%swap3A_3167, %swap3A_3168, %swap3A_3169, %swap3A_3170] {strides = array<i32>} : memref<2x3x8x128xf32, #tpu.memory_space<vmem>>, vector<16xf32>,
    tpu.vector_store %arg6[%swap3A_3167, %swap3A_3168, %swap3A_3169, %swap3A_3170], %get3A_3155 {strides = array<i32>} : memref<2x3x8x128xf32, #tpu.memory_space<vmem>>, vector<16xf32>,
    %swap3A_3172 = arith.constant 1 : i32
    %swap3A_3173 = arith.constant 2 : i32
    %swap3A_3174 = arith.constant 2 : i32
    %swap3A_3175 = arith.index_cast %swap3A_3172 : i32 to index
    %swap3A_3176 = arith.index_cast %swap3A_3173 : i32 to index
    %swap3A_3177 = arith.index_cast %swap3A_3174 : i32 to index
    %swap3A_3178 = arith.constant 48 : index
    %swap3A_3179 = tpu.vector_load %arg6[%swap3A_3175, %swap3A_3176, %swap3A_3177, %swap3A_3178] {strides = array<i32>} : memref<2x3x8x128xf32, #tpu.memory_space<vmem>>, vector<16xf32>,
    tpu.vector_store %arg6[%swap3A_3175, %swap3A_3176, %swap3A_3177, %swap3A_3178], %get3A_3155 {strides = array<i32>} : memref<2x3x8x128xf32, #tpu.memory_space<vmem>>, vector<16xf32>,
    %swap3A_3180 = arith.constant 1 : i32
    %swap3A_3181 = arith.constant 2 : i32
    %swap3A_3182 = arith.constant 3 : i32
    %swap3A_3183 = arith.index_cast %swap3A_3180 : i32 to index
    %swap3A_3184 = arith.index_cast %swap3A_3181 : i32 to index
    %swap3A_3185 = arith.index_cast %swap3A_3182 : i32 to index
    %swap3A_3186 = arith.constant 48 : index
    %swap3A_3187 = tpu.vector_load %arg6[%swap3A_3183, %swap3A_3184, %swap3A_3185, %swap3A_3186] {strides = array<i32>} : memref<2x3x8x128xf32, #tpu.memory_space<vmem>>, vector<16xf32>,
    tpu.vector_store %arg6[%swap3A_3183, %swap3A_3184, %swap3A_3185, %swap3A_3186], %get3A_3155 {strides = array<i32>} : memref<2x3x8x128xf32, #tpu.memory_space<vmem>>, vector<16xf32>,
    %swap3A_3188 = arith.constant 1 : i32
    %swap3A_3189 = arith.constant 2 : i32
    %swap3A_3190 = arith.constant 4 : i32
    %swap3A_3191 = arith.index_cast %swap3A_3188 : i32 to index
    %swap3A_3192 = arith.index_cast %swap3A_3189 : i32 to index
    %swap3A_3193 = arith.index_cast %swap3A_3190 : i32 to index
    %swap3A_3194 = arith.constant 48 : index
    %swap3A_3195 = tpu.vector_load %arg6[%swap3A_3191, %swap3A_3192, %swap3A_3193, %swap3A_3194] {strides = array<i32>} : memref<2x3x8x128xf32, #tpu.memory_space<vmem>>, vector<16xf32>,
    tpu.vector_store %arg6[%swap3A_3191, %swap3A_3192, %swap3A_3193, %swap3A_3194], %get3A_3155 {strides = array<i32>} : memref<2x3x8x128xf32, #tpu.memory_space<vmem>>, vector<16xf32>,
    %swap3A_3196 = arith.constant 1 : i32
    %swap3A_3197 = arith.constant 2 : i32
    %swap3A_3198 = arith.constant 5 : i32
    %swap3A_3199 = arith.index_cast %swap3A_3196 : i32 to index
    %swap3A_3200 = arith.index_cast %swap3A_3197 : i32 to index
    %swap3A_3201 = arith.index_cast %swap3A_3198 : i32 to index
    %swap3A_3202 = arith.constant 48 : index
    %swap3A_3203 = tpu.vector_load %arg6[%swap3A_3199, %swap3A_3200, %swap3A_3201, %swap3A_3202] {strides = array<i32>} : memref<2x3x8x128xf32, #tpu.memory_space<vmem>>, vector<16xf32>,
    tpu.vector_store %arg6[%swap3A_3199, %swap3A_3200, %swap3A_3201, %swap3A_3202], %get3A_3155 {strides = array<i32>} : memref<2x3x8x128xf32, #tpu.memory_space<vmem>>, vector<16xf32>,
    %swap3A_3204 = arith.constant 1 : i32
    %swap3A_3205 = arith.constant 2 : i32
    %swap3A_3206 = arith.constant 6 : i32
    %swap3A_3207 = arith.index_cast %swap3A_3204 : i32 to index
    %swap3A_3208 = arith.index_cast %swap3A_3205 : i32 to index
    %swap3A_3209 = arith.index_cast %swap3A_3206 : i32 to index
    %swap3A_3210 = arith.constant 48 : index
    %swap3A_3211 = tpu.vector_load %arg6[%swap3A_3207, %swap3A_3208, %swap3A_3209, %swap3A_3210] {strides = array<i32>} : memref<2x3x8x128xf32, #tpu.memory_space<vmem>>, vector<16xf32>,
    tpu.vector_store %arg6[%swap3A_3207, %swap3A_3208, %swap3A_3209, %swap3A_3210], %get3A_3155 {strides = array<i32>} : memref<2x3x8x128xf32, #tpu.memory_space<vmem>>, vector<16xf32>,
    %swap3A_3212 = arith.constant 1 : i32
    %swap3A_3213 = arith.constant 2 : i32
    %swap3A_3214 = arith.constant 7 : i32
    %swap3A_3215 = arith.index_cast %swap3A_3212 : i32 to index
    %swap3A_3216 = arith.index_cast %swap3A_3213 : i32 to index
    %swap3A_3217 = arith.index_cast %swap3A_3214 : i32 to index
    %swap3A_3218 = arith.constant 48 : index
    %swap3A_3219 = tpu.vector_load %arg6[%swap3A_3215, %swap3A_3216, %swap3A_3217, %swap3A_3218] {strides = array<i32>} : memref<2x3x8x128xf32, #tpu.memory_space<vmem>>, vector<16xf32>,
    tpu.vector_store %arg6[%swap3A_3215, %swap3A_3216, %swap3A_3217, %swap3A_3218], %get3A_3155 {strides = array<i32>} : memref<2x3x8x128xf32, #tpu.memory_space<vmem>>, vector<16xf32>,
    %get3A_3220 = arith.constant 1 : i32
    %get3A_3221 = arith.index_cast %get3A_3220 : i32 to index
    %get3A_3222 = arith.constant 320 : index
    %get3A_3223 = tpu.vector_load %arg5[%get3A_3221, %get3A_3222] {strides = array<i32>} : memref<2x384xf32, #tpu.memory_space<vmem>>, vector<16xf32>,
    %swap3A_3224 = arith.constant 1 : i32
    %swap3A_3225 = arith.constant 2 : i32
    %swap3A_3226 = arith.constant 0 : i32
    %swap3A_3227 = arith.index_cast %swap3A_3224 : i32 to index
    %swap3A_3228 = arith.index_cast %swap3A_3225 : i32 to index
    %swap3A_3229 = arith.index_cast %swap3A_3226 : i32 to index
    %swap3A_3230 = arith.constant 64 : index
    %swap3A_3231 = tpu.vector_load %arg6[%swap3A_3227, %swap3A_3228, %swap3A_3229, %swap3A_3230] {strides = array<i32>} : memref<2x3x8x128xf32, #tpu.memory_space<vmem>>, vector<16xf32>,
    tpu.vector_store %arg6[%swap3A_3227, %swap3A_3228, %swap3A_3229, %swap3A_3230], %get3A_3223 {strides = array<i32>} : memref<2x3x8x128xf32, #tpu.memory_space<vmem>>, vector<16xf32>,
    %swap3A_3232 = arith.constant 1 : i32
    %swap3A_3233 = arith.constant 2 : i32
    %swap3A_3234 = arith.constant 1 : i32
    %swap3A_3235 = arith.index_cast %swap3A_3232 : i32 to index
    %swap3A_3236 = arith.index_cast %swap3A_3233 : i32 to index
    %swap3A_3237 = arith.index_cast %swap3A_3234 : i32 to index
    %swap3A_3238 = arith.constant 64 : index
    %swap3A_3239 = tpu.vector_load %arg6[%swap3A_3235, %swap3A_3236, %swap3A_3237, %swap3A_3238] {strides = array<i32>} : memref<2x3x8x128xf32, #tpu.memory_space<vmem>>, vector<16xf32>,
    tpu.vector_store %arg6[%swap3A_3235, %swap3A_3236, %swap3A_3237, %swap3A_3238], %get3A_3223 {strides = array<i32>} : memref<2x3x8x128xf32, #tpu.memory_space<vmem>>, vector<16xf32>,
    %swap3A_3240 = arith.constant 1 : i32
    %swap3A_3241 = arith.constant 2 : i32
    %swap3A_3242 = arith.constant 2 : i32
    %swap3A_3243 = arith.index_cast %swap3A_3240 : i32 to index
    %swap3A_3244 = arith.index_cast %swap3A_3241 : i32 to index
    %swap3A_3245 = arith.index_cast %swap3A_3242 : i32 to index
    %swap3A_3246 = arith.constant 64 : index
    %swap3A_3247 = tpu.vector_load %arg6[%swap3A_3243, %swap3A_3244, %swap3A_3245, %swap3A_3246] {strides = array<i32>} : memref<2x3x8x128xf32, #tpu.memory_space<vmem>>, vector<16xf32>,
    tpu.vector_store %arg6[%swap3A_3243, %swap3A_3244, %swap3A_3245, %swap3A_3246], %get3A_3223 {strides = array<i32>} : memref<2x3x8x128xf32, #tpu.memory_space<vmem>>, vector<16xf32>,
    %swap3A_3248 = arith.constant 1 : i32
    %swap3A_3249 = arith.constant 2 : i32
    %swap3A_3250 = arith.constant 3 : i32
    %swap3A_3251 = arith.index_cast %swap3A_3248 : i32 to index
    %swap3A_3252 = arith.index_cast %swap3A_3249 : i32 to index
    %swap3A_3253 = arith.index_cast %swap3A_3250 : i32 to index
    %swap3A_3254 = arith.constant 64 : index
    %swap3A_3255 = tpu.vector_load %arg6[%swap3A_3251, %swap3A_3252, %swap3A_3253, %swap3A_3254] {strides = array<i32>} : memref<2x3x8x128xf32, #tpu.memory_space<vmem>>, vector<16xf32>,
    tpu.vector_store %arg6[%swap3A_3251, %swap3A_3252, %swap3A_3253, %swap3A_3254], %get3A_3223 {strides = array<i32>} : memref<2x3x8x128xf32, #tpu.memory_space<vmem>>, vector<16xf32>,
    %swap3A_3256 = arith.constant 1 : i32
    %swap3A_3257 = arith.constant 2 : i32
    %swap3A_3258 = arith.constant 4 : i32
    %swap3A_3259 = arith.index_cast %swap3A_3256 : i32 to index
    %swap3A_3260 = arith.index_cast %swap3A_3257 : i32 to index
    %swap3A_3261 = arith.index_cast %swap3A_3258 : i32 to index
    %swap3A_3262 = arith.constant 64 : index
    %swap3A_3263 = tpu.vector_load %arg6[%swap3A_3259, %swap3A_3260, %swap3A_3261, %swap3A_3262] {strides = array<i32>} : memref<2x3x8x128xf32, #tpu.memory_space<vmem>>, vector<16xf32>,
    tpu.vector_store %arg6[%swap3A_3259, %swap3A_3260, %swap3A_3261, %swap3A_3262], %get3A_3223 {strides = array<i32>} : memref<2x3x8x128xf32, #tpu.memory_space<vmem>>, vector<16xf32>,
    %swap3A_3264 = arith.constant 1 : i32
    %swap3A_3265 = arith.constant 2 : i32
    %swap3A_3266 = arith.constant 5 : i32
    %swap3A_3267 = arith.index_cast %swap3A_3264 : i32 to index
    %swap3A_3268 = arith.index_cast %swap3A_3265 : i32 to index
    %swap3A_3269 = arith.index_cast %swap3A_3266 : i32 to index
    %swap3A_3270 = arith.constant 64 : index
    %swap3A_3271 = tpu.vector_load %arg6[%swap3A_3267, %swap3A_3268, %swap3A_3269, %swap3A_3270] {strides = array<i32>} : memref<2x3x8x128xf32, #tpu.memory_space<vmem>>, vector<16xf32>,
    tpu.vector_store %arg6[%swap3A_3267, %swap3A_3268, %swap3A_3269, %swap3A_3270], %get3A_3223 {strides = array<i32>} : memref<2x3x8x128xf32, #tpu.memory_space<vmem>>, vector<16xf32>,
    %swap3A_3272 = arith.constant 1 : i32
    %swap3A_3273 = arith.constant 2 : i32
    %swap3A_3274 = arith.constant 6 : i32
    %swap3A_3275 = arith.index_cast %swap3A_3272 : i32 to index
    %swap3A_3276 = arith.index_cast %swap3A_3273 : i32 to index
    %swap3A_3277 = arith.index_cast %swap3A_3274 : i32 to index
    %swap3A_3278 = arith.constant 64 : index
    %swap3A_3279 = tpu.vector_load %arg6[%swap3A_3275, %swap3A_3276, %swap3A_3277, %swap3A_3278] {strides = array<i32>} : memref<2x3x8x128xf32, #tpu.memory_space<vmem>>, vector<16xf32>,
    tpu.vector_store %arg6[%swap3A_3275, %swap3A_3276, %swap3A_3277, %swap3A_3278], %get3A_3223 {strides = array<i32>} : memref<2x3x8x128xf32, #tpu.memory_space<vmem>>, vector<16xf32>,
    %swap3A_3280 = arith.constant 1 : i32
    %swap3A_3281 = arith.constant 2 : i32
    %swap3A_3282 = arith.constant 7 : i32
    %swap3A_3283 = arith.index_cast %swap3A_3280 : i32 to index
    %swap3A_3284 = arith.index_cast %swap3A_3281 : i32 to index
    %swap3A_3285 = arith.index_cast %swap3A_3282 : i32 to index
    %swap3A_3286 = arith.constant 64 : index
    %swap3A_3287 = tpu.vector_load %arg6[%swap3A_3283, %swap3A_3284, %swap3A_3285, %swap3A_3286] {strides = array<i32>} : memref<2x3x8x128xf32, #tpu.memory_space<vmem>>, vector<16xf32>,
    tpu.vector_store %arg6[%swap3A_3283, %swap3A_3284, %swap3A_3285, %swap3A_3286], %get3A_3223 {strides = array<i32>} : memref<2x3x8x128xf32, #tpu.memory_space<vmem>>, vector<16xf32>,
    %get3A_3288 = arith.constant 1 : i32
    %get3A_3289 = arith.index_cast %get3A_3288 : i32 to index
    %get3A_3290 = arith.constant 336 : index
    %get3A_3291 = tpu.vector_load %arg5[%get3A_3289, %get3A_3290] {strides = array<i32>} : memref<2x384xf32, #tpu.memory_space<vmem>>, vector<16xf32>,
    %swap3A_3292 = arith.constant 1 : i32
    %swap3A_3293 = arith.constant 2 : i32
    %swap3A_3294 = arith.constant 0 : i32
    %swap3A_3295 = arith.index_cast %swap3A_3292 : i32 to index
    %swap3A_3296 = arith.index_cast %swap3A_3293 : i32 to index
    %swap3A_3297 = arith.index_cast %swap3A_3294 : i32 to index
    %swap3A_3298 = arith.constant 80 : index
    %swap3A_3299 = tpu.vector_load %arg6[%swap3A_3295, %swap3A_3296, %swap3A_3297, %swap3A_3298] {strides = array<i32>} : memref<2x3x8x128xf32, #tpu.memory_space<vmem>>, vector<16xf32>,
    tpu.vector_store %arg6[%swap3A_3295, %swap3A_3296, %swap3A_3297, %swap3A_3298], %get3A_3291 {strides = array<i32>} : memref<2x3x8x128xf32, #tpu.memory_space<vmem>>, vector<16xf32>,
    %swap3A_3300 = arith.constant 1 : i32
    %swap3A_3301 = arith.constant 2 : i32
    %swap3A_3302 = arith.constant 1 : i32
    %swap3A_3303 = arith.index_cast %swap3A_3300 : i32 to index
    %swap3A_3304 = arith.index_cast %swap3A_3301 : i32 to index
    %swap3A_3305 = arith.index_cast %swap3A_3302 : i32 to index
    %swap3A_3306 = arith.constant 80 : index
    %swap3A_3307 = tpu.vector_load %arg6[%swap3A_3303, %swap3A_3304, %swap3A_3305, %swap3A_3306] {strides = array<i32>} : memref<2x3x8x128xf32, #tpu.memory_space<vmem>>, vector<16xf32>,
    tpu.vector_store %arg6[%swap3A_3303, %swap3A_3304, %swap3A_3305, %swap3A_3306], %get3A_3291 {strides = array<i32>} : memref<2x3x8x128xf32, #tpu.memory_space<vmem>>, vector<16xf32>,
    %swap3A_3308 = arith.constant 1 : i32
    %swap3A_3309 = arith.constant 2 : i32
    %swap3A_3310 = arith.constant 2 : i32
    %swap3A_3311 = arith.index_cast %swap3A_3308 : i32 to index
    %swap3A_3312 = arith.index_cast %swap3A_3309 : i32 to index
    %swap3A_3313 = arith.index_cast %swap3A_3310 : i32 to index
    %swap3A_3314 = arith.constant 80 : index
    %swap3A_3315 = tpu.vector_load %arg6[%swap3A_3311, %swap3A_3312, %swap3A_3313, %swap3A_3314] {strides = array<i32>} : memref<2x3x8x128xf32, #tpu.memory_space<vmem>>, vector<16xf32>,
    tpu.vector_store %arg6[%swap3A_3311, %swap3A_3312, %swap3A_3313, %swap3A_3314], %get3A_3291 {strides = array<i32>} : memref<2x3x8x128xf32, #tpu.memory_space<vmem>>, vector<16xf32>,
    %swap3A_3316 = arith.constant 1 : i32
    %swap3A_3317 = arith.constant 2 : i32
    %swap3A_3318 = arith.constant 3 : i32
    %swap3A_3319 = arith.index_cast %swap3A_3316 : i32 to index
    %swap3A_3320 = arith.index_cast %swap3A_3317 : i32 to index
    %swap3A_3321 = arith.index_cast %swap3A_3318 : i32 to index
    %swap3A_3322 = arith.constant 80 : index
    %swap3A_3323 = tpu.vector_load %arg6[%swap3A_3319, %swap3A_3320, %swap3A_3321, %swap3A_3322] {strides = array<i32>} : memref<2x3x8x128xf32, #tpu.memory_space<vmem>>, vector<16xf32>,
    tpu.vector_store %arg6[%swap3A_3319, %swap3A_3320, %swap3A_3321, %swap3A_3322], %get3A_3291 {strides = array<i32>} : memref<2x3x8x128xf32, #tpu.memory_space<vmem>>, vector<16xf32>,
    %swap3A_3324 = arith.constant 1 : i32
    %swap3A_3325 = arith.constant 2 : i32
    %swap3A_3326 = arith.constant 4 : i32
    %swap3A_3327 = arith.index_cast %swap3A_3324 : i32 to index
    %swap3A_3328 = arith.index_cast %swap3A_3325 : i32 to index
    %swap3A_3329 = arith.index_cast %swap3A_3326 : i32 to index
    %swap3A_3330 = arith.constant 80 : index
    %swap3A_3331 = tpu.vector_load %arg6[%swap3A_3327, %swap3A_3328, %swap3A_3329, %swap3A_3330] {strides = array<i32>} : memref<2x3x8x128xf32, #tpu.memory_space<vmem>>, vector<16xf32>,
    tpu.vector_store %arg6[%swap3A_3327, %swap3A_3328, %swap3A_3329, %swap3A_3330], %get3A_3291 {strides = array<i32>} : memref<2x3x8x128xf32, #tpu.memory_space<vmem>>, vector<16xf32>,
    %swap3A_3332 = arith.constant 1 : i32
    %swap3A_3333 = arith.constant 2 : i32
    %swap3A_3334 = arith.constant 5 : i32
    %swap3A_3335 = arith.index_cast %swap3A_3332 : i32 to index
    %swap3A_3336 = arith.index_cast %swap3A_3333 : i32 to index
    %swap3A_3337 = arith.index_cast %swap3A_3334 : i32 to index
    %swap3A_3338 = arith.constant 80 : index
    %swap3A_3339 = tpu.vector_load %arg6[%swap3A_3335, %swap3A_3336, %swap3A_3337, %swap3A_3338] {strides = array<i32>} : memref<2x3x8x128xf32, #tpu.memory_space<vmem>>, vector<16xf32>,
    tpu.vector_store %arg6[%swap3A_3335, %swap3A_3336, %swap3A_3337, %swap3A_3338], %get3A_3291 {strides = array<i32>} : memref<2x3x8x128xf32, #tpu.memory_space<vmem>>, vector<16xf32>,
    %swap3A_3340 = arith.constant 1 : i32
    %swap3A_3341 = arith.constant 2 : i32
    %swap3A_3342 = arith.constant 6 : i32
    %swap3A_3343 = arith.index_cast %swap3A_3340 : i32 to index
    %swap3A_3344 = arith.index_cast %swap3A_3341 : i32 to index
    %swap3A_3345 = arith.index_cast %swap3A_3342 : i32 to index
    %swap3A_3346 = arith.constant 80 : index
    %swap3A_3347 = tpu.vector_load %arg6[%swap3A_3343, %swap3A_3344, %swap3A_3345, %swap3A_3346] {strides = array<i32>} : memref<2x3x8x128xf32, #tpu.memory_space<vmem>>, vector<16xf32>,
    tpu.vector_store %arg6[%swap3A_3343, %swap3A_3344, %swap3A_3345, %swap3A_3346], %get3A_3291 {strides = array<i32>} : memref<2x3x8x128xf32, #tpu.memory_space<vmem>>, vector<16xf32>,
    %swap3A_3348 = arith.constant 1 : i32
    %swap3A_3349 = arith.constant 2 : i32
    %swap3A_3350 = arith.constant 7 : i32
    %swap3A_3351 = arith.index_cast %swap3A_3348 : i32 to index
    %swap3A_3352 = arith.index_cast %swap3A_3349 : i32 to index
    %swap3A_3353 = arith.index_cast %swap3A_3350 : i32 to index
    %swap3A_3354 = arith.constant 80 : index
    %swap3A_3355 = tpu.vector_load %arg6[%swap3A_3351, %swap3A_3352, %swap3A_3353, %swap3A_3354] {strides = array<i32>} : memref<2x3x8x128xf32, #tpu.memory_space<vmem>>, vector<16xf32>,
    tpu.vector_store %arg6[%swap3A_3351, %swap3A_3352, %swap3A_3353, %swap3A_3354], %get3A_3291 {strides = array<i32>} : memref<2x3x8x128xf32, #tpu.memory_space<vmem>>, vector<16xf32>,
    %get3A_3356 = arith.constant 1 : i32
    %get3A_3357 = arith.index_cast %get3A_3356 : i32 to index
    %get3A_3358 = arith.constant 352 : index
    %get3A_3359 = tpu.vector_load %arg5[%get3A_3357, %get3A_3358] {strides = array<i32>} : memref<2x384xf32, #tpu.memory_space<vmem>>, vector<16xf32>,
    %swap3A_3360 = arith.constant 1 : i32
    %swap3A_3361 = arith.constant 2 : i32
    %swap3A_3362 = arith.constant 0 : i32
    %swap3A_3363 = arith.index_cast %swap3A_3360 : i32 to index
    %swap3A_3364 = arith.index_cast %swap3A_3361 : i32 to index
    %swap3A_3365 = arith.index_cast %swap3A_3362 : i32 to index
    %swap3A_3366 = arith.constant 96 : index
    %swap3A_3367 = tpu.vector_load %arg6[%swap3A_3363, %swap3A_3364, %swap3A_3365, %swap3A_3366] {strides = array<i32>} : memref<2x3x8x128xf32, #tpu.memory_space<vmem>>, vector<16xf32>,
    tpu.vector_store %arg6[%swap3A_3363, %swap3A_3364, %swap3A_3365, %swap3A_3366], %get3A_3359 {strides = array<i32>} : memref<2x3x8x128xf32, #tpu.memory_space<vmem>>, vector<16xf32>,
    %swap3A_3368 = arith.constant 1 : i32
    %swap3A_3369 = arith.constant 2 : i32
    %swap3A_3370 = arith.constant 1 : i32
    %swap3A_3371 = arith.index_cast %swap3A_3368 : i32 to index
    %swap3A_3372 = arith.index_cast %swap3A_3369 : i32 to index
    %swap3A_3373 = arith.index_cast %swap3A_3370 : i32 to index
    %swap3A_3374 = arith.constant 96 : index
    %swap3A_3375 = tpu.vector_load %arg6[%swap3A_3371, %swap3A_3372, %swap3A_3373, %swap3A_3374] {strides = array<i32>} : memref<2x3x8x128xf32, #tpu.memory_space<vmem>>, vector<16xf32>,
    tpu.vector_store %arg6[%swap3A_3371, %swap3A_3372, %swap3A_3373, %swap3A_3374], %get3A_3359 {strides = array<i32>} : memref<2x3x8x128xf32, #tpu.memory_space<vmem>>, vector<16xf32>,
    %swap3A_3376 = arith.constant 1 : i32
    %swap3A_3377 = arith.constant 2 : i32
    %swap3A_3378 = arith.constant 2 : i32
    %swap3A_3379 = arith.index_cast %swap3A_3376 : i32 to index
    %swap3A_3380 = arith.index_cast %swap3A_3377 : i32 to index
    %swap3A_3381 = arith.index_cast %swap3A_3378 : i32 to index
    %swap3A_3382 = arith.constant 96 : index
    %swap3A_3383 = tpu.vector_load %arg6[%swap3A_3379, %swap3A_3380, %swap3A_3381, %swap3A_3382] {strides = array<i32>} : memref<2x3x8x128xf32, #tpu.memory_space<vmem>>, vector<16xf32>,
    tpu.vector_store %arg6[%swap3A_3379, %swap3A_3380, %swap3A_3381, %swap3A_3382], %get3A_3359 {strides = array<i32>} : memref<2x3x8x128xf32, #tpu.memory_space<vmem>>, vector<16xf32>,
    %swap3A_3384 = arith.constant 1 : i32
    %swap3A_3385 = arith.constant 2 : i32
    %swap3A_3386 = arith.constant 3 : i32
    %swap3A_3387 = arith.index_cast %swap3A_3384 : i32 to index
    %swap3A_3388 = arith.index_cast %swap3A_3385 : i32 to index
    %swap3A_3389 = arith.index_cast %swap3A_3386 : i32 to index
    %swap3A_3390 = arith.constant 96 : index
    %swap3A_3391 = tpu.vector_load %arg6[%swap3A_3387, %swap3A_3388, %swap3A_3389, %swap3A_3390] {strides = array<i32>} : memref<2x3x8x128xf32, #tpu.memory_space<vmem>>, vector<16xf32>,
    tpu.vector_store %arg6[%swap3A_3387, %swap3A_3388, %swap3A_3389, %swap3A_3390], %get3A_3359 {strides = array<i32>} : memref<2x3x8x128xf32, #tpu.memory_space<vmem>>, vector<16xf32>,
    %swap3A_3392 = arith.constant 1 : i32
    %swap3A_3393 = arith.constant 2 : i32
    %swap3A_3394 = arith.constant 4 : i32
    %swap3A_3395 = arith.index_cast %swap3A_3392 : i32 to index
    %swap3A_3396 = arith.index_cast %swap3A_3393 : i32 to index
    %swap3A_3397 = arith.index_cast %swap3A_3394 : i32 to index
    %swap3A_3398 = arith.constant 96 : index
    %swap3A_3399 = tpu.vector_load %arg6[%swap3A_3395, %swap3A_3396, %swap3A_3397, %swap3A_3398] {strides = array<i32>} : memref<2x3x8x128xf32, #tpu.memory_space<vmem>>, vector<16xf32>,
    tpu.vector_store %arg6[%swap3A_3395, %swap3A_3396, %swap3A_3397, %swap3A_3398], %get3A_3359 {strides = array<i32>} : memref<2x3x8x128xf32, #tpu.memory_space<vmem>>, vector<16xf32>,
    %swap3A_3400 = arith.constant 1 : i32
    %swap3A_3401 = arith.constant 2 : i32
    %swap3A_3402 = arith.constant 5 : i32
    %swap3A_3403 = arith.index_cast %swap3A_3400 : i32 to index
    %swap3A_3404 = arith.index_cast %swap3A_3401 : i32 to index
    %swap3A_3405 = arith.index_cast %swap3A_3402 : i32 to index
    %swap3A_3406 = arith.constant 96 : index
    %swap3A_3407 = tpu.vector_load %arg6[%swap3A_3403, %swap3A_3404, %swap3A_3405, %swap3A_3406] {strides = array<i32>} : memref<2x3x8x128xf32, #tpu.memory_space<vmem>>, vector<16xf32>,
    tpu.vector_store %arg6[%swap3A_3403, %swap3A_3404, %swap3A_3405, %swap3A_3406], %get3A_3359 {strides = array<i32>} : memref<2x3x8x128xf32, #tpu.memory_space<vmem>>, vector<16xf32>,
    %swap3A_3408 = arith.constant 1 : i32
    %swap3A_3409 = arith.constant 2 : i32
    %swap3A_3410 = arith.constant 6 : i32
    %swap3A_3411 = arith.index_cast %swap3A_3408 : i32 to index
    %swap3A_3412 = arith.index_cast %swap3A_3409 : i32 to index
    %swap3A_3413 = arith.index_cast %swap3A_3410 : i32 to index
    %swap3A_3414 = arith.constant 96 : index
    %swap3A_3415 = tpu.vector_load %arg6[%swap3A_3411, %swap3A_3412, %swap3A_3413, %swap3A_3414] {strides = array<i32>} : memref<2x3x8x128xf32, #tpu.memory_space<vmem>>, vector<16xf32>,
    tpu.vector_store %arg6[%swap3A_3411, %swap3A_3412, %swap3A_3413, %swap3A_3414], %get3A_3359 {strides = array<i32>} : memref<2x3x8x128xf32, #tpu.memory_space<vmem>>, vector<16xf32>,
    %swap3A_3416 = arith.constant 1 : i32
    %swap3A_3417 = arith.constant 2 : i32
    %swap3A_3418 = arith.constant 7 : i32
    %swap3A_3419 = arith.index_cast %swap3A_3416 : i32 to index
    %swap3A_3420 = arith.index_cast %swap3A_3417 : i32 to index
    %swap3A_3421 = arith.index_cast %swap3A_3418 : i32 to index
    %swap3A_3422 = arith.constant 96 : index
    %swap3A_3423 = tpu.vector_load %arg6[%swap3A_3419, %swap3A_3420, %swap3A_3421, %swap3A_3422] {strides = array<i32>} : memref<2x3x8x128xf32, #tpu.memory_space<vmem>>, vector<16xf32>,
    tpu.vector_store %arg6[%swap3A_3419, %swap3A_3420, %swap3A_3421, %swap3A_3422], %get3A_3359 {strides = array<i32>} : memref<2x3x8x128xf32, #tpu.memory_space<vmem>>, vector<16xf32>,
    %get3A_3424 = arith.constant 1 : i32
    %get3A_3425 = arith.index_cast %get3A_3424 : i32 to index
    %get3A_3426 = arith.constant 368 : index
    %get3A_3427 = tpu.vector_load %arg5[%get3A_3425, %get3A_3426] {strides = array<i32>} : memref<2x384xf32, #tpu.memory_space<vmem>>, vector<16xf32>,
    %swap3A_3428 = arith.constant 1 : i32
    %swap3A_3429 = arith.constant 2 : i32
    %swap3A_3430 = arith.constant 0 : i32
    %swap3A_3431 = arith.index_cast %swap3A_3428 : i32 to index
    %swap3A_3432 = arith.index_cast %swap3A_3429 : i32 to index
    %swap3A_3433 = arith.index_cast %swap3A_3430 : i32 to index
    %swap3A_3434 = arith.constant 112 : index
    %swap3A_3435 = tpu.vector_load %arg6[%swap3A_3431, %swap3A_3432, %swap3A_3433, %swap3A_3434] {strides = array<i32>} : memref<2x3x8x128xf32, #tpu.memory_space<vmem>>, vector<16xf32>,
    tpu.vector_store %arg6[%swap3A_3431, %swap3A_3432, %swap3A_3433, %swap3A_3434], %get3A_3427 {strides = array<i32>} : memref<2x3x8x128xf32, #tpu.memory_space<vmem>>, vector<16xf32>,
    %swap3A_3436 = arith.constant 1 : i32
    %swap3A_3437 = arith.constant 2 : i32
    %swap3A_3438 = arith.constant 1 : i32
    %swap3A_3439 = arith.index_cast %swap3A_3436 : i32 to index
    %swap3A_3440 = arith.index_cast %swap3A_3437 : i32 to index
    %swap3A_3441 = arith.index_cast %swap3A_3438 : i32 to index
    %swap3A_3442 = arith.constant 112 : index
    %swap3A_3443 = tpu.vector_load %arg6[%swap3A_3439, %swap3A_3440, %swap3A_3441, %swap3A_3442] {strides = array<i32>} : memref<2x3x8x128xf32, #tpu.memory_space<vmem>>, vector<16xf32>,
    tpu.vector_store %arg6[%swap3A_3439, %swap3A_3440, %swap3A_3441, %swap3A_3442], %get3A_3427 {strides = array<i32>} : memref<2x3x8x128xf32, #tpu.memory_space<vmem>>, vector<16xf32>,
    %swap3A_3444 = arith.constant 1 : i32
    %swap3A_3445 = arith.constant 2 : i32
    %swap3A_3446 = arith.constant 2 : i32
    %swap3A_3447 = arith.index_cast %swap3A_3444 : i32 to index
    %swap3A_3448 = arith.index_cast %swap3A_3445 : i32 to index
    %swap3A_3449 = arith.index_cast %swap3A_3446 : i32 to index
    %swap3A_3450 = arith.constant 112 : index
    %swap3A_3451 = tpu.vector_load %arg6[%swap3A_3447, %swap3A_3448, %swap3A_3449, %swap3A_3450] {strides = array<i32>} : memref<2x3x8x128xf32, #tpu.memory_space<vmem>>, vector<16xf32>,
    tpu.vector_store %arg6[%swap3A_3447, %swap3A_3448, %swap3A_3449, %swap3A_3450], %get3A_3427 {strides = array<i32>} : memref<2x3x8x128xf32, #tpu.memory_space<vmem>>, vector<16xf32>,
    %swap3A_3452 = arith.constant 1 : i32
    %swap3A_3453 = arith.constant 2 : i32
    %swap3A_3454 = arith.constant 3 : i32
    %swap3A_3455 = arith.index_cast %swap3A_3452 : i32 to index
    %swap3A_3456 = arith.index_cast %swap3A_3453 : i32 to index
    %swap3A_3457 = arith.index_cast %swap3A_3454 : i32 to index
    %swap3A_3458 = arith.constant 112 : index
    %swap3A_3459 = tpu.vector_load %arg6[%swap3A_3455, %swap3A_3456, %swap3A_3457, %swap3A_3458] {strides = array<i32>} : memref<2x3x8x128xf32, #tpu.memory_space<vmem>>, vector<16xf32>,
    tpu.vector_store %arg6[%swap3A_3455, %swap3A_3456, %swap3A_3457, %swap3A_3458], %get3A_3427 {strides = array<i32>} : memref<2x3x8x128xf32, #tpu.memory_space<vmem>>, vector<16xf32>,
    %swap3A_3460 = arith.constant 1 : i32
    %swap3A_3461 = arith.constant 2 : i32
    %swap3A_3462 = arith.constant 4 : i32
    %swap3A_3463 = arith.index_cast %swap3A_3460 : i32 to index
    %swap3A_3464 = arith.index_cast %swap3A_3461 : i32 to index
    %swap3A_3465 = arith.index_cast %swap3A_3462 : i32 to index
    %swap3A_3466 = arith.constant 112 : index
    %swap3A_3467 = tpu.vector_load %arg6[%swap3A_3463, %swap3A_3464, %swap3A_3465, %swap3A_3466] {strides = array<i32>} : memref<2x3x8x128xf32, #tpu.memory_space<vmem>>, vector<16xf32>,
    tpu.vector_store %arg6[%swap3A_3463, %swap3A_3464, %swap3A_3465, %swap3A_3466], %get3A_3427 {strides = array<i32>} : memref<2x3x8x128xf32, #tpu.memory_space<vmem>>, vector<16xf32>,
    %swap3A_3468 = arith.constant 1 : i32
    %swap3A_3469 = arith.constant 2 : i32
    %swap3A_3470 = arith.constant 5 : i32
    %swap3A_3471 = arith.index_cast %swap3A_3468 : i32 to index
    %swap3A_3472 = arith.index_cast %swap3A_3469 : i32 to index
    %swap3A_3473 = arith.index_cast %swap3A_3470 : i32 to index
    %swap3A_3474 = arith.constant 112 : index
    %swap3A_3475 = tpu.vector_load %arg6[%swap3A_3471, %swap3A_3472, %swap3A_3473, %swap3A_3474] {strides = array<i32>} : memref<2x3x8x128xf32, #tpu.memory_space<vmem>>, vector<16xf32>,
    tpu.vector_store %arg6[%swap3A_3471, %swap3A_3472, %swap3A_3473, %swap3A_3474], %get3A_3427 {strides = array<i32>} : memref<2x3x8x128xf32, #tpu.memory_space<vmem>>, vector<16xf32>,
    %swap3A_3476 = arith.constant 1 : i32
    %swap3A_3477 = arith.constant 2 : i32
    %swap3A_3478 = arith.constant 6 : i32
    %swap3A_3479 = arith.index_cast %swap3A_3476 : i32 to index
    %swap3A_3480 = arith.index_cast %swap3A_3477 : i32 to index
    %swap3A_3481 = arith.index_cast %swap3A_3478 : i32 to index
    %swap3A_3482 = arith.constant 112 : index
    %swap3A_3483 = tpu.vector_load %arg6[%swap3A_3479, %swap3A_3480, %swap3A_3481, %swap3A_3482] {strides = array<i32>} : memref<2x3x8x128xf32, #tpu.memory_space<vmem>>, vector<16xf32>,
    tpu.vector_store %arg6[%swap3A_3479, %swap3A_3480, %swap3A_3481, %swap3A_3482], %get3A_3427 {strides = array<i32>} : memref<2x3x8x128xf32, #tpu.memory_space<vmem>>, vector<16xf32>,
    %swap3A_3484 = arith.constant 1 : i32
    %swap3A_3485 = arith.constant 2 : i32
    %swap3A_3486 = arith.constant 7 : i32
    %swap3A_3487 = arith.index_cast %swap3A_3484 : i32 to index
    %swap3A_3488 = arith.index_cast %swap3A_3485 : i32 to index
    %swap3A_3489 = arith.index_cast %swap3A_3486 : i32 to index
    %swap3A_3490 = arith.constant 112 : index
    %swap3A_3491 = tpu.vector_load %arg6[%swap3A_3487, %swap3A_3488, %swap3A_3489, %swap3A_3490] {strides = array<i32>} : memref<2x3x8x128xf32, #tpu.memory_space<vmem>>, vector<16xf32>,
    tpu.vector_store %arg6[%swap3A_3487, %swap3A_3488, %swap3A_3489, %swap3A_3490], %get3A_3427 {strides = array<i32>} : memref<2x3x8x128xf32, #tpu.memory_space<vmem>>, vector<16xf32>,
    %mul3A_3492 = arith.constant 4 : i32
    %mul3A_3493 = arith.muli %add3A_1858, %mul3A_3492 : i32
    %add3A_3494 = arith.constant 0 : i32
    %add3A_3495 = arith.addi %mul3A_3493, %add3A_3494 : i32
    %mul3A_3496 = arith.constant 6 : i32
    %mul3A_3497 = arith.muli %add3A_3495, %mul3A_3496 : i32
    %dma_start3A_3498 = arith.constant 1 : i32
    %dma_start3A_3499 = arith.constant 0 : i32
    %dma_start3A_3500 = arith.constant 0 : i32
    %dma_start3A_3501 = arith.constant 0 : i32
    %dma_start3A_3502 = tpu.memref_slice %arg6[%dma_start3A_3498, %dma_start3A_3499, %dma_start3A_3500, %dma_start3A_3501] : memref<2x3x8x128xf32, #tpu.memory_space<vmem>> -> memref<1x3x8x128xf32, #tpu.memory_space<vmem>>
    %dma_start3A_3503 = tpu.memref_squeeze %dma_start3A_3502 : memref<1x3x8x128xf32, #tpu.memory_space<vmem>> -> memref<3x8x128xf32, #tpu.memory_space<vmem>>
    %dma_start3A_3504 = arith.constant 0 : i32
    %dma_start3A_3505 = arith.constant 0 : i32
    %dma_start3A_3506 = tpu.memref_slice %arg7[%mul3A_3497, %dma_start3A_3504, %dma_start3A_3505] : memref<768x8x128xf32, #tpu.memory_space<vmem_shared>> -> memref<3x8x128xf32, #tpu.memory_space<vmem_shared>>
    %dma_start3A_3507 = arith.constant 0 : i32
    %dma_start3A_3508 = arith.constant 0 : i32
    %dma_start3A_3509 = tpu.memref_slice %arg7[%mul3A_3497, %dma_start3A_3507, %dma_start3A_3508] : memref<768x8x128xf32, #tpu.memory_space<vmem_shared>> -> memref<3x8x128xf32, #tpu.memory_space<vmem_shared>>
    %dma_start3A_3510 = arith.constant 0 : i32
    %dma_start3A_3511 = arith.constant 0 : i32
    %dma_start3A_3512 = arith.constant 0 : i32
    %dma_start3A_3513 = tpu.memref_slice %arg6[%dma_start3A_3498, %dma_start3A_3510, %dma_start3A_3511, %dma_start3A_3512] : memref<2x3x8x128xf32, #tpu.memory_space<vmem>> -> memref<1x3x8x128xf32, #tpu.memory_space<vmem>>
    %dma_start3A_3514 = tpu.memref_squeeze %dma_start3A_3513 : memref<1x3x8x128xf32, #tpu.memory_space<vmem>> -> memref<3x8x128xf32, #tpu.memory_space<vmem>>
    tpu.enqueue_dma source(%dma_start3A_3514 : memref<3x8x128xf32, #tpu.memory_space<vmem>>) target(%dma_start3A_3509 : memref<3x8x128xf32, #tpu.memory_space<vmem_shared>>) target_semaphore(%arg8 : memref<!tpu.dma_semaphore, #tpu.memory_space<semaphore_mem>>)
    %add3A_3515 = arith.constant 3 : i32
    %add3A_3516 = arith.addi %mul3A_3497, %add3A_3515 : i32
    %add3A_3517 = arith.constant 0 : i32
    %add3A_3518 = arith.addi %add3A_3516, %add3A_3517 : i32
    %dma_start3A_3519 = arith.constant 0 : i32
    %dma_start3A_3520 = arith.constant 0 : i32
    %dma_start3A_3521 = tpu.memref_slice %arg7[%add3A_3518, %dma_start3A_3519, %dma_start3A_3520] : memref<768x8x128xf32, #tpu.memory_space<vmem_shared>> -> memref<1x8x128xf32, #tpu.memory_space<vmem_shared>>
    %dma_start3A_3522 = tpu.memref_squeeze %dma_start3A_3521 : memref<1x8x128xf32, #tpu.memory_space<vmem_shared>> -> memref<8x128xf32, #tpu.memory_space<vmem_shared>>
    %dma_start3A_3523 = arith.constant 0 : i32
    %dma_start3A_3524 = arith.constant 0 : i32
    %dma_start3A_3525 = tpu.memref_slice %arg3[%dma_start3A_3523, %dma_start3A_3524] : memref<64x384xf32, #tpu.memory_space<hbm>> -> memref<8x128xf32, #tpu.memory_space<hbm>>
    tpu.enqueue_dma source(%dma_start3A_3525 : memref<8x128xf32, #tpu.memory_space<hbm>>) target(%dma_start3A_3522 : memref<8x128xf32, #tpu.memory_space<vmem_shared>>) target_semaphore(%arg8 : memref<!tpu.dma_semaphore, #tpu.memory_space<semaphore_mem>>)
    %add3A_3526 = arith.constant 3 : i32
    %add3A_3527 = arith.addi %mul3A_3497, %add3A_3526 : i32
    %add3A_3528 = arith.constant 1 : i32
    %add3A_3529 = arith.addi %add3A_3527, %add3A_3528 : i32
    %dma_start3A_3530 = arith.constant 0 : i32
    %dma_start3A_3531 = arith.constant 0 : i32
    %dma_start3A_3532 = tpu.memref_slice %arg7[%add3A_3529, %dma_start3A_3530, %dma_start3A_3531] : memref<768x8x128xf32, #tpu.memory_space<vmem_shared>> -> memref<1x8x128xf32, #tpu.memory_space<vmem_shared>>
    %dma_start3A_3533 = tpu.memref_squeeze %dma_start3A_3532 : memref<1x8x128xf32, #tpu.memory_space<vmem_shared>> -> memref<8x128xf32, #tpu.memory_space<vmem_shared>>
    %dma_start3A_3534 = arith.constant 0 : i32
    %dma_start3A_3535 = arith.constant 128 : i32
    %dma_start3A_3536 = tpu.memref_slice %arg3[%dma_start3A_3534, %dma_start3A_3535] : memref<64x384xf32, #tpu.memory_space<hbm>> -> memref<8x128xf32, #tpu.memory_space<hbm>>
    tpu.enqueue_dma source(%dma_start3A_3536 : memref<8x128xf32, #tpu.memory_space<hbm>>) target(%dma_start3A_3533 : memref<8x128xf32, #tpu.memory_space<vmem_shared>>) target_semaphore(%arg8 : memref<!tpu.dma_semaphore, #tpu.memory_space<semaphore_mem>>)
    %add3A_3537 = arith.constant 3 : i32
    %add3A_3538 = arith.addi %mul3A_3497, %add3A_3537 : i32
    %add3A_3539 = arith.constant 2 : i32
    %add3A_3540 = arith.addi %add3A_3538, %add3A_3539 : i32
    %dma_start3A_3541 = arith.constant 0 : i32
    %dma_start3A_3542 = arith.constant 0 : i32
    %dma_start3A_3543 = tpu.memref_slice %arg7[%add3A_3540, %dma_start3A_3541, %dma_start3A_3542] : memref<768x8x128xf32, #tpu.memory_space<vmem_shared>> -> memref<1x8x128xf32, #tpu.memory_space<vmem_shared>>
    %dma_start3A_3544 = tpu.memref_squeeze %dma_start3A_3543 : memref<1x8x128xf32, #tpu.memory_space<vmem_shared>> -> memref<8x128xf32, #tpu.memory_space<vmem_shared>>
    %dma_start3A_3545 = arith.constant 0 : i32
    %dma_start3A_3546 = arith.constant 256 : i32
    %dma_start3A_3547 = tpu.memref_slice %arg3[%dma_start3A_3545, %dma_start3A_3546] : memref<64x384xf32, #tpu.memory_space<hbm>> -> memref<8x128xf32, #tpu.memory_space<hbm>>
    tpu.enqueue_dma source(%dma_start3A_3547 : memref<8x128xf32, #tpu.memory_space<hbm>>) target(%dma_start3A_3544 : memref<8x128xf32, #tpu.memory_space<vmem_shared>>) target_semaphore(%arg8 : memref<!tpu.dma_semaphore, #tpu.memory_space<semaphore_mem>>)
    %mul3A_3548 = arith.constant 4 : i32
    %mul3A_3549 = arith.muli %add3A_1858, %mul3A_3548 : i32
    %add3A_3550 = arith.constant 1 : i32
    %add3A_3551 = arith.addi %mul3A_3549, %add3A_3550 : i32
    %mul3A_3552 = arith.constant 6 : i32
    %mul3A_3553 = arith.muli %add3A_3551, %mul3A_3552 : i32
    %dma_start3A_3554 = arith.constant 1 : i32
    %dma_start3A_3555 = arith.constant 0 : i32
    %dma_start3A_3556 = arith.constant 0 : i32
    %dma_start3A_3557 = arith.constant 0 : i32
    %dma_start3A_3558 = tpu.memref_slice %arg6[%dma_start3A_3554, %dma_start3A_3555, %dma_start3A_3556, %dma_start3A_3557] : memref<2x3x8x128xf32, #tpu.memory_space<vmem>> -> memref<1x3x8x128xf32, #tpu.memory_space<vmem>>
    %dma_start3A_3559 = tpu.memref_squeeze %dma_start3A_3558 : memref<1x3x8x128xf32, #tpu.memory_space<vmem>> -> memref<3x8x128xf32, #tpu.memory_space<vmem>>
    %dma_start3A_3560 = arith.constant 0 : i32
    %dma_start3A_3561 = arith.constant 0 : i32
    %dma_start3A_3562 = tpu.memref_slice %arg7[%mul3A_3553, %dma_start3A_3560, %dma_start3A_3561] : memref<768x8x128xf32, #tpu.memory_space<vmem_shared>> -> memref<3x8x128xf32, #tpu.memory_space<vmem_shared>>
    %dma_start3A_3563 = arith.constant 0 : i32
    %dma_start3A_3564 = arith.constant 0 : i32
    %dma_start3A_3565 = tpu.memref_slice %arg7[%mul3A_3553, %dma_start3A_3563, %dma_start3A_3564] : memref<768x8x128xf32, #tpu.memory_space<vmem_shared>> -> memref<3x8x128xf32, #tpu.memory_space<vmem_shared>>
    %dma_start3A_3566 = arith.constant 0 : i32
    %dma_start3A_3567 = arith.constant 0 : i32
    %dma_start3A_3568 = arith.constant 0 : i32
    %dma_start3A_3569 = tpu.memref_slice %arg6[%dma_start3A_3554, %dma_start3A_3566, %dma_start3A_3567, %dma_start3A_3568] : memref<2x3x8x128xf32, #tpu.memory_space<vmem>> -> memref<1x3x8x128xf32, #tpu.memory_space<vmem>>
    %dma_start3A_3570 = tpu.memref_squeeze %dma_start3A_3569 : memref<1x3x8x128xf32, #tpu.memory_space<vmem>> -> memref<3x8x128xf32, #tpu.memory_space<vmem>>
    tpu.enqueue_dma source(%dma_start3A_3570 : memref<3x8x128xf32, #tpu.memory_space<vmem>>) target(%dma_start3A_3565 : memref<3x8x128xf32, #tpu.memory_space<vmem_shared>>) target_semaphore(%arg8 : memref<!tpu.dma_semaphore, #tpu.memory_space<semaphore_mem>>)
    %add3A_3571 = arith.constant 3 : i32
    %add3A_3572 = arith.addi %mul3A_3553, %add3A_3571 : i32
    %add3A_3573 = arith.constant 0 : i32
    %add3A_3574 = arith.addi %add3A_3572, %add3A_3573 : i32
    %dma_start3A_3575 = arith.constant 0 : i32
    %dma_start3A_3576 = arith.constant 0 : i32
    %dma_start3A_3577 = tpu.memref_slice %arg7[%add3A_3574, %dma_start3A_3575, %dma_start3A_3576] : memref<768x8x128xf32, #tpu.memory_space<vmem_shared>> -> memref<1x8x128xf32, #tpu.memory_space<vmem_shared>>
    %dma_start3A_3578 = tpu.memref_squeeze %dma_start3A_3577 : memref<1x8x128xf32, #tpu.memory_space<vmem_shared>> -> memref<8x128xf32, #tpu.memory_space<vmem_shared>>
    %dma_start3A_3579 = arith.constant 8 : i32
    %dma_start3A_3580 = arith.constant 0 : i32
    %dma_start3A_3581 = tpu.memref_slice %arg3[%dma_start3A_3579, %dma_start3A_3580] : memref<64x384xf32, #tpu.memory_space<hbm>> -> memref<8x128xf32, #tpu.memory_space<hbm>>
    tpu.enqueue_dma source(%dma_start3A_3581 : memref<8x128xf32, #tpu.memory_space<hbm>>) target(%dma_start3A_3578 : memref<8x128xf32, #tpu.memory_space<vmem_shared>>) target_semaphore(%arg8 : memref<!tpu.dma_semaphore, #tpu.memory_space<semaphore_mem>>)
    %add3A_3582 = arith.constant 3 : i32
    %add3A_3583 = arith.addi %mul3A_3553, %add3A_3582 : i32
    %add3A_3584 = arith.constant 1 : i32
    %add3A_3585 = arith.addi %add3A_3583, %add3A_3584 : i32
    %dma_start3A_3586 = arith.constant 0 : i32
    %dma_start3A_3587 = arith.constant 0 : i32
    %dma_start3A_3588 = tpu.memref_slice %arg7[%add3A_3585, %dma_start3A_3586, %dma_start3A_3587] : memref<768x8x128xf32, #tpu.memory_space<vmem_shared>> -> memref<1x8x128xf32, #tpu.memory_space<vmem_shared>>
    %dma_start3A_3589 = tpu.memref_squeeze %dma_start3A_3588 : memref<1x8x128xf32, #tpu.memory_space<vmem_shared>> -> memref<8x128xf32, #tpu.memory_space<vmem_shared>>
    %dma_start3A_3590 = arith.constant 8 : i32
    %dma_start3A_3591 = arith.constant 128 : i32
    %dma_start3A_3592 = tpu.memref_slice %arg3[%dma_start3A_3590, %dma_start3A_3591] : memref<64x384xf32, #tpu.memory_space<hbm>> -> memref<8x128xf32, #tpu.memory_space<hbm>>
    tpu.enqueue_dma source(%dma_start3A_3592 : memref<8x128xf32, #tpu.memory_space<hbm>>) target(%dma_start3A_3589 : memref<8x128xf32, #tpu.memory_space<vmem_shared>>) target_semaphore(%arg8 : memref<!tpu.dma_semaphore, #tpu.memory_space<semaphore_mem>>)
    %add3A_3593 = arith.constant 3 : i32
    %add3A_3594 = arith.addi %mul3A_3553, %add3A_3593 : i32
    %add3A_3595 = arith.constant 2 : i32
    %add3A_3596 = arith.addi %add3A_3594, %add3A_3595 : i32
    %dma_start3A_3597 = arith.constant 0 : i32
    %dma_start3A_3598 = arith.constant 0 : i32
    %dma_start3A_3599 = tpu.memref_slice %arg7[%add3A_3596, %dma_start3A_3597, %dma_start3A_3598] : memref<768x8x128xf32, #tpu.memory_space<vmem_shared>> -> memref<1x8x128xf32, #tpu.memory_space<vmem_shared>>
    %dma_start3A_3600 = tpu.memref_squeeze %dma_start3A_3599 : memref<1x8x128xf32, #tpu.memory_space<vmem_shared>> -> memref<8x128xf32, #tpu.memory_space<vmem_shared>>
    %dma_start3A_3601 = arith.constant 8 : i32
    %dma_start3A_3602 = arith.constant 256 : i32
    %dma_start3A_3603 = tpu.memref_slice %arg3[%dma_start3A_3601, %dma_start3A_3602] : memref<64x384xf32, #tpu.memory_space<hbm>> -> memref<8x128xf32, #tpu.memory_space<hbm>>
    tpu.enqueue_dma source(%dma_start3A_3603 : memref<8x128xf32, #tpu.memory_space<hbm>>) target(%dma_start3A_3600 : memref<8x128xf32, #tpu.memory_space<vmem_shared>>) target_semaphore(%arg8 : memref<!tpu.dma_semaphore, #tpu.memory_space<semaphore_mem>>)
    %mul3A_3604 = arith.constant 4 : i32
    %mul3A_3605 = arith.muli %add3A_1858, %mul3A_3604 : i32
    %add3A_3606 = arith.constant 2 : i32
    %add3A_3607 = arith.addi %mul3A_3605, %add3A_3606 : i32
    %mul3A_3608 = arith.constant 6 : i32
    %mul3A_3609 = arith.muli %add3A_3607, %mul3A_3608 : i32
    %dma_start3A_3610 = arith.constant 1 : i32
    %dma_start3A_3611 = arith.constant 0 : i32
    %dma_start3A_3612 = arith.constant 0 : i32
    %dma_start3A_3613 = arith.constant 0 : i32
    %dma_start3A_3614 = tpu.memref_slice %arg6[%dma_start3A_3610, %dma_start3A_3611, %dma_start3A_3612, %dma_start3A_3613] : memref<2x3x8x128xf32, #tpu.memory_space<vmem>> -> memref<1x3x8x128xf32, #tpu.memory_space<vmem>>
    %dma_start3A_3615 = tpu.memref_squeeze %dma_start3A_3614 : memref<1x3x8x128xf32, #tpu.memory_space<vmem>> -> memref<3x8x128xf32, #tpu.memory_space<vmem>>
    %dma_start3A_3616 = arith.constant 0 : i32
    %dma_start3A_3617 = arith.constant 0 : i32
    %dma_start3A_3618 = tpu.memref_slice %arg7[%mul3A_3609, %dma_start3A_3616, %dma_start3A_3617] : memref<768x8x128xf32, #tpu.memory_space<vmem_shared>> -> memref<3x8x128xf32, #tpu.memory_space<vmem_shared>>
    %dma_start3A_3619 = arith.constant 0 : i32
    %dma_start3A_3620 = arith.constant 0 : i32
    %dma_start3A_3621 = tpu.memref_slice %arg7[%mul3A_3609, %dma_start3A_3619, %dma_start3A_3620] : memref<768x8x128xf32, #tpu.memory_space<vmem_shared>> -> memref<3x8x128xf32, #tpu.memory_space<vmem_shared>>
    %dma_start3A_3622 = arith.constant 0 : i32
    %dma_start3A_3623 = arith.constant 0 : i32
    %dma_start3A_3624 = arith.constant 0 : i32
    %dma_start3A_3625 = tpu.memref_slice %arg6[%dma_start3A_3610, %dma_start3A_3622, %dma_start3A_3623, %dma_start3A_3624] : memref<2x3x8x128xf32, #tpu.memory_space<vmem>> -> memref<1x3x8x128xf32, #tpu.memory_space<vmem>>
    %dma_start3A_3626 = tpu.memref_squeeze %dma_start3A_3625 : memref<1x3x8x128xf32, #tpu.memory_space<vmem>> -> memref<3x8x128xf32, #tpu.memory_space<vmem>>
    tpu.enqueue_dma source(%dma_start3A_3626 : memref<3x8x128xf32, #tpu.memory_space<vmem>>) target(%dma_start3A_3621 : memref<3x8x128xf32, #tpu.memory_space<vmem_shared>>) target_semaphore(%arg8 : memref<!tpu.dma_semaphore, #tpu.memory_space<semaphore_mem>>)
    %add3A_3627 = arith.constant 3 : i32
    %add3A_3628 = arith.addi %mul3A_3609, %add3A_3627 : i32
    %add3A_3629 = arith.constant 0 : i32
    %add3A_3630 = arith.addi %add3A_3628, %add3A_3629 : i32
    %dma_start3A_3631 = arith.constant 0 : i32
    %dma_start3A_3632 = arith.constant 0 : i32
    %dma_start3A_3633 = tpu.memref_slice %arg7[%add3A_3630, %dma_start3A_3631, %dma_start3A_3632] : memref<768x8x128xf32, #tpu.memory_space<vmem_shared>> -> memref<1x8x128xf32, #tpu.memory_space<vmem_shared>>
    %dma_start3A_3634 = tpu.memref_squeeze %dma_start3A_3633 : memref<1x8x128xf32, #tpu.memory_space<vmem_shared>> -> memref<8x128xf32, #tpu.memory_space<vmem_shared>>
    %dma_start3A_3635 = arith.constant 16 : i32
    %dma_start3A_3636 = arith.constant 0 : i32
    %dma_start3A_3637 = tpu.memref_slice %arg3[%dma_start3A_3635, %dma_start3A_3636] : memref<64x384xf32, #tpu.memory_space<hbm>> -> memref<8x128xf32, #tpu.memory_space<hbm>>
    tpu.enqueue_dma source(%dma_start3A_3637 : memref<8x128xf32, #tpu.memory_space<hbm>>) target(%dma_start3A_3634 : memref<8x128xf32, #tpu.memory_space<vmem_shared>>) target_semaphore(%arg8 : memref<!tpu.dma_semaphore, #tpu.memory_space<semaphore_mem>>)
    %add3A_3638 = arith.constant 3 : i32
    %add3A_3639 = arith.addi %mul3A_3609, %add3A_3638 : i32
    %add3A_3640 = arith.constant 1 : i32
    %add3A_3641 = arith.addi %add3A_3639, %add3A_3640 : i32
    %dma_start3A_3642 = arith.constant 0 : i32
    %dma_start3A_3643 = arith.constant 0 : i32
    %dma_start3A_3644 = tpu.memref_slice %arg7[%add3A_3641, %dma_start3A_3642, %dma_start3A_3643] : memref<768x8x128xf32, #tpu.memory_space<vmem_shared>> -> memref<1x8x128xf32, #tpu.memory_space<vmem_shared>>
    %dma_start3A_3645 = tpu.memref_squeeze %dma_start3A_3644 : memref<1x8x128xf32, #tpu.memory_space<vmem_shared>> -> memref<8x128xf32, #tpu.memory_space<vmem_shared>>
    %dma_start3A_3646 = arith.constant 16 : i32
    %dma_start3A_3647 = arith.constant 128 : i32
    %dma_start3A_3648 = tpu.memref_slice %arg3[%dma_start3A_3646, %dma_start3A_3647] : memref<64x384xf32, #tpu.memory_space<hbm>> -> memref<8x128xf32, #tpu.memory_space<hbm>>
    tpu.enqueue_dma source(%dma_start3A_3648 : memref<8x128xf32, #tpu.memory_space<hbm>>) target(%dma_start3A_3645 : memref<8x128xf32, #tpu.memory_space<vmem_shared>>) target_semaphore(%arg8 : memref<!tpu.dma_semaphore, #tpu.memory_space<semaphore_mem>>)
    %add3A_3649 = arith.constant 3 : i32
    %add3A_3650 = arith.addi %mul3A_3609, %add3A_3649 : i32
    %add3A_3651 = arith.constant 2 : i32
    %add3A_3652 = arith.addi %add3A_3650, %add3A_3651 : i32
    %dma_start3A_3653 = arith.constant 0 : i32
    %dma_start3A_3654 = arith.constant 0 : i32
    %dma_start3A_3655 = tpu.memref_slice %arg7[%add3A_3652, %dma_start3A_3653, %dma_start3A_3654] : memref<768x8x128xf32, #tpu.memory_space<vmem_shared>> -> memref<1x8x128xf32, #tpu.memory_space<vmem_shared>>
    %dma_start3A_3656 = tpu.memref_squeeze %dma_start3A_3655 : memref<1x8x128xf32, #tpu.memory_space<vmem_shared>> -> memref<8x128xf32, #tpu.memory_space<vmem_shared>>
    %dma_start3A_3657 = arith.constant 16 : i32
    %dma_start3A_3658 = arith.constant 256 : i32
    %dma_start3A_3659 = tpu.memref_slice %arg3[%dma_start3A_3657, %dma_start3A_3658] : memref<64x384xf32, #tpu.memory_space<hbm>> -> memref<8x128xf32, #tpu.memory_space<hbm>>
    tpu.enqueue_dma source(%dma_start3A_3659 : memref<8x128xf32, #tpu.memory_space<hbm>>) target(%dma_start3A_3656 : memref<8x128xf32, #tpu.memory_space<vmem_shared>>) target_semaphore(%arg8 : memref<!tpu.dma_semaphore, #tpu.memory_space<semaphore_mem>>)
    %mul3A_3660 = arith.constant 4 : i32
    %mul3A_3661 = arith.muli %add3A_1858, %mul3A_3660 : i32
    %add3A_3662 = arith.constant 3 : i32
    %add3A_3663 = arith.addi %mul3A_3661, %add3A_3662 : i32
    %mul3A_3664 = arith.constant 6 : i32
    %mul3A_3665 = arith.muli %add3A_3663, %mul3A_3664 : i32
    %dma_start3A_3666 = arith.constant 1 : i32
    %dma_start3A_3667 = arith.constant 0 : i32
    %dma_start3A_3668 = arith.constant 0 : i32
    %dma_start3A_3669 = arith.constant 0 : i32
    %dma_start3A_3670 = tpu.memref_slice %arg6[%dma_start3A_3666, %dma_start3A_3667, %dma_start3A_3668, %dma_start3A_3669] : memref<2x3x8x128xf32, #tpu.memory_space<vmem>> -> memref<1x3x8x128xf32, #tpu.memory_space<vmem>>
    %dma_start3A_3671 = tpu.memref_squeeze %dma_start3A_3670 : memref<1x3x8x128xf32, #tpu.memory_space<vmem>> -> memref<3x8x128xf32, #tpu.memory_space<vmem>>
    %dma_start3A_3672 = arith.constant 0 : i32
    %dma_start3A_3673 = arith.constant 0 : i32
    %dma_start3A_3674 = tpu.memref_slice %arg7[%mul3A_3665, %dma_start3A_3672, %dma_start3A_3673] : memref<768x8x128xf32, #tpu.memory_space<vmem_shared>> -> memref<3x8x128xf32, #tpu.memory_space<vmem_shared>>
    %dma_start3A_3675 = arith.constant 0 : i32
    %dma_start3A_3676 = arith.constant 0 : i32
    %dma_start3A_3677 = tpu.memref_slice %arg7[%mul3A_3665, %dma_start3A_3675, %dma_start3A_3676] : memref<768x8x128xf32, #tpu.memory_space<vmem_shared>> -> memref<3x8x128xf32, #tpu.memory_space<vmem_shared>>
    %dma_start3A_3678 = arith.constant 0 : i32
    %dma_start3A_3679 = arith.constant 0 : i32
    %dma_start3A_3680 = arith.constant 0 : i32
    %dma_start3A_3681 = tpu.memref_slice %arg6[%dma_start3A_3666, %dma_start3A_3678, %dma_start3A_3679, %dma_start3A_3680] : memref<2x3x8x128xf32, #tpu.memory_space<vmem>> -> memref<1x3x8x128xf32, #tpu.memory_space<vmem>>
    %dma_start3A_3682 = tpu.memref_squeeze %dma_start3A_3681 : memref<1x3x8x128xf32, #tpu.memory_space<vmem>> -> memref<3x8x128xf32, #tpu.memory_space<vmem>>
    tpu.enqueue_dma source(%dma_start3A_3682 : memref<3x8x128xf32, #tpu.memory_space<vmem>>) target(%dma_start3A_3677 : memref<3x8x128xf32, #tpu.memory_space<vmem_shared>>) target_semaphore(%arg8 : memref<!tpu.dma_semaphore, #tpu.memory_space<semaphore_mem>>)
    %add3A_3683 = arith.constant 3 : i32
    %add3A_3684 = arith.addi %mul3A_3665, %add3A_3683 : i32
    %add3A_3685 = arith.constant 0 : i32
    %add3A_3686 = arith.addi %add3A_3684, %add3A_3685 : i32
    %dma_start3A_3687 = arith.constant 0 : i32
    %dma_start3A_3688 = arith.constant 0 : i32
    %dma_start3A_3689 = tpu.memref_slice %arg7[%add3A_3686, %dma_start3A_3687, %dma_start3A_3688] : memref<768x8x128xf32, #tpu.memory_space<vmem_shared>> -> memref<1x8x128xf32, #tpu.memory_space<vmem_shared>>
    %dma_start3A_3690 = tpu.memref_squeeze %dma_start3A_3689 : memref<1x8x128xf32, #tpu.memory_space<vmem_shared>> -> memref<8x128xf32, #tpu.memory_space<vmem_shared>>
    %dma_start3A_3691 = arith.constant 24 : i32
    %dma_start3A_3692 = arith.constant 0 : i32
    %dma_start3A_3693 = tpu.memref_slice %arg3[%dma_start3A_3691, %dma_start3A_3692] : memref<64x384xf32, #tpu.memory_space<hbm>> -> memref<8x128xf32, #tpu.memory_space<hbm>>
    tpu.enqueue_dma source(%dma_start3A_3693 : memref<8x128xf32, #tpu.memory_space<hbm>>) target(%dma_start3A_3690 : memref<8x128xf32, #tpu.memory_space<vmem_shared>>) target_semaphore(%arg8 : memref<!tpu.dma_semaphore, #tpu.memory_space<semaphore_mem>>)
    %add3A_3694 = arith.constant 3 : i32
    %add3A_3695 = arith.addi %mul3A_3665, %add3A_3694 : i32
    %add3A_3696 = arith.constant 1 : i32
    %add3A_3697 = arith.addi %add3A_3695, %add3A_3696 : i32
    %dma_start3A_3698 = arith.constant 0 : i32
    %dma_start3A_3699 = arith.constant 0 : i32
    %dma_start3A_3700 = tpu.memref_slice %arg7[%add3A_3697, %dma_start3A_3698, %dma_start3A_3699] : memref<768x8x128xf32, #tpu.memory_space<vmem_shared>> -> memref<1x8x128xf32, #tpu.memory_space<vmem_shared>>
    %dma_start3A_3701 = tpu.memref_squeeze %dma_start3A_3700 : memref<1x8x128xf32, #tpu.memory_space<vmem_shared>> -> memref<8x128xf32, #tpu.memory_space<vmem_shared>>
    %dma_start3A_3702 = arith.constant 24 : i32
    %dma_start3A_3703 = arith.constant 128 : i32
    %dma_start3A_3704 = tpu.memref_slice %arg3[%dma_start3A_3702, %dma_start3A_3703] : memref<64x384xf32, #tpu.memory_space<hbm>> -> memref<8x128xf32, #tpu.memory_space<hbm>>
    tpu.enqueue_dma source(%dma_start3A_3704 : memref<8x128xf32, #tpu.memory_space<hbm>>) target(%dma_start3A_3701 : memref<8x128xf32, #tpu.memory_space<vmem_shared>>) target_semaphore(%arg8 : memref<!tpu.dma_semaphore, #tpu.memory_space<semaphore_mem>>)
    %add3A_3705 = arith.constant 3 : i32
    %add3A_3706 = arith.addi %mul3A_3665, %add3A_3705 : i32
    %add3A_3707 = arith.constant 2 : i32
    %add3A_3708 = arith.addi %add3A_3706, %add3A_3707 : i32
    %dma_start3A_3709 = arith.constant 0 : i32
    %dma_start3A_3710 = arith.constant 0 : i32
    %dma_start3A_3711 = tpu.memref_slice %arg7[%add3A_3708, %dma_start3A_3709, %dma_start3A_3710] : memref<768x8x128xf32, #tpu.memory_space<vmem_shared>> -> memref<1x8x128xf32, #tpu.memory_space<vmem_shared>>
    %dma_start3A_3712 = tpu.memref_squeeze %dma_start3A_3711 : memref<1x8x128xf32, #tpu.memory_space<vmem_shared>> -> memref<8x128xf32, #tpu.memory_space<vmem_shared>>
    %dma_start3A_3713 = arith.constant 24 : i32
    %dma_start3A_3714 = arith.constant 256 : i32
    %dma_start3A_3715 = tpu.memref_slice %arg3[%dma_start3A_3713, %dma_start3A_3714] : memref<64x384xf32, #tpu.memory_space<hbm>> -> memref<8x128xf32, #tpu.memory_space<hbm>>
    tpu.enqueue_dma source(%dma_start3A_3715 : memref<8x128xf32, #tpu.memory_space<hbm>>) target(%dma_start3A_3712 : memref<8x128xf32, #tpu.memory_space<vmem_shared>>) target_semaphore(%arg8 : memref<!tpu.dma_semaphore, #tpu.memory_space<semaphore_mem>>)
    %dma_wait3A = arith.constant 0 : i32
    %dma_wait3A_3716 = arith.constant 0 : i32
    %dma_wait3A_3717 = arith.constant 0 : i32
    %dma_wait3A_3718 = arith.constant 0 : i32
    %dma_wait3A_3719 = tpu.memref_slice %arg6[%dma_wait3A, %dma_wait3A_3716, %dma_wait3A_3717, %dma_wait3A_3718] : memref<2x3x8x128xf32, #tpu.memory_space<vmem>> -> memref<1x3x8x128xf32, #tpu.memory_space<vmem>>
    %dma_wait3A_3720 = tpu.memref_squeeze %dma_wait3A_3719 : memref<1x3x8x128xf32, #tpu.memory_space<vmem>> -> memref<3x8x128xf32, #tpu.memory_space<vmem>>
    %dma_wait3A_3721 = arith.constant 0 : i32
    %dma_wait3A_3722 = arith.constant 0 : i32
    %dma_wait3A_3723 = tpu.memref_slice %arg7[%mul3A_1637, %dma_wait3A_3721, %dma_wait3A_3722] : memref<768x8x128xf32, #tpu.memory_space<vmem_shared>> -> memref<3x8x128xf32, #tpu.memory_space<vmem_shared>>
    %dma_wait3A_3724 = arith.constant 0 : i32
    %dma_wait3A_3725 = arith.constant 0 : i32
    %dma_wait3A_3726 = tpu.memref_slice %arg7[%mul3A_1637, %dma_wait3A_3724, %dma_wait3A_3725] : memref<768x8x128xf32, #tpu.memory_space<vmem_shared>> -> memref<3x8x128xf32, #tpu.memory_space<vmem_shared>>
    %dma_wait3A_3727 = arith.constant 0 : i32
    %dma_wait3A_3728 = arith.constant 0 : i32
    %dma_wait3A_3729 = arith.constant 0 : i32
    %dma_wait3A_3730 = tpu.memref_slice %arg6[%dma_wait3A, %dma_wait3A_3727, %dma_wait3A_3728, %dma_wait3A_3729] : memref<2x3x8x128xf32, #tpu.memory_space<vmem>> -> memref<1x3x8x128xf32, #tpu.memory_space<vmem>>
    %dma_wait3A_3731 = tpu.memref_squeeze %dma_wait3A_3730 : memref<1x3x8x128xf32, #tpu.memory_space<vmem>> -> memref<3x8x128xf32, #tpu.memory_space<vmem>>
    tpu.wait_dma2 semaphore(%arg8 : memref<!tpu.dma_semaphore, #tpu.memory_space<semaphore_mem>>) src(%dma_wait3A_3731 : memref<3x8x128xf32, #tpu.memory_space<vmem>>) dst(%dma_wait3A_3726 : memref<3x8x128xf32, #tpu.memory_space<vmem_shared>>)
    %dma_wait3A_3732 = arith.constant 0 : i32
    %dma_wait3A_3733 = arith.constant 0 : i32
    %dma_wait3A_3734 = tpu.memref_slice %arg7[%add3A_1657, %dma_wait3A_3732, %dma_wait3A_3733] : memref<768x8x128xf32, #tpu.memory_space<vmem_shared>> -> memref<1x8x128xf32, #tpu.memory_space<vmem_shared>>
    %dma_wait3A_3735 = tpu.memref_squeeze %dma_wait3A_3734 : memref<1x8x128xf32, #tpu.memory_space<vmem_shared>> -> memref<8x128xf32, #tpu.memory_space<vmem_shared>>
    %dma_wait3A_3736 = arith.constant 0 : i32
    %dma_wait3A_3737 = arith.constant 0 : i32
    %dma_wait3A_3738 = tpu.memref_slice %arg3[%dma_wait3A_3736, %dma_wait3A_3737] : memref<64x384xf32, #tpu.memory_space<hbm>> -> memref<8x128xf32, #tpu.memory_space<hbm>>
    tpu.wait_dma2 semaphore(%arg8 : memref<!tpu.dma_semaphore, #tpu.memory_space<semaphore_mem>>) src(%dma_wait3A_3738 : memref<8x128xf32, #tpu.memory_space<hbm>>) dst(%dma_wait3A_3735 : memref<8x128xf32, #tpu.memory_space<vmem_shared>>)
    %dma_wait3A_3739 = arith.constant 0 : i32
    %dma_wait3A_3740 = arith.constant 0 : i32
    %dma_wait3A_3741 = tpu.memref_slice %arg7[%add3A_1668, %dma_wait3A_3739, %dma_wait3A_3740] : memref<768x8x128xf32, #tpu.memory_space<vmem_shared>> -> memref<1x8x128xf32, #tpu.memory_space<vmem_shared>>
    %dma_wait3A_3742 = tpu.memref_squeeze %dma_wait3A_3741 : memref<1x8x128xf32, #tpu.memory_space<vmem_shared>> -> memref<8x128xf32, #tpu.memory_space<vmem_shared>>
    %dma_wait3A_3743 = arith.constant 0 : i32
    %dma_wait3A_3744 = arith.constant 128 : i32
    %dma_wait3A_3745 = tpu.memref_slice %arg3[%dma_wait3A_3743, %dma_wait3A_3744] : memref<64x384xf32, #tpu.memory_space<hbm>> -> memref<8x128xf32, #tpu.memory_space<hbm>>
    tpu.wait_dma2 semaphore(%arg8 : memref<!tpu.dma_semaphore, #tpu.memory_space<semaphore_mem>>) src(%dma_wait3A_3745 : memref<8x128xf32, #tpu.memory_space<hbm>>) dst(%dma_wait3A_3742 : memref<8x128xf32, #tpu.memory_space<vmem_shared>>)
    %dma_wait3A_3746 = arith.constant 0 : i32
    %dma_wait3A_3747 = arith.constant 0 : i32
    %dma_wait3A_3748 = tpu.memref_slice %arg7[%add3A_1679, %dma_wait3A_3746, %dma_wait3A_3747] : memref<768x8x128xf32, #tpu.memory_space<vmem_shared>> -> memref<1x8x128xf32, #tpu.memory_space<vmem_shared>>
    %dma_wait3A_3749 = tpu.memref_squeeze %dma_wait3A_3748 : memref<1x8x128xf32, #tpu.memory_space<vmem_shared>> -> memref<8x128xf32, #tpu.memory_space<vmem_shared>>
    %dma_wait3A_3750 = arith.constant 0 : i32
    %dma_wait3A_3751 = arith.constant 256 : i32
    %dma_wait3A_3752 = tpu.memref_slice %arg3[%dma_wait3A_3750, %dma_wait3A_3751] : memref<64x384xf32, #tpu.memory_space<hbm>> -> memref<8x128xf32, #tpu.memory_space<hbm>>
    tpu.wait_dma2 semaphore(%arg8 : memref<!tpu.dma_semaphore, #tpu.memory_space<semaphore_mem>>) src(%dma_wait3A_3752 : memref<8x128xf32, #tpu.memory_space<hbm>>) dst(%dma_wait3A_3749 : memref<8x128xf32, #tpu.memory_space<vmem_shared>>)
    %dma_wait3A_3753 = arith.constant 0 : i32
    %dma_wait3A_3754 = arith.constant 0 : i32
    %dma_wait3A_3755 = arith.constant 0 : i32
    %dma_wait3A_3756 = arith.constant 0 : i32
    %dma_wait3A_3757 = tpu.memref_slice %arg6[%dma_wait3A_3753, %dma_wait3A_3754, %dma_wait3A_3755, %dma_wait3A_3756] : memref<2x3x8x128xf32, #tpu.memory_space<vmem>> -> memref<1x3x8x128xf32, #tpu.memory_space<vmem>>
    %dma_wait3A_3758 = tpu.memref_squeeze %dma_wait3A_3757 : memref<1x3x8x128xf32, #tpu.memory_space<vmem>> -> memref<3x8x128xf32, #tpu.memory_space<vmem>>
    %dma_wait3A_3759 = arith.constant 0 : i32
    %dma_wait3A_3760 = arith.constant 0 : i32
    %dma_wait3A_3761 = tpu.memref_slice %arg7[%mul3A_1692, %dma_wait3A_3759, %dma_wait3A_3760] : memref<768x8x128xf32, #tpu.memory_space<vmem_shared>> -> memref<3x8x128xf32, #tpu.memory_space<vmem_shared>>
    %dma_wait3A_3762 = arith.constant 0 : i32
    %dma_wait3A_3763 = arith.constant 0 : i32
    %dma_wait3A_3764 = tpu.memref_slice %arg7[%mul3A_1692, %dma_wait3A_3762, %dma_wait3A_3763] : memref<768x8x128xf32, #tpu.memory_space<vmem_shared>> -> memref<3x8x128xf32, #tpu.memory_space<vmem_shared>>
    %dma_wait3A_3765 = arith.constant 0 : i32
    %dma_wait3A_3766 = arith.constant 0 : i32
    %dma_wait3A_3767 = arith.constant 0 : i32
    %dma_wait3A_3768 = tpu.memref_slice %arg6[%dma_wait3A_3753, %dma_wait3A_3765, %dma_wait3A_3766, %dma_wait3A_3767] : memref<2x3x8x128xf32, #tpu.memory_space<vmem>> -> memref<1x3x8x128xf32, #tpu.memory_space<vmem>>
    %dma_wait3A_3769 = tpu.memref_squeeze %dma_wait3A_3768 : memref<1x3x8x128xf32, #tpu.memory_space<vmem>> -> memref<3x8x128xf32, #tpu.memory_space<vmem>>
    tpu.wait_dma2 semaphore(%arg8 : memref<!tpu.dma_semaphore, #tpu.memory_space<semaphore_mem>>) src(%dma_wait3A_3769 : memref<3x8x128xf32, #tpu.memory_space<vmem>>) dst(%dma_wait3A_3764 : memref<3x8x128xf32, #tpu.memory_space<vmem_shared>>)
    %dma_wait3A_3770 = arith.constant 0 : i32
    %dma_wait3A_3771 = arith.constant 0 : i32
    %dma_wait3A_3772 = tpu.memref_slice %arg7[%add3A_1713, %dma_wait3A_3770, %dma_wait3A_3771] : memref<768x8x128xf32, #tpu.memory_space<vmem_shared>> -> memref<1x8x128xf32, #tpu.memory_space<vmem_shared>>
    %dma_wait3A_3773 = tpu.memref_squeeze %dma_wait3A_3772 : memref<1x8x128xf32, #tpu.memory_space<vmem_shared>> -> memref<8x128xf32, #tpu.memory_space<vmem_shared>>
    %dma_wait3A_3774 = arith.constant 8 : i32
    %dma_wait3A_3775 = arith.constant 0 : i32
    %dma_wait3A_3776 = tpu.memref_slice %arg3[%dma_wait3A_3774, %dma_wait3A_3775] : memref<64x384xf32, #tpu.memory_space<hbm>> -> memref<8x128xf32, #tpu.memory_space<hbm>>
    tpu.wait_dma2 semaphore(%arg8 : memref<!tpu.dma_semaphore, #tpu.memory_space<semaphore_mem>>) src(%dma_wait3A_3776 : memref<8x128xf32, #tpu.memory_space<hbm>>) dst(%dma_wait3A_3773 : memref<8x128xf32, #tpu.memory_space<vmem_shared>>)
    %dma_wait3A_3777 = arith.constant 0 : i32
    %dma_wait3A_3778 = arith.constant 0 : i32
    %dma_wait3A_3779 = tpu.memref_slice %arg7[%add3A_1724, %dma_wait3A_3777, %dma_wait3A_3778] : memref<768x8x128xf32, #tpu.memory_space<vmem_shared>> -> memref<1x8x128xf32, #tpu.memory_space<vmem_shared>>
    %dma_wait3A_3780 = tpu.memref_squeeze %dma_wait3A_3779 : memref<1x8x128xf32, #tpu.memory_space<vmem_shared>> -> memref<8x128xf32, #tpu.memory_space<vmem_shared>>
    %dma_wait3A_3781 = arith.constant 8 : i32
    %dma_wait3A_3782 = arith.constant 128 : i32
    %dma_wait3A_3783 = tpu.memref_slice %arg3[%dma_wait3A_3781, %dma_wait3A_3782] : memref<64x384xf32, #tpu.memory_space<hbm>> -> memref<8x128xf32, #tpu.memory_space<hbm>>
    tpu.wait_dma2 semaphore(%arg8 : memref<!tpu.dma_semaphore, #tpu.memory_space<semaphore_mem>>) src(%dma_wait3A_3783 : memref<8x128xf32, #tpu.memory_space<hbm>>) dst(%dma_wait3A_3780 : memref<8x128xf32, #tpu.memory_space<vmem_shared>>)
    %dma_wait3A_3784 = arith.constant 0 : i32
    %dma_wait3A_3785 = arith.constant 0 : i32
    %dma_wait3A_3786 = tpu.memref_slice %arg7[%add3A_1735, %dma_wait3A_3784, %dma_wait3A_3785] : memref<768x8x128xf32, #tpu.memory_space<vmem_shared>> -> memref<1x8x128xf32, #tpu.memory_space<vmem_shared>>
    %dma_wait3A_3787 = tpu.memref_squeeze %dma_wait3A_3786 : memref<1x8x128xf32, #tpu.memory_space<vmem_shared>> -> memref<8x128xf32, #tpu.memory_space<vmem_shared>>
    %dma_wait3A_3788 = arith.constant 8 : i32
    %dma_wait3A_3789 = arith.constant 256 : i32
    %dma_wait3A_3790 = tpu.memref_slice %arg3[%dma_wait3A_3788, %dma_wait3A_3789] : memref<64x384xf32, #tpu.memory_space<hbm>> -> memref<8x128xf32, #tpu.memory_space<hbm>>
    tpu.wait_dma2 semaphore(%arg8 : memref<!tpu.dma_semaphore, #tpu.memory_space<semaphore_mem>>) src(%dma_wait3A_3790 : memref<8x128xf32, #tpu.memory_space<hbm>>) dst(%dma_wait3A_3787 : memref<8x128xf32, #tpu.memory_space<vmem_shared>>)
    %dma_wait3A_3791 = arith.constant 0 : i32
    %dma_wait3A_3792 = arith.constant 0 : i32
    %dma_wait3A_3793 = arith.constant 0 : i32
    %dma_wait3A_3794 = arith.constant 0 : i32
    %dma_wait3A_3795 = tpu.memref_slice %arg6[%dma_wait3A_3791, %dma_wait3A_3792, %dma_wait3A_3793, %dma_wait3A_3794] : memref<2x3x8x128xf32, #tpu.memory_space<vmem>> -> memref<1x3x8x128xf32, #tpu.memory_space<vmem>>
    %dma_wait3A_3796 = tpu.memref_squeeze %dma_wait3A_3795 : memref<1x3x8x128xf32, #tpu.memory_space<vmem>> -> memref<3x8x128xf32, #tpu.memory_space<vmem>>
    %dma_wait3A_3797 = arith.constant 0 : i32
    %dma_wait3A_3798 = arith.constant 0 : i32
    %dma_wait3A_3799 = tpu.memref_slice %arg7[%mul3A_1748, %dma_wait3A_3797, %dma_wait3A_3798] : memref<768x8x128xf32, #tpu.memory_space<vmem_shared>> -> memref<3x8x128xf32, #tpu.memory_space<vmem_shared>>
    %dma_wait3A_3800 = arith.constant 0 : i32
    %dma_wait3A_3801 = arith.constant 0 : i32
    %dma_wait3A_3802 = tpu.memref_slice %arg7[%mul3A_1748, %dma_wait3A_3800, %dma_wait3A_3801] : memref<768x8x128xf32, #tpu.memory_space<vmem_shared>> -> memref<3x8x128xf32, #tpu.memory_space<vmem_shared>>
    %dma_wait3A_3803 = arith.constant 0 : i32
    %dma_wait3A_3804 = arith.constant 0 : i32
    %dma_wait3A_3805 = arith.constant 0 : i32
    %dma_wait3A_3806 = tpu.memref_slice %arg6[%dma_wait3A_3791, %dma_wait3A_3803, %dma_wait3A_3804, %dma_wait3A_3805] : memref<2x3x8x128xf32, #tpu.memory_space<vmem>> -> memref<1x3x8x128xf32, #tpu.memory_space<vmem>>
    %dma_wait3A_3807 = tpu.memref_squeeze %dma_wait3A_3806 : memref<1x3x8x128xf32, #tpu.memory_space<vmem>> -> memref<3x8x128xf32, #tpu.memory_space<vmem>>
    tpu.wait_dma2 semaphore(%arg8 : memref<!tpu.dma_semaphore, #tpu.memory_space<semaphore_mem>>) src(%dma_wait3A_3807 : memref<3x8x128xf32, #tpu.memory_space<vmem>>) dst(%dma_wait3A_3802 : memref<3x8x128xf32, #tpu.memory_space<vmem_shared>>)
    %dma_wait3A_3808 = arith.constant 0 : i32
    %dma_wait3A_3809 = arith.constant 0 : i32
    %dma_wait3A_3810 = tpu.memref_slice %arg7[%add3A_1769, %dma_wait3A_3808, %dma_wait3A_3809] : memref<768x8x128xf32, #tpu.memory_space<vmem_shared>> -> memref<1x8x128xf32, #tpu.memory_space<vmem_shared>>
    %dma_wait3A_3811 = tpu.memref_squeeze %dma_wait3A_3810 : memref<1x8x128xf32, #tpu.memory_space<vmem_shared>> -> memref<8x128xf32, #tpu.memory_space<vmem_shared>>
    %dma_wait3A_3812 = arith.constant 16 : i32
    %dma_wait3A_3813 = arith.constant 0 : i32
    %dma_wait3A_3814 = tpu.memref_slice %arg3[%dma_wait3A_3812, %dma_wait3A_3813] : memref<64x384xf32, #tpu.memory_space<hbm>> -> memref<8x128xf32, #tpu.memory_space<hbm>>
    tpu.wait_dma2 semaphore(%arg8 : memref<!tpu.dma_semaphore, #tpu.memory_space<semaphore_mem>>) src(%dma_wait3A_3814 : memref<8x128xf32, #tpu.memory_space<hbm>>) dst(%dma_wait3A_3811 : memref<8x128xf32, #tpu.memory_space<vmem_shared>>)
    %dma_wait3A_3815 = arith.constant 0 : i32
    %dma_wait3A_3816 = arith.constant 0 : i32
    %dma_wait3A_3817 = tpu.memref_slice %arg7[%add3A_1780, %dma_wait3A_3815, %dma_wait3A_3816] : memref<768x8x128xf32, #tpu.memory_space<vmem_shared>> -> memref<1x8x128xf32, #tpu.memory_space<vmem_shared>>
    %dma_wait3A_3818 = tpu.memref_squeeze %dma_wait3A_3817 : memref<1x8x128xf32, #tpu.memory_space<vmem_shared>> -> memref<8x128xf32, #tpu.memory_space<vmem_shared>>
    %dma_wait3A_3819 = arith.constant 16 : i32
    %dma_wait3A_3820 = arith.constant 128 : i32
    %dma_wait3A_3821 = tpu.memref_slice %arg3[%dma_wait3A_3819, %dma_wait3A_3820] : memref<64x384xf32, #tpu.memory_space<hbm>> -> memref<8x128xf32, #tpu.memory_space<hbm>>
    tpu.wait_dma2 semaphore(%arg8 : memref<!tpu.dma_semaphore, #tpu.memory_space<semaphore_mem>>) src(%dma_wait3A_3821 : memref<8x128xf32, #tpu.memory_space<hbm>>) dst(%dma_wait3A_3818 : memref<8x128xf32, #tpu.memory_space<vmem_shared>>)
    %dma_wait3A_3822 = arith.constant 0 : i32
    %dma_wait3A_3823 = arith.constant 0 : i32
    %dma_wait3A_3824 = tpu.memref_slice %arg7[%add3A_1791, %dma_wait3A_3822, %dma_wait3A_3823] : memref<768x8x128xf32, #tpu.memory_space<vmem_shared>> -> memref<1x8x128xf32, #tpu.memory_space<vmem_shared>>
    %dma_wait3A_3825 = tpu.memref_squeeze %dma_wait3A_3824 : memref<1x8x128xf32, #tpu.memory_space<vmem_shared>> -> memref<8x128xf32, #tpu.memory_space<vmem_shared>>
    %dma_wait3A_3826 = arith.constant 16 : i32
    %dma_wait3A_3827 = arith.constant 256 : i32
    %dma_wait3A_3828 = tpu.memref_slice %arg3[%dma_wait3A_3826, %dma_wait3A_3827] : memref<64x384xf32, #tpu.memory_space<hbm>> -> memref<8x128xf32, #tpu.memory_space<hbm>>
    tpu.wait_dma2 semaphore(%arg8 : memref<!tpu.dma_semaphore, #tpu.memory_space<semaphore_mem>>) src(%dma_wait3A_3828 : memref<8x128xf32, #tpu.memory_space<hbm>>) dst(%dma_wait3A_3825 : memref<8x128xf32, #tpu.memory_space<vmem_shared>>)
    %dma_wait3A_3829 = arith.constant 0 : i32
    %dma_wait3A_3830 = arith.constant 0 : i32
    %dma_wait3A_3831 = arith.constant 0 : i32
    %dma_wait3A_3832 = arith.constant 0 : i32
    %dma_wait3A_3833 = tpu.memref_slice %arg6[%dma_wait3A_3829, %dma_wait3A_3830, %dma_wait3A_3831, %dma_wait3A_3832] : memref<2x3x8x128xf32, #tpu.memory_space<vmem>> -> memref<1x3x8x128xf32, #tpu.memory_space<vmem>>
    %dma_wait3A_3834 = tpu.memref_squeeze %dma_wait3A_3833 : memref<1x3x8x128xf32, #tpu.memory_space<vmem>> -> memref<3x8x128xf32, #tpu.memory_space<vmem>>
    %dma_wait3A_3835 = arith.constant 0 : i32
    %dma_wait3A_3836 = arith.constant 0 : i32
    %dma_wait3A_3837 = tpu.memref_slice %arg7[%mul3A_1804, %dma_wait3A_3835, %dma_wait3A_3836] : memref<768x8x128xf32, #tpu.memory_space<vmem_shared>> -> memref<3x8x128xf32, #tpu.memory_space<vmem_shared>>
    %dma_wait3A_3838 = arith.constant 0 : i32
    %dma_wait3A_3839 = arith.constant 0 : i32
    %dma_wait3A_3840 = tpu.memref_slice %arg7[%mul3A_1804, %dma_wait3A_3838, %dma_wait3A_3839] : memref<768x8x128xf32, #tpu.memory_space<vmem_shared>> -> memref<3x8x128xf32, #tpu.memory_space<vmem_shared>>
    %dma_wait3A_3841 = arith.constant 0 : i32
    %dma_wait3A_3842 = arith.constant 0 : i32
    %dma_wait3A_3843 = arith.constant 0 : i32
    %dma_wait3A_3844 = tpu.memref_slice %arg6[%dma_wait3A_3829, %dma_wait3A_3841, %dma_wait3A_3842, %dma_wait3A_3843] : memref<2x3x8x128xf32, #tpu.memory_space<vmem>> -> memref<1x3x8x128xf32, #tpu.memory_space<vmem>>
    %dma_wait3A_3845 = tpu.memref_squeeze %dma_wait3A_3844 : memref<1x3x8x128xf32, #tpu.memory_space<vmem>> -> memref<3x8x128xf32, #tpu.memory_space<vmem>>
    tpu.wait_dma2 semaphore(%arg8 : memref<!tpu.dma_semaphore, #tpu.memory_space<semaphore_mem>>) src(%dma_wait3A_3845 : memref<3x8x128xf32, #tpu.memory_space<vmem>>) dst(%dma_wait3A_3840 : memref<3x8x128xf32, #tpu.memory_space<vmem_shared>>)
    %dma_wait3A_3846 = arith.constant 0 : i32
    %dma_wait3A_3847 = arith.constant 0 : i32
    %dma_wait3A_3848 = tpu.memref_slice %arg7[%add3A_1825, %dma_wait3A_3846, %dma_wait3A_3847] : memref<768x8x128xf32, #tpu.memory_space<vmem_shared>> -> memref<1x8x128xf32, #tpu.memory_space<vmem_shared>>
    %dma_wait3A_3849 = tpu.memref_squeeze %dma_wait3A_3848 : memref<1x8x128xf32, #tpu.memory_space<vmem_shared>> -> memref<8x128xf32, #tpu.memory_space<vmem_shared>>
    %dma_wait3A_3850 = arith.constant 24 : i32
    %dma_wait3A_3851 = arith.constant 0 : i32
    %dma_wait3A_3852 = tpu.memref_slice %arg3[%dma_wait3A_3850, %dma_wait3A_3851] : memref<64x384xf32, #tpu.memory_space<hbm>> -> memref<8x128xf32, #tpu.memory_space<hbm>>
    tpu.wait_dma2 semaphore(%arg8 : memref<!tpu.dma_semaphore, #tpu.memory_space<semaphore_mem>>) src(%dma_wait3A_3852 : memref<8x128xf32, #tpu.memory_space<hbm>>) dst(%dma_wait3A_3849 : memref<8x128xf32, #tpu.memory_space<vmem_shared>>)
    %dma_wait3A_3853 = arith.constant 0 : i32
    %dma_wait3A_3854 = arith.constant 0 : i32
    %dma_wait3A_3855 = tpu.memref_slice %arg7[%add3A_1836, %dma_wait3A_3853, %dma_wait3A_3854] : memref<768x8x128xf32, #tpu.memory_space<vmem_shared>> -> memref<1x8x128xf32, #tpu.memory_space<vmem_shared>>
    %dma_wait3A_3856 = tpu.memref_squeeze %dma_wait3A_3855 : memref<1x8x128xf32, #tpu.memory_space<vmem_shared>> -> memref<8x128xf32, #tpu.memory_space<vmem_shared>>
    %dma_wait3A_3857 = arith.constant 24 : i32
    %dma_wait3A_3858 = arith.constant 128 : i32
    %dma_wait3A_3859 = tpu.memref_slice %arg3[%dma_wait3A_3857, %dma_wait3A_3858] : memref<64x384xf32, #tpu.memory_space<hbm>> -> memref<8x128xf32, #tpu.memory_space<hbm>>
    tpu.wait_dma2 semaphore(%arg8 : memref<!tpu.dma_semaphore, #tpu.memory_space<semaphore_mem>>) src(%dma_wait3A_3859 : memref<8x128xf32, #tpu.memory_space<hbm>>) dst(%dma_wait3A_3856 : memref<8x128xf32, #tpu.memory_space<vmem_shared>>)
    %dma_wait3A_3860 = arith.constant 0 : i32
    %dma_wait3A_3861 = arith.constant 0 : i32
    %dma_wait3A_3862 = tpu.memref_slice %arg7[%add3A_1847, %dma_wait3A_3860, %dma_wait3A_3861] : memref<768x8x128xf32, #tpu.memory_space<vmem_shared>> -> memref<1x8x128xf32, #tpu.memory_space<vmem_shared>>
    %dma_wait3A_3863 = tpu.memref_squeeze %dma_wait3A_3862 : memref<1x8x128xf32, #tpu.memory_space<vmem_shared>> -> memref<8x128xf32, #tpu.memory_space<vmem_shared>>
    %dma_wait3A_3864 = arith.constant 24 : i32
    %dma_wait3A_3865 = arith.constant 256 : i32
    %dma_wait3A_3866 = tpu.memref_slice %arg3[%dma_wait3A_3864, %dma_wait3A_3865] : memref<64x384xf32, #tpu.memory_space<hbm>> -> memref<8x128xf32, #tpu.memory_space<hbm>>
    tpu.wait_dma2 semaphore(%arg8 : memref<!tpu.dma_semaphore, #tpu.memory_space<semaphore_mem>>) src(%dma_wait3A_3866 : memref<8x128xf32, #tpu.memory_space<hbm>>) dst(%dma_wait3A_3863 : memref<8x128xf32, #tpu.memory_space<vmem_shared>>)
    %dma_wait3A_3867 = arith.constant 1 : i32
    %dma_wait3A_3868 = arith.constant 0 : i32
    %dma_wait3A_3869 = arith.constant 0 : i32
    %dma_wait3A_3870 = arith.constant 0 : i32
    %dma_wait3A_3871 = tpu.memref_slice %arg6[%dma_wait3A_3867, %dma_wait3A_3868, %dma_wait3A_3869, %dma_wait3A_3870] : memref<2x3x8x128xf32, #tpu.memory_space<vmem>> -> memref<1x3x8x128xf32, #tpu.memory_space<vmem>>
    %dma_wait3A_3872 = tpu.memref_squeeze %dma_wait3A_3871 : memref<1x3x8x128xf32, #tpu.memory_space<vmem>> -> memref<3x8x128xf32, #tpu.memory_space<vmem>>
    %dma_wait3A_3873 = arith.constant 0 : i32
    %dma_wait3A_3874 = arith.constant 0 : i32
    %dma_wait3A_3875 = tpu.memref_slice %arg7[%mul3A_3497, %dma_wait3A_3873, %dma_wait3A_3874] : memref<768x8x128xf32, #tpu.memory_space<vmem_shared>> -> memref<3x8x128xf32, #tpu.memory_space<vmem_shared>>
    %dma_wait3A_3876 = arith.constant 0 : i32
    %dma_wait3A_3877 = arith.constant 0 : i32
    %dma_wait3A_3878 = tpu.memref_slice %arg7[%mul3A_3497, %dma_wait3A_3876, %dma_wait3A_3877] : memref<768x8x128xf32, #tpu.memory_space<vmem_shared>> -> memref<3x8x128xf32, #tpu.memory_space<vmem_shared>>
    %dma_wait3A_3879 = arith.constant 0 : i32
    %dma_wait3A_3880 = arith.constant 0 : i32
    %dma_wait3A_3881 = arith.constant 0 : i32
    %dma_wait3A_3882 = tpu.memref_slice %arg6[%dma_wait3A_3867, %dma_wait3A_3879, %dma_wait3A_3880, %dma_wait3A_3881] : memref<2x3x8x128xf32, #tpu.memory_space<vmem>> -> memref<1x3x8x128xf32, #tpu.memory_space<vmem>>
    %dma_wait3A_3883 = tpu.memref_squeeze %dma_wait3A_3882 : memref<1x3x8x128xf32, #tpu.memory_space<vmem>> -> memref<3x8x128xf32, #tpu.memory_space<vmem>>
    tpu.wait_dma2 semaphore(%arg8 : memref<!tpu.dma_semaphore, #tpu.memory_space<semaphore_mem>>) src(%dma_wait3A_3883 : memref<3x8x128xf32, #tpu.memory_space<vmem>>) dst(%dma_wait3A_3878 : memref<3x8x128xf32, #tpu.memory_space<vmem_shared>>)
    %dma_wait3A_3884 = arith.constant 0 : i32
    %dma_wait3A_3885 = arith.constant 0 : i32
    %dma_wait3A_3886 = tpu.memref_slice %arg7[%add3A_3518, %dma_wait3A_3884, %dma_wait3A_3885] : memref<768x8x128xf32, #tpu.memory_space<vmem_shared>> -> memref<1x8x128xf32, #tpu.memory_space<vmem_shared>>
    %dma_wait3A_3887 = tpu.memref_squeeze %dma_wait3A_3886 : memref<1x8x128xf32, #tpu.memory_space<vmem_shared>> -> memref<8x128xf32, #tpu.memory_space<vmem_shared>>
    %dma_wait3A_3888 = arith.constant 0 : i32
    %dma_wait3A_3889 = arith.constant 0 : i32
    %dma_wait3A_3890 = tpu.memref_slice %arg3[%dma_wait3A_3888, %dma_wait3A_3889] : memref<64x384xf32, #tpu.memory_space<hbm>> -> memref<8x128xf32, #tpu.memory_space<hbm>>
    tpu.wait_dma2 semaphore(%arg8 : memref<!tpu.dma_semaphore, #tpu.memory_space<semaphore_mem>>) src(%dma_wait3A_3890 : memref<8x128xf32, #tpu.memory_space<hbm>>) dst(%dma_wait3A_3887 : memref<8x128xf32, #tpu.memory_space<vmem_shared>>)
    %dma_wait3A_3891 = arith.constant 0 : i32
    %dma_wait3A_3892 = arith.constant 0 : i32
    %dma_wait3A_3893 = tpu.memref_slice %arg7[%add3A_3529, %dma_wait3A_3891, %dma_wait3A_3892] : memref<768x8x128xf32, #tpu.memory_space<vmem_shared>> -> memref<1x8x128xf32, #tpu.memory_space<vmem_shared>>
    %dma_wait3A_3894 = tpu.memref_squeeze %dma_wait3A_3893 : memref<1x8x128xf32, #tpu.memory_space<vmem_shared>> -> memref<8x128xf32, #tpu.memory_space<vmem_shared>>
    %dma_wait3A_3895 = arith.constant 0 : i32
    %dma_wait3A_3896 = arith.constant 128 : i32
    %dma_wait3A_3897 = tpu.memref_slice %arg3[%dma_wait3A_3895, %dma_wait3A_3896] : memref<64x384xf32, #tpu.memory_space<hbm>> -> memref<8x128xf32, #tpu.memory_space<hbm>>
    tpu.wait_dma2 semaphore(%arg8 : memref<!tpu.dma_semaphore, #tpu.memory_space<semaphore_mem>>) src(%dma_wait3A_3897 : memref<8x128xf32, #tpu.memory_space<hbm>>) dst(%dma_wait3A_3894 : memref<8x128xf32, #tpu.memory_space<vmem_shared>>)
    %dma_wait3A_3898 = arith.constant 0 : i32
    %dma_wait3A_3899 = arith.constant 0 : i32
    %dma_wait3A_3900 = tpu.memref_slice %arg7[%add3A_3540, %dma_wait3A_3898, %dma_wait3A_3899] : memref<768x8x128xf32, #tpu.memory_space<vmem_shared>> -> memref<1x8x128xf32, #tpu.memory_space<vmem_shared>>
    %dma_wait3A_3901 = tpu.memref_squeeze %dma_wait3A_3900 : memref<1x8x128xf32, #tpu.memory_space<vmem_shared>> -> memref<8x128xf32, #tpu.memory_space<vmem_shared>>
    %dma_wait3A_3902 = arith.constant 0 : i32
    %dma_wait3A_3903 = arith.constant 256 : i32
    %dma_wait3A_3904 = tpu.memref_slice %arg3[%dma_wait3A_3902, %dma_wait3A_3903] : memref<64x384xf32, #tpu.memory_space<hbm>> -> memref<8x128xf32, #tpu.memory_space<hbm>>
    tpu.wait_dma2 semaphore(%arg8 : memref<!tpu.dma_semaphore, #tpu.memory_space<semaphore_mem>>) src(%dma_wait3A_3904 : memref<8x128xf32, #tpu.memory_space<hbm>>) dst(%dma_wait3A_3901 : memref<8x128xf32, #tpu.memory_space<vmem_shared>>)
    %dma_wait3A_3905 = arith.constant 1 : i32
    %dma_wait3A_3906 = arith.constant 0 : i32
    %dma_wait3A_3907 = arith.constant 0 : i32
    %dma_wait3A_3908 = arith.constant 0 : i32
    %dma_wait3A_3909 = tpu.memref_slice %arg6[%dma_wait3A_3905, %dma_wait3A_3906, %dma_wait3A_3907, %dma_wait3A_3908] : memref<2x3x8x128xf32, #tpu.memory_space<vmem>> -> memref<1x3x8x128xf32, #tpu.memory_space<vmem>>
    %dma_wait3A_3910 = tpu.memref_squeeze %dma_wait3A_3909 : memref<1x3x8x128xf32, #tpu.memory_space<vmem>> -> memref<3x8x128xf32, #tpu.memory_space<vmem>>
    %dma_wait3A_3911 = arith.constant 0 : i32
    %dma_wait3A_3912 = arith.constant 0 : i32
    %dma_wait3A_3913 = tpu.memref_slice %arg7[%mul3A_3553, %dma_wait3A_3911, %dma_wait3A_3912] : memref<768x8x128xf32, #tpu.memory_space<vmem_shared>> -> memref<3x8x128xf32, #tpu.memory_space<vmem_shared>>
    %dma_wait3A_3914 = arith.constant 0 : i32
    %dma_wait3A_3915 = arith.constant 0 : i32
    %dma_wait3A_3916 = tpu.memref_slice %arg7[%mul3A_3553, %dma_wait3A_3914, %dma_wait3A_3915] : memref<768x8x128xf32, #tpu.memory_space<vmem_shared>> -> memref<3x8x128xf32, #tpu.memory_space<vmem_shared>>
    %dma_wait3A_3917 = arith.constant 0 : i32
    %dma_wait3A_3918 = arith.constant 0 : i32
    %dma_wait3A_3919 = arith.constant 0 : i32
    %dma_wait3A_3920 = tpu.memref_slice %arg6[%dma_wait3A_3905, %dma_wait3A_3917, %dma_wait3A_3918, %dma_wait3A_3919] : memref<2x3x8x128xf32, #tpu.memory_space<vmem>> -> memref<1x3x8x128xf32, #tpu.memory_space<vmem>>
    %dma_wait3A_3921 = tpu.memref_squeeze %dma_wait3A_3920 : memref<1x3x8x128xf32, #tpu.memory_space<vmem>> -> memref<3x8x128xf32, #tpu.memory_space<vmem>>
    tpu.wait_dma2 semaphore(%arg8 : memref<!tpu.dma_semaphore, #tpu.memory_space<semaphore_mem>>) src(%dma_wait3A_3921 : memref<3x8x128xf32, #tpu.memory_space<vmem>>) dst(%dma_wait3A_3916 : memref<3x8x128xf32, #tpu.memory_space<vmem_shared>>)
    %dma_wait3A_3922 = arith.constant 0 : i32
    %dma_wait3A_3923 = arith.constant 0 : i32
    %dma_wait3A_3924 = tpu.memref_slice %arg7[%add3A_3574, %dma_wait3A_3922, %dma_wait3A_3923] : memref<768x8x128xf32, #tpu.memory_space<vmem_shared>> -> memref<1x8x128xf32, #tpu.memory_space<vmem_shared>>
    %dma_wait3A_3925 = tpu.memref_squeeze %dma_wait3A_3924 : memref<1x8x128xf32, #tpu.memory_space<vmem_shared>> -> memref<8x128xf32, #tpu.memory_space<vmem_shared>>
    %dma_wait3A_3926 = arith.constant 8 : i32
    %dma_wait3A_3927 = arith.constant 0 : i32
    %dma_wait3A_3928 = tpu.memref_slice %arg3[%dma_wait3A_3926, %dma_wait3A_3927] : memref<64x384xf32, #tpu.memory_space<hbm>> -> memref<8x128xf32, #tpu.memory_space<hbm>>
    tpu.wait_dma2 semaphore(%arg8 : memref<!tpu.dma_semaphore, #tpu.memory_space<semaphore_mem>>) src(%dma_wait3A_3928 : memref<8x128xf32, #tpu.memory_space<hbm>>) dst(%dma_wait3A_3925 : memref<8x128xf32, #tpu.memory_space<vmem_shared>>)
    %dma_wait3A_3929 = arith.constant 0 : i32
    %dma_wait3A_3930 = arith.constant 0 : i32
    %dma_wait3A_3931 = tpu.memref_slice %arg7[%add3A_3585, %dma_wait3A_3929, %dma_wait3A_3930] : memref<768x8x128xf32, #tpu.memory_space<vmem_shared>> -> memref<1x8x128xf32, #tpu.memory_space<vmem_shared>>
    %dma_wait3A_3932 = tpu.memref_squeeze %dma_wait3A_3931 : memref<1x8x128xf32, #tpu.memory_space<vmem_shared>> -> memref<8x128xf32, #tpu.memory_space<vmem_shared>>
    %dma_wait3A_3933 = arith.constant 8 : i32
    %dma_wait3A_3934 = arith.constant 128 : i32
    %dma_wait3A_3935 = tpu.memref_slice %arg3[%dma_wait3A_3933, %dma_wait3A_3934] : memref<64x384xf32, #tpu.memory_space<hbm>> -> memref<8x128xf32, #tpu.memory_space<hbm>>
    tpu.wait_dma2 semaphore(%arg8 : memref<!tpu.dma_semaphore, #tpu.memory_space<semaphore_mem>>) src(%dma_wait3A_3935 : memref<8x128xf32, #tpu.memory_space<hbm>>) dst(%dma_wait3A_3932 : memref<8x128xf32, #tpu.memory_space<vmem_shared>>)
    %dma_wait3A_3936 = arith.constant 0 : i32
    %dma_wait3A_3937 = arith.constant 0 : i32
    %dma_wait3A_3938 = tpu.memref_slice %arg7[%add3A_3596, %dma_wait3A_3936, %dma_wait3A_3937] : memref<768x8x128xf32, #tpu.memory_space<vmem_shared>> -> memref<1x8x128xf32, #tpu.memory_space<vmem_shared>>
    %dma_wait3A_3939 = tpu.memref_squeeze %dma_wait3A_3938 : memref<1x8x128xf32, #tpu.memory_space<vmem_shared>> -> memref<8x128xf32, #tpu.memory_space<vmem_shared>>
    %dma_wait3A_3940 = arith.constant 8 : i32
    %dma_wait3A_3941 = arith.constant 256 : i32
    %dma_wait3A_3942 = tpu.memref_slice %arg3[%dma_wait3A_3940, %dma_wait3A_3941] : memref<64x384xf32, #tpu.memory_space<hbm>> -> memref<8x128xf32, #tpu.memory_space<hbm>>
    tpu.wait_dma2 semaphore(%arg8 : memref<!tpu.dma_semaphore, #tpu.memory_space<semaphore_mem>>) src(%dma_wait3A_3942 : memref<8x128xf32, #tpu.memory_space<hbm>>) dst(%dma_wait3A_3939 : memref<8x128xf32, #tpu.memory_space<vmem_shared>>)
    %dma_wait3A_3943 = arith.constant 1 : i32
    %dma_wait3A_3944 = arith.constant 0 : i32
    %dma_wait3A_3945 = arith.constant 0 : i32
    %dma_wait3A_3946 = arith.constant 0 : i32
    %dma_wait3A_3947 = tpu.memref_slice %arg6[%dma_wait3A_3943, %dma_wait3A_3944, %dma_wait3A_3945, %dma_wait3A_3946] : memref<2x3x8x128xf32, #tpu.memory_space<vmem>> -> memref<1x3x8x128xf32, #tpu.memory_space<vmem>>
    %dma_wait3A_3948 = tpu.memref_squeeze %dma_wait3A_3947 : memref<1x3x8x128xf32, #tpu.memory_space<vmem>> -> memref<3x8x128xf32, #tpu.memory_space<vmem>>
    %dma_wait3A_3949 = arith.constant 0 : i32
    %dma_wait3A_3950 = arith.constant 0 : i32
    %dma_wait3A_3951 = tpu.memref_slice %arg7[%mul3A_3609, %dma_wait3A_3949, %dma_wait3A_3950] : memref<768x8x128xf32, #tpu.memory_space<vmem_shared>> -> memref<3x8x128xf32, #tpu.memory_space<vmem_shared>>
    %dma_wait3A_3952 = arith.constant 0 : i32
    %dma_wait3A_3953 = arith.constant 0 : i32
    %dma_wait3A_3954 = tpu.memref_slice %arg7[%mul3A_3609, %dma_wait3A_3952, %dma_wait3A_3953] : memref<768x8x128xf32, #tpu.memory_space<vmem_shared>> -> memref<3x8x128xf32, #tpu.memory_space<vmem_shared>>
    %dma_wait3A_3955 = arith.constant 0 : i32
    %dma_wait3A_3956 = arith.constant 0 : i32
    %dma_wait3A_3957 = arith.constant 0 : i32
    %dma_wait3A_3958 = tpu.memref_slice %arg6[%dma_wait3A_3943, %dma_wait3A_3955, %dma_wait3A_3956, %dma_wait3A_3957] : memref<2x3x8x128xf32, #tpu.memory_space<vmem>> -> memref<1x3x8x128xf32, #tpu.memory_space<vmem>>
    %dma_wait3A_3959 = tpu.memref_squeeze %dma_wait3A_3958 : memref<1x3x8x128xf32, #tpu.memory_space<vmem>> -> memref<3x8x128xf32, #tpu.memory_space<vmem>>
    tpu.wait_dma2 semaphore(%arg8 : memref<!tpu.dma_semaphore, #tpu.memory_space<semaphore_mem>>) src(%dma_wait3A_3959 : memref<3x8x128xf32, #tpu.memory_space<vmem>>) dst(%dma_wait3A_3954 : memref<3x8x128xf32, #tpu.memory_space<vmem_shared>>)
    %dma_wait3A_3960 = arith.constant 0 : i32
    %dma_wait3A_3961 = arith.constant 0 : i32
    %dma_wait3A_3962 = tpu.memref_slice %arg7[%add3A_3630, %dma_wait3A_3960, %dma_wait3A_3961] : memref<768x8x128xf32, #tpu.memory_space<vmem_shared>> -> memref<1x8x128xf32, #tpu.memory_space<vmem_shared>>
    %dma_wait3A_3963 = tpu.memref_squeeze %dma_wait3A_3962 : memref<1x8x128xf32, #tpu.memory_space<vmem_shared>> -> memref<8x128xf32, #tpu.memory_space<vmem_shared>>
    %dma_wait3A_3964 = arith.constant 16 : i32
    %dma_wait3A_3965 = arith.constant 0 : i32
    %dma_wait3A_3966 = tpu.memref_slice %arg3[%dma_wait3A_3964, %dma_wait3A_3965] : memref<64x384xf32, #tpu.memory_space<hbm>> -> memref<8x128xf32, #tpu.memory_space<hbm>>
    tpu.wait_dma2 semaphore(%arg8 : memref<!tpu.dma_semaphore, #tpu.memory_space<semaphore_mem>>) src(%dma_wait3A_3966 : memref<8x128xf32, #tpu.memory_space<hbm>>) dst(%dma_wait3A_3963 : memref<8x128xf32, #tpu.memory_space<vmem_shared>>)
    %dma_wait3A_3967 = arith.constant 0 : i32
    %dma_wait3A_3968 = arith.constant 0 : i32
    %dma_wait3A_3969 = tpu.memref_slice %arg7[%add3A_3641, %dma_wait3A_3967, %dma_wait3A_3968] : memref<768x8x128xf32, #tpu.memory_space<vmem_shared>> -> memref<1x8x128xf32, #tpu.memory_space<vmem_shared>>
    %dma_wait3A_3970 = tpu.memref_squeeze %dma_wait3A_3969 : memref<1x8x128xf32, #tpu.memory_space<vmem_shared>> -> memref<8x128xf32, #tpu.memory_space<vmem_shared>>
    %dma_wait3A_3971 = arith.constant 16 : i32
    %dma_wait3A_3972 = arith.constant 128 : i32
    %dma_wait3A_3973 = tpu.memref_slice %arg3[%dma_wait3A_3971, %dma_wait3A_3972] : memref<64x384xf32, #tpu.memory_space<hbm>> -> memref<8x128xf32, #tpu.memory_space<hbm>>
    tpu.wait_dma2 semaphore(%arg8 : memref<!tpu.dma_semaphore, #tpu.memory_space<semaphore_mem>>) src(%dma_wait3A_3973 : memref<8x128xf32, #tpu.memory_space<hbm>>) dst(%dma_wait3A_3970 : memref<8x128xf32, #tpu.memory_space<vmem_shared>>)
    %dma_wait3A_3974 = arith.constant 0 : i32
    %dma_wait3A_3975 = arith.constant 0 : i32
    %dma_wait3A_3976 = tpu.memref_slice %arg7[%add3A_3652, %dma_wait3A_3974, %dma_wait3A_3975] : memref<768x8x128xf32, #tpu.memory_space<vmem_shared>> -> memref<1x8x128xf32, #tpu.memory_space<vmem_shared>>
    %dma_wait3A_3977 = tpu.memref_squeeze %dma_wait3A_3976 : memref<1x8x128xf32, #tpu.memory_space<vmem_shared>> -> memref<8x128xf32, #tpu.memory_space<vmem_shared>>
    %dma_wait3A_3978 = arith.constant 16 : i32
    %dma_wait3A_3979 = arith.constant 256 : i32
    %dma_wait3A_3980 = tpu.memref_slice %arg3[%dma_wait3A_3978, %dma_wait3A_3979] : memref<64x384xf32, #tpu.memory_space<hbm>> -> memref<8x128xf32, #tpu.memory_space<hbm>>
    tpu.wait_dma2 semaphore(%arg8 : memref<!tpu.dma_semaphore, #tpu.memory_space<semaphore_mem>>) src(%dma_wait3A_3980 : memref<8x128xf32, #tpu.memory_space<hbm>>) dst(%dma_wait3A_3977 : memref<8x128xf32, #tpu.memory_space<vmem_shared>>)
    %dma_wait3A_3981 = arith.constant 1 : i32
    %dma_wait3A_3982 = arith.constant 0 : i32
    %dma_wait3A_3983 = arith.constant 0 : i32
    %dma_wait3A_3984 = arith.constant 0 : i32
    %dma_wait3A_3985 = tpu.memref_slice %arg6[%dma_wait3A_3981, %dma_wait3A_3982, %dma_wait3A_3983, %dma_wait3A_3984] : memref<2x3x8x128xf32, #tpu.memory_space<vmem>> -> memref<1x3x8x128xf32, #tpu.memory_space<vmem>>
    %dma_wait3A_3986 = tpu.memref_squeeze %dma_wait3A_3985 : memref<1x3x8x128xf32, #tpu.memory_space<vmem>> -> memref<3x8x128xf32, #tpu.memory_space<vmem>>
    %dma_wait3A_3987 = arith.constant 0 : i32
    %dma_wait3A_3988 = arith.constant 0 : i32
    %dma_wait3A_3989 = tpu.memref_slice %arg7[%mul3A_3665, %dma_wait3A_3987, %dma_wait3A_3988] : memref<768x8x128xf32, #tpu.memory_space<vmem_shared>> -> memref<3x8x128xf32, #tpu.memory_space<vmem_shared>>
    %dma_wait3A_3990 = arith.constant 0 : i32
    %dma_wait3A_3991 = arith.constant 0 : i32
    %dma_wait3A_3992 = tpu.memref_slice %arg7[%mul3A_3665, %dma_wait3A_3990, %dma_wait3A_3991] : memref<768x8x128xf32, #tpu.memory_space<vmem_shared>> -> memref<3x8x128xf32, #tpu.memory_space<vmem_shared>>
    %dma_wait3A_3993 = arith.constant 0 : i32
    %dma_wait3A_3994 = arith.constant 0 : i32
    %dma_wait3A_3995 = arith.constant 0 : i32
    %dma_wait3A_3996 = tpu.memref_slice %arg6[%dma_wait3A_3981, %dma_wait3A_3993, %dma_wait3A_3994, %dma_wait3A_3995] : memref<2x3x8x128xf32, #tpu.memory_space<vmem>> -> memref<1x3x8x128xf32, #tpu.memory_space<vmem>>
    %dma_wait3A_3997 = tpu.memref_squeeze %dma_wait3A_3996 : memref<1x3x8x128xf32, #tpu.memory_space<vmem>> -> memref<3x8x128xf32, #tpu.memory_space<vmem>>
    tpu.wait_dma2 semaphore(%arg8 : memref<!tpu.dma_semaphore, #tpu.memory_space<semaphore_mem>>) src(%dma_wait3A_3997 : memref<3x8x128xf32, #tpu.memory_space<vmem>>) dst(%dma_wait3A_3992 : memref<3x8x128xf32, #tpu.memory_space<vmem_shared>>)
    %dma_wait3A_3998 = arith.constant 0 : i32
    %dma_wait3A_3999 = arith.constant 0 : i32
    %dma_wait3A_4000 = tpu.memref_slice %arg7[%add3A_3686, %dma_wait3A_3998, %dma_wait3A_3999] : memref<768x8x128xf32, #tpu.memory_space<vmem_shared>> -> memref<1x8x128xf32, #tpu.memory_space<vmem_shared>>
    %dma_wait3A_4001 = tpu.memref_squeeze %dma_wait3A_4000 : memref<1x8x128xf32, #tpu.memory_space<vmem_shared>> -> memref<8x128xf32, #tpu.memory_space<vmem_shared>>
    %dma_wait3A_4002 = arith.constant 24 : i32
    %dma_wait3A_4003 = arith.constant 0 : i32
    %dma_wait3A_4004 = tpu.memref_slice %arg3[%dma_wait3A_4002, %dma_wait3A_4003] : memref<64x384xf32, #tpu.memory_space<hbm>> -> memref<8x128xf32, #tpu.memory_space<hbm>>
    tpu.wait_dma2 semaphore(%arg8 : memref<!tpu.dma_semaphore, #tpu.memory_space<semaphore_mem>>) src(%dma_wait3A_4004 : memref<8x128xf32, #tpu.memory_space<hbm>>) dst(%dma_wait3A_4001 : memref<8x128xf32, #tpu.memory_space<vmem_shared>>)
    %dma_wait3A_4005 = arith.constant 0 : i32
    %dma_wait3A_4006 = arith.constant 0 : i32
    %dma_wait3A_4007 = tpu.memref_slice %arg7[%add3A_3697, %dma_wait3A_4005, %dma_wait3A_4006] : memref<768x8x128xf32, #tpu.memory_space<vmem_shared>> -> memref<1x8x128xf32, #tpu.memory_space<vmem_shared>>
    %dma_wait3A_4008 = tpu.memref_squeeze %dma_wait3A_4007 : memref<1x8x128xf32, #tpu.memory_space<vmem_shared>> -> memref<8x128xf32, #tpu.memory_space<vmem_shared>>
    %dma_wait3A_4009 = arith.constant 24 : i32
    %dma_wait3A_4010 = arith.constant 128 : i32
    %dma_wait3A_4011 = tpu.memref_slice %arg3[%dma_wait3A_4009, %dma_wait3A_4010] : memref<64x384xf32, #tpu.memory_space<hbm>> -> memref<8x128xf32, #tpu.memory_space<hbm>>
    tpu.wait_dma2 semaphore(%arg8 : memref<!tpu.dma_semaphore, #tpu.memory_space<semaphore_mem>>) src(%dma_wait3A_4011 : memref<8x128xf32, #tpu.memory_space<hbm>>) dst(%dma_wait3A_4008 : memref<8x128xf32, #tpu.memory_space<vmem_shared>>)
    %dma_wait3A_4012 = arith.constant 0 : i32
    %dma_wait3A_4013 = arith.constant 0 : i32
    %dma_wait3A_4014 = tpu.memref_slice %arg7[%add3A_3708, %dma_wait3A_4012, %dma_wait3A_4013] : memref<768x8x128xf32, #tpu.memory_space<vmem_shared>> -> memref<1x8x128xf32, #tpu.memory_space<vmem_shared>>
    %dma_wait3A_4015 = tpu.memref_squeeze %dma_wait3A_4014 : memref<1x8x128xf32, #tpu.memory_space<vmem_shared>> -> memref<8x128xf32, #tpu.memory_space<vmem_shared>>
    %dma_wait3A_4016 = arith.constant 24 : i32
    %dma_wait3A_4017 = arith.constant 256 : i32
    %dma_wait3A_4018 = tpu.memref_slice %arg3[%dma_wait3A_4016, %dma_wait3A_4017] : memref<64x384xf32, #tpu.memory_space<hbm>> -> memref<8x128xf32, #tpu.memory_space<hbm>>
    tpu.wait_dma2 semaphore(%arg8 : memref<!tpu.dma_semaphore, #tpu.memory_space<semaphore_mem>>) src(%dma_wait3A_4018 : memref<8x128xf32, #tpu.memory_space<hbm>>) dst(%dma_wait3A_4015 : memref<8x128xf32, #tpu.memory_space<vmem_shared>>)
    %barrier3A = arith.constant 0 : index
    tpu.barrier barrier_id(%barrier3A)
    %mul3A_4019 = arith.constant 8 : i32
    %mul3A_4020 = arith.muli %arg0, %mul3A_4019 : i32
    %jit3A = arith.constant 2 : i32
    %div3A = arith.divsi %arg1, %jit3A : i32
    %sign3A = arith.constant 0 : i32
    %sign3A_4021 = arith.cmpi sgt, %arg1, %sign3A : i32
    %sign3A_4022 = arith.extui %sign3A_4021 : i1 to i32
    %sign3A_4023 = arith.constant 0 : i32
    %sign3A_4024 = arith.cmpi slt, %arg1, %sign3A_4023 : i32
    %sign3A_4025 = arith.extui %sign3A_4024 : i1 to i32
    %sign3A_4026 = arith.subi %sign3A_4022, %sign3A_4025 : i32
    %sign3A_4027 = arith.constant 0 : i32
    %sign3A_4028 = arith.cmpi sgt, %jit3A, %sign3A_4027 : i32
    %sign3A_4029 = arith.extui %sign3A_4028 : i1 to i32
    %sign3A_4030 = arith.constant 0 : i32
    %sign3A_4031 = arith.cmpi slt, %jit3A, %sign3A_4030 : i32
    %sign3A_4032 = arith.extui %sign3A_4031 : i1 to i32
    %sign3A_4033 = arith.subi %sign3A_4029, %sign3A_4032 : i32
    %ne3A = arith.cmpi ne, %sign3A_4026, %sign3A_4033 : i32
    %rem3A = arith.remsi %arg1, %jit3A : i32
    %ne3A_4034 = arith.constant 0 : i32
    %ne3A_4035 = arith.cmpi ne, %rem3A, %ne3A_4034 : i32
    %and3A = arith.andi %ne3A, %ne3A_4035 : i1
    %sub3A = arith.constant 1 : i32
    %sub3A_4036 = arith.subi %div3A, %sub3A : i32
    %select_n3A = arith.select %and3A, %sub3A_4036, %div3A : i32
    %add3A_4037 = arith.addi %mul3A_4020, %select_n3A : i32
    %jit3A_4038 = arith.constant 2 : i32
    %eq3A = arith.constant 0 : i32
    %eq3A_4039 = arith.cmpi eq, %jit3A_4038, %eq3A : i32
    %jit3A_4040 = arith.constant 1 : i32
    %select_n3A_4041 = arith.select %eq3A_4039, %jit3A_4040, %jit3A_4038 : i32
    %rem3A_4042 = arith.remsi %arg1, %select_n3A_4041 : i32
    %ne3A_4043 = arith.constant 0 : i32
    %ne3A_4044 = arith.cmpi ne, %rem3A_4042, %ne3A_4043 : i32
    %lt3A = arith.constant 0 : i32
    %lt3A_4045 = arith.cmpi slt, %rem3A_4042, %lt3A : i32
    %lt3A_4046 = arith.constant 0 : i32
    %lt3A_4047 = arith.cmpi slt, %select_n3A_4041, %lt3A_4046 : i32
    %ne3A_4048 = arith.xori %lt3A_4045, %lt3A_4047 : i1
    %and3A_4049 = arith.andi %ne3A_4048, %ne3A_4044 : i1
    %add3A_4050 = arith.addi %rem3A_4042, %select_n3A_4041 : i32
    %select_n3A_4051 = arith.select %and3A_4049, %add3A_4050, %rem3A_4042 : i32
    %mul3A_4052 = arith.constant 384 : i32
    %mul3A_4053 = arith.muli %select_n3A_4051, %mul3A_4052 : i32
    %mul3A_4054 = arith.constant 768 : i32
    %mul3A_4055 = arith.muli %add3A_4037, %mul3A_4054 : i32
    %add3A_4056 = arith.addi %mul3A_4055, %mul3A_4053 : i32
    %dma_start3A_4057 = arith.constant 0 : i32
    %dma_start3A_4058 = arith.constant 0 : i32
    %dma_start3A_4059 = tpu.memref_slice %arg4[%add3A_4056, %dma_start3A_4057, %dma_start3A_4058] : memref<12288x8x128xf32, #tpu.memory_space<hbm>> -> memref<384x8x128xf32, #tpu.memory_space<hbm>>
    %dma_start3A_4060 = arith.constant 0 : i32
    %dma_start3A_4061 = arith.constant 0 : i32
    %dma_start3A_4062 = tpu.memref_slice %arg7[%mul3A_4053, %dma_start3A_4060, %dma_start3A_4061] : memref<768x8x128xf32, #tpu.memory_space<vmem_shared>> -> memref<384x8x128xf32, #tpu.memory_space<vmem_shared>>
    tpu.enqueue_dma source(%dma_start3A_4062 : memref<384x8x128xf32, #tpu.memory_space<vmem_shared>>) target(%dma_start3A_4059 : memref<384x8x128xf32, #tpu.memory_space<hbm>>) target_semaphore(%arg8 : memref<!tpu.dma_semaphore, #tpu.memory_space<semaphore_mem>>)
    %dma_wait3A_4063 = arith.constant 0 : i32
    %dma_wait3A_4064 = arith.constant 0 : i32
    %dma_wait3A_4065 = tpu.memref_slice %arg4[%add3A_4056, %dma_wait3A_4063, %dma_wait3A_4064] : memref<12288x8x128xf32, #tpu.memory_space<hbm>> -> memref<384x8x128xf32, #tpu.memory_space<hbm>>
    %dma_wait3A_4066 = arith.constant 0 : i32
    %dma_wait3A_4067 = arith.constant 0 : i32
    %dma_wait3A_4068 = tpu.memref_slice %arg7[%mul3A_4053, %dma_wait3A_4066, %dma_wait3A_4067] : memref<768x8x128xf32, #tpu.memory_space<vmem_shared>> -> memref<384x8x128xf32, #tpu.memory_space<vmem_shared>>
    tpu.wait_dma2 semaphore(%arg8 : memref<!tpu.dma_semaphore, #tpu.memory_space<semaphore_mem>>) src(%dma_wait3A_4068 : memref<384x8x128xf32, #tpu.memory_space<vmem_shared>>) dst(%dma_wait3A_4065 : memref<384x8x128xf32, #tpu.memory_space<hbm>>)
    return
  }
}

</mosaic_0001>

<sc_bundles>
// kernel: _pos_encode.3.cloned.1.call-start
scs
__scs_entry_jumppad:
0x0: {  	(pc) =	sbr.rel $0x88, $3  }
0x1: {  	(tag) =	ssettag $0x0;
	lr =	simm.s32 $0x1  }
0x2: {  	[smem:$0x3F9F] =	sst lr;
	_ =	strace $0xD0000000  }
0x3: {  	_ = 	snop  }
0x4: {  	_ = 	snop  }
0x5: {  	_ = 	snop  }
0x6: {  	_ = 	snop  }
0x7: {  	_ = 	snop  }
__scs_overlays_trampoline_lowered:
0x8: {  	[smem:$0x3FAE] =	sst s0  }
0x9: {  	[smem:$0x3FAF] =	sst s1  }
0xa: {  	[smem:$0x3FB0] =	sst s2  }
0xb: {  	[smem:$0x3FB1] =	sst s3  }
0xc: {  	[smem:$0x3FB2] =	sst s4  }
0xd: {  	[smem:$0x3FB3] =	sst s5  }
0xe: {  	[smem:$0x3FB4] =	sst s6  }
0xf: {  	[smem:$0x3FB5] =	sst s7  }
0x10: {  	[smem:$0x3FB6] =	sst s8  }
0x11: {  	[smem:$0x3FB7] =	sst s9;
	s0 =	simm.s32 @!p0 $0x0  }
0x12: {  	s1 =	sld [smem:$0x3F9D];
	s0 =	simm.s32 @p0 $0x1  }
0x13: {  	[smem:$0x3FB8] =	sst s0;
	s0 =	simm.s32 @!p1 $0x0  }
0x14: {  	s2 =	sld [smem:$0x3F9C];
	s0 =	simm.s32 @p1 $0x1  }
0x15: {  	[smem:$0x3FB9] =	sst s0;
	s0 =	simm.s32 @!p2 $0x0  }
0x16: {  	s3 =	sld [smem:$0x3FDB];
	s0 =	simm.s32 @p2 $0x1  }
0x17: {  	s4 =	simm.s32 $0x1BF5;
	[smem:$0x3FBB] =	sst s0  }
0x18: {  	s0 =	sld [smem:$0x3F9E];
	_ =	swait.ge [sflag:s4], $0x0  }
0x19: {  	s7 =	sld [smem:$0x3F9F]  }
0x1a: {  	s8 =	sadd.s32 $0xFFFFE003, lr  }
0x1b: {  	s9 =	sadd.s32 $0xFFFFFEF7, lr;
	s5 =	simm.s32 $0xFFFFFFFF;
	p2 =	slt.u32 s8, $0xFFFFF086  }
0x1c: {  	p1 =	slt.u32 s9, $0xF7A;
	s5 =	simm.s32 @!p2 $0x0  }
0x1d: {  	s5 =	simm.s32 @p1 $0x1;
	p0 =	seq.s32 s7, s2  }
0x1e: {  	s7 =	smul.u32 @!p0 $0xF7A, s2;
	p2 =	seq.s32 @!p0 s5, $0x0  }
0x1f: {  	s9 =	smul.u32 $0xF7A, s1;
	s8 =	simm.s32 @!p0 $0x1BF5;
	p2 =	por !p2, p0  }
0x20: {  	[sflag:s8] =	ssyncset.s32 @!p0 $0xFFFFF086;
	s6 =	sadd.s32 @!p0 s3, s7;
	s7 =	simm.s32 @!p0 $0x108  }
0x21: {  	s3 =	sadd.s32 s3, s9;
	s6 =	sadd.s32 @!p0 $0x88, s6;
	s7 =	simm.s32 @p2 $0x1082  }
0x22: {  	[simem:s7], [sflag:s8] =	dma.local @!p0 [hbm:s6], $0xF7A  }
0x23: {  	s9 =	sor.u32 $0xD0000000, s2;
	s6 =	simm.s32 $0x108;
	_ =	swait.ge @!p0 [sflag:s8], $0x0  }
0x24: {  	s3 =	sadd.s32 $0x88, s3;
	s6 =	simm.s32 @!p1 $0x1082;
	[sflag:s4] =	ssyncset.s32 $0xFFFFF086  }
0x25: {  	[simem:s6], [sflag:s4] =	dma.local [hbm:s3], $0xF7A  }
0x26: {  	[smem:$0x3F9F] =	sst s1;
	(tag) =	ssettag s2;
	_ =	strace s9  }
0x27: {  	s1 =	sld [smem:$0x3FAF]  }
0x28: {  	s2 =	sld [smem:$0x3FB0]  }
0x29: {  	s4 =	sld [smem:$0x3FB2]  }
0x2a: {  	p0 =	seq.s32 s5, $0x0;
	s5 =	sld [smem:$0x3FB3]  }
0x2b: {  	s6 =	sld [smem:$0x3FB4]  }
0x2c: {  	s7 =	sld [smem:$0x3FB5]  }
0x2d: {  	s3 =	simm.s32 $0x108;
	s8 =	sld [smem:$0x3FB6]  }
0x2e: {  	s3 =	simm.s32 @!p0 $0x1082;
	s9 =	sld [smem:$0x3FB7]  }
0x2f: {  	lr =	sadd.s32 s0, s3;
	s0 =	sld [smem:$0x3FAE]  }
0x30: {  	s3 =	sld [smem:$0x3FB1]  }
0x31: {  	[smem:$0x3FBA] =	sst s10  }
0x32: {  	s10 =	sld [smem:$0x3FB8];
	_ =	sdelay $0x3  }
0x33: {  	p0 =	seq.s32 s10, $0x1;
	s10 =	sld [smem:$0x3FBA];
	_ =	sdelay $0x3  }
0x34: {  	[smem:$0x3FBA] =	sst s10  }
0x35: {  	s10 =	sld [smem:$0x3FB9];
	_ =	sdelay $0x3  }
0x36: {  	p1 =	seq.s32 s10, $0x1;
	s10 =	sld [smem:$0x3FBA];
	_ =	sdelay $0x3  }
0x37: {  	[smem:$0x3FBA] =	sst s10  }
0x38: {  	s10 =	sld [smem:$0x3FBB]  }
0x39: {  	_ = 	snop;
	(pc) =	sbr.ind lr, $3  }
0x3a: {  	_ = 	snop  }
0x3b: {  	_ = 	snop  }
0x3c: {  	p2 =	seq.s32 s10, $0x1;
	s10 =	sld [smem:$0x3FBA]  }
0x3d: {  	_ =	shalt  }
0x3e: {  	_ =	shalt  }
0x3f: {  	_ =	shalt  }
0x40: {  	_ =	shalt  }
0x41: {  	_ =	shalt  }
0x42: {  	_ =	shalt  }
0x43: {  	_ =	shalt  }
0x44: {  	_ =	shalt  }
0x45: {  	_ =	shalt  }
0x46: {  	_ =	shalt  }
0x47: {  	_ =	shalt  }
0x48: {  	_ =	shalt  }
0x49: {  	_ =	shalt  }
0x4a: {  	_ =	shalt  }
0x4b: {  	_ =	shalt  }
0x4c: {  	_ =	shalt  }
0x4d: {  	_ =	shalt  }
0x4e: {  	_ =	shalt  }
0x4f: {  	_ =	shalt  }
0x50: {  	_ =	shalt  }
0x51: {  	_ =	shalt  }
0x52: {  	_ =	shalt  }
0x53: {  	_ =	shalt  }
0x54: {  	_ =	shalt  }
0x55: {  	_ =	shalt  }
0x56: {  	_ =	shalt  }
0x57: {  	_ =	shalt  }
0x58: {  	_ =	shalt  }
0x59: {  	_ =	shalt  }
0x5a: {  	_ =	shalt  }
0x5b: {  	_ =	shalt  }
0x5c: {  	_ =	shalt  }
0x5d: {  	_ =	shalt  }
0x5e: {  	_ =	shalt  }
0x5f: {  	_ =	shalt  }
0x60: {  	_ =	shalt  }
0x61: {  	_ =	shalt  }
0x62: {  	_ =	shalt  }
0x63: {  	_ =	shalt  }
0x64: {  	_ =	shalt  }
0x65: {  	_ =	shalt  }
0x66: {  	_ =	shalt  }
0x67: {  	_ =	shalt  }
0x68: {  	_ =	shalt  }
0x69: {  	_ =	shalt  }
0x6a: {  	_ =	shalt  }
0x6b: {  	_ =	shalt  }
0x6c: {  	_ =	shalt  }
0x6d: {  	_ =	shalt  }
0x6e: {  	_ =	shalt  }
0x6f: {  	_ =	shalt  }
0x70: {  	_ =	shalt  }
0x71: {  	_ =	shalt  }
0x72: {  	_ =	shalt  }
0x73: {  	_ =	shalt  }
0x74: {  	_ =	shalt  }
0x75: {  	_ =	shalt  }
0x76: {  	_ =	shalt  }
0x77: {  	_ =	shalt  }
0x78: {  	_ =	shalt  }
0x79: {  	_ =	shalt  }
0x7a: {  	_ =	shalt  }
0x7b: {  	_ =	shalt  }
0x7c: {  	_ =	shalt  }
0x7d: {  	_ =	shalt  }
0x7e: {  	_ =	shalt  }
0x7f: {  	_ =	shalt  }
0x80: {  	_ =	shalt  }
0x81: {  	_ =	shalt  }
0x82: {  	_ =	shalt  }
0x83: {  	_ =	shalt  }
0x84: {  	_ =	shalt  }
0x85: {  	_ =	shalt  }
0x86: {  	_ =	shalt  }
0x87: {  	_ =	shalt  }
.Lfunc_end0:
.L_simem_size_0:
called_computation_lowered:
.L_overlay_start_0:
0x88: {  	s2 =	sld [smem:$0x3FD9]  }
0x89: {  	s3 =	sld [smem:$0x3FFE];
	_ =	sdelay $0x1  }
0x8a: {  	s1 =	srdreg.scid  }
0x8b: {  	s0 =	sand.u32 $0x1, s1  }
0x8c: {  	s18 =	sshll.u32 s0, $0xA;
	s2 =	sadd.s32 s3, s2  }
0x8d: {  	s2 =	sadd.s32 s2, s18  }
0x8e: {  	[smem:$0x3FC6] =	sst s2  }
0x8f: {  	_ = 	snop  }
0x90: {  	s2 =	sld [smem:$0x3FC9]  }
0x91: {  	s19 =	sld [smem:$0x3FC8]  }
0x92: {  	s4 =	sld [smem:$0x3FD0];
	(tm) =	ssettm $0x1  }
0x93: {  	s5 =	sld [smem:$0x3FFB];
	_ =	sdelay $0x3  }
0x94: {  	_ =	strace s5  }
0x95: {  	s5 =	sld [smem:$0x3FFC];
	_ =	sdelay $0x3  }
0x96: {  	_ =	strace s5  }
0x97: {  	s5 =	sld [smem:$0x3FFD];
	_ =	sdelay $0x3  }
0x98: {  	_ =	strace s5  }
0x99: {  	_ =	strace $0x8FFFFFFF  }
0x9a: {  	s20 =	sld [smem:$0x3FDB];
	_ =	sdelay $0x1  }
0x9b: {  	s6 =	simm.s32 $_scs_section_size  }
0x9c: {  	s7 =	simm.s32 $_size__tile_overlayer_lowered;
	s8 =	simm.s32 $_tile_overlayer_lowered  }
0x9d: {  	s23 =	simm.s32 $0x1BFF;
	s22 =	sshll.u32 s8, $0x1;
	s5 =	sadd.s32 s6, s20  }
0x9e: {  	s9 =	simm.s32 $0x0;
	s21 =	sshll.u32 s7, $0x1;
	s7 =	sadd.s32 s22, s5  }
0x9f: {  	[timem:s9], [sflag:s23] =	dma.local [hbm:s7], s21  }
0xa0: {  	_ =	swait.ge [sflag:s23], s21  }
0xa1: {  	s6 =	ssub.s32 $0x0, s21;
	[sflag:s23] =	ssyncset.done $0x0  }
0xa2: {  	[sflag:s23] =	ssyncadd.s32 s6;
	_ =	sdelay $0x1  }
0xa3: {  	s24 =	simm.s32 $0x1B8B  }
0xa4: {  	_ =	swait.ge [sflag:s24], $0x1  }
0xa5: {  	[sflag:s24] =	ssyncset.done $0x0  }
0xa6: {  	s25 =	simm.s32 $0x1B8E;
	[sflag:s24] =	ssyncadd.s32 $0xFFFFFFFF  }
0xa7: {  	s26 =	simm.s32 $execute0_lowered;
	[smem:$0x3FD2] =	sst s25  }
0xa8: {  	s6 =	sshll.u32 s26, $0x1;
	_ =	strace $0x80000046;
	[dreg:$0x1] =	wrdreg $0xFFFFFFFF  }
0xa9: {  	s28 =	simm.s32 $_size_execute0_lowered;
	s5 =	sadd.s32 s5, s6;
	[dreg:$0x0] =	wrdreg $0x0  }
0xaa: {  	s6 =	sshll.u32 s28, $0x1;
	[dreg:$0x2] =	wrdreg s5  }
0xab: {  	[dreg:$0x3] =	wrdreg s6  }
0xac: {  	[dreg:$0x4] =	wrdreg $0xC0  }
0xad: {  	_ =	task [dreg:s9], $0x5FFFF  }
0xae: {  	[dreg:$0x1] =	wrdreg $0xFFFFFFFF  }
0xaf: {  	[dreg:$0x0] =	wrdreg $0x60  }
0xb0: {  	[dreg:$0x2] =	wrdreg s2  }
0xb1: {  	[dreg:$0x3] =	wrdreg s19  }
0xb2: {  	[dreg:$0x4] =	wrdreg s4  }
0xb3: {  	[dreg:$0x5] =	wrdreg $0x1B000  }
0xb4: {  	[dreg:$0x6] =	wrdreg $0x9  }
0xb5: {  	_ =	task.clear_ibuf [dreg:s9], $0x7FFFF;
	_ =	strace $0x90000046  }
0xb6: {  	s29 =	simm.s32 $0x9;
	_ =	strace $0x80000048  }
0xb7: {  	_ =	swait.ge [sflag:s29], $0x1  }
0xb8: {  	[sflag:s29] =	ssyncadd.s32 $0xFFFFFFFF  }
0xb9: {  	_ =	strace $0x90000048  }
0xba: {  	_ =	sfence  }
0xbb: {  	s30 =	sld [smem:$0x0];
	_ =	sdelay $0x2  }
0xbc: {  	s31 =	sshll.u32 s1, $0xD;
	s1 =	sshrl.u32 s1, $0x2  }
0xbd: {  	s3 =	sand.u32 $0x4000, s31;
	s1 =	sadd.s32 s1, s30  }
0xbe: {  	s0 =	sor.u32 s3, s0;
	s1 =	sshll.u32 s1, $0x11  }
0xbf: {  	s0 =	sor.u32 s1, s0  }
0xc0: {  	s0 =	sadd.s32 $0x8F2B, s0  }
0xc1: {  	[sflag:s0] =	ssyncadd.remote.s32 $0x1  }
0xc2: {  	_ =	sfence.sel $0xFFFF  }
0xc3: {  	[dreg:$0x0] =	wrdreg $0xFFFFFFFF;
	(pc) =	sbr.abs _section_cstart, $3  }
0xc4: {  	[dreg:$0x1] =	wrdreg $0xFFFFFFFF  }
0xc5: {  	_ =	task.clear_ibuf [dreg:s9], $0x2FFFF;
	_ =	strace $0x9FFFFFFF  }
0xc6: {  	(tm) =	ssettm $0x7FFFFFFF  }
0xc7: {  	_ =	shalt  }
tec
execute0_lowered:
.L_overlay_start_1:
0x0: {  	(tag) =	ssettag $0x1  }
0x1: {  	s18 =	rddreg [dreg:$0x0]  }
0x2: {  	s2 =	rddreg [dreg:$0x1]  }
0x3: {  	s10 =	rddreg [dreg:$0x2]  }
0x4: {  	s19 =	rddreg [dreg:$0x3]  }
0x5: {  	s1 =	stileid.u32;
	s0 =	rddreg [dreg:$0x4];
	s3 =	simm.s32 $0x0  }
0x6: {  	s25 =	srdreg.scid;
	s4 =	sshrl.u32 s1, $0x2;
	[smem:$0x7FF] =	sst s3  }
0x7: {  	s5 =	sshll.u32 s1, $0x8;
	s6 =	smul.u32 $0x30000, s1;
	s8 =	sand.u32 $0x1, s25  }
0x8: {  	s16 =	sshllo.u32 s1, $0x1;
	s22 =	sshrl.u32 s1, $0x1;
	s23 =	sand.u32 $0x1, s1  }
0x9: {  	s17 =	smul.u32 $0xC00, s4;
	_ =	strace $0x80000047;
	s26 =	sand.u32 $0x300, s5  }
0xa: {  	s28 =	ssub.s32 $0x2, s8;
	s11 =	smul.u32 $0x18000, s16;
	s21 =	sshll.u32 s8, $0x3  }
0xb: {  	p0 =	seq.s32 s23, $0x1;
	s6 =	sshrl.u32 s6, $0x2;
	s7 =	sshrl.u32 s28, $0x1  }
0xc: {  	s22 =	sor.u32 s22, s21;
	s21 =	simm.s32 $0x180;
	s4 =	sor.u32 s26, s17  }
0xd: {  	s20 =	ssub.s32 s28, s7;
	s7 =	sadd.s32 $0x100, s2;
	s11 =	sshrl.u32 s11, $0x2  }
0xe: {  	s24 =	smul.u32 $0x300, s22;
	s21 =	simm.s32 @!p0 $0x0;
	s9 =	sshrl.u32 s4, $0x3  }
0xf: {  	s4 =	sadd.s32 s6, s19;
	s6 =	sadd.s32 $0x80, s2;
	s8 =	sadd.s32 s11, s19  }
0x10: {  	s20 =	smax.u32 s20, $0x1;
	s5 =	sadd.s32 s18, s9;
	s12 =	sadd.s32 $0xC00, s4  }
0x11: {  	s13 =	sadd.s32 $0x1000, s4;
	s14 =	sadd.s32 $0x1400, s4;
	s29 =	sadd.s32 $0x1800, s4  }
0x12: {  	s30 =	sadd.s32 $0x3000, s4;
	s15 =	sadd.s32 $0x2400, s4;
	[dreg:$0x5] =	wrdreg s29  }
0x13: {  	s31 =	sadd.s32 $0x4800, s4;
	s25 =	sadd.s32 $0x1800, s8;
	[dreg:$0x6] =	wrdreg s30  }
0x14: {  	s26 =	sadd.s32 $0x3000, s8;
	s11 =	sadd.s32 s21, s24;
	[dreg:$0x7] =	wrdreg s31  }
0x15: {  	s28 =	sadd.s32 $0x4800, s8;
	s9 =	sadd.s32 $0x180, s2;
	[dreg:$0x8] =	wrdreg s25  }
0x16: {  	s22 =	sadd.s32 $0x2800, s4;
	s23 =	sadd.s32 $0x2C00, s4;
	[dreg:$0x9] =	wrdreg s26  }
0x17: {  	s24 =	simm.s32 $0x100;
	s21 =	sshll.u32 s21, $0xA;
	[dreg:$0xa] =	wrdreg s28  }
0x18: {  	s11 =	sshll.u32 s11, $0x7;
	s29 =	sadd.s32 $0x80, s5;
	[dreg:$0xe] =	wrdreg s24  }
0x19: {  	s30 =	sadd.s32 $0x100, s5;
	s31 =	simm.s32 $0x200;
	[dreg:$0xc] =	wrdreg s29  }
0x1a: {  	s25 =	sadd.s32 $0x3C00, s4;
	s26 =	sshrl.u32 s12, $0x3;
	[dreg:$0xd] =	wrdreg s30  }
0x1b: {  	s12 =	sadd.s32 $0x300, s2;
	s13 =	sshrl.u32 s13, $0x3;
	[dreg:$0xf] =	wrdreg s31  }
0x1c: {  	s24 =	sadd.s32 $0x4000, s4;
	s14 =	sshrl.u32 s14, $0x3;
	[dreg:$0x10] =	wrdreg s26  }
0x1d: {  	s28 =	sshrl.u32 s15, $0x3;
	s15 =	sadd.s32 $0x480, s2;
	[dreg:$0x11] =	wrdreg s13  }
0x1e: {  	s10 =	sadd.s32 s10, s11;
	s11 =	sadd.s32 $0x280, s2;
	[dreg:$0x12] =	wrdreg s14  }
0x1f: {  	s13 =	sadd.s32 $0x380, s2;
	s26 =	sadd.s32 $0x4400, s4;
	[dreg:$0x13] =	wrdreg s28  }
0x20: {  	s29 =	sshrl.u32 s22, $0x3;
	s14 =	sadd.s32 $0x400, s2;
	[dreg:$0xb] =	wrdreg s10  }
0x21: {  	s30 =	sshrl.u32 s23, $0x3;
	s22 =	sadd.s32 $0x5400, s4;
	[dreg:$0x14] =	wrdreg s29  }
0x22: {  	s31 =	sshrl.u32 s25, $0x3;
	s25 =	sshrl.u32 s24, $0x3;
	[dreg:$0x15] =	wrdreg s30  }
0x23: {  	s24 =	sadd.s32 $0x5800, s4;
	s28 =	sshll.u32 s16, $0x7;
	[dreg:$0x16] =	wrdreg s31  }
0x24: {  	s16 =	sadd.s32 $0x500, s2;
	s10 =	sadd.s32 $0x200, s2;
	[dreg:$0x17] =	wrdreg s25  }
0x25: {  	s29 =	sand.u32 $0x380, s28;
	s30 =	sshrl.u32 s26, $0x3;
	s31 =	sadd.s32 $0x5C00, s4  }
0x26: {  	s22 =	sshrl.u32 s22, $0x3;
	s25 =	sshrl.u32 s24, $0x3;
	s28 =	sadd.s32 $0xC00, s8  }
0x27: {  	s26 =	sadd.s32 s21, s19;
	s21 =	simm.s32 $0x80;
	[dreg:$0x18] =	wrdreg s30  }
0x28: {  	s23 =	sor.u32 s17, s29;
	s17 =	sadd.s32 $0x580, s2;
	[dreg:$0x19] =	wrdreg s22  }
0x29: {  	s29 =	sadd.s32 $0x1000, s8;
	[dreg:$0x1a] =	wrdreg s25;
	s22 =	sadd.s32 $0x1400, s8  }
0x2a: {  	s31 =	sshrl.u32 s31, $0x3;
	s25 =	sadd.s32 $0x2400, s8;
	[dreg:$0x1c] =	wrdreg s21  }
0x2b: {  	s30 =	simm.s32 $0x280;
	s23 =	sshrl.u32 s23, $0x3;
	[dreg:$0x1b] =	wrdreg s31  }
0x2c: {  	[dreg:$0x1d] =	wrdreg s30;
	s31 =	sadd.s32 $0x2800, s8;
	s24 =	sshrl.u32 s29, $0x3  }
0x2d: {  	s29 =	sadd.s32 $0x3C00, s8;
	s22 =	sshrl.u32 s22, $0x3;
	s30 =	sadd.s32 $0x4000, s8  }
0x2e: {  	s21 =	sshrl.u32 s25, $0x3;
	s25 =	sadd.s32 $0x4400, s8;
	[dreg:$0x1f] =	wrdreg s24  }
0x2f: {  	s18 =	sadd.s32 s18, s23;
	s23 =	sshrl.u32 s28, $0x3;
	[smem:$0x7F5] =	sst s22  }
0x30: {  	s28 =	sadd.s32 $0x2C00, s8;
	[smem:$0x7F6] =	sst s21;
	s19 =	sshrl.u32 s31, $0x3  }
0x31: {  	s31 =	sadd.s32 $0x5400, s8;
	s30 =	sshrl.u32 s30, $0x3;
	[dreg:$0x1e] =	wrdreg s23  }
0x32: {  	s21 =	sshrl.u32 s25, $0x3;
	s22 =	simm.s32 $0x300;
	[smem:$0x7F7] =	sst s19  }
0x33: {  	s25 =	sshrl.u32 s26, $0x3;
	s26 =	simm.s32 $0x1;
	[smem:$0x7FA] =	sst s30  }
0x34: {  	s23 =	sshrl.u32 s28, $0x3;
	s28 =	sshrl.u32 s29, $0x3;
	[smem:$0x7FB] =	sst s21  }
0x35: {  	s29 =	sadd.s32 $0x5C00, s8;
	s19 =	simm.s32 $0x180;
	[smem:$0x7F8] =	sst s23  }
0x36: {  	s31 =	sshrl.u32 s31, $0x3;
	s23 =	sadd.s32 $0x5800, s8;
	[smem:$0x7F9] =	sst s28  }
0x37: {  	s21 =	simm.s32 $0x2;
	[smem:$0x7FC] =	sst s31;
	s23 =	sshrl.u32 s23, $0x3  }
0x38: {  	s24 =	sshrl.u32 s29, $0x3;
	[smem:$0x7FD] =	sst s23;
	s23 =	simm.s32 $0xF00  }
.LBB2_1:
0x39: {  	[tilespmem:s3], [sflag:$0x2] =	stream.linear.gather [hbm4b:s5+s3], $0x80, $0x38;
	[tilespmem:$0xDB00] =	vst v63  }
0x3a: {  	s28 =	rddreg [dreg:$0xc]  }
0x3b: {  	s29 =	rddreg [dreg:$0xe]  }
0x3c: {  	s30 =	rddreg [dreg:$0xd]  }
0x3d: {  	[tilespmem:s29], [sflag:$0x2] =	stream.linear.gather [hbm4b:s28+s3], $0x80, $0x38;
	[tilespmem:$0xDB00] =	vst v63  }
0x3e: {  	s31 =	rddreg [dreg:$0xf]  }
0x3f: {  	[tilespmem:s31], [sflag:$0x2] =	stream.linear.gather [hbm4b:s30+s3], $0x80, $0x38;
	[tilespmem:$0xDB00] =	vst v63  }
0x40: {  	_ =	swait.ge [sflag:s21], $0x180  }
0x41: {  	[sflag:s21] =	ssyncset.done $0x0  }
0x42: {  	[sflag:s21] =	ssyncadd.s32 $0xFFFFFE80  }
0x43: {  	v0 =	vld [tilespmem:$0x0];
	_ =	sdelay $0x4  }
0x44: {  	[tilespmem:$0x300] =	vst v0  }
0x45: {  	[tilespmem:$0x380] =	vst v0  }
0x46: {  	[tilespmem:$0x400] =	vst v0  }
0x47: {  	v1 =	vld [tilespmem:$0x10];
	[tilespmem:$0x480] =	vst v0  }
0x48: {  	[tilespmem:$0x500] =	vst v0  }
0x49: {  	[tilespmem:$0x580] =	vst v0  }
0x4a: {  	[tilespmem:$0x600] =	vst v0  }
0x4b: {  	[tilespmem:$0x680] =	vst v0  }
0x4c: {  	[tilespmem:$0x310] =	vst v1  }
0x4d: {  	[tilespmem:$0x390] =	vst v1  }
0x4e: {  	[tilespmem:$0x410] =	vst v1  }
0x4f: {  	v18 =	vld [tilespmem:$0x20];
	[tilespmem:$0x490] =	vst v1  }
0x50: {  	[tilespmem:$0x510] =	vst v1  }
0x51: {  	[tilespmem:$0x590] =	vst v1  }
0x52: {  	[tilespmem:$0x610] =	vst v1  }
0x53: {  	[tilespmem:$0x690] =	vst v1  }
0x54: {  	[tilespmem:$0x320] =	vst v18  }
0x55: {  	[tilespmem:$0x3A0] =	vst v18  }
0x56: {  	[tilespmem:$0x420] =	vst v18  }
0x57: {  	v19 =	vld [tilespmem:$0x30];
	[tilespmem:$0x4A0] =	vst v18  }
0x58: {  	[tilespmem:$0x520] =	vst v18  }
0x59: {  	[tilespmem:$0x5A0] =	vst v18  }
0x5a: {  	[tilespmem:$0x620] =	vst v18  }
0x5b: {  	[tilespmem:$0x6A0] =	vst v18  }
0x5c: {  	[tilespmem:$0x330] =	vst v19  }
0x5d: {  	[tilespmem:$0x3B0] =	vst v19  }
0x5e: {  	[tilespmem:$0x430] =	vst v19  }
0x5f: {  	v20 =	vld [tilespmem:$0x40];
	[tilespmem:$0x4B0] =	vst v19  }
0x60: {  	[tilespmem:$0x530] =	vst v19  }
0x61: {  	[tilespmem:$0x5B0] =	vst v19  }
0x62: {  	[tilespmem:$0x630] =	vst v19  }
0x63: {  	[tilespmem:$0x6B0] =	vst v19  }
0x64: {  	[tilespmem:$0x340] =	vst v20  }
0x65: {  	[tilespmem:$0x3C0] =	vst v20  }
0x66: {  	[tilespmem:$0x440] =	vst v20  }
0x67: {  	[tilespmem:$0x4C0] =	vst v20  }
0x68: {  	[tilespmem:$0x540] =	vst v20  }
0x69: {  	[tilespmem:$0x5C0] =	vst v20  }
0x6a: {  	[tilespmem:$0x640] =	vst v20  }
0x6b: {  	v21 =	vld [tilespmem:$0x50];
	_ =	sdelay $0x3  }
0x6c: {  	[tilespmem:$0x6C0] =	vst v20  }
0x6d: {  	[tilespmem:$0x350] =	vst v21  }
0x6e: {  	[tilespmem:$0x3D0] =	vst v21  }
0x6f: {  	[tilespmem:$0x450] =	vst v21  }
0x70: {  	v22 =	vld [tilespmem:$0x60];
	[tilespmem:$0x4D0] =	vst v21  }
0x71: {  	[tilespmem:$0x550] =	vst v21  }
0x72: {  	[tilespmem:$0x5D0] =	vst v21  }
0x73: {  	[tilespmem:$0x650] =	vst v21  }
0x74: {  	[tilespmem:$0x6D0] =	vst v21  }
0x75: {  	[tilespmem:$0x360] =	vst v22  }
0x76: {  	[tilespmem:$0x3E0] =	vst v22  }
0x77: {  	[tilespmem:$0x460] =	vst v22  }
0x78: {  	v23 =	vld [tilespmem:$0x70];
	[tilespmem:$0x4E0] =	vst v22  }
0x79: {  	[tilespmem:$0x560] =	vst v22  }
0x7a: {  	[tilespmem:$0x5E0] =	vst v22  }
0x7b: {  	[tilespmem:$0x660] =	vst v22  }
0x7c: {  	[tilespmem:$0x6E0] =	vst v22  }
0x7d: {  	[tilespmem:$0x370] =	vst v23  }
0x7e: {  	[tilespmem:$0x3F0] =	vst v23  }
0x7f: {  	[tilespmem:$0x470] =	vst v23  }
0x80: {  	v24 =	vld [tilespmem:$0x100];
	[tilespmem:$0x4F0] =	vst v23  }
0x81: {  	[tilespmem:$0x570] =	vst v23  }
0x82: {  	[tilespmem:$0x5F0] =	vst v23  }
0x83: {  	[tilespmem:$0x670] =	vst v23  }
0x84: {  	[tilespmem:$0x6F0] =	vst v23  }
0x85: {  	[tilespmem:$0x700] =	vst v24  }
0x86: {  	[tilespmem:$0x780] =	vst v24  }
0x87: {  	[tilespmem:$0x800] =	vst v24  }
0x88: {  	v25 =	vld [tilespmem:$0x110];
	[tilespmem:$0x880] =	vst v24  }
0x89: {  	[tilespmem:$0x900] =	vst v24  }
0x8a: {  	[tilespmem:$0x980] =	vst v24  }
0x8b: {  	[tilespmem:$0xA00] =	vst v24  }
0x8c: {  	[tilespmem:$0xA80] =	vst v24  }
0x8d: {  	[tilespmem:$0x710] =	vst v25  }
0x8e: {  	[tilespmem:$0x790] =	vst v25  }
0x8f: {  	[tilespmem:$0x810] =	vst v25  }
0x90: {  	v26 =	vld [tilespmem:$0x120];
	[tilespmem:$0x890] =	vst v25  }
0x91: {  	[tilespmem:$0x910] =	vst v25  }
0x92: {  	[tilespmem:$0x990] =	vst v25  }
0x93: {  	[tilespmem:$0xA10] =	vst v25  }
0x94: {  	[tilespmem:$0xA90] =	vst v25  }
0x95: {  	[tilespmem:$0x720] =	vst v26  }
0x96: {  	[tilespmem:$0x7A0] =	vst v26  }
0x97: {  	[tilespmem:$0x820] =	vst v26  }
0x98: {  	v27 =	vld [tilespmem:$0x130];
	[tilespmem:$0x8A0] =	vst v26  }
0x99: {  	[tilespmem:$0x920] =	vst v26  }
0x9a: {  	[tilespmem:$0x9A0] =	vst v26  }
0x9b: {  	[tilespmem:$0xA20] =	vst v26  }
0x9c: {  	[tilespmem:$0xAA0] =	vst v26  }
0x9d: {  	[tilespmem:$0x730] =	vst v27  }
0x9e: {  	[tilespmem:$0x7B0] =	vst v27  }
0x9f: {  	[tilespmem:$0x830] =	vst v27  }
0xa0: {  	v28 =	vld [tilespmem:$0x140];
	[tilespmem:$0x8B0] =	vst v27  }
0xa1: {  	[tilespmem:$0x930] =	vst v27  }
0xa2: {  	[tilespmem:$0x9B0] =	vst v27  }
0xa3: {  	[tilespmem:$0xA30] =	vst v27  }
0xa4: {  	[tilespmem:$0xAB0] =	vst v27  }
0xa5: {  	[tilespmem:$0x740] =	vst v28  }
0xa6: {  	[tilespmem:$0x7C0] =	vst v28  }
0xa7: {  	[tilespmem:$0x840] =	vst v28  }
0xa8: {  	v29 =	vld [tilespmem:$0x150];
	[tilespmem:$0x8C0] =	vst v28  }
0xa9: {  	[tilespmem:$0x940] =	vst v28  }
0xaa: {  	[tilespmem:$0x9C0] =	vst v28  }
0xab: {  	[tilespmem:$0xA40] =	vst v28  }
0xac: {  	[tilespmem:$0xAC0] =	vst v28  }
0xad: {  	[tilespmem:$0x750] =	vst v29  }
0xae: {  	[tilespmem:$0x7D0] =	vst v29  }
0xaf: {  	[tilespmem:$0x850] =	vst v29  }
0xb0: {  	v30 =	vld [tilespmem:$0x160];
	[tilespmem:$0x8D0] =	vst v29  }
0xb1: {  	[tilespmem:$0x950] =	vst v29  }
0xb2: {  	[tilespmem:$0x9D0] =	vst v29  }
0xb3: {  	[tilespmem:$0xA50] =	vst v29  }
0xb4: {  	[tilespmem:$0xAD0] =	vst v29  }
0xb5: {  	[tilespmem:$0x760] =	vst v30  }
0xb6: {  	[tilespmem:$0x7E0] =	vst v30  }
0xb7: {  	[tilespmem:$0x860] =	vst v30  }
0xb8: {  	v31 =	vld [tilespmem:$0x170];
	[tilespmem:$0x8E0] =	vst v30  }
0xb9: {  	[tilespmem:$0x960] =	vst v30  }
0xba: {  	[tilespmem:$0x9E0] =	vst v30  }
0xbb: {  	[tilespmem:$0xA60] =	vst v30  }
0xbc: {  	[tilespmem:$0xAE0] =	vst v30  }
0xbd: {  	[tilespmem:$0x770] =	vst v31  }
0xbe: {  	[tilespmem:$0x7F0] =	vst v31  }
0xbf: {  	[tilespmem:$0x870] =	vst v31  }
0xc0: {  	v32 =	vld [tilespmem:$0x200];
	[tilespmem:$0x8F0] =	vst v31  }
0xc1: {  	[tilespmem:$0x970] =	vst v31  }
0xc2: {  	[tilespmem:$0x9F0] =	vst v31  }
0xc3: {  	[tilespmem:$0xA70] =	vst v31  }
0xc4: {  	[tilespmem:$0xAF0] =	vst v31  }
0xc5: {  	[tilespmem:$0xB00] =	vst v32  }
0xc6: {  	[tilespmem:$0xB80] =	vst v32  }
0xc7: {  	[tilespmem:$0xC00] =	vst v32  }
0xc8: {  	v33 =	vld [tilespmem:$0x210];
	[tilespmem:$0xC80] =	vst v32  }
0xc9: {  	[tilespmem:$0xD00] =	vst v32  }
0xca: {  	[tilespmem:$0xD80] =	vst v32  }
0xcb: {  	[tilespmem:$0xE00] =	vst v32  }
0xcc: {  	[tilespmem:$0xE80] =	vst v32  }
0xcd: {  	[tilespmem:$0xB10] =	vst v33  }
0xce: {  	[tilespmem:$0xB90] =	vst v33  }
0xcf: {  	[tilespmem:$0xC10] =	vst v33  }
0xd0: {  	v34 =	vld [tilespmem:$0x220];
	[tilespmem:$0xC90] =	vst v33  }
0xd1: {  	[tilespmem:$0xD10] =	vst v33  }
0xd2: {  	[tilespmem:$0xD90] =	vst v33  }
0xd3: {  	[tilespmem:$0xE10] =	vst v33  }
0xd4: {  	[tilespmem:$0xE90] =	vst v33  }
0xd5: {  	[tilespmem:$0xB20] =	vst v34  }
0xd6: {  	[tilespmem:$0xBA0] =	vst v34  }
0xd7: {  	[tilespmem:$0xC20] =	vst v34  }
0xd8: {  	v35 =	vld [tilespmem:$0x230];
	[tilespmem:$0xCA0] =	vst v34  }
0xd9: {  	[tilespmem:$0xD20] =	vst v34  }
0xda: {  	[tilespmem:$0xDA0] =	vst v34  }
0xdb: {  	[tilespmem:$0xE20] =	vst v34  }
0xdc: {  	[tilespmem:$0xEA0] =	vst v34  }
0xdd: {  	[tilespmem:$0xB30] =	vst v35  }
0xde: {  	[tilespmem:$0xBB0] =	vst v35  }
0xdf: {  	[tilespmem:$0xC30] =	vst v35  }
0xe0: {  	v36 =	vld [tilespmem:$0x240];
	[tilespmem:$0xCB0] =	vst v35  }
0xe1: {  	[tilespmem:$0xD30] =	vst v35  }
0xe2: {  	[tilespmem:$0xDB0] =	vst v35  }
0xe3: {  	[tilespmem:$0xE30] =	vst v35  }
0xe4: {  	[tilespmem:$0xEB0] =	vst v35  }
0xe5: {  	[tilespmem:$0xB40] =	vst v36  }
0xe6: {  	[tilespmem:$0xBC0] =	vst v36  }
0xe7: {  	[tilespmem:$0xC40] =	vst v36  }
0xe8: {  	v37 =	vld [tilespmem:$0x250];
	[tilespmem:$0xCC0] =	vst v36  }
0xe9: {  	[tilespmem:$0xD40] =	vst v36  }
0xea: {  	[tilespmem:$0xDC0] =	vst v36  }
0xeb: {  	[tilespmem:$0xE40] =	vst v36  }
0xec: {  	[tilespmem:$0xEC0] =	vst v36  }
0xed: {  	[tilespmem:$0xB50] =	vst v37  }
0xee: {  	[tilespmem:$0xBD0] =	vst v37  }
0xef: {  	[tilespmem:$0xC50] =	vst v37  }
0xf0: {  	v38 =	vld [tilespmem:$0x260];
	[tilespmem:$0xCD0] =	vst v37  }
0xf1: {  	[tilespmem:$0xD50] =	vst v37  }
0xf2: {  	[tilespmem:$0xDD0] =	vst v37  }
0xf3: {  	[tilespmem:$0xE50] =	vst v37  }
0xf4: {  	[tilespmem:$0xED0] =	vst v37  }
0xf5: {  	[tilespmem:$0xB60] =	vst v38  }
0xf6: {  	[tilespmem:$0xBE0] =	vst v38  }
0xf7: {  	[tilespmem:$0xC60] =	vst v38  }
0xf8: {  	v39 =	vld [tilespmem:$0x270];
	[tilespmem:$0xCE0] =	vst v38  }
0xf9: {  	[tilespmem:$0xD60] =	vst v38  }
0xfa: {  	[tilespmem:$0xDE0] =	vst v38  }
0xfb: {  	[tilespmem:$0xE60] =	vst v38  }
0xfc: {  	[tilespmem:$0xEE0] =	vst v38  }
0xfd: {  	[tilespmem:$0xB70] =	vst v39  }
0xfe: {  	[tilespmem:$0xBF0] =	vst v39  }
0xff: {  	[tilespmem:$0xC70] =	vst v39  }
0x100: {  	[tilespmem:$0xCF0] =	vst v39  }
0x101: {  	[tilespmem:$0xD70] =	vst v39  }
0x102: {  	[tilespmem:$0xDF0] =	vst v39  }
0x103: {  	s30 =	sshll.u32 s1, $0x6;
	[tilespmem:$0xE70] =	vst v39  }
0x104: {  	s28 =	sor.u32 $0x1C01, s30;
	s31 =	rddreg [dreg:$0x10];
	[tilespmem:$0xEF0] =	vst v39  }
0x105: {  	[spmem:s4] =	stream.linear.scatter [tilespmem:s22], [sflag:$0x1], $0xC00, $0x38;
	[tilespmem:$0xDB00] =	vst v63  }
0x106: {  	[spmem:s31], [sflag:s28] =	dma.local [hbm:s2], $0x80  }
0x107: {  	s29 =	rddreg [dreg:$0x11]  }
0x108: {  	[spmem:s29], [sflag:s28] =	dma.local [hbm:s6], $0x80  }
0x109: {  	s29 =	rddreg [dreg:$0x12]  }
0x10a: {  	[spmem:s29], [sflag:s28] =	dma.local [hbm:s7], $0x80  }
0x10b: {  	s29 =	rddreg [dreg:$0x5]  }
0x10c: {  	s31 =	rddreg [dreg:$0x13]  }
0x10d: {  	[spmem:s29] =	stream.linear.scatter [tilespmem:s22], [sflag:$0x1], $0xC00, $0x38;
	[tilespmem:$0xDB00] =	vst v63  }
0x10e: {  	[spmem:s31], [sflag:s28] =	dma.local [hbm:s9], $0x80  }
0x10f: {  	s30 =	rddreg [dreg:$0x14]  }
0x110: {  	[spmem:s30], [sflag:s28] =	dma.local [hbm:s10], $0x80  }
0x111: {  	s29 =	rddreg [dreg:$0x15]  }
0x112: {  	[spmem:s29], [sflag:s28] =	dma.local [hbm:s11], $0x80  }
0x113: {  	s29 =	rddreg [dreg:$0x6]  }
0x114: {  	s31 =	rddreg [dreg:$0x16]  }
0x115: {  	[spmem:s29] =	stream.linear.scatter [tilespmem:s22], [sflag:$0x1], $0xC00, $0x38;
	[tilespmem:$0xDB00] =	vst v63  }
0x116: {  	[spmem:s31], [sflag:s28] =	dma.local [hbm:s12], $0x80  }
0x117: {  	s30 =	rddreg [dreg:$0x17]  }
0x118: {  	[spmem:s30], [sflag:s28] =	dma.local [hbm:s13], $0x80  }
0x119: {  	s29 =	rddreg [dreg:$0x18]  }
0x11a: {  	[spmem:s29], [sflag:s28] =	dma.local [hbm:s14], $0x80  }
0x11b: {  	s29 =	rddreg [dreg:$0x7]  }
0x11c: {  	s31 =	rddreg [dreg:$0x19]  }
0x11d: {  	[spmem:s29] =	stream.linear.scatter [tilespmem:s22], [sflag:$0x1], $0xC00, $0x38;
	[tilespmem:$0xDB00] =	vst v63  }
0x11e: {  	[spmem:s31], [sflag:s28] =	dma.local [hbm:s15], $0x80  }
0x11f: {  	s30 =	rddreg [dreg:$0x1a]  }
0x120: {  	[spmem:s30], [sflag:s28] =	dma.local [hbm:s16], $0x80  }
0x121: {  	s29 =	rddreg [dreg:$0x1b]  }
0x122: {  	[spmem:s29], [sflag:s28] =	dma.local [hbm:s17], $0x80  }
0x123: {  	s29 =	rddreg [dreg:$0x1c]  }
0x124: {  	[tilespmem:s29], [sflag:$0x2] =	stream.linear.gather [hbm4b:s18+s3], $0x80, $0x38;
	[tilespmem:$0xDB00] =	vst v63  }
0x125: {  	s31 =	sadd.s32 $0x80, s18  }
0x126: {  	[tilespmem:s19], [sflag:$0x2] =	stream.linear.gather [hbm4b:s31+s3], $0x80, $0x38;
	[tilespmem:$0xDB00] =	vst v63  }
0x127: {  	s30 =	rddreg [dreg:$0x1d];
	s31 =	sadd.s32 $0x100, s18  }
0x128: {  	[tilespmem:s30], [sflag:$0x2] =	stream.linear.gather [hbm4b:s31+s3], $0x80, $0x38;
	[tilespmem:$0xDB00] =	vst v63  }
0x129: {  	_ =	swait.ge [sflag:s21], $0x180  }
0x12a: {  	[sflag:s21] =	ssyncset.done $0x0  }
0x12b: {  	[sflag:s21] =	ssyncadd.s32 $0xFFFFFE80  }
0x12c: {  	v40 =	vld [tilespmem:$0x80];
	_ =	sdelay $0x4  }
0x12d: {  	[tilespmem:$0xF00] =	vst v40  }
0x12e: {  	[tilespmem:$0xF80] =	vst v40  }
0x12f: {  	[tilespmem:$0x1000] =	vst v40  }
0x130: {  	v41 =	vld [tilespmem:$0x90];
	[tilespmem:$0x1080] =	vst v40  }
0x131: {  	[tilespmem:$0x1100] =	vst v40  }
0x132: {  	[tilespmem:$0x1180] =	vst v40  }
0x133: {  	[tilespmem:$0x1200] =	vst v40  }
0x134: {  	[tilespmem:$0x1280] =	vst v40  }
0x135: {  	[tilespmem:$0xF10] =	vst v41  }
0x136: {  	[tilespmem:$0xF90] =	vst v41  }
0x137: {  	[tilespmem:$0x1010] =	vst v41  }
0x138: {  	v42 =	vld [tilespmem:$0xA0];
	[tilespmem:$0x1090] =	vst v41  }
0x139: {  	[tilespmem:$0x1110] =	vst v41  }
0x13a: {  	[tilespmem:$0x1190] =	vst v41  }
0x13b: {  	[tilespmem:$0x1210] =	vst v41  }
0x13c: {  	[tilespmem:$0x1290] =	vst v41  }
0x13d: {  	[tilespmem:$0xF20] =	vst v42  }
0x13e: {  	[tilespmem:$0xFA0] =	vst v42  }
0x13f: {  	[tilespmem:$0x1020] =	vst v42  }
0x140: {  	v43 =	vld [tilespmem:$0xB0];
	[tilespmem:$0x10A0] =	vst v42  }
0x141: {  	[tilespmem:$0x1120] =	vst v42  }
0x142: {  	[tilespmem:$0x11A0] =	vst v42  }
0x143: {  	[tilespmem:$0x1220] =	vst v42  }
0x144: {  	[tilespmem:$0x12A0] =	vst v42  }
0x145: {  	[tilespmem:$0xF30] =	vst v43  }
0x146: {  	[tilespmem:$0xFB0] =	vst v43  }
0x147: {  	[tilespmem:$0x1030] =	vst v43  }
0x148: {  	v44 =	vld [tilespmem:$0xC0];
	[tilespmem:$0x10B0] =	vst v43  }
0x149: {  	[tilespmem:$0x1130] =	vst v43  }
0x14a: {  	[tilespmem:$0x11B0] =	vst v43  }
0x14b: {  	[tilespmem:$0x1230] =	vst v43  }
0x14c: {  	[tilespmem:$0x12B0] =	vst v43  }
0x14d: {  	[tilespmem:$0xF40] =	vst v44  }
0x14e: {  	[tilespmem:$0xFC0] =	vst v44  }
0x14f: {  	[tilespmem:$0x1040] =	vst v44  }
0x150: {  	v45 =	vld [tilespmem:$0xD0];
	[tilespmem:$0x10C0] =	vst v44  }
0x151: {  	[tilespmem:$0x1140] =	vst v44  }
0x152: {  	[tilespmem:$0x11C0] =	vst v44  }
0x153: {  	[tilespmem:$0x1240] =	vst v44  }
0x154: {  	[tilespmem:$0x12C0] =	vst v44  }
0x155: {  	[tilespmem:$0xF50] =	vst v45  }
0x156: {  	[tilespmem:$0xFD0] =	vst v45  }
0x157: {  	[tilespmem:$0x1050] =	vst v45  }
0x158: {  	v46 =	vld [tilespmem:$0xE0];
	[tilespmem:$0x10D0] =	vst v45  }
0x159: {  	[tilespmem:$0x1150] =	vst v45  }
0x15a: {  	[tilespmem:$0x11D0] =	vst v45  }
0x15b: {  	[tilespmem:$0x1250] =	vst v45  }
0x15c: {  	[tilespmem:$0x12D0] =	vst v45  }
0x15d: {  	[tilespmem:$0xF60] =	vst v46  }
0x15e: {  	[tilespmem:$0xFE0] =	vst v46  }
0x15f: {  	[tilespmem:$0x1060] =	vst v46  }
0x160: {  	v47 =	vld [tilespmem:$0xF0];
	[tilespmem:$0x10E0] =	vst v46  }
0x161: {  	[tilespmem:$0x1160] =	vst v46  }
0x162: {  	[tilespmem:$0x11E0] =	vst v46  }
0x163: {  	[tilespmem:$0x1260] =	vst v46  }
0x164: {  	[tilespmem:$0x12E0] =	vst v46  }
0x165: {  	[tilespmem:$0xF70] =	vst v47  }
0x166: {  	[tilespmem:$0xFF0] =	vst v47  }
0x167: {  	[tilespmem:$0x1070] =	vst v47  }
0x168: {  	v48 =	vld [tilespmem:$0x180];
	[tilespmem:$0x10F0] =	vst v47  }
0x169: {  	[tilespmem:$0x1170] =	vst v47  }
0x16a: {  	[tilespmem:$0x11F0] =	vst v47  }
0x16b: {  	[tilespmem:$0x1270] =	vst v47  }
0x16c: {  	[tilespmem:$0x12F0] =	vst v47  }
0x16d: {  	[tilespmem:$0x1300] =	vst v48  }
0x16e: {  	[tilespmem:$0x1380] =	vst v48  }
0x16f: {  	[tilespmem:$0x1400] =	vst v48  }
0x170: {  	v49 =	vld [tilespmem:$0x190];
	[tilespmem:$0x1480] =	vst v48  }
0x171: {  	[tilespmem:$0x1500] =	vst v48  }
0x172: {  	[tilespmem:$0x1580] =	vst v48  }
0x173: {  	[tilespmem:$0x1600] =	vst v48  }
0x174: {  	[tilespmem:$0x1680] =	vst v48  }
0x175: {  	[tilespmem:$0x1310] =	vst v49  }
0x176: {  	[tilespmem:$0x1390] =	vst v49  }
0x177: {  	[tilespmem:$0x1410] =	vst v49  }
0x178: {  	v50 =	vld [tilespmem:$0x1A0];
	[tilespmem:$0x1490] =	vst v49  }
0x179: {  	[tilespmem:$0x1510] =	vst v49  }
0x17a: {  	[tilespmem:$0x1590] =	vst v49  }
0x17b: {  	[tilespmem:$0x1610] =	vst v49  }
0x17c: {  	[tilespmem:$0x1690] =	vst v49  }
0x17d: {  	[tilespmem:$0x1320] =	vst v50  }
0x17e: {  	[tilespmem:$0x13A0] =	vst v50  }
0x17f: {  	[tilespmem:$0x1420] =	vst v50  }
0x180: {  	v51 =	vld [tilespmem:$0x1B0];
	[tilespmem:$0x14A0] =	vst v50  }
0x181: {  	[tilespmem:$0x1520] =	vst v50  }
0x182: {  	[tilespmem:$0x15A0] =	vst v50  }
0x183: {  	[tilespmem:$0x1620] =	vst v50  }
0x184: {  	[tilespmem:$0x16A0] =	vst v50  }
0x185: {  	[tilespmem:$0x1330] =	vst v51  }
0x186: {  	[tilespmem:$0x13B0] =	vst v51  }
0x187: {  	[tilespmem:$0x1430] =	vst v51  }
0x188: {  	v52 =	vld [tilespmem:$0x1C0];
	[tilespmem:$0x14B0] =	vst v51  }
0x189: {  	[tilespmem:$0x1530] =	vst v51  }
0x18a: {  	[tilespmem:$0x15B0] =	vst v51  }
0x18b: {  	[tilespmem:$0x1630] =	vst v51  }
0x18c: {  	[tilespmem:$0x16B0] =	vst v51  }
0x18d: {  	[tilespmem:$0x1340] =	vst v52  }
0x18e: {  	[tilespmem:$0x13C0] =	vst v52  }
0x18f: {  	[tilespmem:$0x1440] =	vst v52  }
0x190: {  	v53 =	vld [tilespmem:$0x1D0];
	[tilespmem:$0x14C0] =	vst v52  }
0x191: {  	[tilespmem:$0x1540] =	vst v52  }
0x192: {  	[tilespmem:$0x15C0] =	vst v52  }
0x193: {  	[tilespmem:$0x1640] =	vst v52  }
0x194: {  	[tilespmem:$0x16C0] =	vst v52  }
0x195: {  	[tilespmem:$0x1350] =	vst v53  }
0x196: {  	[tilespmem:$0x13D0] =	vst v53  }
0x197: {  	[tilespmem:$0x1450] =	vst v53  }
0x198: {  	v54 =	vld [tilespmem:$0x1E0];
	[tilespmem:$0x14D0] =	vst v53  }
0x199: {  	[tilespmem:$0x1550] =	vst v53  }
0x19a: {  	[tilespmem:$0x15D0] =	vst v53  }
0x19b: {  	[tilespmem:$0x1650] =	vst v53  }
0x19c: {  	[tilespmem:$0x16D0] =	vst v53  }
0x19d: {  	[tilespmem:$0x1360] =	vst v54  }
0x19e: {  	[tilespmem:$0x13E0] =	vst v54  }
0x19f: {  	[tilespmem:$0x1460] =	vst v54  }
0x1a0: {  	v55 =	vld [tilespmem:$0x1F0];
	[tilespmem:$0x14E0] =	vst v54  }
0x1a1: {  	[tilespmem:$0x1560] =	vst v54  }
0x1a2: {  	[tilespmem:$0x15E0] =	vst v54  }
0x1a3: {  	[tilespmem:$0x1660] =	vst v54  }
0x1a4: {  	[tilespmem:$0x16E0] =	vst v54  }
0x1a5: {  	[tilespmem:$0x1370] =	vst v55  }
0x1a6: {  	[tilespmem:$0x13F0] =	vst v55  }
0x1a7: {  	[tilespmem:$0x1470] =	vst v55  }
0x1a8: {  	v56 =	vld [tilespmem:$0x280];
	[tilespmem:$0x14F0] =	vst v55  }
0x1a9: {  	[tilespmem:$0x1570] =	vst v55  }
0x1aa: {  	[tilespmem:$0x15F0] =	vst v55  }
0x1ab: {  	[tilespmem:$0x1670] =	vst v55  }
0x1ac: {  	[tilespmem:$0x16F0] =	vst v55  }
0x1ad: {  	[tilespmem:$0x1700] =	vst v56  }
0x1ae: {  	[tilespmem:$0x1780] =	vst v56  }
0x1af: {  	[tilespmem:$0x1800] =	vst v56  }
0x1b0: {  	v57 =	vld [tilespmem:$0x290];
	[tilespmem:$0x1880] =	vst v56  }
0x1b1: {  	[tilespmem:$0x1900] =	vst v56  }
0x1b2: {  	[tilespmem:$0x1980] =	vst v56  }
0x1b3: {  	[tilespmem:$0x1A00] =	vst v56  }
0x1b4: {  	[tilespmem:$0x1A80] =	vst v56  }
0x1b5: {  	[tilespmem:$0x1710] =	vst v57  }
0x1b6: {  	[tilespmem:$0x1790] =	vst v57  }
0x1b7: {  	[tilespmem:$0x1810] =	vst v57  }
0x1b8: {  	v58 =	vld [tilespmem:$0x2A0];
	[tilespmem:$0x1890] =	vst v57  }
0x1b9: {  	[tilespmem:$0x1910] =	vst v57  }
0x1ba: {  	[tilespmem:$0x1990] =	vst v57  }
0x1bb: {  	[tilespmem:$0x1A10] =	vst v57  }
0x1bc: {  	[tilespmem:$0x1A90] =	vst v57  }
0x1bd: {  	[tilespmem:$0x1720] =	vst v58  }
0x1be: {  	[tilespmem:$0x17A0] =	vst v58  }
0x1bf: {  	[tilespmem:$0x1820] =	vst v58  }
0x1c0: {  	v59 =	vld [tilespmem:$0x2B0];
	[tilespmem:$0x18A0] =	vst v58  }
0x1c1: {  	[tilespmem:$0x1920] =	vst v58  }
0x1c2: {  	[tilespmem:$0x19A0] =	vst v58  }
0x1c3: {  	[tilespmem:$0x1A20] =	vst v58  }
0x1c4: {  	[tilespmem:$0x1AA0] =	vst v58  }
0x1c5: {  	[tilespmem:$0x1730] =	vst v59  }
0x1c6: {  	[tilespmem:$0x17B0] =	vst v59  }
0x1c7: {  	[tilespmem:$0x1830] =	vst v59  }
0x1c8: {  	v60 =	vld [tilespmem:$0x2C0];
	[tilespmem:$0x18B0] =	vst v59  }
0x1c9: {  	[tilespmem:$0x1930] =	vst v59  }
0x1ca: {  	[tilespmem:$0x19B0] =	vst v59  }
0x1cb: {  	[tilespmem:$0x1A30] =	vst v59  }
0x1cc: {  	[tilespmem:$0x1AB0] =	vst v59  }
0x1cd: {  	[tilespmem:$0x1740] =	vst v60  }
0x1ce: {  	[tilespmem:$0x17C0] =	vst v60  }
0x1cf: {  	[tilespmem:$0x1840] =	vst v60  }
0x1d0: {  	v61 =	vld [tilespmem:$0x2D0];
	[tilespmem:$0x18C0] =	vst v60  }
0x1d1: {  	[tilespmem:$0x1940] =	vst v60  }
0x1d2: {  	[tilespmem:$0x19C0] =	vst v60  }
0x1d3: {  	[tilespmem:$0x1A40] =	vst v60  }
0x1d4: {  	[tilespmem:$0x1AC0] =	vst v60  }
0x1d5: {  	[tilespmem:$0x1750] =	vst v61  }
0x1d6: {  	[tilespmem:$0x17D0] =	vst v61  }
0x1d7: {  	[tilespmem:$0x1850] =	vst v61  }
0x1d8: {  	v62 =	vld [tilespmem:$0x2E0];
	[tilespmem:$0x18D0] =	vst v61  }
0x1d9: {  	[tilespmem:$0x1950] =	vst v61  }
0x1da: {  	[tilespmem:$0x19D0] =	vst v61  }
0x1db: {  	[tilespmem:$0x1A50] =	vst v61  }
0x1dc: {  	[tilespmem:$0x1AD0] =	vst v61  }
0x1dd: {  	[tilespmem:$0x1760] =	vst v62  }
0x1de: {  	[tilespmem:$0x17E0] =	vst v62  }
0x1df: {  	[tilespmem:$0x1860] =	vst v62  }
0x1e0: {  	v63 =	vld [tilespmem:$0x2F0];
	[tilespmem:$0x18E0] =	vst v62  }
0x1e1: {  	[tilespmem:$0x1960] =	vst v62  }
0x1e2: {  	[tilespmem:$0x19E0] =	vst v62  }
0x1e3: {  	[tilespmem:$0x1A60] =	vst v62  }
0x1e4: {  	[tilespmem:$0x1AE0] =	vst v62  }
0x1e5: {  	[tilespmem:$0x1770] =	vst v63  }
0x1e6: {  	[tilespmem:$0x17F0] =	vst v63  }
0x1e7: {  	[tilespmem:$0x1870] =	vst v63  }
0x1e8: {  	[tilespmem:$0x18F0] =	vst v63  }
0x1e9: {  	[tilespmem:$0x1970] =	vst v63  }
0x1ea: {  	[tilespmem:$0x19F0] =	vst v63  }
0x1eb: {  	[tilespmem:$0x1A70] =	vst v63  }
0x1ec: {  	s30 =	rddreg [dreg:$0x1e];
	[tilespmem:$0x1AF0] =	vst v63  }
0x1ed: {  	[spmem:s8] =	stream.linear.scatter [tilespmem:s23], [sflag:$0x1], $0xC00, $0x38;
	[tilespmem:$0xDB00] =	vst v63  }
0x1ee: {  	[spmem:s30], [sflag:s28] =	dma.local [hbm:s2], $0x80  }
0x1ef: {  	s29 =	rddreg [dreg:$0x1f]  }
0x1f0: {  	[spmem:s29], [sflag:s28] =	dma.local [hbm:s6], $0x80  }
0x1f1: {  	s29 =	sld [smem:$0x7F5];
	_ =	sdelay $0x2  }
0x1f2: {  	[spmem:s29], [sflag:s28] =	dma.local [hbm:s7], $0x80  }
0x1f3: {  	s31 =	sld [smem:$0x7F6]  }
0x1f4: {  	s29 =	rddreg [dreg:$0x8]  }
0x1f5: {  	[spmem:s29] =	stream.linear.scatter [tilespmem:s23], [sflag:$0x1], $0xC00, $0x38;
	[tilespmem:$0xDB00] =	vst v63  }
0x1f6: {  	[spmem:s31], [sflag:s28] =	dma.local [hbm:s9], $0x80  }
0x1f7: {  	s30 =	sld [smem:$0x7F7];
	_ =	sdelay $0x2  }
0x1f8: {  	[spmem:s30], [sflag:s28] =	dma.local [hbm:s10], $0x80  }
0x1f9: {  	s29 =	sld [smem:$0x7F8];
	_ =	sdelay $0x2  }
0x1fa: {  	[spmem:s29], [sflag:s28] =	dma.local [hbm:s11], $0x80  }
0x1fb: {  	s31 =	sld [smem:$0x7F9]  }
0x1fc: {  	s29 =	rddreg [dreg:$0x9]  }
0x1fd: {  	[spmem:s29] =	stream.linear.scatter [tilespmem:s23], [sflag:$0x1], $0xC00, $0x38;
	[tilespmem:$0xDB00] =	vst v63  }
0x1fe: {  	[spmem:s31], [sflag:s28] =	dma.local [hbm:s12], $0x80  }
0x1ff: {  	s30 =	sld [smem:$0x7FA];
	_ =	sdelay $0x2  }
0x200: {  	[spmem:s30], [sflag:s28] =	dma.local [hbm:s13], $0x80  }
0x201: {  	s29 =	sld [smem:$0x7FB];
	_ =	sdelay $0x2  }
0x202: {  	[spmem:s29], [sflag:s28] =	dma.local [hbm:s14], $0x80  }
0x203: {  	s31 =	sld [smem:$0x7FC]  }
0x204: {  	s29 =	rddreg [dreg:$0xa]  }
0x205: {  	[spmem:s29] =	stream.linear.scatter [tilespmem:s23], [sflag:$0x1], $0xC00, $0x38;
	[tilespmem:$0xDB00] =	vst v63  }
0x206: {  	[spmem:s31], [sflag:s28] =	dma.local [hbm:s15], $0x80  }
0x207: {  	s30 =	sld [smem:$0x7FD];
	_ =	sdelay $0x2  }
0x208: {  	[spmem:s30], [sflag:s28] =	dma.local [hbm:s16], $0x80  }
0x209: {  	[spmem:s24], [sflag:s28] =	dma.local [hbm:s17], $0x80  }
0x20a: {  	_ =	swait.ge [sflag:s26], $0xC00  }
0x20b: {  	[sflag:s26] =	ssyncset.done $0x0  }
0x20c: {  	[sflag:s26] =	ssyncadd.s32 $0xFFFFF400  }
0x20d: {  	_ =	swait.ge [sflag:s26], $0x80  }
0x20e: {  	[sflag:s26] =	ssyncset.done $0x0  }
0x20f: {  	[sflag:s26] =	ssyncadd.s32 $0xFFFFFF80  }
0x210: {  	_ =	swait.ge [sflag:s26], $0x80  }
0x211: {  	[sflag:s26] =	ssyncset.done $0x0  }
0x212: {  	[sflag:s26] =	ssyncadd.s32 $0xFFFFFF80  }
0x213: {  	_ =	swait.ge [sflag:s26], $0x80  }
0x214: {  	[sflag:s26] =	ssyncset.done $0x0  }
0x215: {  	[sflag:s26] =	ssyncadd.s32 $0xFFFFFF80  }
0x216: {  	_ =	swait.ge [sflag:s26], $0xC00  }
0x217: {  	[sflag:s26] =	ssyncset.done $0x0  }
0x218: {  	[sflag:s26] =	ssyncadd.s32 $0xFFFFF400  }
0x219: {  	_ =	swait.ge [sflag:s26], $0x80  }
0x21a: {  	[sflag:s26] =	ssyncset.done $0x0  }
0x21b: {  	[sflag:s26] =	ssyncadd.s32 $0xFFFFFF80  }
0x21c: {  	_ =	swait.ge [sflag:s26], $0x80  }
0x21d: {  	[sflag:s26] =	ssyncset.done $0x0  }
0x21e: {  	[sflag:s26] =	ssyncadd.s32 $0xFFFFFF80  }
0x21f: {  	_ =	swait.ge [sflag:s26], $0x80  }
0x220: {  	[sflag:s26] =	ssyncset.done $0x0  }
0x221: {  	[sflag:s26] =	ssyncadd.s32 $0xFFFFFF80  }
0x222: {  	_ =	swait.ge [sflag:s26], $0xC00  }
0x223: {  	[sflag:s26] =	ssyncset.done $0x0  }
0x224: {  	[sflag:s26] =	ssyncadd.s32 $0xFFFFF400  }
0x225: {  	_ =	swait.ge [sflag:s26], $0x80  }
0x226: {  	[sflag:s26] =	ssyncset.done $0x0  }
0x227: {  	[sflag:s26] =	ssyncadd.s32 $0xFFFFFF80  }
0x228: {  	_ =	swait.ge [sflag:s26], $0x80  }
0x229: {  	[sflag:s26] =	ssyncset.done $0x0  }
0x22a: {  	[sflag:s26] =	ssyncadd.s32 $0xFFFFFF80  }
0x22b: {  	_ =	swait.ge [sflag:s26], $0x80  }
0x22c: {  	[sflag:s26] =	ssyncset.done $0x0  }
0x22d: {  	[sflag:s26] =	ssyncadd.s32 $0xFFFFFF80  }
0x22e: {  	_ =	swait.ge [sflag:s26], $0xC00  }
0x22f: {  	[sflag:s26] =	ssyncset.done $0x0  }
0x230: {  	[sflag:s26] =	ssyncadd.s32 $0xFFFFF400  }
0x231: {  	_ =	swait.ge [sflag:s26], $0x80  }
0x232: {  	[sflag:s26] =	ssyncset.done $0x0  }
0x233: {  	[sflag:s26] =	ssyncadd.s32 $0xFFFFFF80  }
0x234: {  	_ =	swait.ge [sflag:s26], $0x80  }
0x235: {  	[sflag:s26] =	ssyncset.done $0x0  }
0x236: {  	[sflag:s26] =	ssyncadd.s32 $0xFFFFFF80  }
0x237: {  	_ =	swait.ge [sflag:s26], $0x80  }
0x238: {  	[sflag:s26] =	ssyncset.done $0x0  }
0x239: {  	[sflag:s26] =	ssyncadd.s32 $0xFFFFFF80  }
0x23a: {  	_ =	swait.ge [sflag:s26], $0xC00  }
0x23b: {  	[sflag:s26] =	ssyncset.done $0x0  }
0x23c: {  	[sflag:s26] =	ssyncadd.s32 $0xFFFFF400  }
0x23d: {  	_ =	swait.ge [sflag:s26], $0x80  }
0x23e: {  	[sflag:s26] =	ssyncset.done $0x0  }
0x23f: {  	[sflag:s26] =	ssyncadd.s32 $0xFFFFFF80  }
0x240: {  	_ =	swait.ge [sflag:s26], $0x80  }
0x241: {  	[sflag:s26] =	ssyncset.done $0x0  }
0x242: {  	[sflag:s26] =	ssyncadd.s32 $0xFFFFFF80  }
0x243: {  	_ =	swait.ge [sflag:s26], $0x80  }
0x244: {  	[sflag:s26] =	ssyncset.done $0x0  }
0x245: {  	[sflag:s26] =	ssyncadd.s32 $0xFFFFFF80  }
0x246: {  	_ =	swait.ge [sflag:s26], $0xC00  }
0x247: {  	[sflag:s26] =	ssyncset.done $0x0  }
0x248: {  	[sflag:s26] =	ssyncadd.s32 $0xFFFFF400  }
0x249: {  	_ =	swait.ge [sflag:s26], $0x80  }
0x24a: {  	[sflag:s26] =	ssyncset.done $0x0  }
0x24b: {  	[sflag:s26] =	ssyncadd.s32 $0xFFFFFF80  }
0x24c: {  	_ =	swait.ge [sflag:s26], $0x80  }
0x24d: {  	[sflag:s26] =	ssyncset.done $0x0  }
0x24e: {  	[sflag:s26] =	ssyncadd.s32 $0xFFFFFF80  }
0x24f: {  	_ =	swait.ge [sflag:s26], $0x80  }
0x250: {  	[sflag:s26] =	ssyncset.done $0x0  }
0x251: {  	[sflag:s26] =	ssyncadd.s32 $0xFFFFFF80  }
0x252: {  	_ =	swait.ge [sflag:s26], $0xC00  }
0x253: {  	[sflag:s26] =	ssyncset.done $0x0  }
0x254: {  	[sflag:s26] =	ssyncadd.s32 $0xFFFFF400  }
0x255: {  	_ =	swait.ge [sflag:s26], $0x80  }
0x256: {  	[sflag:s26] =	ssyncset.done $0x0  }
0x257: {  	[sflag:s26] =	ssyncadd.s32 $0xFFFFFF80  }
0x258: {  	_ =	swait.ge [sflag:s26], $0x80  }
0x259: {  	[sflag:s26] =	ssyncset.done $0x0  }
0x25a: {  	[sflag:s26] =	ssyncadd.s32 $0xFFFFFF80  }
0x25b: {  	_ =	swait.ge [sflag:s26], $0x80  }
0x25c: {  	[sflag:s26] =	ssyncset.done $0x0  }
0x25d: {  	[sflag:s26] =	ssyncadd.s32 $0xFFFFFF80  }
0x25e: {  	_ =	swait.ge [sflag:s26], $0xC00  }
0x25f: {  	[sflag:s26] =	ssyncset.done $0x0  }
0x260: {  	[sflag:s26] =	ssyncadd.s32 $0xFFFFF400  }
0x261: {  	_ =	swait.ge [sflag:s26], $0x80  }
0x262: {  	[sflag:s26] =	ssyncset.done $0x0  }
0x263: {  	[sflag:s26] =	ssyncadd.s32 $0xFFFFFF80  }
0x264: {  	_ =	swait.ge [sflag:s26], $0x80  }
0x265: {  	[sflag:s26] =	ssyncset.done $0x0  }
0x266: {  	[sflag:s26] =	ssyncadd.s32 $0xFFFFFF80  }
0x267: {  	_ =	swait.ge [sflag:s26], $0x80  }
0x268: {  	[sflag:s26] =	ssyncset.done $0x0  }
0x269: {  	[sflag:s26] =	ssyncadd.s32 $0xFFFFFF80  }
0x26a: {  	p0 =	sne.s32 s20, $0x1;
	[bflag:$0x0] =	sbarrier.arrive $0xFFFF  }
.Ltmp0:
0x26b: {  	s31 =	rddreg [dreg:$0xb];
	(pc) =	sbr.rel @p0 .LBB2_1-.Ltmp0, $4  }
0x26c: {  	[hbm:s31], [sflag:s28] =	dma.local [spmem:s25], $0xC000  }
0x26d: {  	_ =	swait.ge [sflag:s26], $0xC000  }
0x26e: {  	[sflag:s26] =	ssyncset.done $0x0  }
0x26f: {  	s20 =	sadd.s32 $0xFFFFFFFF, s20;
	[sflag:s26] =	ssyncadd.s32 $0xFFFF4000  }
0x270: {  	_ =	sfence.sel $0x180000  }
0x271: {  	[bflag:$0x0] =	sbarrier.arrive $0xFFFF  }
0x272: {  	p0 =	sne.s32 s1, $0x0;
	_ =	strace $0x90000047  }
0x273: {  	s0 =	sadd.s32 @!p0 $0x100000, s0;
	[bflag:$0x2] =	sbarrier.arrive $0xFFFF  }
0x274: {  	[sflag:s0] =	ssyncadd.tile.s32 @!p0 $0x1;
	_ =	shalt  }
.Lfunc_end2:
_tile_overlayer_lowered:
.L_overlay_start_2:
0x275: {  	(tag) =	ssettag $0x2  }
0x276: {  	s0 =	rddreg [dreg:$0x0];
	s2 =	stileid.u32  }
0x277: {  	s1 =	rddreg [dreg:$0x1];
	p0 =	sne.s32 s2, $0x0  }
0x278: {  	s3 =	rddreg [dreg:$0x2];
	[bflag:$0x3] =	sbarrier.arrive $0xFFFF;
	s2 =	simm.s32 @!p0 $0x1C02  }
0x279: {  	[timem:s3], [sflag:s2] =	dma.local @!p0 [hbm:s0], s1  }
0x27a: {  	s0 =	simm.s32 @!p0 $0x2  }
0x27b: {  	_ =	swait.ge @!p0 [sflag:s0], s1  }
0x27c: {  	s1 =	ssub.s32 @!p0 $0x0, s1;
	[sflag:s0] =	ssyncset.done @!p0 $0x0  }
0x27d: {  	[sflag:s0] =	ssyncadd.s32 @!p0 s1  }
0x27e: {  	[bflag:$0x3] =	sbarrier.arrive $0xFFFF  }
0x27f: {  	_ =	shalt  }

</sc_bundles>
